<compile_context>
chip_gen: v7x
topology: tpu7x:2x2x1
jax: 0.10.2.dev20260603
libtpu: 0.0.44.dev20260713+nightly
codegen_flags: <defaults>
</compile_context>

<pallas_src>
import functools

import jax
import jax.numpy as jnp
from jax import lax
from jax.experimental import pallas as pl
from jax.experimental.pallas import tpu as pltpu
from jax.experimental.pallas import tpu_sc as plsc

NPOINT = 2048
NSAMPLE = 32
SEG = 32
SB = 256
NCHUNK = 2048


def _sc_gather_rows(table, idx_flat, chunk=1024):
    M, D = table.shape
    T = idx_flat.shape[0]
    info = plsc.get_sparse_core_info()
    nw = info.num_cores * info.num_subcores
    per_w = T // nw
    assert T % nw == 0 and per_w % chunk == 0

    mesh = plsc.VectorSubcoreMesh(core_axis_name="c", subcore_axis_name="s")

    @functools.partial(
        pl.kernel, mesh=mesh,
        out_type=jax.ShapeDtypeStruct((T, D), jnp.float32),
        compiler_params=pltpu.CompilerParams(use_tc_tiling_on_sc=False),
        scratch_types=[
            pltpu.VMEM((chunk,), jnp.int32),
            pltpu.VMEM((chunk, D), jnp.float32),
            pltpu.SemaphoreType.DMA,
        ],
    )
    def k(table_hbm, idx_hbm, out_hbm, idx_v, rows_v, sem):
        wid = lax.axis_index("s") * info.num_cores + lax.axis_index("c")
        base = wid * per_w

        def body(i, carry):
            off = base + i * chunk
            pltpu.sync_copy(idx_hbm.at[pl.ds(off, chunk)], idx_v)
            pltpu.async_copy(table_hbm.at[idx_v], rows_v, sem).wait()
            pltpu.sync_copy(rows_v, out_hbm.at[pl.ds(off, chunk)])
            return carry

        lax.fori_loop(0, per_w // chunk, body, 0)

    return k(table, idx_flat)


def _conv1_body(xyz_ref, pts_ref, w0x_ref, w0p_ref, p_ref, c_ref):
    xyz = xyz_ref[0]
    x1 = (w0x_ref[:, 0:1] * xyz[0:1]
          + w0x_ref[:, 1:2] * xyz[1:2]
          + w0x_ref[:, 2:3] * xyz[2:3])
    p = x1 + jnp.dot(w0p_ref[...], pts_ref[0],
                     preferred_element_type=jnp.float32)
    n = p.shape[1]
    for c0 in range(0, n, 1024):
        p_ref[0, c0:c0 + 1024] = p[:, c0:c0 + 1024].T
        if c0 < NPOINT:
            c_ref[0, c0:c0 + 1024] = x1[:, c0:c0 + 1024].T


def _conv1(xyz, points, W0):
    B, _, N = xyz.shape
    D = W0.shape[0]
    return pl.pallas_call(
        _conv1_body,
        grid=(B,),
        in_specs=[
            pl.BlockSpec((1, 3, N), lambda i: (i, 0, 0)),
            pl.BlockSpec((1, points.shape[1], N), lambda i: (i, 0, 0)),
            pl.BlockSpec((D, 3), lambda i: (0, 0)),
            pl.BlockSpec((D, points.shape[1]), lambda i: (0, 0)),
        ],
        out_specs=[
            pl.BlockSpec((1, N, D), lambda i: (i, 0, 0)),
            pl.BlockSpec((1, NPOINT, D), lambda i: (i, 0, 0)),
        ],
        out_shape=[
            jax.ShapeDtypeStruct((B, N, D), jnp.float32),
            jax.ShapeDtypeStruct((B, NPOINT, D), jnp.float32),
        ],
    )(xyz, points, W0[:, :3], W0[:, 3:])


def _dist_seg_body(cent_ref, xyz_ref, d_ref, seg_ref, m_sc):
    xyz = xyz_ref[0]
    cent = cent_ref[0]
    xsq = xyz[0] * xyz[0] + xyz[1] * xyz[1] + xyz[2] * xyz[2]
    csq = cent[0] * cent[0] + cent[1] * cent[1] + cent[2] * cent[2]
    xb = xyz.astype(jnp.bfloat16).astype(jnp.float32)
    cb = cent.astype(jnp.bfloat16).astype(jnp.float32)
    n = xyz.shape[1]
    for c0 in range(0, n, NCHUNK):
        c1 = c0 + NCHUNK
        d = (cb[0][:, None] * xb[0][None, c0:c1]
             + cb[1][:, None] * xb[1][None, c0:c1]
             + cb[2][:, None] * xb[2][None, c0:c1])
        d = -2.0 * d + csq[:, None] + xsq[None, c0:c1]
        d_ref[0, :, c0:c1] = d
        t = jnp.transpose(d)
        mt = jnp.min(t.reshape(NCHUNK // SEG, SEG, SB), axis=1)
        m_sc[(c0 // SEG):(c1 // SEG), :] = mt

    nseg = n // SEG
    m = m_sc[...]
    sub = lax.broadcasted_iota(jnp.int32, (nseg, SB), 0)
    big = jnp.int32(nseg + 1)
    for k in range(NSAMPLE):
        mn = jnp.min(m, axis=0)
        a = jnp.min(jnp.where(m == mn[None, :], sub, big), axis=0)
        seg_ref[0, k] = a
        m = jnp.where(sub == a[None, :], jnp.inf, m)


def _dist_seg(xyz):
    B, _, N = xyz.shape
    S = NPOINT
    return pl.pallas_call(
        _dist_seg_body,
        grid=(B, S // SB),
        in_specs=[
            pl.BlockSpec((1, 3, SB), lambda i, j: (i, 0, j)),
            pl.BlockSpec((1, 3, N), lambda i, j: (i, 0, 0)),
        ],
        out_specs=[
            pl.BlockSpec((1, SB, N), lambda i, j: (i, j, 0)),
            pl.BlockSpec((1, NSAMPLE, SB), lambda i, j: (i, 0, j)),
        ],
        out_shape=[
            jax.ShapeDtypeStruct((B, S, N), jnp.float32),
            jax.ShapeDtypeStruct((B, NSAMPLE, S), jnp.int32),
        ],
        scratch_shapes=[pltpu.VMEM((N // SEG, SB), jnp.float32)],
    )(xyz[..., :S], xyz)


def _topk_cand_body(cand_ref, seg_ref, idx_ref):
    v = cand_ref[0]
    seg = seg_ref[0]
    gidx = (seg[:, :, None] * SEG
            + lax.broadcasted_iota(jnp.int32, (SB, NSAMPLE, SEG), 2))
    gidx = gidx.reshape(SB, NSAMPLE * SEG)
    big = jnp.int32(1 << 30)
    for k in range(NSAMPLE):
        mn = jnp.min(v, axis=1, keepdims=True)
        a = jnp.min(jnp.where(v == mn, gidx, big), axis=1)
        idx_ref[0, :, k] = a
        v = jnp.where(gidx == a[:, None], jnp.inf, v)


def _topk_cand(cand, seg):
    B, S, _ = cand.shape
    return pl.pallas_call(
        _topk_cand_body,
        grid=(B, S // SB),
        in_specs=[
            pl.BlockSpec((1, SB, NSAMPLE * SEG), lambda i, j: (i, j, 0)),
            pl.BlockSpec((1, SB, NSAMPLE), lambda i, j: (i, j, 0)),
        ],
        out_specs=pl.BlockSpec((1, SB, NSAMPLE), lambda i, j: (i, j, 0)),
        out_shape=jax.ShapeDtypeStruct((B, S, NSAMPLE), jnp.int32),
    )(cand, seg)


def _mlp_pool_body(f_ref, c_ref, w1t_ref, o_ref):
    f = f_ref[0]
    c = c_ref[0]
    h1 = f - c[:, None, :]
    h1 = jnp.where(h1 >= 0, h1, 0.1 * h1)
    sb, k, d = h1.shape
    h2 = jnp.dot(h1.reshape(sb * k, d), w1t_ref[...],
                 preferred_element_type=jnp.float32)
    h2 = jnp.where(h2 >= 0, h2, 0.1 * h2)
    o_ref[0] = jnp.max(h2.reshape(sb, k, -1), axis=1)


def _mlp_pool(f, c, w1t, s_block=256):
    b, s, k, d = f.shape
    return pl.pallas_call(
        _mlp_pool_body,
        grid=(b, s // s_block),
        in_specs=[
            pl.BlockSpec((1, s_block, k, d), lambda i, j: (i, j, 0, 0)),
            pl.BlockSpec((1, s_block, d), lambda i, j: (i, j, 0)),
            pl.BlockSpec((d, d), lambda i, j: (0, 0)),
        ],
        out_specs=pl.BlockSpec((1, s_block, d), lambda i, j: (i, j, 0)),
        out_shape=jax.ShapeDtypeStruct((b, s, d), jnp.float32),
    )(f, c, w1t)


def kernel(xyz, points, W0, W1):
    B, C, N = xyz.shape
    S, K = NPOINT, NSAMPLE
    new_xyz = xyz[..., :S]

    P, Cc = _conv1(xyz, points, W0)
    P = P.reshape(B * N, -1)

    nseg = N // SEG
    row_base = jnp.arange(S, dtype=jnp.int32) * nseg
    w1t = W1.T
    outs = []
    for b in range(B):
        xyz_b = lax.slice_in_dim(xyz, b, b + 1, axis=0)
        d_b, seg_t = _dist_seg(xyz_b)
        seg = jnp.swapaxes(seg_t, 1, 2)

        sidx = (seg.reshape(S, K) + row_base[:, None]).reshape(-1)
        cand = _sc_gather_rows(d_b.reshape(S * nseg, SEG), sidx)
        cand = cand.reshape(1, S, K * SEG)

        knn_idx = _topk_cand(cand, seg)

        F = _sc_gather_rows(P[b * N:(b + 1) * N],
                            knn_idx.reshape(-1)).reshape(1, S, K, -1)

        outs.append(_mlp_pool(F, lax.slice_in_dim(Cc, b, b + 1, axis=0), w1t))

    out = jnp.concatenate(outs, axis=0)
    return (new_xyz, jnp.swapaxes(out, 1, 2))

# --- scband reference (transcript-rebuilt; emitter-appended) ---
"""Pipeline reference for scband-point-net-set-abstraction-3925600108913 (READ-ONLY COPY).

The authoritative reference and input builder live on the scoring server;
editing this copy changes nothing except your own understanding.
"""

import jax, jax.numpy as jnp
import numpy as np

NPOINT = 2048
NSAMPLE = 32


def square_distance(src, dst):
    # src: [B, N, C], dst: [B, M, C] -> [B, N, M]
    dist = -2.0 * jnp.matmul(src, jnp.swapaxes(dst, 1, 2))
    dist = dist + jnp.sum(src ** 2, -1)[:, :, None]
    dist = dist + jnp.sum(dst ** 2, -1)[:, None, :]
    return dist


def leaky_relu(x):
    return jnp.where(x >= 0, x, 0.1 * x)


def setup_inputs(seed: int = 0) -> dict:
    key = jax.random.key(seed)
    k1, k2, k3, k4 = jax.random.split(key, 4)
    xyz = jax.random.normal(k1, (4, 3, 8192), dtype=jnp.float32)
    points = jax.random.normal(k2, (4, 64, 8192), dtype=jnp.float32)
    # Conv2d 1x1 weights (no bias, bn=False): [out_ch, in_ch]
    W0 = jax.random.normal(k3, (64, 67), dtype=jnp.float32) * 0.1  # in = 64 + 3 (use_xyz)
    W1 = jax.random.normal(k4, (64, 64), dtype=jnp.float32) * 0.1
    return {"xyz": xyz, "points": points, "W0": W0, "W1": W1}


def reference(xyz, points, W0, W1):
    # xyz: [B, 3, N], points: [B, D, N]
    B, C, N = xyz.shape
    xyz_t = jnp.swapaxes(xyz, 1, 2)  # [B, N, 3]
    # use_fps=False, group_all=False -> new_xyz = xyz[..., :npoint]
    new_xyz = xyz[..., :NPOINT]  # [B, 3, S]
    new_xyz_t = jnp.swapaxes(new_xyz, 1, 2)  # [B, S, 3]
    # knn=True branch
    sqrdists = square_distance(new_xyz_t, xyz_t)  # [B, S, N]
    # torch.topk(largest=False) -> smallest nsample distances
    _, knn_idx = jax.lax.top_k(-sqrdists, NSAMPLE)  # [B, S, K]
    gather = jax.vmap(lambda pts, idx: pts[idx])  # ([N, C], [S, K]) -> [S, K, C]
    neighbor_xyz = gather(xyz_t, knn_idx)  # [B, S, K, 3]
    direction_xyz = neighbor_xyz - new_xyz_t[:, :, None, :]  # [B, S, K, 3]
    points_t = jnp.swapaxes(points, 1, 2)  # [B, N, D]
    grouped_points = gather(points_t, knn_idx)  # [B, S, K, D]
    new_points = jnp.concatenate([direction_xyz, grouped_points], axis=-1)  # [B, S, K, 3+D]
    new_points = jnp.transpose(new_points, (0, 3, 1, 2))  # [B, 3+D, S, K]
    # mlp_convs: 1x1 Conv2d (bias=False, bn=False) + LeakyReLU(0.1)
    new_points = leaky_relu(jnp.einsum('oi,bisk->bosk', W0, new_points))
    new_points = leaky_relu(jnp.einsum('oi,bisk->bosk', W1, new_points))
    # max aggregation over neighbors (mean_aggr=False)
    new_points = jnp.max(new_points, axis=-1)  # [B, 64, S]
    return (new_xyz, new_points)

if __name__ == "__main__":
    import jax
    _d = setup_inputs()
    print(jax.jit(kernel)(*tuple(_d.values())))

</pallas_src>

<mosaic_0001>
#map = affine_map<(d0, d1) -> (0, 0)>
#map1 = affine_map<(d0, d1) -> (0)>
module attributes {stable_mosaic.version = 14 : i64} {
  func.func @k(%arg0: i32, %arg1: i32, %arg2: memref<524288x32xf32, #tpu.memory_space<hbm>>, %arg3: memref<65536xi32, #tpu.memory_space<hbm>>, %arg4: memref<65536x32xf32, #tpu.memory_space<hbm>>, %arg5: memref<1024xi32, #tpu.memory_space<vmem>>, %arg6: memref<1024x32xf32, #tpu.memory_space<vmem>>, %arg7: memref<!tpu.dma_semaphore, #tpu.memory_space<semaphore_mem>>) attributes {dimension_semantics = [#tpu.dimension_semantics<core_parallel>, #tpu.dimension_semantics<subcore_parallel>], iteration_bounds = array<i64: 2, 16>, scalar_prefetch = 0 : i64, scratch_operands = 3 : i64, tpu.core_type = #tpu.core_type<sc_vector_subcore>, window_params = [{transform_indices = #map}, {transform_indices = #map1}, {transform_indices = #map}]} {
    %mul3A = arith.constant 2 : i32
    %mul3A_0 = arith.muli %arg1, %mul3A : i32
    %add3A = arith.addi %mul3A_0, %arg0 : i32
    %mul3A_1 = arith.constant 2048 : i32
    %mul3A_2 = arith.muli %add3A, %mul3A_1 : i32
    %scan3A = arith.constant 0 : i32
    %scan3A_3 = arith.constant 0 : i32
    %scan3A_4 = arith.constant 2 : i32
    %scan3A_5 = arith.addi %scan3A_3, %scan3A_4 : i32
    %scan3A_6 = arith.constant 1 : i32
    scf.for %scan3A_8 = %scan3A_3 to %scan3A_5 step %scan3A_6  : i32 {
      %mul3A_9 = arith.constant 1024 : i32
      %mul3A_10 = arith.muli %scan3A_8, %mul3A_9 : i32
      %add3A_11 = arith.addi %mul3A_2, %mul3A_10 : i32
      "tpu.region"() ({
        %run_scoped3A = tpu.sem_alloc : memref<!tpu.dma_semaphore, #tpu.memory_space<semaphore_mem>>
        %dma_start3A_16 = tpu.memref_slice %arg3[%add3A_11] : memref<65536xi32, #tpu.memory_space<hbm>> -> memref<1024xi32, #tpu.memory_space<hbm>>
        %dma_start3A_17 = tpu.memref_slice %arg3[%add3A_11] : memref<65536xi32, #tpu.memory_space<hbm>> -> memref<1024xi32, #tpu.memory_space<hbm>>
        tpu.enqueue_dma source(%dma_start3A_17 : memref<1024xi32, #tpu.memory_space<hbm>>) target(%arg5 : memref<1024xi32, #tpu.memory_space<vmem>>) target_semaphore(%run_scoped3A : memref<!tpu.dma_semaphore, #tpu.memory_space<semaphore_mem>>)
        %dma_wait3A_18 = tpu.memref_slice %arg3[%add3A_11] : memref<65536xi32, #tpu.memory_space<hbm>> -> memref<1024xi32, #tpu.memory_space<hbm>>
        %dma_wait3A_19 = tpu.memref_slice %arg3[%add3A_11] : memref<65536xi32, #tpu.memory_space<hbm>> -> memref<1024xi32, #tpu.memory_space<hbm>>
        tpu.wait_dma2 semaphore(%run_scoped3A : memref<!tpu.dma_semaphore, #tpu.memory_space<semaphore_mem>>) src(%dma_wait3A_19 : memref<1024xi32, #tpu.memory_space<hbm>>) dst(%arg5 : memref<1024xi32, #tpu.memory_space<vmem>>)
        tpu.yield
      }) : () -> ()
      %dma_start3A = arith.constant 0 : i32
      %dma_start3A_12 = arith.constant 0 : i32
      %dma_start3A_13 = tpu.memref_slice %arg2[%dma_start3A, %dma_start3A_12] : memref<524288x32xf32, #tpu.memory_space<hbm>> -> memref<524288x32xf32, #tpu.memory_space<hbm>>
      tpu.enqueue_indirect_dma source(%dma_start3A_13 : memref<524288x32xf32, #tpu.memory_space<hbm>>) target(%arg6 : memref<1024x32xf32, #tpu.memory_space<vmem>>) offsets(%arg5 : memref<1024xi32, #tpu.memory_space<vmem>>) semaphore(%arg7 : memref<!tpu.dma_semaphore, #tpu.memory_space<semaphore_mem>>)
      %dma_wait3A = arith.constant 0 : i32
      %dma_wait3A_14 = arith.constant 0 : i32
      %dma_wait3A_15 = tpu.memref_slice %arg2[%dma_wait3A, %dma_wait3A_14] : memref<524288x32xf32, #tpu.memory_space<hbm>> -> memref<524288x32xf32, #tpu.memory_space<hbm>>
      tpu.wait_indirect_dma semaphore(%arg7 : memref<!tpu.dma_semaphore, #tpu.memory_space<semaphore_mem>>) src(%dma_wait3A_15 : memref<524288x32xf32, #tpu.memory_space<hbm>>) dst(%arg6 : memref<1024x32xf32, #tpu.memory_space<vmem>>)
      "tpu.region"() ({
        %run_scoped3A = tpu.sem_alloc : memref<!tpu.dma_semaphore, #tpu.memory_space<semaphore_mem>>
        %dma_start3A_16 = arith.constant 0 : i32
        %dma_start3A_17 = tpu.memref_slice %arg4[%add3A_11, %dma_start3A_16] : memref<65536x32xf32, #tpu.memory_space<hbm>> -> memref<1024x32xf32, #tpu.memory_space<hbm>>
        %dma_start3A_18 = arith.constant 0 : i32
        %dma_start3A_19 = tpu.memref_slice %arg4[%add3A_11, %dma_start3A_18] : memref<65536x32xf32, #tpu.memory_space<hbm>> -> memref<1024x32xf32, #tpu.memory_space<hbm>>
        tpu.enqueue_dma source(%arg6 : memref<1024x32xf32, #tpu.memory_space<vmem>>) target(%dma_start3A_19 : memref<1024x32xf32, #tpu.memory_space<hbm>>) target_semaphore(%run_scoped3A : memref<!tpu.dma_semaphore, #tpu.memory_space<semaphore_mem>>)
        %dma_wait3A_20 = arith.constant 0 : i32
        %dma_wait3A_21 = tpu.memref_slice %arg4[%add3A_11, %dma_wait3A_20] : memref<65536x32xf32, #tpu.memory_space<hbm>> -> memref<1024x32xf32, #tpu.memory_space<hbm>>
        %dma_wait3A_22 = arith.constant 0 : i32
        %dma_wait3A_23 = tpu.memref_slice %arg4[%add3A_11, %dma_wait3A_22] : memref<65536x32xf32, #tpu.memory_space<hbm>> -> memref<1024x32xf32, #tpu.memory_space<hbm>>
        tpu.wait_dma2 semaphore(%run_scoped3A : memref<!tpu.dma_semaphore, #tpu.memory_space<semaphore_mem>>) src(%arg6 : memref<1024x32xf32, #tpu.memory_space<vmem>>) dst(%dma_wait3A_23 : memref<1024x32xf32, #tpu.memory_space<hbm>>)
        tpu.yield
      }) : () -> ()
    }
    %scan3A_7 = arith.constant 2 : i32
    return
  }
}

#map = affine_map<(d0, d1) -> (0, 0)>
#map1 = affine_map<(d0, d1) -> (0)>
module attributes {stable_mosaic.version = 14 : i64} {
  func.func @k(%arg0: i32, %arg1: i32, %arg2: memref<524288x32xf32, #tpu.memory_space<hbm>>, %arg3: memref<65536xi32, #tpu.memory_space<hbm>>, %arg4: memref<65536x32xf32, #tpu.memory_space<hbm>>, %arg5: memref<1024xi32, #tpu.memory_space<vmem>>, %arg6: memref<1024x32xf32, #tpu.memory_space<vmem>>, %arg7: memref<!tpu.dma_semaphore, #tpu.memory_space<semaphore_mem>>) attributes {dimension_semantics = [#tpu.dimension_semantics<core_parallel>, #tpu.dimension_semantics<subcore_parallel>], iteration_bounds = array<i64: 2, 16>, scalar_prefetch = 0 : i64, scratch_operands = 3 : i64, tpu.core_type = #tpu.core_type<sc_vector_subcore>, window_params = [{transform_indices = #map}, {transform_indices = #map1}, {transform_indices = #map}]} {
    %mul3A = arith.constant 2 : i32
    %mul3A_0 = arith.muli %arg1, %mul3A : i32
    %add3A = arith.addi %mul3A_0, %arg0 : i32
    %mul3A_1 = arith.constant 2048 : i32
    %mul3A_2 = arith.muli %add3A, %mul3A_1 : i32
    %scan3A = arith.constant 0 : i32
    %scan3A_3 = arith.constant 0 : i32
    %scan3A_4 = arith.constant 2 : i32
    %scan3A_5 = arith.addi %scan3A_3, %scan3A_4 : i32
    %scan3A_6 = arith.constant 1 : i32
    scf.for %scan3A_8 = %scan3A_3 to %scan3A_5 step %scan3A_6  : i32 {
      %mul3A_9 = arith.constant 1024 : i32
      %mul3A_10 = arith.muli %scan3A_8, %mul3A_9 : i32
      %add3A_11 = arith.addi %mul3A_2, %mul3A_10 : i32
      "tpu.region"() ({
        %run_scoped3A = tpu.sem_alloc : memref<!tpu.dma_semaphore, #tpu.memory_space<semaphore_mem>>
        %dma_start3A_16 = tpu.memref_slice %arg3[%add3A_11] : memref<65536xi32, #tpu.memory_space<hbm>> -> memref<1024xi32, #tpu.memory_space<hbm>>
        %dma_start3A_17 = tpu.memref_slice %arg3[%add3A_11] : memref<65536xi32, #tpu.memory_space<hbm>> -> memref<1024xi32, #tpu.memory_space<hbm>>
        tpu.enqueue_dma source(%dma_start3A_17 : memref<1024xi32, #tpu.memory_space<hbm>>) target(%arg5 : memref<1024xi32, #tpu.memory_space<vmem>>) target_semaphore(%run_scoped3A : memref<!tpu.dma_semaphore, #tpu.memory_space<semaphore_mem>>)
        %dma_wait3A_18 = tpu.memref_slice %arg3[%add3A_11] : memref<65536xi32, #tpu.memory_space<hbm>> -> memref<1024xi32, #tpu.memory_space<hbm>>
        %dma_wait3A_19 = tpu.memref_slice %arg3[%add3A_11] : memref<65536xi32, #tpu.memory_space<hbm>> -> memref<1024xi32, #tpu.memory_space<hbm>>
        tpu.wait_dma2 semaphore(%run_scoped3A : memref<!tpu.dma_semaphore, #tpu.memory_space<semaphore_mem>>) src(%dma_wait3A_19 : memref<1024xi32, #tpu.memory_space<hbm>>) dst(%arg5 : memref<1024xi32, #tpu.memory_space<vmem>>)
        tpu.yield
      }) : () -> ()
      %dma_start3A = arith.constant 0 : i32
      %dma_start3A_12 = arith.constant 0 : i32
      %dma_start3A_13 = tpu.memref_slice %arg2[%dma_start3A, %dma_start3A_12] : memref<524288x32xf32, #tpu.memory_space<hbm>> -> memref<524288x32xf32, #tpu.memory_space<hbm>>
      tpu.enqueue_indirect_dma source(%dma_start3A_13 : memref<524288x32xf32, #tpu.memory_space<hbm>>) target(%arg6 : memref<1024x32xf32, #tpu.memory_space<vmem>>) offsets(%arg5 : memref<1024xi32, #tpu.memory_space<vmem>>) semaphore(%arg7 : memref<!tpu.dma_semaphore, #tpu.memory_space<semaphore_mem>>)
      %dma_wait3A = arith.constant 0 : i32
      %dma_wait3A_14 = arith.constant 0 : i32
      %dma_wait3A_15 = tpu.memref_slice %arg2[%dma_wait3A, %dma_wait3A_14] : memref<524288x32xf32, #tpu.memory_space<hbm>> -> memref<524288x32xf32, #tpu.memory_space<hbm>>
      tpu.wait_indirect_dma semaphore(%arg7 : memref<!tpu.dma_semaphore, #tpu.memory_space<semaphore_mem>>) src(%dma_wait3A_15 : memref<524288x32xf32, #tpu.memory_space<hbm>>) dst(%arg6 : memref<1024x32xf32, #tpu.memory_space<vmem>>)
      "tpu.region"() ({
        %run_scoped3A = tpu.sem_alloc : memref<!tpu.dma_semaphore, #tpu.memory_space<semaphore_mem>>
        %dma_start3A_16 = arith.constant 0 : i32
        %dma_start3A_17 = tpu.memref_slice %arg4[%add3A_11, %dma_start3A_16] : memref<65536x32xf32, #tpu.memory_space<hbm>> -> memref<1024x32xf32, #tpu.memory_space<hbm>>
        %dma_start3A_18 = arith.constant 0 : i32
        %dma_start3A_19 = tpu.memref_slice %arg4[%add3A_11, %dma_start3A_18] : memref<65536x32xf32, #tpu.memory_space<hbm>> -> memref<1024x32xf32, #tpu.memory_space<hbm>>
        tpu.enqueue_dma source(%arg6 : memref<1024x32xf32, #tpu.memory_space<vmem>>) target(%dma_start3A_19 : memref<1024x32xf32, #tpu.memory_space<hbm>>) target_semaphore(%run_scoped3A : memref<!tpu.dma_semaphore, #tpu.memory_space<semaphore_mem>>)
        %dma_wait3A_20 = arith.constant 0 : i32
        %dma_wait3A_21 = tpu.memref_slice %arg4[%add3A_11, %dma_wait3A_20] : memref<65536x32xf32, #tpu.memory_space<hbm>> -> memref<1024x32xf32, #tpu.memory_space<hbm>>
        %dma_wait3A_22 = arith.constant 0 : i32
        %dma_wait3A_23 = tpu.memref_slice %arg4[%add3A_11, %dma_wait3A_22] : memref<65536x32xf32, #tpu.memory_space<hbm>> -> memref<1024x32xf32, #tpu.memory_space<hbm>>
        tpu.wait_dma2 semaphore(%run_scoped3A : memref<!tpu.dma_semaphore, #tpu.memory_space<semaphore_mem>>) src(%arg6 : memref<1024x32xf32, #tpu.memory_space<vmem>>) dst(%dma_wait3A_23 : memref<1024x32xf32, #tpu.memory_space<hbm>>)
        tpu.yield
      }) : () -> ()
    }
    %scan3A_7 = arith.constant 2 : i32
    return
  }
}

#map = affine_map<(d0, d1) -> (0, 0)>
#map1 = affine_map<(d0, d1) -> (0)>
module attributes {stable_mosaic.version = 14 : i64} {
  func.func @k(%arg0: i32, %arg1: i32, %arg2: memref<524288x32xf32, #tpu.memory_space<hbm>>, %arg3: memref<65536xi32, #tpu.memory_space<hbm>>, %arg4: memref<65536x32xf32, #tpu.memory_space<hbm>>, %arg5: memref<1024xi32, #tpu.memory_space<vmem>>, %arg6: memref<1024x32xf32, #tpu.memory_space<vmem>>, %arg7: memref<!tpu.dma_semaphore, #tpu.memory_space<semaphore_mem>>) attributes {dimension_semantics = [#tpu.dimension_semantics<core_parallel>, #tpu.dimension_semantics<subcore_parallel>], iteration_bounds = array<i64: 2, 16>, scalar_prefetch = 0 : i64, scratch_operands = 3 : i64, tpu.core_type = #tpu.core_type<sc_vector_subcore>, window_params = [{transform_indices = #map}, {transform_indices = #map1}, {transform_indices = #map}]} {
    %mul3A = arith.constant 2 : i32
    %mul3A_0 = arith.muli %arg1, %mul3A : i32
    %add3A = arith.addi %mul3A_0, %arg0 : i32
    %mul3A_1 = arith.constant 2048 : i32
    %mul3A_2 = arith.muli %add3A, %mul3A_1 : i32
    %scan3A = arith.constant 0 : i32
    %scan3A_3 = arith.constant 0 : i32
    %scan3A_4 = arith.constant 2 : i32
    %scan3A_5 = arith.addi %scan3A_3, %scan3A_4 : i32
    %scan3A_6 = arith.constant 1 : i32
    scf.for %scan3A_8 = %scan3A_3 to %scan3A_5 step %scan3A_6  : i32 {
      %mul3A_9 = arith.constant 1024 : i32
      %mul3A_10 = arith.muli %scan3A_8, %mul3A_9 : i32
      %add3A_11 = arith.addi %mul3A_2, %mul3A_10 : i32
      "tpu.region"() ({
        %run_scoped3A = tpu.sem_alloc : memref<!tpu.dma_semaphore, #tpu.memory_space<semaphore_mem>>
        %dma_start3A_16 = tpu.memref_slice %arg3[%add3A_11] : memref<65536xi32, #tpu.memory_space<hbm>> -> memref<1024xi32, #tpu.memory_space<hbm>>
        %dma_start3A_17 = tpu.memref_slice %arg3[%add3A_11] : memref<65536xi32, #tpu.memory_space<hbm>> -> memref<1024xi32, #tpu.memory_space<hbm>>
        tpu.enqueue_dma source(%dma_start3A_17 : memref<1024xi32, #tpu.memory_space<hbm>>) target(%arg5 : memref<1024xi32, #tpu.memory_space<vmem>>) target_semaphore(%run_scoped3A : memref<!tpu.dma_semaphore, #tpu.memory_space<semaphore_mem>>)
        %dma_wait3A_18 = tpu.memref_slice %arg3[%add3A_11] : memref<65536xi32, #tpu.memory_space<hbm>> -> memref<1024xi32, #tpu.memory_space<hbm>>
        %dma_wait3A_19 = tpu.memref_slice %arg3[%add3A_11] : memref<65536xi32, #tpu.memory_space<hbm>> -> memref<1024xi32, #tpu.memory_space<hbm>>
        tpu.wait_dma2 semaphore(%run_scoped3A : memref<!tpu.dma_semaphore, #tpu.memory_space<semaphore_mem>>) src(%dma_wait3A_19 : memref<1024xi32, #tpu.memory_space<hbm>>) dst(%arg5 : memref<1024xi32, #tpu.memory_space<vmem>>)
        tpu.yield
      }) : () -> ()
      %dma_start3A = arith.constant 0 : i32
      %dma_start3A_12 = arith.constant 0 : i32
      %dma_start3A_13 = tpu.memref_slice %arg2[%dma_start3A, %dma_start3A_12] : memref<524288x32xf32, #tpu.memory_space<hbm>> -> memref<524288x32xf32, #tpu.memory_space<hbm>>
      tpu.enqueue_indirect_dma source(%dma_start3A_13 : memref<524288x32xf32, #tpu.memory_space<hbm>>) target(%arg6 : memref<1024x32xf32, #tpu.memory_space<vmem>>) offsets(%arg5 : memref<1024xi32, #tpu.memory_space<vmem>>) semaphore(%arg7 : memref<!tpu.dma_semaphore, #tpu.memory_space<semaphore_mem>>)
      %dma_wait3A = arith.constant 0 : i32
      %dma_wait3A_14 = arith.constant 0 : i32
      %dma_wait3A_15 = tpu.memref_slice %arg2[%dma_wait3A, %dma_wait3A_14] : memref<524288x32xf32, #tpu.memory_space<hbm>> -> memref<524288x32xf32, #tpu.memory_space<hbm>>
      tpu.wait_indirect_dma semaphore(%arg7 : memref<!tpu.dma_semaphore, #tpu.memory_space<semaphore_mem>>) src(%dma_wait3A_15 : memref<524288x32xf32, #tpu.memory_space<hbm>>) dst(%arg6 : memref<1024x32xf32, #tpu.memory_space<vmem>>)
      "tpu.region"() ({
        %run_scoped3A = tpu.sem_alloc : memref<!tpu.dma_semaphore, #tpu.memory_space<semaphore_mem>>
        %dma_start3A_16 = arith.constant 0 : i32
        %dma_start3A_17 = tpu.memref_slice %arg4[%add3A_11, %dma_start3A_16] : memref<65536x32xf32, #tpu.memory_space<hbm>> -> memref<1024x32xf32, #tpu.memory_space<hbm>>
        %dma_start3A_18 = arith.constant 0 : i32
        %dma_start3A_19 = tpu.memref_slice %arg4[%add3A_11, %dma_start3A_18] : memref<65536x32xf32, #tpu.memory_space<hbm>> -> memref<1024x32xf32, #tpu.memory_space<hbm>>
        tpu.enqueue_dma source(%arg6 : memref<1024x32xf32, #tpu.memory_space<vmem>>) target(%dma_start3A_19 : memref<1024x32xf32, #tpu.memory_space<hbm>>) target_semaphore(%run_scoped3A : memref<!tpu.dma_semaphore, #tpu.memory_space<semaphore_mem>>)
        %dma_wait3A_20 = arith.constant 0 : i32
        %dma_wait3A_21 = tpu.memref_slice %arg4[%add3A_11, %dma_wait3A_20] : memref<65536x32xf32, #tpu.memory_space<hbm>> -> memref<1024x32xf32, #tpu.memory_space<hbm>>
        %dma_wait3A_22 = arith.constant 0 : i32
        %dma_wait3A_23 = tpu.memref_slice %arg4[%add3A_11, %dma_wait3A_22] : memref<65536x32xf32, #tpu.memory_space<hbm>> -> memref<1024x32xf32, #tpu.memory_space<hbm>>
        tpu.wait_dma2 semaphore(%run_scoped3A : memref<!tpu.dma_semaphore, #tpu.memory_space<semaphore_mem>>) src(%arg6 : memref<1024x32xf32, #tpu.memory_space<vmem>>) dst(%dma_wait3A_23 : memref<1024x32xf32, #tpu.memory_space<hbm>>)
        tpu.yield
      }) : () -> ()
    }
    %scan3A_7 = arith.constant 2 : i32
    return
  }
}

#map = affine_map<(d0, d1) -> (0, 0)>
#map1 = affine_map<(d0, d1) -> (0)>
module attributes {stable_mosaic.version = 14 : i64} {
  func.func @k(%arg0: i32, %arg1: i32, %arg2: memref<524288x32xf32, #tpu.memory_space<hbm>>, %arg3: memref<65536xi32, #tpu.memory_space<hbm>>, %arg4: memref<65536x32xf32, #tpu.memory_space<hbm>>, %arg5: memref<1024xi32, #tpu.memory_space<vmem>>, %arg6: memref<1024x32xf32, #tpu.memory_space<vmem>>, %arg7: memref<!tpu.dma_semaphore, #tpu.memory_space<semaphore_mem>>) attributes {dimension_semantics = [#tpu.dimension_semantics<core_parallel>, #tpu.dimension_semantics<subcore_parallel>], iteration_bounds = array<i64: 2, 16>, scalar_prefetch = 0 : i64, scratch_operands = 3 : i64, tpu.core_type = #tpu.core_type<sc_vector_subcore>, window_params = [{transform_indices = #map}, {transform_indices = #map1}, {transform_indices = #map}]} {
    %mul3A = arith.constant 2 : i32
    %mul3A_0 = arith.muli %arg1, %mul3A : i32
    %add3A = arith.addi %mul3A_0, %arg0 : i32
    %mul3A_1 = arith.constant 2048 : i32
    %mul3A_2 = arith.muli %add3A, %mul3A_1 : i32
    %scan3A = arith.constant 0 : i32
    %scan3A_3 = arith.constant 0 : i32
    %scan3A_4 = arith.constant 2 : i32
    %scan3A_5 = arith.addi %scan3A_3, %scan3A_4 : i32
    %scan3A_6 = arith.constant 1 : i32
    scf.for %scan3A_8 = %scan3A_3 to %scan3A_5 step %scan3A_6  : i32 {
      %mul3A_9 = arith.constant 1024 : i32
      %mul3A_10 = arith.muli %scan3A_8, %mul3A_9 : i32
      %add3A_11 = arith.addi %mul3A_2, %mul3A_10 : i32
      "tpu.region"() ({
        %run_scoped3A = tpu.sem_alloc : memref<!tpu.dma_semaphore, #tpu.memory_space<semaphore_mem>>
        %dma_start3A_16 = tpu.memref_slice %arg3[%add3A_11] : memref<65536xi32, #tpu.memory_space<hbm>> -> memref<1024xi32, #tpu.memory_space<hbm>>
        %dma_start3A_17 = tpu.memref_slice %arg3[%add3A_11] : memref<65536xi32, #tpu.memory_space<hbm>> -> memref<1024xi32, #tpu.memory_space<hbm>>
        tpu.enqueue_dma source(%dma_start3A_17 : memref<1024xi32, #tpu.memory_space<hbm>>) target(%arg5 : memref<1024xi32, #tpu.memory_space<vmem>>) target_semaphore(%run_scoped3A : memref<!tpu.dma_semaphore, #tpu.memory_space<semaphore_mem>>)
        %dma_wait3A_18 = tpu.memref_slice %arg3[%add3A_11] : memref<65536xi32, #tpu.memory_space<hbm>> -> memref<1024xi32, #tpu.memory_space<hbm>>
        %dma_wait3A_19 = tpu.memref_slice %arg3[%add3A_11] : memref<65536xi32, #tpu.memory_space<hbm>> -> memref<1024xi32, #tpu.memory_space<hbm>>
        tpu.wait_dma2 semaphore(%run_scoped3A : memref<!tpu.dma_semaphore, #tpu.memory_space<semaphore_mem>>) src(%dma_wait3A_19 : memref<1024xi32, #tpu.memory_space<hbm>>) dst(%arg5 : memref<1024xi32, #tpu.memory_space<vmem>>)
        tpu.yield
      }) : () -> ()
      %dma_start3A = arith.constant 0 : i32
      %dma_start3A_12 = arith.constant 0 : i32
      %dma_start3A_13 = tpu.memref_slice %arg2[%dma_start3A, %dma_start3A_12] : memref<524288x32xf32, #tpu.memory_space<hbm>> -> memref<524288x32xf32, #tpu.memory_space<hbm>>
      tpu.enqueue_indirect_dma source(%dma_start3A_13 : memref<524288x32xf32, #tpu.memory_space<hbm>>) target(%arg6 : memref<1024x32xf32, #tpu.memory_space<vmem>>) offsets(%arg5 : memref<1024xi32, #tpu.memory_space<vmem>>) semaphore(%arg7 : memref<!tpu.dma_semaphore, #tpu.memory_space<semaphore_mem>>)
      %dma_wait3A = arith.constant 0 : i32
      %dma_wait3A_14 = arith.constant 0 : i32
      %dma_wait3A_15 = tpu.memref_slice %arg2[%dma_wait3A, %dma_wait3A_14] : memref<524288x32xf32, #tpu.memory_space<hbm>> -> memref<524288x32xf32, #tpu.memory_space<hbm>>
      tpu.wait_indirect_dma semaphore(%arg7 : memref<!tpu.dma_semaphore, #tpu.memory_space<semaphore_mem>>) src(%dma_wait3A_15 : memref<524288x32xf32, #tpu.memory_space<hbm>>) dst(%arg6 : memref<1024x32xf32, #tpu.memory_space<vmem>>)
      "tpu.region"() ({
        %run_scoped3A = tpu.sem_alloc : memref<!tpu.dma_semaphore, #tpu.memory_space<semaphore_mem>>
        %dma_start3A_16 = arith.constant 0 : i32
        %dma_start3A_17 = tpu.memref_slice %arg4[%add3A_11, %dma_start3A_16] : memref<65536x32xf32, #tpu.memory_space<hbm>> -> memref<1024x32xf32, #tpu.memory_space<hbm>>
        %dma_start3A_18 = arith.constant 0 : i32
        %dma_start3A_19 = tpu.memref_slice %arg4[%add3A_11, %dma_start3A_18] : memref<65536x32xf32, #tpu.memory_space<hbm>> -> memref<1024x32xf32, #tpu.memory_space<hbm>>
        tpu.enqueue_dma source(%arg6 : memref<1024x32xf32, #tpu.memory_space<vmem>>) target(%dma_start3A_19 : memref<1024x32xf32, #tpu.memory_space<hbm>>) target_semaphore(%run_scoped3A : memref<!tpu.dma_semaphore, #tpu.memory_space<semaphore_mem>>)
        %dma_wait3A_20 = arith.constant 0 : i32
        %dma_wait3A_21 = tpu.memref_slice %arg4[%add3A_11, %dma_wait3A_20] : memref<65536x32xf32, #tpu.memory_space<hbm>> -> memref<1024x32xf32, #tpu.memory_space<hbm>>
        %dma_wait3A_22 = arith.constant 0 : i32
        %dma_wait3A_23 = tpu.memref_slice %arg4[%add3A_11, %dma_wait3A_22] : memref<65536x32xf32, #tpu.memory_space<hbm>> -> memref<1024x32xf32, #tpu.memory_space<hbm>>
        tpu.wait_dma2 semaphore(%run_scoped3A : memref<!tpu.dma_semaphore, #tpu.memory_space<semaphore_mem>>) src(%arg6 : memref<1024x32xf32, #tpu.memory_space<vmem>>) dst(%dma_wait3A_23 : memref<1024x32xf32, #tpu.memory_space<hbm>>)
        tpu.yield
      }) : () -> ()
    }
    %scan3A_7 = arith.constant 2 : i32
    return
  }
}

#map = affine_map<(d0, d1) -> (0, 0)>
#map1 = affine_map<(d0, d1) -> (0)>
module attributes {stable_mosaic.version = 14 : i64} {
  func.func @k(%arg0: i32, %arg1: i32, %arg2: memref<8192x64xf32, #tpu.memory_space<hbm>>, %arg3: memref<65536xi32, #tpu.memory_space<hbm>>, %arg4: memref<65536x64xf32, #tpu.memory_space<hbm>>, %arg5: memref<1024xi32, #tpu.memory_space<vmem>>, %arg6: memref<1024x64xf32, #tpu.memory_space<vmem>>, %arg7: memref<!tpu.dma_semaphore, #tpu.memory_space<semaphore_mem>>) attributes {dimension_semantics = [#tpu.dimension_semantics<core_parallel>, #tpu.dimension_semantics<subcore_parallel>], iteration_bounds = array<i64: 2, 16>, scalar_prefetch = 0 : i64, scratch_operands = 3 : i64, tpu.core_type = #tpu.core_type<sc_vector_subcore>, window_params = [{transform_indices = #map}, {transform_indices = #map1}, {transform_indices = #map}]} {
    %mul3A = arith.constant 2 : i32
    %mul3A_0 = arith.muli %arg1, %mul3A : i32
    %add3A = arith.addi %mul3A_0, %arg0 : i32
    %mul3A_1 = arith.constant 2048 : i32
    %mul3A_2 = arith.muli %add3A, %mul3A_1 : i32
    %scan3A = arith.constant 0 : i32
    %scan3A_3 = arith.constant 0 : i32
    %scan3A_4 = arith.constant 2 : i32
    %scan3A_5 = arith.addi %scan3A_3, %scan3A_4 : i32
    %scan3A_6 = arith.constant 1 : i32
    scf.for %scan3A_8 = %scan3A_3 to %scan3A_5 step %scan3A_6  : i32 {
      %mul3A_9 = arith.constant 1024 : i32
      %mul3A_10 = arith.muli %scan3A_8, %mul3A_9 : i32
      %add3A_11 = arith.addi %mul3A_2, %mul3A_10 : i32
      "tpu.region"() ({
        %run_scoped3A = tpu.sem_alloc : memref<!tpu.dma_semaphore, #tpu.memory_space<semaphore_mem>>
        %dma_start3A_16 = tpu.memref_slice %arg3[%add3A_11] : memref<65536xi32, #tpu.memory_space<hbm>> -> memref<1024xi32, #tpu.memory_space<hbm>>
        %dma_start3A_17 = tpu.memref_slice %arg3[%add3A_11] : memref<65536xi32, #tpu.memory_space<hbm>> -> memref<1024xi32, #tpu.memory_space<hbm>>
        tpu.enqueue_dma source(%dma_start3A_17 : memref<1024xi32, #tpu.memory_space<hbm>>) target(%arg5 : memref<1024xi32, #tpu.memory_space<vmem>>) target_semaphore(%run_scoped3A : memref<!tpu.dma_semaphore, #tpu.memory_space<semaphore_mem>>)
        %dma_wait3A_18 = tpu.memref_slice %arg3[%add3A_11] : memref<65536xi32, #tpu.memory_space<hbm>> -> memref<1024xi32, #tpu.memory_space<hbm>>
        %dma_wait3A_19 = tpu.memref_slice %arg3[%add3A_11] : memref<65536xi32, #tpu.memory_space<hbm>> -> memref<1024xi32, #tpu.memory_space<hbm>>
        tpu.wait_dma2 semaphore(%run_scoped3A : memref<!tpu.dma_semaphore, #tpu.memory_space<semaphore_mem>>) src(%dma_wait3A_19 : memref<1024xi32, #tpu.memory_space<hbm>>) dst(%arg5 : memref<1024xi32, #tpu.memory_space<vmem>>)
        tpu.yield
      }) : () -> ()
      %dma_start3A = arith.constant 0 : i32
      %dma_start3A_12 = arith.constant 0 : i32
      %dma_start3A_13 = tpu.memref_slice %arg2[%dma_start3A, %dma_start3A_12] : memref<8192x64xf32, #tpu.memory_space<hbm>> -> memref<8192x64xf32, #tpu.memory_space<hbm>>
      tpu.enqueue_indirect_dma source(%dma_start3A_13 : memref<8192x64xf32, #tpu.memory_space<hbm>>) target(%arg6 : memref<1024x64xf32, #tpu.memory_space<vmem>>) offsets(%arg5 : memref<1024xi32, #tpu.memory_space<vmem>>) semaphore(%arg7 : memref<!tpu.dma_semaphore, #tpu.memory_space<semaphore_mem>>)
      %dma_wait3A = arith.constant 0 : i32
      %dma_wait3A_14 = arith.constant 0 : i32
      %dma_wait3A_15 = tpu.memref_slice %arg2[%dma_wait3A, %dma_wait3A_14] : memref<8192x64xf32, #tpu.memory_space<hbm>> -> memref<8192x64xf32, #tpu.memory_space<hbm>>
      tpu.wait_indirect_dma semaphore(%arg7 : memref<!tpu.dma_semaphore, #tpu.memory_space<semaphore_mem>>) src(%dma_wait3A_15 : memref<8192x64xf32, #tpu.memory_space<hbm>>) dst(%arg6 : memref<1024x64xf32, #tpu.memory_space<vmem>>)
      "tpu.region"() ({
        %run_scoped3A = tpu.sem_alloc : memref<!tpu.dma_semaphore, #tpu.memory_space<semaphore_mem>>
        %dma_start3A_16 = arith.constant 0 : i32
        %dma_start3A_17 = tpu.memref_slice %arg4[%add3A_11, %dma_start3A_16] : memref<65536x64xf32, #tpu.memory_space<hbm>> -> memref<1024x64xf32, #tpu.memory_space<hbm>>
        %dma_start3A_18 = arith.constant 0 : i32
        %dma_start3A_19 = tpu.memref_slice %arg4[%add3A_11, %dma_start3A_18] : memref<65536x64xf32, #tpu.memory_space<hbm>> -> memref<1024x64xf32, #tpu.memory_space<hbm>>
        tpu.enqueue_dma source(%arg6 : memref<1024x64xf32, #tpu.memory_space<vmem>>) target(%dma_start3A_19 : memref<1024x64xf32, #tpu.memory_space<hbm>>) target_semaphore(%run_scoped3A : memref<!tpu.dma_semaphore, #tpu.memory_space<semaphore_mem>>)
        %dma_wait3A_20 = arith.constant 0 : i32
        %dma_wait3A_21 = tpu.memref_slice %arg4[%add3A_11, %dma_wait3A_20] : memref<65536x64xf32, #tpu.memory_space<hbm>> -> memref<1024x64xf32, #tpu.memory_space<hbm>>
        %dma_wait3A_22 = arith.constant 0 : i32
        %dma_wait3A_23 = tpu.memref_slice %arg4[%add3A_11, %dma_wait3A_22] : memref<65536x64xf32, #tpu.memory_space<hbm>> -> memref<1024x64xf32, #tpu.memory_space<hbm>>
        tpu.wait_dma2 semaphore(%run_scoped3A : memref<!tpu.dma_semaphore, #tpu.memory_space<semaphore_mem>>) src(%arg6 : memref<1024x64xf32, #tpu.memory_space<vmem>>) dst(%dma_wait3A_23 : memref<1024x64xf32, #tpu.memory_space<hbm>>)
        tpu.yield
      }) : () -> ()
    }
    %scan3A_7 = arith.constant 2 : i32
    return
  }
}

#map = affine_map<(d0, d1) -> (0, 0)>
#map1 = affine_map<(d0, d1) -> (0)>
module attributes {stable_mosaic.version = 14 : i64} {
  func.func @k(%arg0: i32, %arg1: i32, %arg2: memref<8192x64xf32, #tpu.memory_space<hbm>>, %arg3: memref<65536xi32, #tpu.memory_space<hbm>>, %arg4: memref<65536x64xf32, #tpu.memory_space<hbm>>, %arg5: memref<1024xi32, #tpu.memory_space<vmem>>, %arg6: memref<1024x64xf32, #tpu.memory_space<vmem>>, %arg7: memref<!tpu.dma_semaphore, #tpu.memory_space<semaphore_mem>>) attributes {dimension_semantics = [#tpu.dimension_semantics<core_parallel>, #tpu.dimension_semantics<subcore_parallel>], iteration_bounds = array<i64: 2, 16>, scalar_prefetch = 0 : i64, scratch_operands = 3 : i64, tpu.core_type = #tpu.core_type<sc_vector_subcore>, window_params = [{transform_indices = #map}, {transform_indices = #map1}, {transform_indices = #map}]} {
    %mul3A = arith.constant 2 : i32
    %mul3A_0 = arith.muli %arg1, %mul3A : i32
    %add3A = arith.addi %mul3A_0, %arg0 : i32
    %mul3A_1 = arith.constant 2048 : i32
    %mul3A_2 = arith.muli %add3A, %mul3A_1 : i32
    %scan3A = arith.constant 0 : i32
    %scan3A_3 = arith.constant 0 : i32
    %scan3A_4 = arith.constant 2 : i32
    %scan3A_5 = arith.addi %scan3A_3, %scan3A_4 : i32
    %scan3A_6 = arith.constant 1 : i32
    scf.for %scan3A_8 = %scan3A_3 to %scan3A_5 step %scan3A_6  : i32 {
      %mul3A_9 = arith.constant 1024 : i32
      %mul3A_10 = arith.muli %scan3A_8, %mul3A_9 : i32
      %add3A_11 = arith.addi %mul3A_2, %mul3A_10 : i32
      "tpu.region"() ({
        %run_scoped3A = tpu.sem_alloc : memref<!tpu.dma_semaphore, #tpu.memory_space<semaphore_mem>>
        %dma_start3A_16 = tpu.memref_slice %arg3[%add3A_11] : memref<65536xi32, #tpu.memory_space<hbm>> -> memref<1024xi32, #tpu.memory_space<hbm>>
        %dma_start3A_17 = tpu.memref_slice %arg3[%add3A_11] : memref<65536xi32, #tpu.memory_space<hbm>> -> memref<1024xi32, #tpu.memory_space<hbm>>
        tpu.enqueue_dma source(%dma_start3A_17 : memref<1024xi32, #tpu.memory_space<hbm>>) target(%arg5 : memref<1024xi32, #tpu.memory_space<vmem>>) target_semaphore(%run_scoped3A : memref<!tpu.dma_semaphore, #tpu.memory_space<semaphore_mem>>)
        %dma_wait3A_18 = tpu.memref_slice %arg3[%add3A_11] : memref<65536xi32, #tpu.memory_space<hbm>> -> memref<1024xi32, #tpu.memory_space<hbm>>
        %dma_wait3A_19 = tpu.memref_slice %arg3[%add3A_11] : memref<65536xi32, #tpu.memory_space<hbm>> -> memref<1024xi32, #tpu.memory_space<hbm>>
        tpu.wait_dma2 semaphore(%run_scoped3A : memref<!tpu.dma_semaphore, #tpu.memory_space<semaphore_mem>>) src(%dma_wait3A_19 : memref<1024xi32, #tpu.memory_space<hbm>>) dst(%arg5 : memref<1024xi32, #tpu.memory_space<vmem>>)
        tpu.yield
      }) : () -> ()
      %dma_start3A = arith.constant 0 : i32
      %dma_start3A_12 = arith.constant 0 : i32
      %dma_start3A_13 = tpu.memref_slice %arg2[%dma_start3A, %dma_start3A_12] : memref<8192x64xf32, #tpu.memory_space<hbm>> -> memref<8192x64xf32, #tpu.memory_space<hbm>>
      tpu.enqueue_indirect_dma source(%dma_start3A_13 : memref<8192x64xf32, #tpu.memory_space<hbm>>) target(%arg6 : memref<1024x64xf32, #tpu.memory_space<vmem>>) offsets(%arg5 : memref<1024xi32, #tpu.memory_space<vmem>>) semaphore(%arg7 : memref<!tpu.dma_semaphore, #tpu.memory_space<semaphore_mem>>)
      %dma_wait3A = arith.constant 0 : i32
      %dma_wait3A_14 = arith.constant 0 : i32
      %dma_wait3A_15 = tpu.memref_slice %arg2[%dma_wait3A, %dma_wait3A_14] : memref<8192x64xf32, #tpu.memory_space<hbm>> -> memref<8192x64xf32, #tpu.memory_space<hbm>>
      tpu.wait_indirect_dma semaphore(%arg7 : memref<!tpu.dma_semaphore, #tpu.memory_space<semaphore_mem>>) src(%dma_wait3A_15 : memref<8192x64xf32, #tpu.memory_space<hbm>>) dst(%arg6 : memref<1024x64xf32, #tpu.memory_space<vmem>>)
      "tpu.region"() ({
        %run_scoped3A = tpu.sem_alloc : memref<!tpu.dma_semaphore, #tpu.memory_space<semaphore_mem>>
        %dma_start3A_16 = arith.constant 0 : i32
        %dma_start3A_17 = tpu.memref_slice %arg4[%add3A_11, %dma_start3A_16] : memref<65536x64xf32, #tpu.memory_space<hbm>> -> memref<1024x64xf32, #tpu.memory_space<hbm>>
        %dma_start3A_18 = arith.constant 0 : i32
        %dma_start3A_19 = tpu.memref_slice %arg4[%add3A_11, %dma_start3A_18] : memref<65536x64xf32, #tpu.memory_space<hbm>> -> memref<1024x64xf32, #tpu.memory_space<hbm>>
        tpu.enqueue_dma source(%arg6 : memref<1024x64xf32, #tpu.memory_space<vmem>>) target(%dma_start3A_19 : memref<1024x64xf32, #tpu.memory_space<hbm>>) target_semaphore(%run_scoped3A : memref<!tpu.dma_semaphore, #tpu.memory_space<semaphore_mem>>)
        %dma_wait3A_20 = arith.constant 0 : i32
        %dma_wait3A_21 = tpu.memref_slice %arg4[%add3A_11, %dma_wait3A_20] : memref<65536x64xf32, #tpu.memory_space<hbm>> -> memref<1024x64xf32, #tpu.memory_space<hbm>>
        %dma_wait3A_22 = arith.constant 0 : i32
        %dma_wait3A_23 = tpu.memref_slice %arg4[%add3A_11, %dma_wait3A_22] : memref<65536x64xf32, #tpu.memory_space<hbm>> -> memref<1024x64xf32, #tpu.memory_space<hbm>>
        tpu.wait_dma2 semaphore(%run_scoped3A : memref<!tpu.dma_semaphore, #tpu.memory_space<semaphore_mem>>) src(%arg6 : memref<1024x64xf32, #tpu.memory_space<vmem>>) dst(%dma_wait3A_23 : memref<1024x64xf32, #tpu.memory_space<hbm>>)
        tpu.yield
      }) : () -> ()
    }
    %scan3A_7 = arith.constant 2 : i32
    return
  }
}

#map = affine_map<(d0, d1) -> (0, 0)>
#map1 = affine_map<(d0, d1) -> (0)>
module attributes {stable_mosaic.version = 14 : i64} {
  func.func @k(%arg0: i32, %arg1: i32, %arg2: memref<8192x64xf32, #tpu.memory_space<hbm>>, %arg3: memref<65536xi32, #tpu.memory_space<hbm>>, %arg4: memref<65536x64xf32, #tpu.memory_space<hbm>>, %arg5: memref<1024xi32, #tpu.memory_space<vmem>>, %arg6: memref<1024x64xf32, #tpu.memory_space<vmem>>, %arg7: memref<!tpu.dma_semaphore, #tpu.memory_space<semaphore_mem>>) attributes {dimension_semantics = [#tpu.dimension_semantics<core_parallel>, #tpu.dimension_semantics<subcore_parallel>], iteration_bounds = array<i64: 2, 16>, scalar_prefetch = 0 : i64, scratch_operands = 3 : i64, tpu.core_type = #tpu.core_type<sc_vector_subcore>, window_params = [{transform_indices = #map}, {transform_indices = #map1}, {transform_indices = #map}]} {
    %mul3A = arith.constant 2 : i32
    %mul3A_0 = arith.muli %arg1, %mul3A : i32
    %add3A = arith.addi %mul3A_0, %arg0 : i32
    %mul3A_1 = arith.constant 2048 : i32
    %mul3A_2 = arith.muli %add3A, %mul3A_1 : i32
    %scan3A = arith.constant 0 : i32
    %scan3A_3 = arith.constant 0 : i32
    %scan3A_4 = arith.constant 2 : i32
    %scan3A_5 = arith.addi %scan3A_3, %scan3A_4 : i32
    %scan3A_6 = arith.constant 1 : i32
    scf.for %scan3A_8 = %scan3A_3 to %scan3A_5 step %scan3A_6  : i32 {
      %mul3A_9 = arith.constant 1024 : i32
      %mul3A_10 = arith.muli %scan3A_8, %mul3A_9 : i32
      %add3A_11 = arith.addi %mul3A_2, %mul3A_10 : i32
      "tpu.region"() ({
        %run_scoped3A = tpu.sem_alloc : memref<!tpu.dma_semaphore, #tpu.memory_space<semaphore_mem>>
        %dma_start3A_16 = tpu.memref_slice %arg3[%add3A_11] : memref<65536xi32, #tpu.memory_space<hbm>> -> memref<1024xi32, #tpu.memory_space<hbm>>
        %dma_start3A_17 = tpu.memref_slice %arg3[%add3A_11] : memref<65536xi32, #tpu.memory_space<hbm>> -> memref<1024xi32, #tpu.memory_space<hbm>>
        tpu.enqueue_dma source(%dma_start3A_17 : memref<1024xi32, #tpu.memory_space<hbm>>) target(%arg5 : memref<1024xi32, #tpu.memory_space<vmem>>) target_semaphore(%run_scoped3A : memref<!tpu.dma_semaphore, #tpu.memory_space<semaphore_mem>>)
        %dma_wait3A_18 = tpu.memref_slice %arg3[%add3A_11] : memref<65536xi32, #tpu.memory_space<hbm>> -> memref<1024xi32, #tpu.memory_space<hbm>>
        %dma_wait3A_19 = tpu.memref_slice %arg3[%add3A_11] : memref<65536xi32, #tpu.memory_space<hbm>> -> memref<1024xi32, #tpu.memory_space<hbm>>
        tpu.wait_dma2 semaphore(%run_scoped3A : memref<!tpu.dma_semaphore, #tpu.memory_space<semaphore_mem>>) src(%dma_wait3A_19 : memref<1024xi32, #tpu.memory_space<hbm>>) dst(%arg5 : memref<1024xi32, #tpu.memory_space<vmem>>)
        tpu.yield
      }) : () -> ()
      %dma_start3A = arith.constant 0 : i32
      %dma_start3A_12 = arith.constant 0 : i32
      %dma_start3A_13 = tpu.memref_slice %arg2[%dma_start3A, %dma_start3A_12] : memref<8192x64xf32, #tpu.memory_space<hbm>> -> memref<8192x64xf32, #tpu.memory_space<hbm>>
      tpu.enqueue_indirect_dma source(%dma_start3A_13 : memref<8192x64xf32, #tpu.memory_space<hbm>>) target(%arg6 : memref<1024x64xf32, #tpu.memory_space<vmem>>) offsets(%arg5 : memref<1024xi32, #tpu.memory_space<vmem>>) semaphore(%arg7 : memref<!tpu.dma_semaphore, #tpu.memory_space<semaphore_mem>>)
      %dma_wait3A = arith.constant 0 : i32
      %dma_wait3A_14 = arith.constant 0 : i32
      %dma_wait3A_15 = tpu.memref_slice %arg2[%dma_wait3A, %dma_wait3A_14] : memref<8192x64xf32, #tpu.memory_space<hbm>> -> memref<8192x64xf32, #tpu.memory_space<hbm>>
      tpu.wait_indirect_dma semaphore(%arg7 : memref<!tpu.dma_semaphore, #tpu.memory_space<semaphore_mem>>) src(%dma_wait3A_15 : memref<8192x64xf32, #tpu.memory_space<hbm>>) dst(%arg6 : memref<1024x64xf32, #tpu.memory_space<vmem>>)
      "tpu.region"() ({
        %run_scoped3A = tpu.sem_alloc : memref<!tpu.dma_semaphore, #tpu.memory_space<semaphore_mem>>
        %dma_start3A_16 = arith.constant 0 : i32
        %dma_start3A_17 = tpu.memref_slice %arg4[%add3A_11, %dma_start3A_16] : memref<65536x64xf32, #tpu.memory_space<hbm>> -> memref<1024x64xf32, #tpu.memory_space<hbm>>
        %dma_start3A_18 = arith.constant 0 : i32
        %dma_start3A_19 = tpu.memref_slice %arg4[%add3A_11, %dma_start3A_18] : memref<65536x64xf32, #tpu.memory_space<hbm>> -> memref<1024x64xf32, #tpu.memory_space<hbm>>
        tpu.enqueue_dma source(%arg6 : memref<1024x64xf32, #tpu.memory_space<vmem>>) target(%dma_start3A_19 : memref<1024x64xf32, #tpu.memory_space<hbm>>) target_semaphore(%run_scoped3A : memref<!tpu.dma_semaphore, #tpu.memory_space<semaphore_mem>>)
        %dma_wait3A_20 = arith.constant 0 : i32
        %dma_wait3A_21 = tpu.memref_slice %arg4[%add3A_11, %dma_wait3A_20] : memref<65536x64xf32, #tpu.memory_space<hbm>> -> memref<1024x64xf32, #tpu.memory_space<hbm>>
        %dma_wait3A_22 = arith.constant 0 : i32
        %dma_wait3A_23 = tpu.memref_slice %arg4[%add3A_11, %dma_wait3A_22] : memref<65536x64xf32, #tpu.memory_space<hbm>> -> memref<1024x64xf32, #tpu.memory_space<hbm>>
        tpu.wait_dma2 semaphore(%run_scoped3A : memref<!tpu.dma_semaphore, #tpu.memory_space<semaphore_mem>>) src(%arg6 : memref<1024x64xf32, #tpu.memory_space<vmem>>) dst(%dma_wait3A_23 : memref<1024x64xf32, #tpu.memory_space<hbm>>)
        tpu.yield
      }) : () -> ()
    }
    %scan3A_7 = arith.constant 2 : i32
    return
  }
}

#map = affine_map<(d0, d1) -> (0, 0)>
#map1 = affine_map<(d0, d1) -> (0)>
module attributes {stable_mosaic.version = 14 : i64} {
  func.func @k(%arg0: i32, %arg1: i32, %arg2: memref<8192x64xf32, #tpu.memory_space<hbm>>, %arg3: memref<65536xi32, #tpu.memory_space<hbm>>, %arg4: memref<65536x64xf32, #tpu.memory_space<hbm>>, %arg5: memref<1024xi32, #tpu.memory_space<vmem>>, %arg6: memref<1024x64xf32, #tpu.memory_space<vmem>>, %arg7: memref<!tpu.dma_semaphore, #tpu.memory_space<semaphore_mem>>) attributes {dimension_semantics = [#tpu.dimension_semantics<core_parallel>, #tpu.dimension_semantics<subcore_parallel>], iteration_bounds = array<i64: 2, 16>, scalar_prefetch = 0 : i64, scratch_operands = 3 : i64, tpu.core_type = #tpu.core_type<sc_vector_subcore>, window_params = [{transform_indices = #map}, {transform_indices = #map1}, {transform_indices = #map}]} {
    %mul3A = arith.constant 2 : i32
    %mul3A_0 = arith.muli %arg1, %mul3A : i32
    %add3A = arith.addi %mul3A_0, %arg0 : i32
    %mul3A_1 = arith.constant 2048 : i32
    %mul3A_2 = arith.muli %add3A, %mul3A_1 : i32
    %scan3A = arith.constant 0 : i32
    %scan3A_3 = arith.constant 0 : i32
    %scan3A_4 = arith.constant 2 : i32
    %scan3A_5 = arith.addi %scan3A_3, %scan3A_4 : i32
    %scan3A_6 = arith.constant 1 : i32
    scf.for %scan3A_8 = %scan3A_3 to %scan3A_5 step %scan3A_6  : i32 {
      %mul3A_9 = arith.constant 1024 : i32
      %mul3A_10 = arith.muli %scan3A_8, %mul3A_9 : i32
      %add3A_11 = arith.addi %mul3A_2, %mul3A_10 : i32
      "tpu.region"() ({
        %run_scoped3A = tpu.sem_alloc : memref<!tpu.dma_semaphore, #tpu.memory_space<semaphore_mem>>
        %dma_start3A_16 = tpu.memref_slice %arg3[%add3A_11] : memref<65536xi32, #tpu.memory_space<hbm>> -> memref<1024xi32, #tpu.memory_space<hbm>>
        %dma_start3A_17 = tpu.memref_slice %arg3[%add3A_11] : memref<65536xi32, #tpu.memory_space<hbm>> -> memref<1024xi32, #tpu.memory_space<hbm>>
        tpu.enqueue_dma source(%dma_start3A_17 : memref<1024xi32, #tpu.memory_space<hbm>>) target(%arg5 : memref<1024xi32, #tpu.memory_space<vmem>>) target_semaphore(%run_scoped3A : memref<!tpu.dma_semaphore, #tpu.memory_space<semaphore_mem>>)
        %dma_wait3A_18 = tpu.memref_slice %arg3[%add3A_11] : memref<65536xi32, #tpu.memory_space<hbm>> -> memref<1024xi32, #tpu.memory_space<hbm>>
        %dma_wait3A_19 = tpu.memref_slice %arg3[%add3A_11] : memref<65536xi32, #tpu.memory_space<hbm>> -> memref<1024xi32, #tpu.memory_space<hbm>>
        tpu.wait_dma2 semaphore(%run_scoped3A : memref<!tpu.dma_semaphore, #tpu.memory_space<semaphore_mem>>) src(%dma_wait3A_19 : memref<1024xi32, #tpu.memory_space<hbm>>) dst(%arg5 : memref<1024xi32, #tpu.memory_space<vmem>>)
        tpu.yield
      }) : () -> ()
      %dma_start3A = arith.constant 0 : i32
      %dma_start3A_12 = arith.constant 0 : i32
      %dma_start3A_13 = tpu.memref_slice %arg2[%dma_start3A, %dma_start3A_12] : memref<8192x64xf32, #tpu.memory_space<hbm>> -> memref<8192x64xf32, #tpu.memory_space<hbm>>
      tpu.enqueue_indirect_dma source(%dma_start3A_13 : memref<8192x64xf32, #tpu.memory_space<hbm>>) target(%arg6 : memref<1024x64xf32, #tpu.memory_space<vmem>>) offsets(%arg5 : memref<1024xi32, #tpu.memory_space<vmem>>) semaphore(%arg7 : memref<!tpu.dma_semaphore, #tpu.memory_space<semaphore_mem>>)
      %dma_wait3A = arith.constant 0 : i32
      %dma_wait3A_14 = arith.constant 0 : i32
      %dma_wait3A_15 = tpu.memref_slice %arg2[%dma_wait3A, %dma_wait3A_14] : memref<8192x64xf32, #tpu.memory_space<hbm>> -> memref<8192x64xf32, #tpu.memory_space<hbm>>
      tpu.wait_indirect_dma semaphore(%arg7 : memref<!tpu.dma_semaphore, #tpu.memory_space<semaphore_mem>>) src(%dma_wait3A_15 : memref<8192x64xf32, #tpu.memory_space<hbm>>) dst(%arg6 : memref<1024x64xf32, #tpu.memory_space<vmem>>)
      "tpu.region"() ({
        %run_scoped3A = tpu.sem_alloc : memref<!tpu.dma_semaphore, #tpu.memory_space<semaphore_mem>>
        %dma_start3A_16 = arith.constant 0 : i32
        %dma_start3A_17 = tpu.memref_slice %arg4[%add3A_11, %dma_start3A_16] : memref<65536x64xf32, #tpu.memory_space<hbm>> -> memref<1024x64xf32, #tpu.memory_space<hbm>>
        %dma_start3A_18 = arith.constant 0 : i32
        %dma_start3A_19 = tpu.memref_slice %arg4[%add3A_11, %dma_start3A_18] : memref<65536x64xf32, #tpu.memory_space<hbm>> -> memref<1024x64xf32, #tpu.memory_space<hbm>>
        tpu.enqueue_dma source(%arg6 : memref<1024x64xf32, #tpu.memory_space<vmem>>) target(%dma_start3A_19 : memref<1024x64xf32, #tpu.memory_space<hbm>>) target_semaphore(%run_scoped3A : memref<!tpu.dma_semaphore, #tpu.memory_space<semaphore_mem>>)
        %dma_wait3A_20 = arith.constant 0 : i32
        %dma_wait3A_21 = tpu.memref_slice %arg4[%add3A_11, %dma_wait3A_20] : memref<65536x64xf32, #tpu.memory_space<hbm>> -> memref<1024x64xf32, #tpu.memory_space<hbm>>
        %dma_wait3A_22 = arith.constant 0 : i32
        %dma_wait3A_23 = tpu.memref_slice %arg4[%add3A_11, %dma_wait3A_22] : memref<65536x64xf32, #tpu.memory_space<hbm>> -> memref<1024x64xf32, #tpu.memory_space<hbm>>
        tpu.wait_dma2 semaphore(%run_scoped3A : memref<!tpu.dma_semaphore, #tpu.memory_space<semaphore_mem>>) src(%arg6 : memref<1024x64xf32, #tpu.memory_space<vmem>>) dst(%dma_wait3A_23 : memref<1024x64xf32, #tpu.memory_space<hbm>>)
        tpu.yield
      }) : () -> ()
    }
    %scan3A_7 = arith.constant 2 : i32
    return
  }
}

module attributes {stable_mosaic.version = 14 : i64} {
  func.func @_dist_seg_body(%arg0: i32, %arg1: i32, %arg2: memref<1x3x256xf32, #tpu.memory_space<vmem>>, %arg3: memref<1x3x8192xf32, #tpu.memory_space<vmem>>, %arg4: memref<1x256x8192xf32, #tpu.memory_space<vmem>>, %arg5: memref<1x32x256xi32, #tpu.memory_space<vmem>>, %arg6: memref<256x256xf32, #tpu.memory_space<vmem>>) attributes {dimension_semantics = [#tpu.dimension_semantics<arbitrary>, #tpu.dimension_semantics<arbitrary>], iteration_bounds = array<i64: 1, 8>, scalar_prefetch = 0 : i64, scratch_operands = 1 : i64, tpu.core_type = #tpu.core_type<tc>, window_params = [{transform_indices = @transform_0, window_bounds = array<i64: 1, 3, 256>}, {transform_indices = @transform_1, window_bounds = array<i64: 1, 3, 8192>}, {transform_indices = @transform_2, window_bounds = array<i64: 1, 256, 8192>}, {transform_indices = @transform_3, window_bounds = array<i64: 1, 32, 256>}]} {
    %get3A = arith.constant 0 : index
    %get3A_0 = arith.constant 0 : index
    %get3A_1 = arith.constant 0 : index
    %get3A_2 = vector.load %arg3[%get3A, %get3A_0, %get3A_1] : memref<1x3x8192xf32, #tpu.memory_space<vmem>>, vector<1x3x8192xf32>
    %get3A_3 = vector.shape_cast %get3A_2 : vector<1x3x8192xf32> to vector<3x8192xf32>
    %get3A_4 = arith.constant 0 : index
    %get3A_5 = arith.constant 0 : index
    %get3A_6 = arith.constant 0 : index
    %get3A_7 = vector.load %arg2[%get3A_4, %get3A_5, %get3A_6] : memref<1x3x256xf32, #tpu.memory_space<vmem>>, vector<1x3x256xf32>
    %get3A_8 = vector.shape_cast %get3A_7 : vector<1x3x256xf32> to vector<3x256xf32>
    %slice3A = vector.extract_strided_slice %get3A_3 {offsets = [0, 0], sizes = [1, 8192], strides = [1, 1]} : vector<3x8192xf32> to vector<1x8192xf32>
    %squeeze3A = vector.shape_cast %slice3A : vector<1x8192xf32> to vector<8192xf32>
    %slice3A_9 = vector.extract_strided_slice %get3A_3 {offsets = [0, 0], sizes = [1, 8192], strides = [1, 1]} : vector<3x8192xf32> to vector<1x8192xf32>
    %squeeze3A_10 = vector.shape_cast %slice3A_9 : vector<1x8192xf32> to vector<8192xf32>
    %mul3A = arith.mulf %squeeze3A, %squeeze3A_10 : vector<8192xf32>
    %slice3A_11 = vector.extract_strided_slice %get3A_3 {offsets = [1, 0], sizes = [1, 8192], strides = [1, 1]} : vector<3x8192xf32> to vector<1x8192xf32>
    %squeeze3A_12 = vector.shape_cast %slice3A_11 : vector<1x8192xf32> to vector<8192xf32>
    %slice3A_13 = vector.extract_strided_slice %get3A_3 {offsets = [1, 0], sizes = [1, 8192], strides = [1, 1]} : vector<3x8192xf32> to vector<1x8192xf32>
    %squeeze3A_14 = vector.shape_cast %slice3A_13 : vector<1x8192xf32> to vector<8192xf32>
    %mul3A_15 = arith.mulf %squeeze3A_12, %squeeze3A_14 : vector<8192xf32>
    %add3A = arith.addf %mul3A, %mul3A_15 : vector<8192xf32>
    %slice3A_16 = vector.extract_strided_slice %get3A_3 {offsets = [2, 0], sizes = [1, 8192], strides = [1, 1]} : vector<3x8192xf32> to vector<1x8192xf32>
    %squeeze3A_17 = vector.shape_cast %slice3A_16 : vector<1x8192xf32> to vector<8192xf32>
    %slice3A_18 = vector.extract_strided_slice %get3A_3 {offsets = [2, 0], sizes = [1, 8192], strides = [1, 1]} : vector<3x8192xf32> to vector<1x8192xf32>
    %squeeze3A_19 = vector.shape_cast %slice3A_18 : vector<1x8192xf32> to vector<8192xf32>
    %mul3A_20 = arith.mulf %squeeze3A_17, %squeeze3A_19 : vector<8192xf32>
    %add3A_21 = arith.addf %add3A, %mul3A_20 : vector<8192xf32>
    %slice3A_22 = vector.extract_strided_slice %get3A_8 {offsets = [0, 0], sizes = [1, 256], strides = [1, 1]} : vector<3x256xf32> to vector<1x256xf32>
    %squeeze3A_23 = vector.shape_cast %slice3A_22 : vector<1x256xf32> to vector<256xf32>
    %slice3A_24 = vector.extract_strided_slice %get3A_8 {offsets = [0, 0], sizes = [1, 256], strides = [1, 1]} : vector<3x256xf32> to vector<1x256xf32>
    %squeeze3A_25 = vector.shape_cast %slice3A_24 : vector<1x256xf32> to vector<256xf32>
    %mul3A_26 = arith.mulf %squeeze3A_23, %squeeze3A_25 : vector<256xf32>
    %slice3A_27 = vector.extract_strided_slice %get3A_8 {offsets = [1, 0], sizes = [1, 256], strides = [1, 1]} : vector<3x256xf32> to vector<1x256xf32>
    %squeeze3A_28 = vector.shape_cast %slice3A_27 : vector<1x256xf32> to vector<256xf32>
    %slice3A_29 = vector.extract_strided_slice %get3A_8 {offsets = [1, 0], sizes = [1, 256], strides = [1, 1]} : vector<3x256xf32> to vector<1x256xf32>
    %squeeze3A_30 = vector.shape_cast %slice3A_29 : vector<1x256xf32> to vector<256xf32>
    %mul3A_31 = arith.mulf %squeeze3A_28, %squeeze3A_30 : vector<256xf32>
    %add3A_32 = arith.addf %mul3A_26, %mul3A_31 : vector<256xf32>
    %slice3A_33 = vector.extract_strided_slice %get3A_8 {offsets = [2, 0], sizes = [1, 256], strides = [1, 1]} : vector<3x256xf32> to vector<1x256xf32>
    %squeeze3A_34 = vector.shape_cast %slice3A_33 : vector<1x256xf32> to vector<256xf32>
    %slice3A_35 = vector.extract_strided_slice %get3A_8 {offsets = [2, 0], sizes = [1, 256], strides = [1, 1]} : vector<3x256xf32> to vector<1x256xf32>
    %squeeze3A_36 = vector.shape_cast %slice3A_35 : vector<1x256xf32> to vector<256xf32>
    %mul3A_37 = arith.mulf %squeeze3A_34, %squeeze3A_36 : vector<256xf32>
    %add3A_38 = arith.addf %add3A_32, %mul3A_37 : vector<256xf32>
    %convert_element_type3A = arith.truncf %get3A_3 : vector<3x8192xf32> to vector<3x8192xbf16>
    %convert_element_type3A_39 = arith.extf %convert_element_type3A : vector<3x8192xbf16> to vector<3x8192xf32>
    %convert_element_type3A_40 = arith.truncf %get3A_8 : vector<3x256xf32> to vector<3x256xbf16>
    %convert_element_type3A_41 = arith.extf %convert_element_type3A_40 : vector<3x256xbf16> to vector<3x256xf32>
    %slice3A_42 = vector.extract_strided_slice %convert_element_type3A_41 {offsets = [0, 0], sizes = [1, 256], strides = [1, 1]} : vector<3x256xf32> to vector<1x256xf32>
    %squeeze3A_43 = vector.shape_cast %slice3A_42 : vector<1x256xf32> to vector<256xf32>
    %broadcast_in_dim3A = vector.shape_cast %squeeze3A_43 : vector<256xf32> to vector<256x1xf32>
    %slice3A_44 = vector.extract_strided_slice %convert_element_type3A_39 {offsets = [0, 0], sizes = [1, 8192], strides = [1, 1]} : vector<3x8192xf32> to vector<1x8192xf32>
    %squeeze3A_45 = vector.shape_cast %slice3A_44 : vector<1x8192xf32> to vector<8192xf32>
    %slice3A_46 = vector.extract_strided_slice %squeeze3A_45 {offsets = [0], sizes = [2048], strides = [1]} : vector<8192xf32> to vector<2048xf32>
    %broadcast_in_dim3A_47 = vector.shape_cast %slice3A_46 : vector<2048xf32> to vector<1x2048xf32>
    %mul3A_48 = vector.broadcast %broadcast_in_dim3A : vector<256x1xf32> to vector<256x2048xf32>
    %mul3A_49 = vector.broadcast %broadcast_in_dim3A_47 : vector<1x2048xf32> to vector<256x2048xf32>
    %mul3A_50 = arith.mulf %mul3A_48, %mul3A_49 : vector<256x2048xf32>
    %slice3A_51 = vector.extract_strided_slice %convert_element_type3A_41 {offsets = [1, 0], sizes = [1, 256], strides = [1, 1]} : vector<3x256xf32> to vector<1x256xf32>
    %squeeze3A_52 = vector.shape_cast %slice3A_51 : vector<1x256xf32> to vector<256xf32>
    %broadcast_in_dim3A_53 = vector.shape_cast %squeeze3A_52 : vector<256xf32> to vector<256x1xf32>
    %slice3A_54 = vector.extract_strided_slice %convert_element_type3A_39 {offsets = [1, 0], sizes = [1, 8192], strides = [1, 1]} : vector<3x8192xf32> to vector<1x8192xf32>
    %squeeze3A_55 = vector.shape_cast %slice3A_54 : vector<1x8192xf32> to vector<8192xf32>
    %slice3A_56 = vector.extract_strided_slice %squeeze3A_55 {offsets = [0], sizes = [2048], strides = [1]} : vector<8192xf32> to vector<2048xf32>
    %broadcast_in_dim3A_57 = vector.shape_cast %slice3A_56 : vector<2048xf32> to vector<1x2048xf32>
    %mul3A_58 = vector.broadcast %broadcast_in_dim3A_53 : vector<256x1xf32> to vector<256x2048xf32>
    %mul3A_59 = vector.broadcast %broadcast_in_dim3A_57 : vector<1x2048xf32> to vector<256x2048xf32>
    %mul3A_60 = arith.mulf %mul3A_58, %mul3A_59 : vector<256x2048xf32>
    %add3A_61 = arith.addf %mul3A_50, %mul3A_60 : vector<256x2048xf32>
    %slice3A_62 = vector.extract_strided_slice %convert_element_type3A_41 {offsets = [2, 0], sizes = [1, 256], strides = [1, 1]} : vector<3x256xf32> to vector<1x256xf32>
    %squeeze3A_63 = vector.shape_cast %slice3A_62 : vector<1x256xf32> to vector<256xf32>
    %broadcast_in_dim3A_64 = vector.shape_cast %squeeze3A_63 : vector<256xf32> to vector<256x1xf32>
    %slice3A_65 = vector.extract_strided_slice %convert_element_type3A_39 {offsets = [2, 0], sizes = [1, 8192], strides = [1, 1]} : vector<3x8192xf32> to vector<1x8192xf32>
    %squeeze3A_66 = vector.shape_cast %slice3A_65 : vector<1x8192xf32> to vector<8192xf32>
    %slice3A_67 = vector.extract_strided_slice %squeeze3A_66 {offsets = [0], sizes = [2048], strides = [1]} : vector<8192xf32> to vector<2048xf32>
    %broadcast_in_dim3A_68 = vector.shape_cast %slice3A_67 : vector<2048xf32> to vector<1x2048xf32>
    %mul3A_69 = vector.broadcast %broadcast_in_dim3A_64 : vector<256x1xf32> to vector<256x2048xf32>
    %mul3A_70 = vector.broadcast %broadcast_in_dim3A_68 : vector<1x2048xf32> to vector<256x2048xf32>
    %mul3A_71 = arith.mulf %mul3A_69, %mul3A_70 : vector<256x2048xf32>
    %add3A_72 = arith.addf %add3A_61, %mul3A_71 : vector<256x2048xf32>
    %mul3A_73 = arith.constant -2.000000e+00 : f32
    %mul3A_74 = vector.broadcast %mul3A_73 : f32 to vector<256x2048xf32>
    %mul3A_75 = arith.mulf %mul3A_74, %add3A_72 : vector<256x2048xf32>
    %broadcast_in_dim3A_76 = vector.shape_cast %add3A_38 : vector<256xf32> to vector<256x1xf32>
    %add3A_77 = vector.broadcast %broadcast_in_dim3A_76 : vector<256x1xf32> to vector<256x2048xf32>
    %add3A_78 = arith.addf %mul3A_75, %add3A_77 : vector<256x2048xf32>
    %slice3A_79 = vector.extract_strided_slice %add3A_21 {offsets = [0], sizes = [2048], strides = [1]} : vector<8192xf32> to vector<2048xf32>
    %broadcast_in_dim3A_80 = vector.shape_cast %slice3A_79 : vector<2048xf32> to vector<1x2048xf32>
    %add3A_81 = vector.broadcast %broadcast_in_dim3A_80 : vector<1x2048xf32> to vector<256x2048xf32>
    %add3A_82 = arith.addf %add3A_78, %add3A_81 : vector<256x2048xf32>
    %swap3A = arith.constant 0 : index
    %swap3A_83 = arith.constant 0 : index
    %swap3A_84 = arith.constant 0 : index
    %swap3A_85 = vector.load %arg4[%swap3A, %swap3A_83, %swap3A_84] : memref<1x256x8192xf32, #tpu.memory_space<vmem>>, vector<1x256x2048xf32>
    %swap3A_86 = vector.shape_cast %swap3A_85 : vector<1x256x2048xf32> to vector<256x2048xf32>
    %swap3A_87 = vector.shape_cast %add3A_82 : vector<256x2048xf32> to vector<1x256x2048xf32>
    tpu.vector_store %arg4[%swap3A, %swap3A_83, %swap3A_84], %swap3A_87 {strides = array<i32>} : memref<1x256x8192xf32, #tpu.memory_space<vmem>>, vector<1x256x2048xf32>,
    %transpose3A = tpu.transpose %add3A_82, [1, 0] : vector<256x2048xf32> -> vector<2048x256xf32>
    %reshape3A = vector.shape_cast %transpose3A : vector<2048x256xf32> to vector<64x32x256xf32>
    %reduce_min3A = arith.constant dense<0x7F800000> : vector<64x256xf32>
    %reduce_min3A_88 = vector.multi_reduction <minimumf>, %reshape3A, %reduce_min3A [1] : vector<64x32x256xf32> to vector<64x256xf32>
    %swap3A_89 = arith.constant 0 : index
    %swap3A_90 = arith.constant 0 : index
    %swap3A_91 = vector.load %arg6[%swap3A_89, %swap3A_90] : memref<256x256xf32, #tpu.memory_space<vmem>>, vector<64x256xf32>
    tpu.vector_store %arg6[%swap3A_89, %swap3A_90], %reduce_min3A_88 {strides = array<i32>} : memref<256x256xf32, #tpu.memory_space<vmem>>, vector<64x256xf32>,
    %slice3A_92 = vector.extract_strided_slice %convert_element_type3A_41 {offsets = [0, 0], sizes = [1, 256], strides = [1, 1]} : vector<3x256xf32> to vector<1x256xf32>
    %squeeze3A_93 = vector.shape_cast %slice3A_92 : vector<1x256xf32> to vector<256xf32>
    %broadcast_in_dim3A_94 = vector.shape_cast %squeeze3A_93 : vector<256xf32> to vector<256x1xf32>
    %slice3A_95 = vector.extract_strided_slice %convert_element_type3A_39 {offsets = [0, 0], sizes = [1, 8192], strides = [1, 1]} : vector<3x8192xf32> to vector<1x8192xf32>
    %squeeze3A_96 = vector.shape_cast %slice3A_95 : vector<1x8192xf32> to vector<8192xf32>
    %slice3A_97 = vector.extract_strided_slice %squeeze3A_96 {offsets = [2048], sizes = [2048], strides = [1]} : vector<8192xf32> to vector<2048xf32>
    %broadcast_in_dim3A_98 = vector.shape_cast %slice3A_97 : vector<2048xf32> to vector<1x2048xf32>
    %mul3A_99 = vector.broadcast %broadcast_in_dim3A_94 : vector<256x1xf32> to vector<256x2048xf32>
    %mul3A_100 = vector.broadcast %broadcast_in_dim3A_98 : vector<1x2048xf32> to vector<256x2048xf32>
    %mul3A_101 = arith.mulf %mul3A_99, %mul3A_100 : vector<256x2048xf32>
    %slice3A_102 = vector.extract_strided_slice %convert_element_type3A_41 {offsets = [1, 0], sizes = [1, 256], strides = [1, 1]} : vector<3x256xf32> to vector<1x256xf32>
    %squeeze3A_103 = vector.shape_cast %slice3A_102 : vector<1x256xf32> to vector<256xf32>
    %broadcast_in_dim3A_104 = vector.shape_cast %squeeze3A_103 : vector<256xf32> to vector<256x1xf32>
    %slice3A_105 = vector.extract_strided_slice %convert_element_type3A_39 {offsets = [1, 0], sizes = [1, 8192], strides = [1, 1]} : vector<3x8192xf32> to vector<1x8192xf32>
    %squeeze3A_106 = vector.shape_cast %slice3A_105 : vector<1x8192xf32> to vector<8192xf32>
    %slice3A_107 = vector.extract_strided_slice %squeeze3A_106 {offsets = [2048], sizes = [2048], strides = [1]} : vector<8192xf32> to vector<2048xf32>
    %broadcast_in_dim3A_108 = vector.shape_cast %slice3A_107 : vector<2048xf32> to vector<1x2048xf32>
    %mul3A_109 = vector.broadcast %broadcast_in_dim3A_104 : vector<256x1xf32> to vector<256x2048xf32>
    %mul3A_110 = vector.broadcast %broadcast_in_dim3A_108 : vector<1x2048xf32> to vector<256x2048xf32>
    %mul3A_111 = arith.mulf %mul3A_109, %mul3A_110 : vector<256x2048xf32>
    %add3A_112 = arith.addf %mul3A_101, %mul3A_111 : vector<256x2048xf32>
    %slice3A_113 = vector.extract_strided_slice %convert_element_type3A_41 {offsets = [2, 0], sizes = [1, 256], strides = [1, 1]} : vector<3x256xf32> to vector<1x256xf32>
    %squeeze3A_114 = vector.shape_cast %slice3A_113 : vector<1x256xf32> to vector<256xf32>
    %broadcast_in_dim3A_115 = vector.shape_cast %squeeze3A_114 : vector<256xf32> to vector<256x1xf32>
    %slice3A_116 = vector.extract_strided_slice %convert_element_type3A_39 {offsets = [2, 0], sizes = [1, 8192], strides = [1, 1]} : vector<3x8192xf32> to vector<1x8192xf32>
    %squeeze3A_117 = vector.shape_cast %slice3A_116 : vector<1x8192xf32> to vector<8192xf32>
    %slice3A_118 = vector.extract_strided_slice %squeeze3A_117 {offsets = [2048], sizes = [2048], strides = [1]} : vector<8192xf32> to vector<2048xf32>
    %broadcast_in_dim3A_119 = vector.shape_cast %slice3A_118 : vector<2048xf32> to vector<1x2048xf32>
    %mul3A_120 = vector.broadcast %broadcast_in_dim3A_115 : vector<256x1xf32> to vector<256x2048xf32>
    %mul3A_121 = vector.broadcast %broadcast_in_dim3A_119 : vector<1x2048xf32> to vector<256x2048xf32>
    %mul3A_122 = arith.mulf %mul3A_120, %mul3A_121 : vector<256x2048xf32>
    %add3A_123 = arith.addf %add3A_112, %mul3A_122 : vector<256x2048xf32>
    %mul3A_124 = arith.constant -2.000000e+00 : f32
    %mul3A_125 = vector.broadcast %mul3A_124 : f32 to vector<256x2048xf32>
    %mul3A_126 = arith.mulf %mul3A_125, %add3A_123 : vector<256x2048xf32>
    %broadcast_in_dim3A_127 = vector.shape_cast %add3A_38 : vector<256xf32> to vector<256x1xf32>
    %add3A_128 = vector.broadcast %broadcast_in_dim3A_127 : vector<256x1xf32> to vector<256x2048xf32>
    %add3A_129 = arith.addf %mul3A_126, %add3A_128 : vector<256x2048xf32>
    %slice3A_130 = vector.extract_strided_slice %add3A_21 {offsets = [2048], sizes = [2048], strides = [1]} : vector<8192xf32> to vector<2048xf32>
    %broadcast_in_dim3A_131 = vector.shape_cast %slice3A_130 : vector<2048xf32> to vector<1x2048xf32>
    %add3A_132 = vector.broadcast %broadcast_in_dim3A_131 : vector<1x2048xf32> to vector<256x2048xf32>
    %add3A_133 = arith.addf %add3A_129, %add3A_132 : vector<256x2048xf32>
    %swap3A_134 = arith.constant 0 : index
    %swap3A_135 = arith.constant 0 : index
    %swap3A_136 = arith.constant 2048 : index
    %swap3A_137 = vector.load %arg4[%swap3A_134, %swap3A_135, %swap3A_136] : memref<1x256x8192xf32, #tpu.memory_space<vmem>>, vector<1x256x2048xf32>
    %swap3A_138 = vector.shape_cast %swap3A_137 : vector<1x256x2048xf32> to vector<256x2048xf32>
    %swap3A_139 = vector.shape_cast %add3A_133 : vector<256x2048xf32> to vector<1x256x2048xf32>
    tpu.vector_store %arg4[%swap3A_134, %swap3A_135, %swap3A_136], %swap3A_139 {strides = array<i32>} : memref<1x256x8192xf32, #tpu.memory_space<vmem>>, vector<1x256x2048xf32>,
    %transpose3A_140 = tpu.transpose %add3A_133, [1, 0] : vector<256x2048xf32> -> vector<2048x256xf32>
    %reshape3A_141 = vector.shape_cast %transpose3A_140 : vector<2048x256xf32> to vector<64x32x256xf32>
    %reduce_min3A_142 = arith.constant dense<0x7F800000> : vector<64x256xf32>
    %reduce_min3A_143 = vector.multi_reduction <minimumf>, %reshape3A_141, %reduce_min3A_142 [1] : vector<64x32x256xf32> to vector<64x256xf32>
    %swap3A_144 = arith.constant 64 : index
    %swap3A_145 = arith.constant 0 : index
    %swap3A_146 = vector.load %arg6[%swap3A_144, %swap3A_145] : memref<256x256xf32, #tpu.memory_space<vmem>>, vector<64x256xf32>
    tpu.vector_store %arg6[%swap3A_144, %swap3A_145], %reduce_min3A_143 {strides = array<i32>} : memref<256x256xf32, #tpu.memory_space<vmem>>, vector<64x256xf32>,
    %slice3A_147 = vector.extract_strided_slice %convert_element_type3A_41 {offsets = [0, 0], sizes = [1, 256], strides = [1, 1]} : vector<3x256xf32> to vector<1x256xf32>
    %squeeze3A_148 = vector.shape_cast %slice3A_147 : vector<1x256xf32> to vector<256xf32>
    %broadcast_in_dim3A_149 = vector.shape_cast %squeeze3A_148 : vector<256xf32> to vector<256x1xf32>
    %slice3A_150 = vector.extract_strided_slice %convert_element_type3A_39 {offsets = [0, 0], sizes = [1, 8192], strides = [1, 1]} : vector<3x8192xf32> to vector<1x8192xf32>
    %squeeze3A_151 = vector.shape_cast %slice3A_150 : vector<1x8192xf32> to vector<8192xf32>
    %slice3A_152 = vector.extract_strided_slice %squeeze3A_151 {offsets = [4096], sizes = [2048], strides = [1]} : vector<8192xf32> to vector<2048xf32>
    %broadcast_in_dim3A_153 = vector.shape_cast %slice3A_152 : vector<2048xf32> to vector<1x2048xf32>
    %mul3A_154 = vector.broadcast %broadcast_in_dim3A_149 : vector<256x1xf32> to vector<256x2048xf32>
    %mul3A_155 = vector.broadcast %broadcast_in_dim3A_153 : vector<1x2048xf32> to vector<256x2048xf32>
    %mul3A_156 = arith.mulf %mul3A_154, %mul3A_155 : vector<256x2048xf32>
    %slice3A_157 = vector.extract_strided_slice %convert_element_type3A_41 {offsets = [1, 0], sizes = [1, 256], strides = [1, 1]} : vector<3x256xf32> to vector<1x256xf32>
    %squeeze3A_158 = vector.shape_cast %slice3A_157 : vector<1x256xf32> to vector<256xf32>
    %broadcast_in_dim3A_159 = vector.shape_cast %squeeze3A_158 : vector<256xf32> to vector<256x1xf32>
    %slice3A_160 = vector.extract_strided_slice %convert_element_type3A_39 {offsets = [1, 0], sizes = [1, 8192], strides = [1, 1]} : vector<3x8192xf32> to vector<1x8192xf32>
    %squeeze3A_161 = vector.shape_cast %slice3A_160 : vector<1x8192xf32> to vector<8192xf32>
    %slice3A_162 = vector.extract_strided_slice %squeeze3A_161 {offsets = [4096], sizes = [2048], strides = [1]} : vector<8192xf32> to vector<2048xf32>
    %broadcast_in_dim3A_163 = vector.shape_cast %slice3A_162 : vector<2048xf32> to vector<1x2048xf32>
    %mul3A_164 = vector.broadcast %broadcast_in_dim3A_159 : vector<256x1xf32> to vector<256x2048xf32>
    %mul3A_165 = vector.broadcast %broadcast_in_dim3A_163 : vector<1x2048xf32> to vector<256x2048xf32>
    %mul3A_166 = arith.mulf %mul3A_164, %mul3A_165 : vector<256x2048xf32>
    %add3A_167 = arith.addf %mul3A_156, %mul3A_166 : vector<256x2048xf32>
    %slice3A_168 = vector.extract_strided_slice %convert_element_type3A_41 {offsets = [2, 0], sizes = [1, 256], strides = [1, 1]} : vector<3x256xf32> to vector<1x256xf32>
    %squeeze3A_169 = vector.shape_cast %slice3A_168 : vector<1x256xf32> to vector<256xf32>
    %broadcast_in_dim3A_170 = vector.shape_cast %squeeze3A_169 : vector<256xf32> to vector<256x1xf32>
    %slice3A_171 = vector.extract_strided_slice %convert_element_type3A_39 {offsets = [2, 0], sizes = [1, 8192], strides = [1, 1]} : vector<3x8192xf32> to vector<1x8192xf32>
    %squeeze3A_172 = vector.shape_cast %slice3A_171 : vector<1x8192xf32> to vector<8192xf32>
    %slice3A_173 = vector.extract_strided_slice %squeeze3A_172 {offsets = [4096], sizes = [2048], strides = [1]} : vector<8192xf32> to vector<2048xf32>
    %broadcast_in_dim3A_174 = vector.shape_cast %slice3A_173 : vector<2048xf32> to vector<1x2048xf32>
    %mul3A_175 = vector.broadcast %broadcast_in_dim3A_170 : vector<256x1xf32> to vector<256x2048xf32>
    %mul3A_176 = vector.broadcast %broadcast_in_dim3A_174 : vector<1x2048xf32> to vector<256x2048xf32>
    %mul3A_177 = arith.mulf %mul3A_175, %mul3A_176 : vector<256x2048xf32>
    %add3A_178 = arith.addf %add3A_167, %mul3A_177 : vector<256x2048xf32>
    %mul3A_179 = arith.constant -2.000000e+00 : f32
    %mul3A_180 = vector.broadcast %mul3A_179 : f32 to vector<256x2048xf32>
    %mul3A_181 = arith.mulf %mul3A_180, %add3A_178 : vector<256x2048xf32>
    %broadcast_in_dim3A_182 = vector.shape_cast %add3A_38 : vector<256xf32> to vector<256x1xf32>
    %add3A_183 = vector.broadcast %broadcast_in_dim3A_182 : vector<256x1xf32> to vector<256x2048xf32>
    %add3A_184 = arith.addf %mul3A_181, %add3A_183 : vector<256x2048xf32>
    %slice3A_185 = vector.extract_strided_slice %add3A_21 {offsets = [4096], sizes = [2048], strides = [1]} : vector<8192xf32> to vector<2048xf32>
    %broadcast_in_dim3A_186 = vector.shape_cast %slice3A_185 : vector<2048xf32> to vector<1x2048xf32>
    %add3A_187 = vector.broadcast %broadcast_in_dim3A_186 : vector<1x2048xf32> to vector<256x2048xf32>
    %add3A_188 = arith.addf %add3A_184, %add3A_187 : vector<256x2048xf32>
    %swap3A_189 = arith.constant 0 : index
    %swap3A_190 = arith.constant 0 : index
    %swap3A_191 = arith.constant 4096 : index
    %swap3A_192 = vector.load %arg4[%swap3A_189, %swap3A_190, %swap3A_191] : memref<1x256x8192xf32, #tpu.memory_space<vmem>>, vector<1x256x2048xf32>
    %swap3A_193 = vector.shape_cast %swap3A_192 : vector<1x256x2048xf32> to vector<256x2048xf32>
    %swap3A_194 = vector.shape_cast %add3A_188 : vector<256x2048xf32> to vector<1x256x2048xf32>
    tpu.vector_store %arg4[%swap3A_189, %swap3A_190, %swap3A_191], %swap3A_194 {strides = array<i32>} : memref<1x256x8192xf32, #tpu.memory_space<vmem>>, vector<1x256x2048xf32>,
    %transpose3A_195 = tpu.transpose %add3A_188, [1, 0] : vector<256x2048xf32> -> vector<2048x256xf32>
    %reshape3A_196 = vector.shape_cast %transpose3A_195 : vector<2048x256xf32> to vector<64x32x256xf32>
    %reduce_min3A_197 = arith.constant dense<0x7F800000> : vector<64x256xf32>
    %reduce_min3A_198 = vector.multi_reduction <minimumf>, %reshape3A_196, %reduce_min3A_197 [1] : vector<64x32x256xf32> to vector<64x256xf32>
    %swap3A_199 = arith.constant 128 : index
    %swap3A_200 = arith.constant 0 : index
    %swap3A_201 = vector.load %arg6[%swap3A_199, %swap3A_200] : memref<256x256xf32, #tpu.memory_space<vmem>>, vector<64x256xf32>
    tpu.vector_store %arg6[%swap3A_199, %swap3A_200], %reduce_min3A_198 {strides = array<i32>} : memref<256x256xf32, #tpu.memory_space<vmem>>, vector<64x256xf32>,
    %slice3A_202 = vector.extract_strided_slice %convert_element_type3A_41 {offsets = [0, 0], sizes = [1, 256], strides = [1, 1]} : vector<3x256xf32> to vector<1x256xf32>
    %squeeze3A_203 = vector.shape_cast %slice3A_202 : vector<1x256xf32> to vector<256xf32>
    %broadcast_in_dim3A_204 = vector.shape_cast %squeeze3A_203 : vector<256xf32> to vector<256x1xf32>
    %slice3A_205 = vector.extract_strided_slice %convert_element_type3A_39 {offsets = [0, 0], sizes = [1, 8192], strides = [1, 1]} : vector<3x8192xf32> to vector<1x8192xf32>
    %squeeze3A_206 = vector.shape_cast %slice3A_205 : vector<1x8192xf32> to vector<8192xf32>
    %slice3A_207 = vector.extract_strided_slice %squeeze3A_206 {offsets = [6144], sizes = [2048], strides = [1]} : vector<8192xf32> to vector<2048xf32>
    %broadcast_in_dim3A_208 = vector.shape_cast %slice3A_207 : vector<2048xf32> to vector<1x2048xf32>
    %mul3A_209 = vector.broadcast %broadcast_in_dim3A_204 : vector<256x1xf32> to vector<256x2048xf32>
    %mul3A_210 = vector.broadcast %broadcast_in_dim3A_208 : vector<1x2048xf32> to vector<256x2048xf32>
    %mul3A_211 = arith.mulf %mul3A_209, %mul3A_210 : vector<256x2048xf32>
    %slice3A_212 = vector.extract_strided_slice %convert_element_type3A_41 {offsets = [1, 0], sizes = [1, 256], strides = [1, 1]} : vector<3x256xf32> to vector<1x256xf32>
    %squeeze3A_213 = vector.shape_cast %slice3A_212 : vector<1x256xf32> to vector<256xf32>
    %broadcast_in_dim3A_214 = vector.shape_cast %squeeze3A_213 : vector<256xf32> to vector<256x1xf32>
    %slice3A_215 = vector.extract_strided_slice %convert_element_type3A_39 {offsets = [1, 0], sizes = [1, 8192], strides = [1, 1]} : vector<3x8192xf32> to vector<1x8192xf32>
    %squeeze3A_216 = vector.shape_cast %slice3A_215 : vector<1x8192xf32> to vector<8192xf32>
    %slice3A_217 = vector.extract_strided_slice %squeeze3A_216 {offsets = [6144], sizes = [2048], strides = [1]} : vector<8192xf32> to vector<2048xf32>
    %broadcast_in_dim3A_218 = vector.shape_cast %slice3A_217 : vector<2048xf32> to vector<1x2048xf32>
    %mul3A_219 = vector.broadcast %broadcast_in_dim3A_214 : vector<256x1xf32> to vector<256x2048xf32>
    %mul3A_220 = vector.broadcast %broadcast_in_dim3A_218 : vector<1x2048xf32> to vector<256x2048xf32>
    %mul3A_221 = arith.mulf %mul3A_219, %mul3A_220 : vector<256x2048xf32>
    %add3A_222 = arith.addf %mul3A_211, %mul3A_221 : vector<256x2048xf32>
    %slice3A_223 = vector.extract_strided_slice %convert_element_type3A_41 {offsets = [2, 0], sizes = [1, 256], strides = [1, 1]} : vector<3x256xf32> to vector<1x256xf32>
    %squeeze3A_224 = vector.shape_cast %slice3A_223 : vector<1x256xf32> to vector<256xf32>
    %broadcast_in_dim3A_225 = vector.shape_cast %squeeze3A_224 : vector<256xf32> to vector<256x1xf32>
    %slice3A_226 = vector.extract_strided_slice %convert_element_type3A_39 {offsets = [2, 0], sizes = [1, 8192], strides = [1, 1]} : vector<3x8192xf32> to vector<1x8192xf32>
    %squeeze3A_227 = vector.shape_cast %slice3A_226 : vector<1x8192xf32> to vector<8192xf32>
    %slice3A_228 = vector.extract_strided_slice %squeeze3A_227 {offsets = [6144], sizes = [2048], strides = [1]} : vector<8192xf32> to vector<2048xf32>
    %broadcast_in_dim3A_229 = vector.shape_cast %slice3A_228 : vector<2048xf32> to vector<1x2048xf32>
    %mul3A_230 = vector.broadcast %broadcast_in_dim3A_225 : vector<256x1xf32> to vector<256x2048xf32>
    %mul3A_231 = vector.broadcast %broadcast_in_dim3A_229 : vector<1x2048xf32> to vector<256x2048xf32>
    %mul3A_232 = arith.mulf %mul3A_230, %mul3A_231 : vector<256x2048xf32>
    %add3A_233 = arith.addf %add3A_222, %mul3A_232 : vector<256x2048xf32>
    %mul3A_234 = arith.constant -2.000000e+00 : f32
    %mul3A_235 = vector.broadcast %mul3A_234 : f32 to vector<256x2048xf32>
    %mul3A_236 = arith.mulf %mul3A_235, %add3A_233 : vector<256x2048xf32>
    %broadcast_in_dim3A_237 = vector.shape_cast %add3A_38 : vector<256xf32> to vector<256x1xf32>
    %add3A_238 = vector.broadcast %broadcast_in_dim3A_237 : vector<256x1xf32> to vector<256x2048xf32>
    %add3A_239 = arith.addf %mul3A_236, %add3A_238 : vector<256x2048xf32>
    %slice3A_240 = vector.extract_strided_slice %add3A_21 {offsets = [6144], sizes = [2048], strides = [1]} : vector<8192xf32> to vector<2048xf32>
    %broadcast_in_dim3A_241 = vector.shape_cast %slice3A_240 : vector<2048xf32> to vector<1x2048xf32>
    %add3A_242 = vector.broadcast %broadcast_in_dim3A_241 : vector<1x2048xf32> to vector<256x2048xf32>
    %add3A_243 = arith.addf %add3A_239, %add3A_242 : vector<256x2048xf32>
    %swap3A_244 = arith.constant 0 : index
    %swap3A_245 = arith.constant 0 : index
    %swap3A_246 = arith.constant 6144 : index
    %swap3A_247 = vector.load %arg4[%swap3A_244, %swap3A_245, %swap3A_246] : memref<1x256x8192xf32, #tpu.memory_space<vmem>>, vector<1x256x2048xf32>
    %swap3A_248 = vector.shape_cast %swap3A_247 : vector<1x256x2048xf32> to vector<256x2048xf32>
    %swap3A_249 = vector.shape_cast %add3A_243 : vector<256x2048xf32> to vector<1x256x2048xf32>
    tpu.vector_store %arg4[%swap3A_244, %swap3A_245, %swap3A_246], %swap3A_249 {strides = array<i32>} : memref<1x256x8192xf32, #tpu.memory_space<vmem>>, vector<1x256x2048xf32>,
    %transpose3A_250 = tpu.transpose %add3A_243, [1, 0] : vector<256x2048xf32> -> vector<2048x256xf32>
    %reshape3A_251 = vector.shape_cast %transpose3A_250 : vector<2048x256xf32> to vector<64x32x256xf32>
    %reduce_min3A_252 = arith.constant dense<0x7F800000> : vector<64x256xf32>
    %reduce_min3A_253 = vector.multi_reduction <minimumf>, %reshape3A_251, %reduce_min3A_252 [1] : vector<64x32x256xf32> to vector<64x256xf32>
    %swap3A_254 = arith.constant 192 : index
    %swap3A_255 = arith.constant 0 : index
    %swap3A_256 = vector.load %arg6[%swap3A_254, %swap3A_255] : memref<256x256xf32, #tpu.memory_space<vmem>>, vector<64x256xf32>
    tpu.vector_store %arg6[%swap3A_254, %swap3A_255], %reduce_min3A_253 {strides = array<i32>} : memref<256x256xf32, #tpu.memory_space<vmem>>, vector<64x256xf32>,
    %get3A_257 = arith.constant 0 : index
    %get3A_258 = arith.constant 0 : index
    %get3A_259 = vector.load %arg6[%get3A_257, %get3A_258] : memref<256x256xf32, #tpu.memory_space<vmem>>, vector<256x256xf32>
    %iota3A = tpu.iota {dimensions = array<i32: 0>} : vector<256x256xi32>
    %reduce_min3A_260 = arith.constant dense<0x7F800000> : vector<256xf32>
    %reduce_min3A_261 = vector.multi_reduction <minimumf>, %get3A_259, %reduce_min3A_260 [0] : vector<256x256xf32> to vector<256xf32>
    %broadcast_in_dim3A_262 = vector.shape_cast %reduce_min3A_261 : vector<256xf32> to vector<1x256xf32>
    %eq3A = vector.broadcast %broadcast_in_dim3A_262 : vector<1x256xf32> to vector<256x256xf32>
    %eq3A_263 = arith.cmpf oeq, %get3A_259, %eq3A : vector<256x256xf32>
    %jit3A = arith.constant 257 : i32
    %broadcast_in_dim3A_264 = vector.broadcast %jit3A : i32 to vector<256x256xi32>
    %select_n3A = arith.select %eq3A_263, %iota3A, %broadcast_in_dim3A_264 : vector<256x256xi1>, vector<256x256xi32>
    %reduce_min3A_265 = arith.constant dense<2147483647> : vector<256xi32>
    %reduce_min3A_266 = vector.multi_reduction <minsi>, %select_n3A, %reduce_min3A_265 [0] : vector<256x256xi32> to vector<256xi32>
    %swap3A_267 = arith.constant 0 : index
    %swap3A_268 = arith.constant 0 : index
    %swap3A_269 = arith.constant 0 : index
    %swap3A_270 = vector.load %arg5[%swap3A_267, %swap3A_268, %swap3A_269] : memref<1x32x256xi32, #tpu.memory_space<vmem>>, vector<1x1x256xi32>
    %swap3A_271 = vector.shape_cast %swap3A_270 : vector<1x1x256xi32> to vector<256xi32>
    %swap3A_272 = vector.shape_cast %reduce_min3A_266 : vector<256xi32> to vector<1x1x256xi32>
    tpu.vector_store %arg5[%swap3A_267, %swap3A_268, %swap3A_269], %swap3A_272 {strides = array<i32>} : memref<1x32x256xi32, #tpu.memory_space<vmem>>, vector<1x1x256xi32>,
    %broadcast_in_dim3A_273 = vector.shape_cast %reduce_min3A_266 : vector<256xi32> to vector<1x256xi32>
    %eq3A_274 = vector.broadcast %broadcast_in_dim3A_273 : vector<1x256xi32> to vector<256x256xi32>
    %eq3A_275 = arith.cmpi eq, %iota3A, %eq3A_274 : vector<256x256xi32>
    %jit3A_276 = arith.constant 0x7F800000 : f32
    %broadcast_in_dim3A_277 = vector.broadcast %jit3A_276 : f32 to vector<256x256xf32>
    %select_n3A_278 = arith.select %eq3A_275, %broadcast_in_dim3A_277, %get3A_259 : vector<256x256xi1>, vector<256x256xf32>
    %reduce_min3A_279 = arith.constant dense<0x7F800000> : vector<256xf32>
    %reduce_min3A_280 = vector.multi_reduction <minimumf>, %select_n3A_278, %reduce_min3A_279 [0] : vector<256x256xf32> to vector<256xf32>
    %broadcast_in_dim3A_281 = vector.shape_cast %reduce_min3A_280 : vector<256xf32> to vector<1x256xf32>
    %eq3A_282 = vector.broadcast %broadcast_in_dim3A_281 : vector<1x256xf32> to vector<256x256xf32>
    %eq3A_283 = arith.cmpf oeq, %select_n3A_278, %eq3A_282 : vector<256x256xf32>
    %jit3A_284 = arith.constant 257 : i32
    %broadcast_in_dim3A_285 = vector.broadcast %jit3A_284 : i32 to vector<256x256xi32>
    %select_n3A_286 = arith.select %eq3A_283, %iota3A, %broadcast_in_dim3A_285 : vector<256x256xi1>, vector<256x256xi32>
    %reduce_min3A_287 = arith.constant dense<2147483647> : vector<256xi32>
    %reduce_min3A_288 = vector.multi_reduction <minsi>, %select_n3A_286, %reduce_min3A_287 [0] : vector<256x256xi32> to vector<256xi32>
    %swap3A_289 = arith.constant 0 : index
    %swap3A_290 = arith.constant 1 : index
    %swap3A_291 = arith.constant 0 : index
    %swap3A_292 = vector.load %arg5[%swap3A_289, %swap3A_290, %swap3A_291] : memref<1x32x256xi32, #tpu.memory_space<vmem>>, vector<1x1x256xi32>
    %swap3A_293 = vector.shape_cast %swap3A_292 : vector<1x1x256xi32> to vector<256xi32>
    %swap3A_294 = vector.shape_cast %reduce_min3A_288 : vector<256xi32> to vector<1x1x256xi32>
    tpu.vector_store %arg5[%swap3A_289, %swap3A_290, %swap3A_291], %swap3A_294 {strides = array<i32>} : memref<1x32x256xi32, #tpu.memory_space<vmem>>, vector<1x1x256xi32>,
    %broadcast_in_dim3A_295 = vector.shape_cast %reduce_min3A_288 : vector<256xi32> to vector<1x256xi32>
    %eq3A_296 = vector.broadcast %broadcast_in_dim3A_295 : vector<1x256xi32> to vector<256x256xi32>
    %eq3A_297 = arith.cmpi eq, %iota3A, %eq3A_296 : vector<256x256xi32>
    %jit3A_298 = arith.constant 0x7F800000 : f32
    %broadcast_in_dim3A_299 = vector.broadcast %jit3A_298 : f32 to vector<256x256xf32>
    %select_n3A_300 = arith.select %eq3A_297, %broadcast_in_dim3A_299, %select_n3A_278 : vector<256x256xi1>, vector<256x256xf32>
    %reduce_min3A_301 = arith.constant dense<0x7F800000> : vector<256xf32>
    %reduce_min3A_302 = vector.multi_reduction <minimumf>, %select_n3A_300, %reduce_min3A_301 [0] : vector<256x256xf32> to vector<256xf32>
    %broadcast_in_dim3A_303 = vector.shape_cast %reduce_min3A_302 : vector<256xf32> to vector<1x256xf32>
    %eq3A_304 = vector.broadcast %broadcast_in_dim3A_303 : vector<1x256xf32> to vector<256x256xf32>
    %eq3A_305 = arith.cmpf oeq, %select_n3A_300, %eq3A_304 : vector<256x256xf32>
    %jit3A_306 = arith.constant 257 : i32
    %broadcast_in_dim3A_307 = vector.broadcast %jit3A_306 : i32 to vector<256x256xi32>
    %select_n3A_308 = arith.select %eq3A_305, %iota3A, %broadcast_in_dim3A_307 : vector<256x256xi1>, vector<256x256xi32>
    %reduce_min3A_309 = arith.constant dense<2147483647> : vector<256xi32>
    %reduce_min3A_310 = vector.multi_reduction <minsi>, %select_n3A_308, %reduce_min3A_309 [0] : vector<256x256xi32> to vector<256xi32>
    %swap3A_311 = arith.constant 0 : index
    %swap3A_312 = arith.constant 2 : index
    %swap3A_313 = arith.constant 0 : index
    %swap3A_314 = vector.load %arg5[%swap3A_311, %swap3A_312, %swap3A_313] : memref<1x32x256xi32, #tpu.memory_space<vmem>>, vector<1x1x256xi32>
    %swap3A_315 = vector.shape_cast %swap3A_314 : vector<1x1x256xi32> to vector<256xi32>
    %swap3A_316 = vector.shape_cast %reduce_min3A_310 : vector<256xi32> to vector<1x1x256xi32>
    tpu.vector_store %arg5[%swap3A_311, %swap3A_312, %swap3A_313], %swap3A_316 {strides = array<i32>} : memref<1x32x256xi32, #tpu.memory_space<vmem>>, vector<1x1x256xi32>,
    %broadcast_in_dim3A_317 = vector.shape_cast %reduce_min3A_310 : vector<256xi32> to vector<1x256xi32>
    %eq3A_318 = vector.broadcast %broadcast_in_dim3A_317 : vector<1x256xi32> to vector<256x256xi32>
    %eq3A_319 = arith.cmpi eq, %iota3A, %eq3A_318 : vector<256x256xi32>
    %jit3A_320 = arith.constant 0x7F800000 : f32
    %broadcast_in_dim3A_321 = vector.broadcast %jit3A_320 : f32 to vector<256x256xf32>
    %select_n3A_322 = arith.select %eq3A_319, %broadcast_in_dim3A_321, %select_n3A_300 : vector<256x256xi1>, vector<256x256xf32>
    %reduce_min3A_323 = arith.constant dense<0x7F800000> : vector<256xf32>
    %reduce_min3A_324 = vector.multi_reduction <minimumf>, %select_n3A_322, %reduce_min3A_323 [0] : vector<256x256xf32> to vector<256xf32>
    %broadcast_in_dim3A_325 = vector.shape_cast %reduce_min3A_324 : vector<256xf32> to vector<1x256xf32>
    %eq3A_326 = vector.broadcast %broadcast_in_dim3A_325 : vector<1x256xf32> to vector<256x256xf32>
    %eq3A_327 = arith.cmpf oeq, %select_n3A_322, %eq3A_326 : vector<256x256xf32>
    %jit3A_328 = arith.constant 257 : i32
    %broadcast_in_dim3A_329 = vector.broadcast %jit3A_328 : i32 to vector<256x256xi32>
    %select_n3A_330 = arith.select %eq3A_327, %iota3A, %broadcast_in_dim3A_329 : vector<256x256xi1>, vector<256x256xi32>
    %reduce_min3A_331 = arith.constant dense<2147483647> : vector<256xi32>
    %reduce_min3A_332 = vector.multi_reduction <minsi>, %select_n3A_330, %reduce_min3A_331 [0] : vector<256x256xi32> to vector<256xi32>
    %swap3A_333 = arith.constant 0 : index
    %swap3A_334 = arith.constant 3 : index
    %swap3A_335 = arith.constant 0 : index
    %swap3A_336 = vector.load %arg5[%swap3A_333, %swap3A_334, %swap3A_335] : memref<1x32x256xi32, #tpu.memory_space<vmem>>, vector<1x1x256xi32>
    %swap3A_337 = vector.shape_cast %swap3A_336 : vector<1x1x256xi32> to vector<256xi32>
    %swap3A_338 = vector.shape_cast %reduce_min3A_332 : vector<256xi32> to vector<1x1x256xi32>
    tpu.vector_store %arg5[%swap3A_333, %swap3A_334, %swap3A_335], %swap3A_338 {strides = array<i32>} : memref<1x32x256xi32, #tpu.memory_space<vmem>>, vector<1x1x256xi32>,
    %broadcast_in_dim3A_339 = vector.shape_cast %reduce_min3A_332 : vector<256xi32> to vector<1x256xi32>
    %eq3A_340 = vector.broadcast %broadcast_in_dim3A_339 : vector<1x256xi32> to vector<256x256xi32>
    %eq3A_341 = arith.cmpi eq, %iota3A, %eq3A_340 : vector<256x256xi32>
    %jit3A_342 = arith.constant 0x7F800000 : f32
    %broadcast_in_dim3A_343 = vector.broadcast %jit3A_342 : f32 to vector<256x256xf32>
    %select_n3A_344 = arith.select %eq3A_341, %broadcast_in_dim3A_343, %select_n3A_322 : vector<256x256xi1>, vector<256x256xf32>
    %reduce_min3A_345 = arith.constant dense<0x7F800000> : vector<256xf32>
    %reduce_min3A_346 = vector.multi_reduction <minimumf>, %select_n3A_344, %reduce_min3A_345 [0] : vector<256x256xf32> to vector<256xf32>
    %broadcast_in_dim3A_347 = vector.shape_cast %reduce_min3A_346 : vector<256xf32> to vector<1x256xf32>
    %eq3A_348 = vector.broadcast %broadcast_in_dim3A_347 : vector<1x256xf32> to vector<256x256xf32>
    %eq3A_349 = arith.cmpf oeq, %select_n3A_344, %eq3A_348 : vector<256x256xf32>
    %jit3A_350 = arith.constant 257 : i32
    %broadcast_in_dim3A_351 = vector.broadcast %jit3A_350 : i32 to vector<256x256xi32>
    %select_n3A_352 = arith.select %eq3A_349, %iota3A, %broadcast_in_dim3A_351 : vector<256x256xi1>, vector<256x256xi32>
    %reduce_min3A_353 = arith.constant dense<2147483647> : vector<256xi32>
    %reduce_min3A_354 = vector.multi_reduction <minsi>, %select_n3A_352, %reduce_min3A_353 [0] : vector<256x256xi32> to vector<256xi32>
    %swap3A_355 = arith.constant 0 : index
    %swap3A_356 = arith.constant 4 : index
    %swap3A_357 = arith.constant 0 : index
    %swap3A_358 = vector.load %arg5[%swap3A_355, %swap3A_356, %swap3A_357] : memref<1x32x256xi32, #tpu.memory_space<vmem>>, vector<1x1x256xi32>
    %swap3A_359 = vector.shape_cast %swap3A_358 : vector<1x1x256xi32> to vector<256xi32>
    %swap3A_360 = vector.shape_cast %reduce_min3A_354 : vector<256xi32> to vector<1x1x256xi32>
    tpu.vector_store %arg5[%swap3A_355, %swap3A_356, %swap3A_357], %swap3A_360 {strides = array<i32>} : memref<1x32x256xi32, #tpu.memory_space<vmem>>, vector<1x1x256xi32>,
    %broadcast_in_dim3A_361 = vector.shape_cast %reduce_min3A_354 : vector<256xi32> to vector<1x256xi32>
    %eq3A_362 = vector.broadcast %broadcast_in_dim3A_361 : vector<1x256xi32> to vector<256x256xi32>
    %eq3A_363 = arith.cmpi eq, %iota3A, %eq3A_362 : vector<256x256xi32>
    %jit3A_364 = arith.constant 0x7F800000 : f32
    %broadcast_in_dim3A_365 = vector.broadcast %jit3A_364 : f32 to vector<256x256xf32>
    %select_n3A_366 = arith.select %eq3A_363, %broadcast_in_dim3A_365, %select_n3A_344 : vector<256x256xi1>, vector<256x256xf32>
    %reduce_min3A_367 = arith.constant dense<0x7F800000> : vector<256xf32>
    %reduce_min3A_368 = vector.multi_reduction <minimumf>, %select_n3A_366, %reduce_min3A_367 [0] : vector<256x256xf32> to vector<256xf32>
    %broadcast_in_dim3A_369 = vector.shape_cast %reduce_min3A_368 : vector<256xf32> to vector<1x256xf32>
    %eq3A_370 = vector.broadcast %broadcast_in_dim3A_369 : vector<1x256xf32> to vector<256x256xf32>
    %eq3A_371 = arith.cmpf oeq, %select_n3A_366, %eq3A_370 : vector<256x256xf32>
    %jit3A_372 = arith.constant 257 : i32
    %broadcast_in_dim3A_373 = vector.broadcast %jit3A_372 : i32 to vector<256x256xi32>
    %select_n3A_374 = arith.select %eq3A_371, %iota3A, %broadcast_in_dim3A_373 : vector<256x256xi1>, vector<256x256xi32>
    %reduce_min3A_375 = arith.constant dense<2147483647> : vector<256xi32>
    %reduce_min3A_376 = vector.multi_reduction <minsi>, %select_n3A_374, %reduce_min3A_375 [0] : vector<256x256xi32> to vector<256xi32>
    %swap3A_377 = arith.constant 0 : index
    %swap3A_378 = arith.constant 5 : index
    %swap3A_379 = arith.constant 0 : index
    %swap3A_380 = vector.load %arg5[%swap3A_377, %swap3A_378, %swap3A_379] : memref<1x32x256xi32, #tpu.memory_space<vmem>>, vector<1x1x256xi32>
    %swap3A_381 = vector.shape_cast %swap3A_380 : vector<1x1x256xi32> to vector<256xi32>
    %swap3A_382 = vector.shape_cast %reduce_min3A_376 : vector<256xi32> to vector<1x1x256xi32>
    tpu.vector_store %arg5[%swap3A_377, %swap3A_378, %swap3A_379], %swap3A_382 {strides = array<i32>} : memref<1x32x256xi32, #tpu.memory_space<vmem>>, vector<1x1x256xi32>,
    %broadcast_in_dim3A_383 = vector.shape_cast %reduce_min3A_376 : vector<256xi32> to vector<1x256xi32>
    %eq3A_384 = vector.broadcast %broadcast_in_dim3A_383 : vector<1x256xi32> to vector<256x256xi32>
    %eq3A_385 = arith.cmpi eq, %iota3A, %eq3A_384 : vector<256x256xi32>
    %jit3A_386 = arith.constant 0x7F800000 : f32
    %broadcast_in_dim3A_387 = vector.broadcast %jit3A_386 : f32 to vector<256x256xf32>
    %select_n3A_388 = arith.select %eq3A_385, %broadcast_in_dim3A_387, %select_n3A_366 : vector<256x256xi1>, vector<256x256xf32>
    %reduce_min3A_389 = arith.constant dense<0x7F800000> : vector<256xf32>
    %reduce_min3A_390 = vector.multi_reduction <minimumf>, %select_n3A_388, %reduce_min3A_389 [0] : vector<256x256xf32> to vector<256xf32>
    %broadcast_in_dim3A_391 = vector.shape_cast %reduce_min3A_390 : vector<256xf32> to vector<1x256xf32>
    %eq3A_392 = vector.broadcast %broadcast_in_dim3A_391 : vector<1x256xf32> to vector<256x256xf32>
    %eq3A_393 = arith.cmpf oeq, %select_n3A_388, %eq3A_392 : vector<256x256xf32>
    %jit3A_394 = arith.constant 257 : i32
    %broadcast_in_dim3A_395 = vector.broadcast %jit3A_394 : i32 to vector<256x256xi32>
    %select_n3A_396 = arith.select %eq3A_393, %iota3A, %broadcast_in_dim3A_395 : vector<256x256xi1>, vector<256x256xi32>
    %reduce_min3A_397 = arith.constant dense<2147483647> : vector<256xi32>
    %reduce_min3A_398 = vector.multi_reduction <minsi>, %select_n3A_396, %reduce_min3A_397 [0] : vector<256x256xi32> to vector<256xi32>
    %swap3A_399 = arith.constant 0 : index
    %swap3A_400 = arith.constant 6 : index
    %swap3A_401 = arith.constant 0 : index
    %swap3A_402 = vector.load %arg5[%swap3A_399, %swap3A_400, %swap3A_401] : memref<1x32x256xi32, #tpu.memory_space<vmem>>, vector<1x1x256xi32>
    %swap3A_403 = vector.shape_cast %swap3A_402 : vector<1x1x256xi32> to vector<256xi32>
    %swap3A_404 = vector.shape_cast %reduce_min3A_398 : vector<256xi32> to vector<1x1x256xi32>
    tpu.vector_store %arg5[%swap3A_399, %swap3A_400, %swap3A_401], %swap3A_404 {strides = array<i32>} : memref<1x32x256xi32, #tpu.memory_space<vmem>>, vector<1x1x256xi32>,
    %broadcast_in_dim3A_405 = vector.shape_cast %reduce_min3A_398 : vector<256xi32> to vector<1x256xi32>
    %eq3A_406 = vector.broadcast %broadcast_in_dim3A_405 : vector<1x256xi32> to vector<256x256xi32>
    %eq3A_407 = arith.cmpi eq, %iota3A, %eq3A_406 : vector<256x256xi32>
    %jit3A_408 = arith.constant 0x7F800000 : f32
    %broadcast_in_dim3A_409 = vector.broadcast %jit3A_408 : f32 to vector<256x256xf32>
    %select_n3A_410 = arith.select %eq3A_407, %broadcast_in_dim3A_409, %select_n3A_388 : vector<256x256xi1>, vector<256x256xf32>
    %reduce_min3A_411 = arith.constant dense<0x7F800000> : vector<256xf32>
    %reduce_min3A_412 = vector.multi_reduction <minimumf>, %select_n3A_410, %reduce_min3A_411 [0] : vector<256x256xf32> to vector<256xf32>
    %broadcast_in_dim3A_413 = vector.shape_cast %reduce_min3A_412 : vector<256xf32> to vector<1x256xf32>
    %eq3A_414 = vector.broadcast %broadcast_in_dim3A_413 : vector<1x256xf32> to vector<256x256xf32>
    %eq3A_415 = arith.cmpf oeq, %select_n3A_410, %eq3A_414 : vector<256x256xf32>
    %jit3A_416 = arith.constant 257 : i32
    %broadcast_in_dim3A_417 = vector.broadcast %jit3A_416 : i32 to vector<256x256xi32>
    %select_n3A_418 = arith.select %eq3A_415, %iota3A, %broadcast_in_dim3A_417 : vector<256x256xi1>, vector<256x256xi32>
    %reduce_min3A_419 = arith.constant dense<2147483647> : vector<256xi32>
    %reduce_min3A_420 = vector.multi_reduction <minsi>, %select_n3A_418, %reduce_min3A_419 [0] : vector<256x256xi32> to vector<256xi32>
    %swap3A_421 = arith.constant 0 : index
    %swap3A_422 = arith.constant 7 : index
    %swap3A_423 = arith.constant 0 : index
    %swap3A_424 = vector.load %arg5[%swap3A_421, %swap3A_422, %swap3A_423] : memref<1x32x256xi32, #tpu.memory_space<vmem>>, vector<1x1x256xi32>
    %swap3A_425 = vector.shape_cast %swap3A_424 : vector<1x1x256xi32> to vector<256xi32>
    %swap3A_426 = vector.shape_cast %reduce_min3A_420 : vector<256xi32> to vector<1x1x256xi32>
    tpu.vector_store %arg5[%swap3A_421, %swap3A_422, %swap3A_423], %swap3A_426 {strides = array<i32>} : memref<1x32x256xi32, #tpu.memory_space<vmem>>, vector<1x1x256xi32>,
    %broadcast_in_dim3A_427 = vector.shape_cast %reduce_min3A_420 : vector<256xi32> to vector<1x256xi32>
    %eq3A_428 = vector.broadcast %broadcast_in_dim3A_427 : vector<1x256xi32> to vector<256x256xi32>
    %eq3A_429 = arith.cmpi eq, %iota3A, %eq3A_428 : vector<256x256xi32>
    %jit3A_430 = arith.constant 0x7F800000 : f32
    %broadcast_in_dim3A_431 = vector.broadcast %jit3A_430 : f32 to vector<256x256xf32>
    %select_n3A_432 = arith.select %eq3A_429, %broadcast_in_dim3A_431, %select_n3A_410 : vector<256x256xi1>, vector<256x256xf32>
    %reduce_min3A_433 = arith.constant dense<0x7F800000> : vector<256xf32>
    %reduce_min3A_434 = vector.multi_reduction <minimumf>, %select_n3A_432, %reduce_min3A_433 [0] : vector<256x256xf32> to vector<256xf32>
    %broadcast_in_dim3A_435 = vector.shape_cast %reduce_min3A_434 : vector<256xf32> to vector<1x256xf32>
    %eq3A_436 = vector.broadcast %broadcast_in_dim3A_435 : vector<1x256xf32> to vector<256x256xf32>
    %eq3A_437 = arith.cmpf oeq, %select_n3A_432, %eq3A_436 : vector<256x256xf32>
    %jit3A_438 = arith.constant 257 : i32
    %broadcast_in_dim3A_439 = vector.broadcast %jit3A_438 : i32 to vector<256x256xi32>
    %select_n3A_440 = arith.select %eq3A_437, %iota3A, %broadcast_in_dim3A_439 : vector<256x256xi1>, vector<256x256xi32>
    %reduce_min3A_441 = arith.constant dense<2147483647> : vector<256xi32>
    %reduce_min3A_442 = vector.multi_reduction <minsi>, %select_n3A_440, %reduce_min3A_441 [0] : vector<256x256xi32> to vector<256xi32>
    %swap3A_443 = arith.constant 0 : index
    %swap3A_444 = arith.constant 8 : index
    %swap3A_445 = arith.constant 0 : index
    %swap3A_446 = vector.load %arg5[%swap3A_443, %swap3A_444, %swap3A_445] : memref<1x32x256xi32, #tpu.memory_space<vmem>>, vector<1x1x256xi32>
    %swap3A_447 = vector.shape_cast %swap3A_446 : vector<1x1x256xi32> to vector<256xi32>
    %swap3A_448 = vector.shape_cast %reduce_min3A_442 : vector<256xi32> to vector<1x1x256xi32>
    tpu.vector_store %arg5[%swap3A_443, %swap3A_444, %swap3A_445], %swap3A_448 {strides = array<i32>} : memref<1x32x256xi32, #tpu.memory_space<vmem>>, vector<1x1x256xi32>,
    %broadcast_in_dim3A_449 = vector.shape_cast %reduce_min3A_442 : vector<256xi32> to vector<1x256xi32>
    %eq3A_450 = vector.broadcast %broadcast_in_dim3A_449 : vector<1x256xi32> to vector<256x256xi32>
    %eq3A_451 = arith.cmpi eq, %iota3A, %eq3A_450 : vector<256x256xi32>
    %jit3A_452 = arith.constant 0x7F800000 : f32
    %broadcast_in_dim3A_453 = vector.broadcast %jit3A_452 : f32 to vector<256x256xf32>
    %select_n3A_454 = arith.select %eq3A_451, %broadcast_in_dim3A_453, %select_n3A_432 : vector<256x256xi1>, vector<256x256xf32>
    %reduce_min3A_455 = arith.constant dense<0x7F800000> : vector<256xf32>
    %reduce_min3A_456 = vector.multi_reduction <minimumf>, %select_n3A_454, %reduce_min3A_455 [0] : vector<256x256xf32> to vector<256xf32>
    %broadcast_in_dim3A_457 = vector.shape_cast %reduce_min3A_456 : vector<256xf32> to vector<1x256xf32>
    %eq3A_458 = vector.broadcast %broadcast_in_dim3A_457 : vector<1x256xf32> to vector<256x256xf32>
    %eq3A_459 = arith.cmpf oeq, %select_n3A_454, %eq3A_458 : vector<256x256xf32>
    %jit3A_460 = arith.constant 257 : i32
    %broadcast_in_dim3A_461 = vector.broadcast %jit3A_460 : i32 to vector<256x256xi32>
    %select_n3A_462 = arith.select %eq3A_459, %iota3A, %broadcast_in_dim3A_461 : vector<256x256xi1>, vector<256x256xi32>
    %reduce_min3A_463 = arith.constant dense<2147483647> : vector<256xi32>
    %reduce_min3A_464 = vector.multi_reduction <minsi>, %select_n3A_462, %reduce_min3A_463 [0] : vector<256x256xi32> to vector<256xi32>
    %swap3A_465 = arith.constant 0 : index
    %swap3A_466 = arith.constant 9 : index
    %swap3A_467 = arith.constant 0 : index
    %swap3A_468 = vector.load %arg5[%swap3A_465, %swap3A_466, %swap3A_467] : memref<1x32x256xi32, #tpu.memory_space<vmem>>, vector<1x1x256xi32>
    %swap3A_469 = vector.shape_cast %swap3A_468 : vector<1x1x256xi32> to vector<256xi32>
    %swap3A_470 = vector.shape_cast %reduce_min3A_464 : vector<256xi32> to vector<1x1x256xi32>
    tpu.vector_store %arg5[%swap3A_465, %swap3A_466, %swap3A_467], %swap3A_470 {strides = array<i32>} : memref<1x32x256xi32, #tpu.memory_space<vmem>>, vector<1x1x256xi32>,
    %broadcast_in_dim3A_471 = vector.shape_cast %reduce_min3A_464 : vector<256xi32> to vector<1x256xi32>
    %eq3A_472 = vector.broadcast %broadcast_in_dim3A_471 : vector<1x256xi32> to vector<256x256xi32>
    %eq3A_473 = arith.cmpi eq, %iota3A, %eq3A_472 : vector<256x256xi32>
    %jit3A_474 = arith.constant 0x7F800000 : f32
    %broadcast_in_dim3A_475 = vector.broadcast %jit3A_474 : f32 to vector<256x256xf32>
    %select_n3A_476 = arith.select %eq3A_473, %broadcast_in_dim3A_475, %select_n3A_454 : vector<256x256xi1>, vector<256x256xf32>
    %reduce_min3A_477 = arith.constant dense<0x7F800000> : vector<256xf32>
    %reduce_min3A_478 = vector.multi_reduction <minimumf>, %select_n3A_476, %reduce_min3A_477 [0] : vector<256x256xf32> to vector<256xf32>
    %broadcast_in_dim3A_479 = vector.shape_cast %reduce_min3A_478 : vector<256xf32> to vector<1x256xf32>
    %eq3A_480 = vector.broadcast %broadcast_in_dim3A_479 : vector<1x256xf32> to vector<256x256xf32>
    %eq3A_481 = arith.cmpf oeq, %select_n3A_476, %eq3A_480 : vector<256x256xf32>
    %jit3A_482 = arith.constant 257 : i32
    %broadcast_in_dim3A_483 = vector.broadcast %jit3A_482 : i32 to vector<256x256xi32>
    %select_n3A_484 = arith.select %eq3A_481, %iota3A, %broadcast_in_dim3A_483 : vector<256x256xi1>, vector<256x256xi32>
    %reduce_min3A_485 = arith.constant dense<2147483647> : vector<256xi32>
    %reduce_min3A_486 = vector.multi_reduction <minsi>, %select_n3A_484, %reduce_min3A_485 [0] : vector<256x256xi32> to vector<256xi32>
    %swap3A_487 = arith.constant 0 : index
    %swap3A_488 = arith.constant 10 : index
    %swap3A_489 = arith.constant 0 : index
    %swap3A_490 = vector.load %arg5[%swap3A_487, %swap3A_488, %swap3A_489] : memref<1x32x256xi32, #tpu.memory_space<vmem>>, vector<1x1x256xi32>
    %swap3A_491 = vector.shape_cast %swap3A_490 : vector<1x1x256xi32> to vector<256xi32>
    %swap3A_492 = vector.shape_cast %reduce_min3A_486 : vector<256xi32> to vector<1x1x256xi32>
    tpu.vector_store %arg5[%swap3A_487, %swap3A_488, %swap3A_489], %swap3A_492 {strides = array<i32>} : memref<1x32x256xi32, #tpu.memory_space<vmem>>, vector<1x1x256xi32>,
    %broadcast_in_dim3A_493 = vector.shape_cast %reduce_min3A_486 : vector<256xi32> to vector<1x256xi32>
    %eq3A_494 = vector.broadcast %broadcast_in_dim3A_493 : vector<1x256xi32> to vector<256x256xi32>
    %eq3A_495 = arith.cmpi eq, %iota3A, %eq3A_494 : vector<256x256xi32>
    %jit3A_496 = arith.constant 0x7F800000 : f32
    %broadcast_in_dim3A_497 = vector.broadcast %jit3A_496 : f32 to vector<256x256xf32>
    %select_n3A_498 = arith.select %eq3A_495, %broadcast_in_dim3A_497, %select_n3A_476 : vector<256x256xi1>, vector<256x256xf32>
    %reduce_min3A_499 = arith.constant dense<0x7F800000> : vector<256xf32>
    %reduce_min3A_500 = vector.multi_reduction <minimumf>, %select_n3A_498, %reduce_min3A_499 [0] : vector<256x256xf32> to vector<256xf32>
    %broadcast_in_dim3A_501 = vector.shape_cast %reduce_min3A_500 : vector<256xf32> to vector<1x256xf32>
    %eq3A_502 = vector.broadcast %broadcast_in_dim3A_501 : vector<1x256xf32> to vector<256x256xf32>
    %eq3A_503 = arith.cmpf oeq, %select_n3A_498, %eq3A_502 : vector<256x256xf32>
    %jit3A_504 = arith.constant 257 : i32
    %broadcast_in_dim3A_505 = vector.broadcast %jit3A_504 : i32 to vector<256x256xi32>
    %select_n3A_506 = arith.select %eq3A_503, %iota3A, %broadcast_in_dim3A_505 : vector<256x256xi1>, vector<256x256xi32>
    %reduce_min3A_507 = arith.constant dense<2147483647> : vector<256xi32>
    %reduce_min3A_508 = vector.multi_reduction <minsi>, %select_n3A_506, %reduce_min3A_507 [0] : vector<256x256xi32> to vector<256xi32>
    %swap3A_509 = arith.constant 0 : index
    %swap3A_510 = arith.constant 11 : index
    %swap3A_511 = arith.constant 0 : index
    %swap3A_512 = vector.load %arg5[%swap3A_509, %swap3A_510, %swap3A_511] : memref<1x32x256xi32, #tpu.memory_space<vmem>>, vector<1x1x256xi32>
    %swap3A_513 = vector.shape_cast %swap3A_512 : vector<1x1x256xi32> to vector<256xi32>
    %swap3A_514 = vector.shape_cast %reduce_min3A_508 : vector<256xi32> to vector<1x1x256xi32>
    tpu.vector_store %arg5[%swap3A_509, %swap3A_510, %swap3A_511], %swap3A_514 {strides = array<i32>} : memref<1x32x256xi32, #tpu.memory_space<vmem>>, vector<1x1x256xi32>,
    %broadcast_in_dim3A_515 = vector.shape_cast %reduce_min3A_508 : vector<256xi32> to vector<1x256xi32>
    %eq3A_516 = vector.broadcast %broadcast_in_dim3A_515 : vector<1x256xi32> to vector<256x256xi32>
    %eq3A_517 = arith.cmpi eq, %iota3A, %eq3A_516 : vector<256x256xi32>
    %jit3A_518 = arith.constant 0x7F800000 : f32
    %broadcast_in_dim3A_519 = vector.broadcast %jit3A_518 : f32 to vector<256x256xf32>
    %select_n3A_520 = arith.select %eq3A_517, %broadcast_in_dim3A_519, %select_n3A_498 : vector<256x256xi1>, vector<256x256xf32>
    %reduce_min3A_521 = arith.constant dense<0x7F800000> : vector<256xf32>
    %reduce_min3A_522 = vector.multi_reduction <minimumf>, %select_n3A_520, %reduce_min3A_521 [0] : vector<256x256xf32> to vector<256xf32>
    %broadcast_in_dim3A_523 = vector.shape_cast %reduce_min3A_522 : vector<256xf32> to vector<1x256xf32>
    %eq3A_524 = vector.broadcast %broadcast_in_dim3A_523 : vector<1x256xf32> to vector<256x256xf32>
    %eq3A_525 = arith.cmpf oeq, %select_n3A_520, %eq3A_524 : vector<256x256xf32>
    %jit3A_526 = arith.constant 257 : i32
    %broadcast_in_dim3A_527 = vector.broadcast %jit3A_526 : i32 to vector<256x256xi32>
    %select_n3A_528 = arith.select %eq3A_525, %iota3A, %broadcast_in_dim3A_527 : vector<256x256xi1>, vector<256x256xi32>
    %reduce_min3A_529 = arith.constant dense<2147483647> : vector<256xi32>
    %reduce_min3A_530 = vector.multi_reduction <minsi>, %select_n3A_528, %reduce_min3A_529 [0] : vector<256x256xi32> to vector<256xi32>
    %swap3A_531 = arith.constant 0 : index
    %swap3A_532 = arith.constant 12 : index
    %swap3A_533 = arith.constant 0 : index
    %swap3A_534 = vector.load %arg5[%swap3A_531, %swap3A_532, %swap3A_533] : memref<1x32x256xi32, #tpu.memory_space<vmem>>, vector<1x1x256xi32>
    %swap3A_535 = vector.shape_cast %swap3A_534 : vector<1x1x256xi32> to vector<256xi32>
    %swap3A_536 = vector.shape_cast %reduce_min3A_530 : vector<256xi32> to vector<1x1x256xi32>
    tpu.vector_store %arg5[%swap3A_531, %swap3A_532, %swap3A_533], %swap3A_536 {strides = array<i32>} : memref<1x32x256xi32, #tpu.memory_space<vmem>>, vector<1x1x256xi32>,
    %broadcast_in_dim3A_537 = vector.shape_cast %reduce_min3A_530 : vector<256xi32> to vector<1x256xi32>
    %eq3A_538 = vector.broadcast %broadcast_in_dim3A_537 : vector<1x256xi32> to vector<256x256xi32>
    %eq3A_539 = arith.cmpi eq, %iota3A, %eq3A_538 : vector<256x256xi32>
    %jit3A_540 = arith.constant 0x7F800000 : f32
    %broadcast_in_dim3A_541 = vector.broadcast %jit3A_540 : f32 to vector<256x256xf32>
    %select_n3A_542 = arith.select %eq3A_539, %broadcast_in_dim3A_541, %select_n3A_520 : vector<256x256xi1>, vector<256x256xf32>
    %reduce_min3A_543 = arith.constant dense<0x7F800000> : vector<256xf32>
    %reduce_min3A_544 = vector.multi_reduction <minimumf>, %select_n3A_542, %reduce_min3A_543 [0] : vector<256x256xf32> to vector<256xf32>
    %broadcast_in_dim3A_545 = vector.shape_cast %reduce_min3A_544 : vector<256xf32> to vector<1x256xf32>
    %eq3A_546 = vector.broadcast %broadcast_in_dim3A_545 : vector<1x256xf32> to vector<256x256xf32>
    %eq3A_547 = arith.cmpf oeq, %select_n3A_542, %eq3A_546 : vector<256x256xf32>
    %jit3A_548 = arith.constant 257 : i32
    %broadcast_in_dim3A_549 = vector.broadcast %jit3A_548 : i32 to vector<256x256xi32>
    %select_n3A_550 = arith.select %eq3A_547, %iota3A, %broadcast_in_dim3A_549 : vector<256x256xi1>, vector<256x256xi32>
    %reduce_min3A_551 = arith.constant dense<2147483647> : vector<256xi32>
    %reduce_min3A_552 = vector.multi_reduction <minsi>, %select_n3A_550, %reduce_min3A_551 [0] : vector<256x256xi32> to vector<256xi32>
    %swap3A_553 = arith.constant 0 : index
    %swap3A_554 = arith.constant 13 : index
    %swap3A_555 = arith.constant 0 : index
    %swap3A_556 = vector.load %arg5[%swap3A_553, %swap3A_554, %swap3A_555] : memref<1x32x256xi32, #tpu.memory_space<vmem>>, vector<1x1x256xi32>
    %swap3A_557 = vector.shape_cast %swap3A_556 : vector<1x1x256xi32> to vector<256xi32>
    %swap3A_558 = vector.shape_cast %reduce_min3A_552 : vector<256xi32> to vector<1x1x256xi32>
    tpu.vector_store %arg5[%swap3A_553, %swap3A_554, %swap3A_555], %swap3A_558 {strides = array<i32>} : memref<1x32x256xi32, #tpu.memory_space<vmem>>, vector<1x1x256xi32>,
    %broadcast_in_dim3A_559 = vector.shape_cast %reduce_min3A_552 : vector<256xi32> to vector<1x256xi32>
    %eq3A_560 = vector.broadcast %broadcast_in_dim3A_559 : vector<1x256xi32> to vector<256x256xi32>
    %eq3A_561 = arith.cmpi eq, %iota3A, %eq3A_560 : vector<256x256xi32>
    %jit3A_562 = arith.constant 0x7F800000 : f32
    %broadcast_in_dim3A_563 = vector.broadcast %jit3A_562 : f32 to vector<256x256xf32>
    %select_n3A_564 = arith.select %eq3A_561, %broadcast_in_dim3A_563, %select_n3A_542 : vector<256x256xi1>, vector<256x256xf32>
    %reduce_min3A_565 = arith.constant dense<0x7F800000> : vector<256xf32>
    %reduce_min3A_566 = vector.multi_reduction <minimumf>, %select_n3A_564, %reduce_min3A_565 [0] : vector<256x256xf32> to vector<256xf32>
    %broadcast_in_dim3A_567 = vector.shape_cast %reduce_min3A_566 : vector<256xf32> to vector<1x256xf32>
    %eq3A_568 = vector.broadcast %broadcast_in_dim3A_567 : vector<1x256xf32> to vector<256x256xf32>
    %eq3A_569 = arith.cmpf oeq, %select_n3A_564, %eq3A_568 : vector<256x256xf32>
    %jit3A_570 = arith.constant 257 : i32
    %broadcast_in_dim3A_571 = vector.broadcast %jit3A_570 : i32 to vector<256x256xi32>
    %select_n3A_572 = arith.select %eq3A_569, %iota3A, %broadcast_in_dim3A_571 : vector<256x256xi1>, vector<256x256xi32>
    %reduce_min3A_573 = arith.constant dense<2147483647> : vector<256xi32>
    %reduce_min3A_574 = vector.multi_reduction <minsi>, %select_n3A_572, %reduce_min3A_573 [0] : vector<256x256xi32> to vector<256xi32>
    %swap3A_575 = arith.constant 0 : index
    %swap3A_576 = arith.constant 14 : index
    %swap3A_577 = arith.constant 0 : index
    %swap3A_578 = vector.load %arg5[%swap3A_575, %swap3A_576, %swap3A_577] : memref<1x32x256xi32, #tpu.memory_space<vmem>>, vector<1x1x256xi32>
    %swap3A_579 = vector.shape_cast %swap3A_578 : vector<1x1x256xi32> to vector<256xi32>
    %swap3A_580 = vector.shape_cast %reduce_min3A_574 : vector<256xi32> to vector<1x1x256xi32>
    tpu.vector_store %arg5[%swap3A_575, %swap3A_576, %swap3A_577], %swap3A_580 {strides = array<i32>} : memref<1x32x256xi32, #tpu.memory_space<vmem>>, vector<1x1x256xi32>,
    %broadcast_in_dim3A_581 = vector.shape_cast %reduce_min3A_574 : vector<256xi32> to vector<1x256xi32>
    %eq3A_582 = vector.broadcast %broadcast_in_dim3A_581 : vector<1x256xi32> to vector<256x256xi32>
    %eq3A_583 = arith.cmpi eq, %iota3A, %eq3A_582 : vector<256x256xi32>
    %jit3A_584 = arith.constant 0x7F800000 : f32
    %broadcast_in_dim3A_585 = vector.broadcast %jit3A_584 : f32 to vector<256x256xf32>
    %select_n3A_586 = arith.select %eq3A_583, %broadcast_in_dim3A_585, %select_n3A_564 : vector<256x256xi1>, vector<256x256xf32>
    %reduce_min3A_587 = arith.constant dense<0x7F800000> : vector<256xf32>
    %reduce_min3A_588 = vector.multi_reduction <minimumf>, %select_n3A_586, %reduce_min3A_587 [0] : vector<256x256xf32> to vector<256xf32>
    %broadcast_in_dim3A_589 = vector.shape_cast %reduce_min3A_588 : vector<256xf32> to vector<1x256xf32>
    %eq3A_590 = vector.broadcast %broadcast_in_dim3A_589 : vector<1x256xf32> to vector<256x256xf32>
    %eq3A_591 = arith.cmpf oeq, %select_n3A_586, %eq3A_590 : vector<256x256xf32>
    %jit3A_592 = arith.constant 257 : i32
    %broadcast_in_dim3A_593 = vector.broadcast %jit3A_592 : i32 to vector<256x256xi32>
    %select_n3A_594 = arith.select %eq3A_591, %iota3A, %broadcast_in_dim3A_593 : vector<256x256xi1>, vector<256x256xi32>
    %reduce_min3A_595 = arith.constant dense<2147483647> : vector<256xi32>
    %reduce_min3A_596 = vector.multi_reduction <minsi>, %select_n3A_594, %reduce_min3A_595 [0] : vector<256x256xi32> to vector<256xi32>
    %swap3A_597 = arith.constant 0 : index
    %swap3A_598 = arith.constant 15 : index
    %swap3A_599 = arith.constant 0 : index
    %swap3A_600 = vector.load %arg5[%swap3A_597, %swap3A_598, %swap3A_599] : memref<1x32x256xi32, #tpu.memory_space<vmem>>, vector<1x1x256xi32>
    %swap3A_601 = vector.shape_cast %swap3A_600 : vector<1x1x256xi32> to vector<256xi32>
    %swap3A_602 = vector.shape_cast %reduce_min3A_596 : vector<256xi32> to vector<1x1x256xi32>
    tpu.vector_store %arg5[%swap3A_597, %swap3A_598, %swap3A_599], %swap3A_602 {strides = array<i32>} : memref<1x32x256xi32, #tpu.memory_space<vmem>>, vector<1x1x256xi32>,
    %broadcast_in_dim3A_603 = vector.shape_cast %reduce_min3A_596 : vector<256xi32> to vector<1x256xi32>
    %eq3A_604 = vector.broadcast %broadcast_in_dim3A_603 : vector<1x256xi32> to vector<256x256xi32>
    %eq3A_605 = arith.cmpi eq, %iota3A, %eq3A_604 : vector<256x256xi32>
    %jit3A_606 = arith.constant 0x7F800000 : f32
    %broadcast_in_dim3A_607 = vector.broadcast %jit3A_606 : f32 to vector<256x256xf32>
    %select_n3A_608 = arith.select %eq3A_605, %broadcast_in_dim3A_607, %select_n3A_586 : vector<256x256xi1>, vector<256x256xf32>
    %reduce_min3A_609 = arith.constant dense<0x7F800000> : vector<256xf32>
    %reduce_min3A_610 = vector.multi_reduction <minimumf>, %select_n3A_608, %reduce_min3A_609 [0] : vector<256x256xf32> to vector<256xf32>
    %broadcast_in_dim3A_611 = vector.shape_cast %reduce_min3A_610 : vector<256xf32> to vector<1x256xf32>
    %eq3A_612 = vector.broadcast %broadcast_in_dim3A_611 : vector<1x256xf32> to vector<256x256xf32>
    %eq3A_613 = arith.cmpf oeq, %select_n3A_608, %eq3A_612 : vector<256x256xf32>
    %jit3A_614 = arith.constant 257 : i32
    %broadcast_in_dim3A_615 = vector.broadcast %jit3A_614 : i32 to vector<256x256xi32>
    %select_n3A_616 = arith.select %eq3A_613, %iota3A, %broadcast_in_dim3A_615 : vector<256x256xi1>, vector<256x256xi32>
    %reduce_min3A_617 = arith.constant dense<2147483647> : vector<256xi32>
    %reduce_min3A_618 = vector.multi_reduction <minsi>, %select_n3A_616, %reduce_min3A_617 [0] : vector<256x256xi32> to vector<256xi32>
    %swap3A_619 = arith.constant 0 : index
    %swap3A_620 = arith.constant 16 : index
    %swap3A_621 = arith.constant 0 : index
    %swap3A_622 = vector.load %arg5[%swap3A_619, %swap3A_620, %swap3A_621] : memref<1x32x256xi32, #tpu.memory_space<vmem>>, vector<1x1x256xi32>
    %swap3A_623 = vector.shape_cast %swap3A_622 : vector<1x1x256xi32> to vector<256xi32>
    %swap3A_624 = vector.shape_cast %reduce_min3A_618 : vector<256xi32> to vector<1x1x256xi32>
    tpu.vector_store %arg5[%swap3A_619, %swap3A_620, %swap3A_621], %swap3A_624 {strides = array<i32>} : memref<1x32x256xi32, #tpu.memory_space<vmem>>, vector<1x1x256xi32>,
    %broadcast_in_dim3A_625 = vector.shape_cast %reduce_min3A_618 : vector<256xi32> to vector<1x256xi32>
    %eq3A_626 = vector.broadcast %broadcast_in_dim3A_625 : vector<1x256xi32> to vector<256x256xi32>
    %eq3A_627 = arith.cmpi eq, %iota3A, %eq3A_626 : vector<256x256xi32>
    %jit3A_628 = arith.constant 0x7F800000 : f32
    %broadcast_in_dim3A_629 = vector.broadcast %jit3A_628 : f32 to vector<256x256xf32>
    %select_n3A_630 = arith.select %eq3A_627, %broadcast_in_dim3A_629, %select_n3A_608 : vector<256x256xi1>, vector<256x256xf32>
    %reduce_min3A_631 = arith.constant dense<0x7F800000> : vector<256xf32>
    %reduce_min3A_632 = vector.multi_reduction <minimumf>, %select_n3A_630, %reduce_min3A_631 [0] : vector<256x256xf32> to vector<256xf32>
    %broadcast_in_dim3A_633 = vector.shape_cast %reduce_min3A_632 : vector<256xf32> to vector<1x256xf32>
    %eq3A_634 = vector.broadcast %broadcast_in_dim3A_633 : vector<1x256xf32> to vector<256x256xf32>
    %eq3A_635 = arith.cmpf oeq, %select_n3A_630, %eq3A_634 : vector<256x256xf32>
    %jit3A_636 = arith.constant 257 : i32
    %broadcast_in_dim3A_637 = vector.broadcast %jit3A_636 : i32 to vector<256x256xi32>
    %select_n3A_638 = arith.select %eq3A_635, %iota3A, %broadcast_in_dim3A_637 : vector<256x256xi1>, vector<256x256xi32>
    %reduce_min3A_639 = arith.constant dense<2147483647> : vector<256xi32>
    %reduce_min3A_640 = vector.multi_reduction <minsi>, %select_n3A_638, %reduce_min3A_639 [0] : vector<256x256xi32> to vector<256xi32>
    %swap3A_641 = arith.constant 0 : index
    %swap3A_642 = arith.constant 17 : index
    %swap3A_643 = arith.constant 0 : index
    %swap3A_644 = vector.load %arg5[%swap3A_641, %swap3A_642, %swap3A_643] : memref<1x32x256xi32, #tpu.memory_space<vmem>>, vector<1x1x256xi32>
    %swap3A_645 = vector.shape_cast %swap3A_644 : vector<1x1x256xi32> to vector<256xi32>
    %swap3A_646 = vector.shape_cast %reduce_min3A_640 : vector<256xi32> to vector<1x1x256xi32>
    tpu.vector_store %arg5[%swap3A_641, %swap3A_642, %swap3A_643], %swap3A_646 {strides = array<i32>} : memref<1x32x256xi32, #tpu.memory_space<vmem>>, vector<1x1x256xi32>,
    %broadcast_in_dim3A_647 = vector.shape_cast %reduce_min3A_640 : vector<256xi32> to vector<1x256xi32>
    %eq3A_648 = vector.broadcast %broadcast_in_dim3A_647 : vector<1x256xi32> to vector<256x256xi32>
    %eq3A_649 = arith.cmpi eq, %iota3A, %eq3A_648 : vector<256x256xi32>
    %jit3A_650 = arith.constant 0x7F800000 : f32
    %broadcast_in_dim3A_651 = vector.broadcast %jit3A_650 : f32 to vector<256x256xf32>
    %select_n3A_652 = arith.select %eq3A_649, %broadcast_in_dim3A_651, %select_n3A_630 : vector<256x256xi1>, vector<256x256xf32>
    %reduce_min3A_653 = arith.constant dense<0x7F800000> : vector<256xf32>
    %reduce_min3A_654 = vector.multi_reduction <minimumf>, %select_n3A_652, %reduce_min3A_653 [0] : vector<256x256xf32> to vector<256xf32>
    %broadcast_in_dim3A_655 = vector.shape_cast %reduce_min3A_654 : vector<256xf32> to vector<1x256xf32>
    %eq3A_656 = vector.broadcast %broadcast_in_dim3A_655 : vector<1x256xf32> to vector<256x256xf32>
    %eq3A_657 = arith.cmpf oeq, %select_n3A_652, %eq3A_656 : vector<256x256xf32>
    %jit3A_658 = arith.constant 257 : i32
    %broadcast_in_dim3A_659 = vector.broadcast %jit3A_658 : i32 to vector<256x256xi32>
    %select_n3A_660 = arith.select %eq3A_657, %iota3A, %broadcast_in_dim3A_659 : vector<256x256xi1>, vector<256x256xi32>
    %reduce_min3A_661 = arith.constant dense<2147483647> : vector<256xi32>
    %reduce_min3A_662 = vector.multi_reduction <minsi>, %select_n3A_660, %reduce_min3A_661 [0] : vector<256x256xi32> to vector<256xi32>
    %swap3A_663 = arith.constant 0 : index
    %swap3A_664 = arith.constant 18 : index
    %swap3A_665 = arith.constant 0 : index
    %swap3A_666 = vector.load %arg5[%swap3A_663, %swap3A_664, %swap3A_665] : memref<1x32x256xi32, #tpu.memory_space<vmem>>, vector<1x1x256xi32>
    %swap3A_667 = vector.shape_cast %swap3A_666 : vector<1x1x256xi32> to vector<256xi32>
    %swap3A_668 = vector.shape_cast %reduce_min3A_662 : vector<256xi32> to vector<1x1x256xi32>
    tpu.vector_store %arg5[%swap3A_663, %swap3A_664, %swap3A_665], %swap3A_668 {strides = array<i32>} : memref<1x32x256xi32, #tpu.memory_space<vmem>>, vector<1x1x256xi32>,
    %broadcast_in_dim3A_669 = vector.shape_cast %reduce_min3A_662 : vector<256xi32> to vector<1x256xi32>
    %eq3A_670 = vector.broadcast %broadcast_in_dim3A_669 : vector<1x256xi32> to vector<256x256xi32>
    %eq3A_671 = arith.cmpi eq, %iota3A, %eq3A_670 : vector<256x256xi32>
    %jit3A_672 = arith.constant 0x7F800000 : f32
    %broadcast_in_dim3A_673 = vector.broadcast %jit3A_672 : f32 to vector<256x256xf32>
    %select_n3A_674 = arith.select %eq3A_671, %broadcast_in_dim3A_673, %select_n3A_652 : vector<256x256xi1>, vector<256x256xf32>
    %reduce_min3A_675 = arith.constant dense<0x7F800000> : vector<256xf32>
    %reduce_min3A_676 = vector.multi_reduction <minimumf>, %select_n3A_674, %reduce_min3A_675 [0] : vector<256x256xf32> to vector<256xf32>
    %broadcast_in_dim3A_677 = vector.shape_cast %reduce_min3A_676 : vector<256xf32> to vector<1x256xf32>
    %eq3A_678 = vector.broadcast %broadcast_in_dim3A_677 : vector<1x256xf32> to vector<256x256xf32>
    %eq3A_679 = arith.cmpf oeq, %select_n3A_674, %eq3A_678 : vector<256x256xf32>
    %jit3A_680 = arith.constant 257 : i32
    %broadcast_in_dim3A_681 = vector.broadcast %jit3A_680 : i32 to vector<256x256xi32>
    %select_n3A_682 = arith.select %eq3A_679, %iota3A, %broadcast_in_dim3A_681 : vector<256x256xi1>, vector<256x256xi32>
    %reduce_min3A_683 = arith.constant dense<2147483647> : vector<256xi32>
    %reduce_min3A_684 = vector.multi_reduction <minsi>, %select_n3A_682, %reduce_min3A_683 [0] : vector<256x256xi32> to vector<256xi32>
    %swap3A_685 = arith.constant 0 : index
    %swap3A_686 = arith.constant 19 : index
    %swap3A_687 = arith.constant 0 : index
    %swap3A_688 = vector.load %arg5[%swap3A_685, %swap3A_686, %swap3A_687] : memref<1x32x256xi32, #tpu.memory_space<vmem>>, vector<1x1x256xi32>
    %swap3A_689 = vector.shape_cast %swap3A_688 : vector<1x1x256xi32> to vector<256xi32>
    %swap3A_690 = vector.shape_cast %reduce_min3A_684 : vector<256xi32> to vector<1x1x256xi32>
    tpu.vector_store %arg5[%swap3A_685, %swap3A_686, %swap3A_687], %swap3A_690 {strides = array<i32>} : memref<1x32x256xi32, #tpu.memory_space<vmem>>, vector<1x1x256xi32>,
    %broadcast_in_dim3A_691 = vector.shape_cast %reduce_min3A_684 : vector<256xi32> to vector<1x256xi32>
    %eq3A_692 = vector.broadcast %broadcast_in_dim3A_691 : vector<1x256xi32> to vector<256x256xi32>
    %eq3A_693 = arith.cmpi eq, %iota3A, %eq3A_692 : vector<256x256xi32>
    %jit3A_694 = arith.constant 0x7F800000 : f32
    %broadcast_in_dim3A_695 = vector.broadcast %jit3A_694 : f32 to vector<256x256xf32>
    %select_n3A_696 = arith.select %eq3A_693, %broadcast_in_dim3A_695, %select_n3A_674 : vector<256x256xi1>, vector<256x256xf32>
    %reduce_min3A_697 = arith.constant dense<0x7F800000> : vector<256xf32>
    %reduce_min3A_698 = vector.multi_reduction <minimumf>, %select_n3A_696, %reduce_min3A_697 [0] : vector<256x256xf32> to vector<256xf32>
    %broadcast_in_dim3A_699 = vector.shape_cast %reduce_min3A_698 : vector<256xf32> to vector<1x256xf32>
    %eq3A_700 = vector.broadcast %broadcast_in_dim3A_699 : vector<1x256xf32> to vector<256x256xf32>
    %eq3A_701 = arith.cmpf oeq, %select_n3A_696, %eq3A_700 : vector<256x256xf32>
    %jit3A_702 = arith.constant 257 : i32
    %broadcast_in_dim3A_703 = vector.broadcast %jit3A_702 : i32 to vector<256x256xi32>
    %select_n3A_704 = arith.select %eq3A_701, %iota3A, %broadcast_in_dim3A_703 : vector<256x256xi1>, vector<256x256xi32>
    %reduce_min3A_705 = arith.constant dense<2147483647> : vector<256xi32>
    %reduce_min3A_706 = vector.multi_reduction <minsi>, %select_n3A_704, %reduce_min3A_705 [0] : vector<256x256xi32> to vector<256xi32>
    %swap3A_707 = arith.constant 0 : index
    %swap3A_708 = arith.constant 20 : index
    %swap3A_709 = arith.constant 0 : index
    %swap3A_710 = vector.load %arg5[%swap3A_707, %swap3A_708, %swap3A_709] : memref<1x32x256xi32, #tpu.memory_space<vmem>>, vector<1x1x256xi32>
    %swap3A_711 = vector.shape_cast %swap3A_710 : vector<1x1x256xi32> to vector<256xi32>
    %swap3A_712 = vector.shape_cast %reduce_min3A_706 : vector<256xi32> to vector<1x1x256xi32>
    tpu.vector_store %arg5[%swap3A_707, %swap3A_708, %swap3A_709], %swap3A_712 {strides = array<i32>} : memref<1x32x256xi32, #tpu.memory_space<vmem>>, vector<1x1x256xi32>,
    %broadcast_in_dim3A_713 = vector.shape_cast %reduce_min3A_706 : vector<256xi32> to vector<1x256xi32>
    %eq3A_714 = vector.broadcast %broadcast_in_dim3A_713 : vector<1x256xi32> to vector<256x256xi32>
    %eq3A_715 = arith.cmpi eq, %iota3A, %eq3A_714 : vector<256x256xi32>
    %jit3A_716 = arith.constant 0x7F800000 : f32
    %broadcast_in_dim3A_717 = vector.broadcast %jit3A_716 : f32 to vector<256x256xf32>
    %select_n3A_718 = arith.select %eq3A_715, %broadcast_in_dim3A_717, %select_n3A_696 : vector<256x256xi1>, vector<256x256xf32>
    %reduce_min3A_719 = arith.constant dense<0x7F800000> : vector<256xf32>
    %reduce_min3A_720 = vector.multi_reduction <minimumf>, %select_n3A_718, %reduce_min3A_719 [0] : vector<256x256xf32> to vector<256xf32>
    %broadcast_in_dim3A_721 = vector.shape_cast %reduce_min3A_720 : vector<256xf32> to vector<1x256xf32>
    %eq3A_722 = vector.broadcast %broadcast_in_dim3A_721 : vector<1x256xf32> to vector<256x256xf32>
    %eq3A_723 = arith.cmpf oeq, %select_n3A_718, %eq3A_722 : vector<256x256xf32>
    %jit3A_724 = arith.constant 257 : i32
    %broadcast_in_dim3A_725 = vector.broadcast %jit3A_724 : i32 to vector<256x256xi32>
    %select_n3A_726 = arith.select %eq3A_723, %iota3A, %broadcast_in_dim3A_725 : vector<256x256xi1>, vector<256x256xi32>
    %reduce_min3A_727 = arith.constant dense<2147483647> : vector<256xi32>
    %reduce_min3A_728 = vector.multi_reduction <minsi>, %select_n3A_726, %reduce_min3A_727 [0] : vector<256x256xi32> to vector<256xi32>
    %swap3A_729 = arith.constant 0 : index
    %swap3A_730 = arith.constant 21 : index
    %swap3A_731 = arith.constant 0 : index
    %swap3A_732 = vector.load %arg5[%swap3A_729, %swap3A_730, %swap3A_731] : memref<1x32x256xi32, #tpu.memory_space<vmem>>, vector<1x1x256xi32>
    %swap3A_733 = vector.shape_cast %swap3A_732 : vector<1x1x256xi32> to vector<256xi32>
    %swap3A_734 = vector.shape_cast %reduce_min3A_728 : vector<256xi32> to vector<1x1x256xi32>
    tpu.vector_store %arg5[%swap3A_729, %swap3A_730, %swap3A_731], %swap3A_734 {strides = array<i32>} : memref<1x32x256xi32, #tpu.memory_space<vmem>>, vector<1x1x256xi32>,
    %broadcast_in_dim3A_735 = vector.shape_cast %reduce_min3A_728 : vector<256xi32> to vector<1x256xi32>
    %eq3A_736 = vector.broadcast %broadcast_in_dim3A_735 : vector<1x256xi32> to vector<256x256xi32>
    %eq3A_737 = arith.cmpi eq, %iota3A, %eq3A_736 : vector<256x256xi32>
    %jit3A_738 = arith.constant 0x7F800000 : f32
    %broadcast_in_dim3A_739 = vector.broadcast %jit3A_738 : f32 to vector<256x256xf32>
    %select_n3A_740 = arith.select %eq3A_737, %broadcast_in_dim3A_739, %select_n3A_718 : vector<256x256xi1>, vector<256x256xf32>
    %reduce_min3A_741 = arith.constant dense<0x7F800000> : vector<256xf32>
    %reduce_min3A_742 = vector.multi_reduction <minimumf>, %select_n3A_740, %reduce_min3A_741 [0] : vector<256x256xf32> to vector<256xf32>
    %broadcast_in_dim3A_743 = vector.shape_cast %reduce_min3A_742 : vector<256xf32> to vector<1x256xf32>
    %eq3A_744 = vector.broadcast %broadcast_in_dim3A_743 : vector<1x256xf32> to vector<256x256xf32>
    %eq3A_745 = arith.cmpf oeq, %select_n3A_740, %eq3A_744 : vector<256x256xf32>
    %jit3A_746 = arith.constant 257 : i32
    %broadcast_in_dim3A_747 = vector.broadcast %jit3A_746 : i32 to vector<256x256xi32>
    %select_n3A_748 = arith.select %eq3A_745, %iota3A, %broadcast_in_dim3A_747 : vector<256x256xi1>, vector<256x256xi32>
    %reduce_min3A_749 = arith.constant dense<2147483647> : vector<256xi32>
    %reduce_min3A_750 = vector.multi_reduction <minsi>, %select_n3A_748, %reduce_min3A_749 [0] : vector<256x256xi32> to vector<256xi32>
    %swap3A_751 = arith.constant 0 : index
    %swap3A_752 = arith.constant 22 : index
    %swap3A_753 = arith.constant 0 : index
    %swap3A_754 = vector.load %arg5[%swap3A_751, %swap3A_752, %swap3A_753] : memref<1x32x256xi32, #tpu.memory_space<vmem>>, vector<1x1x256xi32>
    %swap3A_755 = vector.shape_cast %swap3A_754 : vector<1x1x256xi32> to vector<256xi32>
    %swap3A_756 = vector.shape_cast %reduce_min3A_750 : vector<256xi32> to vector<1x1x256xi32>
    tpu.vector_store %arg5[%swap3A_751, %swap3A_752, %swap3A_753], %swap3A_756 {strides = array<i32>} : memref<1x32x256xi32, #tpu.memory_space<vmem>>, vector<1x1x256xi32>,
    %broadcast_in_dim3A_757 = vector.shape_cast %reduce_min3A_750 : vector<256xi32> to vector<1x256xi32>
    %eq3A_758 = vector.broadcast %broadcast_in_dim3A_757 : vector<1x256xi32> to vector<256x256xi32>
    %eq3A_759 = arith.cmpi eq, %iota3A, %eq3A_758 : vector<256x256xi32>
    %jit3A_760 = arith.constant 0x7F800000 : f32
    %broadcast_in_dim3A_761 = vector.broadcast %jit3A_760 : f32 to vector<256x256xf32>
    %select_n3A_762 = arith.select %eq3A_759, %broadcast_in_dim3A_761, %select_n3A_740 : vector<256x256xi1>, vector<256x256xf32>
    %reduce_min3A_763 = arith.constant dense<0x7F800000> : vector<256xf32>
    %reduce_min3A_764 = vector.multi_reduction <minimumf>, %select_n3A_762, %reduce_min3A_763 [0] : vector<256x256xf32> to vector<256xf32>
    %broadcast_in_dim3A_765 = vector.shape_cast %reduce_min3A_764 : vector<256xf32> to vector<1x256xf32>
    %eq3A_766 = vector.broadcast %broadcast_in_dim3A_765 : vector<1x256xf32> to vector<256x256xf32>
    %eq3A_767 = arith.cmpf oeq, %select_n3A_762, %eq3A_766 : vector<256x256xf32>
    %jit3A_768 = arith.constant 257 : i32
    %broadcast_in_dim3A_769 = vector.broadcast %jit3A_768 : i32 to vector<256x256xi32>
    %select_n3A_770 = arith.select %eq3A_767, %iota3A, %broadcast_in_dim3A_769 : vector<256x256xi1>, vector<256x256xi32>
    %reduce_min3A_771 = arith.constant dense<2147483647> : vector<256xi32>
    %reduce_min3A_772 = vector.multi_reduction <minsi>, %select_n3A_770, %reduce_min3A_771 [0] : vector<256x256xi32> to vector<256xi32>
    %swap3A_773 = arith.constant 0 : index
    %swap3A_774 = arith.constant 23 : index
    %swap3A_775 = arith.constant 0 : index
    %swap3A_776 = vector.load %arg5[%swap3A_773, %swap3A_774, %swap3A_775] : memref<1x32x256xi32, #tpu.memory_space<vmem>>, vector<1x1x256xi32>
    %swap3A_777 = vector.shape_cast %swap3A_776 : vector<1x1x256xi32> to vector<256xi32>
    %swap3A_778 = vector.shape_cast %reduce_min3A_772 : vector<256xi32> to vector<1x1x256xi32>
    tpu.vector_store %arg5[%swap3A_773, %swap3A_774, %swap3A_775], %swap3A_778 {strides = array<i32>} : memref<1x32x256xi32, #tpu.memory_space<vmem>>, vector<1x1x256xi32>,
    %broadcast_in_dim3A_779 = vector.shape_cast %reduce_min3A_772 : vector<256xi32> to vector<1x256xi32>
    %eq3A_780 = vector.broadcast %broadcast_in_dim3A_779 : vector<1x256xi32> to vector<256x256xi32>
    %eq3A_781 = arith.cmpi eq, %iota3A, %eq3A_780 : vector<256x256xi32>
    %jit3A_782 = arith.constant 0x7F800000 : f32
    %broadcast_in_dim3A_783 = vector.broadcast %jit3A_782 : f32 to vector<256x256xf32>
    %select_n3A_784 = arith.select %eq3A_781, %broadcast_in_dim3A_783, %select_n3A_762 : vector<256x256xi1>, vector<256x256xf32>
    %reduce_min3A_785 = arith.constant dense<0x7F800000> : vector<256xf32>
    %reduce_min3A_786 = vector.multi_reduction <minimumf>, %select_n3A_784, %reduce_min3A_785 [0] : vector<256x256xf32> to vector<256xf32>
    %broadcast_in_dim3A_787 = vector.shape_cast %reduce_min3A_786 : vector<256xf32> to vector<1x256xf32>
    %eq3A_788 = vector.broadcast %broadcast_in_dim3A_787 : vector<1x256xf32> to vector<256x256xf32>
    %eq3A_789 = arith.cmpf oeq, %select_n3A_784, %eq3A_788 : vector<256x256xf32>
    %jit3A_790 = arith.constant 257 : i32
    %broadcast_in_dim3A_791 = vector.broadcast %jit3A_790 : i32 to vector<256x256xi32>
    %select_n3A_792 = arith.select %eq3A_789, %iota3A, %broadcast_in_dim3A_791 : vector<256x256xi1>, vector<256x256xi32>
    %reduce_min3A_793 = arith.constant dense<2147483647> : vector<256xi32>
    %reduce_min3A_794 = vector.multi_reduction <minsi>, %select_n3A_792, %reduce_min3A_793 [0] : vector<256x256xi32> to vector<256xi32>
    %swap3A_795 = arith.constant 0 : index
    %swap3A_796 = arith.constant 24 : index
    %swap3A_797 = arith.constant 0 : index
    %swap3A_798 = vector.load %arg5[%swap3A_795, %swap3A_796, %swap3A_797] : memref<1x32x256xi32, #tpu.memory_space<vmem>>, vector<1x1x256xi32>
    %swap3A_799 = vector.shape_cast %swap3A_798 : vector<1x1x256xi32> to vector<256xi32>
    %swap3A_800 = vector.shape_cast %reduce_min3A_794 : vector<256xi32> to vector<1x1x256xi32>
    tpu.vector_store %arg5[%swap3A_795, %swap3A_796, %swap3A_797], %swap3A_800 {strides = array<i32>} : memref<1x32x256xi32, #tpu.memory_space<vmem>>, vector<1x1x256xi32>,
    %broadcast_in_dim3A_801 = vector.shape_cast %reduce_min3A_794 : vector<256xi32> to vector<1x256xi32>
    %eq3A_802 = vector.broadcast %broadcast_in_dim3A_801 : vector<1x256xi32> to vector<256x256xi32>
    %eq3A_803 = arith.cmpi eq, %iota3A, %eq3A_802 : vector<256x256xi32>
    %jit3A_804 = arith.constant 0x7F800000 : f32
    %broadcast_in_dim3A_805 = vector.broadcast %jit3A_804 : f32 to vector<256x256xf32>
    %select_n3A_806 = arith.select %eq3A_803, %broadcast_in_dim3A_805, %select_n3A_784 : vector<256x256xi1>, vector<256x256xf32>
    %reduce_min3A_807 = arith.constant dense<0x7F800000> : vector<256xf32>
    %reduce_min3A_808 = vector.multi_reduction <minimumf>, %select_n3A_806, %reduce_min3A_807 [0] : vector<256x256xf32> to vector<256xf32>
    %broadcast_in_dim3A_809 = vector.shape_cast %reduce_min3A_808 : vector<256xf32> to vector<1x256xf32>
    %eq3A_810 = vector.broadcast %broadcast_in_dim3A_809 : vector<1x256xf32> to vector<256x256xf32>
    %eq3A_811 = arith.cmpf oeq, %select_n3A_806, %eq3A_810 : vector<256x256xf32>
    %jit3A_812 = arith.constant 257 : i32
    %broadcast_in_dim3A_813 = vector.broadcast %jit3A_812 : i32 to vector<256x256xi32>
    %select_n3A_814 = arith.select %eq3A_811, %iota3A, %broadcast_in_dim3A_813 : vector<256x256xi1>, vector<256x256xi32>
    %reduce_min3A_815 = arith.constant dense<2147483647> : vector<256xi32>
    %reduce_min3A_816 = vector.multi_reduction <minsi>, %select_n3A_814, %reduce_min3A_815 [0] : vector<256x256xi32> to vector<256xi32>
    %swap3A_817 = arith.constant 0 : index
    %swap3A_818 = arith.constant 25 : index
    %swap3A_819 = arith.constant 0 : index
    %swap3A_820 = vector.load %arg5[%swap3A_817, %swap3A_818, %swap3A_819] : memref<1x32x256xi32, #tpu.memory_space<vmem>>, vector<1x1x256xi32>
    %swap3A_821 = vector.shape_cast %swap3A_820 : vector<1x1x256xi32> to vector<256xi32>
    %swap3A_822 = vector.shape_cast %reduce_min3A_816 : vector<256xi32> to vector<1x1x256xi32>
    tpu.vector_store %arg5[%swap3A_817, %swap3A_818, %swap3A_819], %swap3A_822 {strides = array<i32>} : memref<1x32x256xi32, #tpu.memory_space<vmem>>, vector<1x1x256xi32>,
    %broadcast_in_dim3A_823 = vector.shape_cast %reduce_min3A_816 : vector<256xi32> to vector<1x256xi32>
    %eq3A_824 = vector.broadcast %broadcast_in_dim3A_823 : vector<1x256xi32> to vector<256x256xi32>
    %eq3A_825 = arith.cmpi eq, %iota3A, %eq3A_824 : vector<256x256xi32>
    %jit3A_826 = arith.constant 0x7F800000 : f32
    %broadcast_in_dim3A_827 = vector.broadcast %jit3A_826 : f32 to vector<256x256xf32>
    %select_n3A_828 = arith.select %eq3A_825, %broadcast_in_dim3A_827, %select_n3A_806 : vector<256x256xi1>, vector<256x256xf32>
    %reduce_min3A_829 = arith.constant dense<0x7F800000> : vector<256xf32>
    %reduce_min3A_830 = vector.multi_reduction <minimumf>, %select_n3A_828, %reduce_min3A_829 [0] : vector<256x256xf32> to vector<256xf32>
    %broadcast_in_dim3A_831 = vector.shape_cast %reduce_min3A_830 : vector<256xf32> to vector<1x256xf32>
    %eq3A_832 = vector.broadcast %broadcast_in_dim3A_831 : vector<1x256xf32> to vector<256x256xf32>
    %eq3A_833 = arith.cmpf oeq, %select_n3A_828, %eq3A_832 : vector<256x256xf32>
    %jit3A_834 = arith.constant 257 : i32
    %broadcast_in_dim3A_835 = vector.broadcast %jit3A_834 : i32 to vector<256x256xi32>
    %select_n3A_836 = arith.select %eq3A_833, %iota3A, %broadcast_in_dim3A_835 : vector<256x256xi1>, vector<256x256xi32>
    %reduce_min3A_837 = arith.constant dense<2147483647> : vector<256xi32>
    %reduce_min3A_838 = vector.multi_reduction <minsi>, %select_n3A_836, %reduce_min3A_837 [0] : vector<256x256xi32> to vector<256xi32>
    %swap3A_839 = arith.constant 0 : index
    %swap3A_840 = arith.constant 26 : index
    %swap3A_841 = arith.constant 0 : index
    %swap3A_842 = vector.load %arg5[%swap3A_839, %swap3A_840, %swap3A_841] : memref<1x32x256xi32, #tpu.memory_space<vmem>>, vector<1x1x256xi32>
    %swap3A_843 = vector.shape_cast %swap3A_842 : vector<1x1x256xi32> to vector<256xi32>
    %swap3A_844 = vector.shape_cast %reduce_min3A_838 : vector<256xi32> to vector<1x1x256xi32>
    tpu.vector_store %arg5[%swap3A_839, %swap3A_840, %swap3A_841], %swap3A_844 {strides = array<i32>} : memref<1x32x256xi32, #tpu.memory_space<vmem>>, vector<1x1x256xi32>,
    %broadcast_in_dim3A_845 = vector.shape_cast %reduce_min3A_838 : vector<256xi32> to vector<1x256xi32>
    %eq3A_846 = vector.broadcast %broadcast_in_dim3A_845 : vector<1x256xi32> to vector<256x256xi32>
    %eq3A_847 = arith.cmpi eq, %iota3A, %eq3A_846 : vector<256x256xi32>
    %jit3A_848 = arith.constant 0x7F800000 : f32
    %broadcast_in_dim3A_849 = vector.broadcast %jit3A_848 : f32 to vector<256x256xf32>
    %select_n3A_850 = arith.select %eq3A_847, %broadcast_in_dim3A_849, %select_n3A_828 : vector<256x256xi1>, vector<256x256xf32>
    %reduce_min3A_851 = arith.constant dense<0x7F800000> : vector<256xf32>
    %reduce_min3A_852 = vector.multi_reduction <minimumf>, %select_n3A_850, %reduce_min3A_851 [0] : vector<256x256xf32> to vector<256xf32>
    %broadcast_in_dim3A_853 = vector.shape_cast %reduce_min3A_852 : vector<256xf32> to vector<1x256xf32>
    %eq3A_854 = vector.broadcast %broadcast_in_dim3A_853 : vector<1x256xf32> to vector<256x256xf32>
    %eq3A_855 = arith.cmpf oeq, %select_n3A_850, %eq3A_854 : vector<256x256xf32>
    %jit3A_856 = arith.constant 257 : i32
    %broadcast_in_dim3A_857 = vector.broadcast %jit3A_856 : i32 to vector<256x256xi32>
    %select_n3A_858 = arith.select %eq3A_855, %iota3A, %broadcast_in_dim3A_857 : vector<256x256xi1>, vector<256x256xi32>
    %reduce_min3A_859 = arith.constant dense<2147483647> : vector<256xi32>
    %reduce_min3A_860 = vector.multi_reduction <minsi>, %select_n3A_858, %reduce_min3A_859 [0] : vector<256x256xi32> to vector<256xi32>
    %swap3A_861 = arith.constant 0 : index
    %swap3A_862 = arith.constant 27 : index
    %swap3A_863 = arith.constant 0 : index
    %swap3A_864 = vector.load %arg5[%swap3A_861, %swap3A_862, %swap3A_863] : memref<1x32x256xi32, #tpu.memory_space<vmem>>, vector<1x1x256xi32>
    %swap3A_865 = vector.shape_cast %swap3A_864 : vector<1x1x256xi32> to vector<256xi32>
    %swap3A_866 = vector.shape_cast %reduce_min3A_860 : vector<256xi32> to vector<1x1x256xi32>
    tpu.vector_store %arg5[%swap3A_861, %swap3A_862, %swap3A_863], %swap3A_866 {strides = array<i32>} : memref<1x32x256xi32, #tpu.memory_space<vmem>>, vector<1x1x256xi32>,
    %broadcast_in_dim3A_867 = vector.shape_cast %reduce_min3A_860 : vector<256xi32> to vector<1x256xi32>
    %eq3A_868 = vector.broadcast %broadcast_in_dim3A_867 : vector<1x256xi32> to vector<256x256xi32>
    %eq3A_869 = arith.cmpi eq, %iota3A, %eq3A_868 : vector<256x256xi32>
    %jit3A_870 = arith.constant 0x7F800000 : f32
    %broadcast_in_dim3A_871 = vector.broadcast %jit3A_870 : f32 to vector<256x256xf32>
    %select_n3A_872 = arith.select %eq3A_869, %broadcast_in_dim3A_871, %select_n3A_850 : vector<256x256xi1>, vector<256x256xf32>
    %reduce_min3A_873 = arith.constant dense<0x7F800000> : vector<256xf32>
    %reduce_min3A_874 = vector.multi_reduction <minimumf>, %select_n3A_872, %reduce_min3A_873 [0] : vector<256x256xf32> to vector<256xf32>
    %broadcast_in_dim3A_875 = vector.shape_cast %reduce_min3A_874 : vector<256xf32> to vector<1x256xf32>
    %eq3A_876 = vector.broadcast %broadcast_in_dim3A_875 : vector<1x256xf32> to vector<256x256xf32>
    %eq3A_877 = arith.cmpf oeq, %select_n3A_872, %eq3A_876 : vector<256x256xf32>
    %jit3A_878 = arith.constant 257 : i32
    %broadcast_in_dim3A_879 = vector.broadcast %jit3A_878 : i32 to vector<256x256xi32>
    %select_n3A_880 = arith.select %eq3A_877, %iota3A, %broadcast_in_dim3A_879 : vector<256x256xi1>, vector<256x256xi32>
    %reduce_min3A_881 = arith.constant dense<2147483647> : vector<256xi32>
    %reduce_min3A_882 = vector.multi_reduction <minsi>, %select_n3A_880, %reduce_min3A_881 [0] : vector<256x256xi32> to vector<256xi32>
    %swap3A_883 = arith.constant 0 : index
    %swap3A_884 = arith.constant 28 : index
    %swap3A_885 = arith.constant 0 : index
    %swap3A_886 = vector.load %arg5[%swap3A_883, %swap3A_884, %swap3A_885] : memref<1x32x256xi32, #tpu.memory_space<vmem>>, vector<1x1x256xi32>
    %swap3A_887 = vector.shape_cast %swap3A_886 : vector<1x1x256xi32> to vector<256xi32>
    %swap3A_888 = vector.shape_cast %reduce_min3A_882 : vector<256xi32> to vector<1x1x256xi32>
    tpu.vector_store %arg5[%swap3A_883, %swap3A_884, %swap3A_885], %swap3A_888 {strides = array<i32>} : memref<1x32x256xi32, #tpu.memory_space<vmem>>, vector<1x1x256xi32>,
    %broadcast_in_dim3A_889 = vector.shape_cast %reduce_min3A_882 : vector<256xi32> to vector<1x256xi32>
    %eq3A_890 = vector.broadcast %broadcast_in_dim3A_889 : vector<1x256xi32> to vector<256x256xi32>
    %eq3A_891 = arith.cmpi eq, %iota3A, %eq3A_890 : vector<256x256xi32>
    %jit3A_892 = arith.constant 0x7F800000 : f32
    %broadcast_in_dim3A_893 = vector.broadcast %jit3A_892 : f32 to vector<256x256xf32>
    %select_n3A_894 = arith.select %eq3A_891, %broadcast_in_dim3A_893, %select_n3A_872 : vector<256x256xi1>, vector<256x256xf32>
    %reduce_min3A_895 = arith.constant dense<0x7F800000> : vector<256xf32>
    %reduce_min3A_896 = vector.multi_reduction <minimumf>, %select_n3A_894, %reduce_min3A_895 [0] : vector<256x256xf32> to vector<256xf32>
    %broadcast_in_dim3A_897 = vector.shape_cast %reduce_min3A_896 : vector<256xf32> to vector<1x256xf32>
    %eq3A_898 = vector.broadcast %broadcast_in_dim3A_897 : vector<1x256xf32> to vector<256x256xf32>
    %eq3A_899 = arith.cmpf oeq, %select_n3A_894, %eq3A_898 : vector<256x256xf32>
    %jit3A_900 = arith.constant 257 : i32
    %broadcast_in_dim3A_901 = vector.broadcast %jit3A_900 : i32 to vector<256x256xi32>
    %select_n3A_902 = arith.select %eq3A_899, %iota3A, %broadcast_in_dim3A_901 : vector<256x256xi1>, vector<256x256xi32>
    %reduce_min3A_903 = arith.constant dense<2147483647> : vector<256xi32>
    %reduce_min3A_904 = vector.multi_reduction <minsi>, %select_n3A_902, %reduce_min3A_903 [0] : vector<256x256xi32> to vector<256xi32>
    %swap3A_905 = arith.constant 0 : index
    %swap3A_906 = arith.constant 29 : index
    %swap3A_907 = arith.constant 0 : index
    %swap3A_908 = vector.load %arg5[%swap3A_905, %swap3A_906, %swap3A_907] : memref<1x32x256xi32, #tpu.memory_space<vmem>>, vector<1x1x256xi32>
    %swap3A_909 = vector.shape_cast %swap3A_908 : vector<1x1x256xi32> to vector<256xi32>
    %swap3A_910 = vector.shape_cast %reduce_min3A_904 : vector<256xi32> to vector<1x1x256xi32>
    tpu.vector_store %arg5[%swap3A_905, %swap3A_906, %swap3A_907], %swap3A_910 {strides = array<i32>} : memref<1x32x256xi32, #tpu.memory_space<vmem>>, vector<1x1x256xi32>,
    %broadcast_in_dim3A_911 = vector.shape_cast %reduce_min3A_904 : vector<256xi32> to vector<1x256xi32>
    %eq3A_912 = vector.broadcast %broadcast_in_dim3A_911 : vector<1x256xi32> to vector<256x256xi32>
    %eq3A_913 = arith.cmpi eq, %iota3A, %eq3A_912 : vector<256x256xi32>
    %jit3A_914 = arith.constant 0x7F800000 : f32
    %broadcast_in_dim3A_915 = vector.broadcast %jit3A_914 : f32 to vector<256x256xf32>
    %select_n3A_916 = arith.select %eq3A_913, %broadcast_in_dim3A_915, %select_n3A_894 : vector<256x256xi1>, vector<256x256xf32>
    %reduce_min3A_917 = arith.constant dense<0x7F800000> : vector<256xf32>
    %reduce_min3A_918 = vector.multi_reduction <minimumf>, %select_n3A_916, %reduce_min3A_917 [0] : vector<256x256xf32> to vector<256xf32>
    %broadcast_in_dim3A_919 = vector.shape_cast %reduce_min3A_918 : vector<256xf32> to vector<1x256xf32>
    %eq3A_920 = vector.broadcast %broadcast_in_dim3A_919 : vector<1x256xf32> to vector<256x256xf32>
    %eq3A_921 = arith.cmpf oeq, %select_n3A_916, %eq3A_920 : vector<256x256xf32>
    %jit3A_922 = arith.constant 257 : i32
    %broadcast_in_dim3A_923 = vector.broadcast %jit3A_922 : i32 to vector<256x256xi32>
    %select_n3A_924 = arith.select %eq3A_921, %iota3A, %broadcast_in_dim3A_923 : vector<256x256xi1>, vector<256x256xi32>
    %reduce_min3A_925 = arith.constant dense<2147483647> : vector<256xi32>
    %reduce_min3A_926 = vector.multi_reduction <minsi>, %select_n3A_924, %reduce_min3A_925 [0] : vector<256x256xi32> to vector<256xi32>
    %swap3A_927 = arith.constant 0 : index
    %swap3A_928 = arith.constant 30 : index
    %swap3A_929 = arith.constant 0 : index
    %swap3A_930 = vector.load %arg5[%swap3A_927, %swap3A_928, %swap3A_929] : memref<1x32x256xi32, #tpu.memory_space<vmem>>, vector<1x1x256xi32>
    %swap3A_931 = vector.shape_cast %swap3A_930 : vector<1x1x256xi32> to vector<256xi32>
    %swap3A_932 = vector.shape_cast %reduce_min3A_926 : vector<256xi32> to vector<1x1x256xi32>
    tpu.vector_store %arg5[%swap3A_927, %swap3A_928, %swap3A_929], %swap3A_932 {strides = array<i32>} : memref<1x32x256xi32, #tpu.memory_space<vmem>>, vector<1x1x256xi32>,
    %broadcast_in_dim3A_933 = vector.shape_cast %reduce_min3A_926 : vector<256xi32> to vector<1x256xi32>
    %eq3A_934 = vector.broadcast %broadcast_in_dim3A_933 : vector<1x256xi32> to vector<256x256xi32>
    %eq3A_935 = arith.cmpi eq, %iota3A, %eq3A_934 : vector<256x256xi32>
    %jit3A_936 = arith.constant 0x7F800000 : f32
    %broadcast_in_dim3A_937 = vector.broadcast %jit3A_936 : f32 to vector<256x256xf32>
    %select_n3A_938 = arith.select %eq3A_935, %broadcast_in_dim3A_937, %select_n3A_916 : vector<256x256xi1>, vector<256x256xf32>
    %reduce_min3A_939 = arith.constant dense<0x7F800000> : vector<256xf32>
    %reduce_min3A_940 = vector.multi_reduction <minimumf>, %select_n3A_938, %reduce_min3A_939 [0] : vector<256x256xf32> to vector<256xf32>
    %broadcast_in_dim3A_941 = vector.shape_cast %reduce_min3A_940 : vector<256xf32> to vector<1x256xf32>
    %eq3A_942 = vector.broadcast %broadcast_in_dim3A_941 : vector<1x256xf32> to vector<256x256xf32>
    %eq3A_943 = arith.cmpf oeq, %select_n3A_938, %eq3A_942 : vector<256x256xf32>
    %jit3A_944 = arith.constant 257 : i32
    %broadcast_in_dim3A_945 = vector.broadcast %jit3A_944 : i32 to vector<256x256xi32>
    %select_n3A_946 = arith.select %eq3A_943, %iota3A, %broadcast_in_dim3A_945 : vector<256x256xi1>, vector<256x256xi32>
    %reduce_min3A_947 = arith.constant dense<2147483647> : vector<256xi32>
    %reduce_min3A_948 = vector.multi_reduction <minsi>, %select_n3A_946, %reduce_min3A_947 [0] : vector<256x256xi32> to vector<256xi32>
    %swap3A_949 = arith.constant 0 : index
    %swap3A_950 = arith.constant 31 : index
    %swap3A_951 = arith.constant 0 : index
    %swap3A_952 = vector.load %arg5[%swap3A_949, %swap3A_950, %swap3A_951] : memref<1x32x256xi32, #tpu.memory_space<vmem>>, vector<1x1x256xi32>
    %swap3A_953 = vector.shape_cast %swap3A_952 : vector<1x1x256xi32> to vector<256xi32>
    %swap3A_954 = vector.shape_cast %reduce_min3A_948 : vector<256xi32> to vector<1x1x256xi32>
    tpu.vector_store %arg5[%swap3A_949, %swap3A_950, %swap3A_951], %swap3A_954 {strides = array<i32>} : memref<1x32x256xi32, #tpu.memory_space<vmem>>, vector<1x1x256xi32>,
    return
  }
  func.func @transform_0(%arg0: i32, %arg1: i32) -> (i32, i32, i32) {
    %c0_i32 = arith.constant 0 : i32
    %c0_i32_0 = arith.constant 0 : i32
    return %arg0, %c0_i32, %arg1 : i32, i32, i32
  }
  func.func @transform_1(%arg0: i32, %arg1: i32) -> (i32, i32, i32) {
    %c0_i32 = arith.constant 0 : i32
    %c0_i32_0 = arith.constant 0 : i32
    %c0_i32_1 = arith.constant 0 : i32
    return %arg0, %c0_i32, %c0_i32_0 : i32, i32, i32
  }
  func.func @transform_2(%arg0: i32, %arg1: i32) -> (i32, i32, i32) {
    %c0_i32 = arith.constant 0 : i32
    %c0_i32_0 = arith.constant 0 : i32
    return %arg0, %arg1, %c0_i32 : i32, i32, i32
  }
  func.func @transform_3(%arg0: i32, %arg1: i32) -> (i32, i32, i32) {
    %c0_i32 = arith.constant 0 : i32
    %c0_i32_0 = arith.constant 0 : i32
    return %arg0, %c0_i32, %arg1 : i32, i32, i32
  }
}

module attributes {stable_mosaic.version = 14 : i64} {
  func.func @_conv1_body(%arg0: i32, %arg1: memref<1x3x8192xf32, #tpu.memory_space<vmem>>, %arg2: memref<1x64x8192xf32, #tpu.memory_space<vmem>>, %arg3: memref<64x3xf32, #tpu.memory_space<vmem>>, %arg4: memref<64x64xf32, #tpu.memory_space<vmem>>, %arg5: memref<1x8192x64xf32, #tpu.memory_space<vmem>>, %arg6: memref<1x2048x64xf32, #tpu.memory_space<vmem>>) attributes {dimension_semantics = [#tpu.dimension_semantics<arbitrary>], iteration_bounds = array<i64: 4>, scalar_prefetch = 0 : i64, scratch_operands = 0 : i64, tpu.core_type = #tpu.core_type<tc>, window_params = [{transform_indices = @transform_0, window_bounds = array<i64: 1, 3, 8192>}, {transform_indices = @transform_1, window_bounds = array<i64: 1, 64, 8192>}, {pipeline_mode = #tpu.pipeline_mode<synchronous>, transform_indices = @transform_2, window_bounds = array<i64: 64, 3>}, {pipeline_mode = #tpu.pipeline_mode<synchronous>, transform_indices = @transform_3, window_bounds = array<i64: 64, 64>}, {transform_indices = @transform_4, window_bounds = array<i64: 1, 8192, 64>}, {transform_indices = @transform_5, window_bounds = array<i64: 1, 2048, 64>}]} {
    %get3A = arith.constant 0 : index
    %get3A_0 = arith.constant 0 : index
    %get3A_1 = arith.constant 0 : index
    %get3A_2 = vector.load %arg1[%get3A, %get3A_0, %get3A_1] : memref<1x3x8192xf32, #tpu.memory_space<vmem>>, vector<1x3x8192xf32>
    %get3A_3 = vector.shape_cast %get3A_2 : vector<1x3x8192xf32> to vector<3x8192xf32>
    %get3A_4 = arith.constant 0 : index
    %get3A_5 = arith.constant 0 : index
    %get3A_6 = vector.load %arg3[%get3A_4, %get3A_5] : memref<64x3xf32, #tpu.memory_space<vmem>>, vector<64x1xf32>
    %slice3A = vector.extract_strided_slice %get3A_3 {offsets = [0, 0], sizes = [1, 8192], strides = [1, 1]} : vector<3x8192xf32> to vector<1x8192xf32>
    %mul3A = vector.broadcast %get3A_6 : vector<64x1xf32> to vector<64x8192xf32>
    %mul3A_7 = vector.broadcast %slice3A : vector<1x8192xf32> to vector<64x8192xf32>
    %mul3A_8 = arith.mulf %mul3A, %mul3A_7 : vector<64x8192xf32>
    %get3A_9 = arith.constant 0 : index
    %get3A_10 = arith.constant 1 : index
    %get3A_11 = vector.load %arg3[%get3A_9, %get3A_10] : memref<64x3xf32, #tpu.memory_space<vmem>>, vector<64x1xf32>
    %slice3A_12 = vector.extract_strided_slice %get3A_3 {offsets = [1, 0], sizes = [1, 8192], strides = [1, 1]} : vector<3x8192xf32> to vector<1x8192xf32>
    %mul3A_13 = vector.broadcast %get3A_11 : vector<64x1xf32> to vector<64x8192xf32>
    %mul3A_14 = vector.broadcast %slice3A_12 : vector<1x8192xf32> to vector<64x8192xf32>
    %mul3A_15 = arith.mulf %mul3A_13, %mul3A_14 : vector<64x8192xf32>
    %add3A = arith.addf %mul3A_8, %mul3A_15 : vector<64x8192xf32>
    %get3A_16 = arith.constant 0 : index
    %get3A_17 = arith.constant 2 : index
    %get3A_18 = vector.load %arg3[%get3A_16, %get3A_17] : memref<64x3xf32, #tpu.memory_space<vmem>>, vector<64x1xf32>
    %slice3A_19 = vector.extract_strided_slice %get3A_3 {offsets = [2, 0], sizes = [1, 8192], strides = [1, 1]} : vector<3x8192xf32> to vector<1x8192xf32>
    %mul3A_20 = vector.broadcast %get3A_18 : vector<64x1xf32> to vector<64x8192xf32>
    %mul3A_21 = vector.broadcast %slice3A_19 : vector<1x8192xf32> to vector<64x8192xf32>
    %mul3A_22 = arith.mulf %mul3A_20, %mul3A_21 : vector<64x8192xf32>
    %add3A_23 = arith.addf %add3A, %mul3A_22 : vector<64x8192xf32>
    %get3A_24 = arith.constant 0 : index
    %get3A_25 = arith.constant 0 : index
    %get3A_26 = vector.load %arg4[%get3A_24, %get3A_25] : memref<64x64xf32, #tpu.memory_space<vmem>>, vector<64x64xf32>
    %get3A_27 = arith.constant 0 : index
    %get3A_28 = arith.constant 0 : index
    %get3A_29 = arith.constant 0 : index
    %get3A_30 = vector.load %arg2[%get3A_27, %get3A_28, %get3A_29] : memref<1x64x8192xf32, #tpu.memory_space<vmem>>, vector<1x64x8192xf32>
    %get3A_31 = vector.shape_cast %get3A_30 : vector<1x64x8192xf32> to vector<64x8192xf32>
    %dot_general3A = arith.constant dense<0.000000e+00> : vector<64x8192xf32>
    %dot_general3A_32 = tpu.matmul %get3A_26, %get3A_31, %dot_general3A {dimension_numbers = #tpu.dot_dimension_numbers<[1], [0], [0], [1], [0, 0, 1, 1], [], []>, transpose_lhs_hint = false} : vector<64x64xf32>, vector<64x8192xf32>, vector<64x8192xf32> -> vector<64x8192xf32>
    %add3A_33 = arith.addf %add3A_23, %dot_general3A_32 : vector<64x8192xf32>
    %slice3A_34 = vector.extract_strided_slice %add3A_33 {offsets = [0, 0], sizes = [64, 1024], strides = [1, 1]} : vector<64x8192xf32> to vector<64x1024xf32>
    %transpose3A = tpu.transpose %slice3A_34, [1, 0] : vector<64x1024xf32> -> vector<1024x64xf32>
    %swap3A = arith.constant 0 : index
    %swap3A_35 = arith.constant 0 : index
    %swap3A_36 = arith.constant 0 : index
    %swap3A_37 = vector.load %arg5[%swap3A, %swap3A_35, %swap3A_36] : memref<1x8192x64xf32, #tpu.memory_space<vmem>>, vector<1x1024x64xf32>
    %swap3A_38 = vector.shape_cast %swap3A_37 : vector<1x1024x64xf32> to vector<1024x64xf32>
    %swap3A_39 = vector.shape_cast %transpose3A : vector<1024x64xf32> to vector<1x1024x64xf32>
    tpu.vector_store %arg5[%swap3A, %swap3A_35, %swap3A_36], %swap3A_39 {strides = array<i32>} : memref<1x8192x64xf32, #tpu.memory_space<vmem>>, vector<1x1024x64xf32>,
    %slice3A_40 = vector.extract_strided_slice %add3A_23 {offsets = [0, 0], sizes = [64, 1024], strides = [1, 1]} : vector<64x8192xf32> to vector<64x1024xf32>
    %transpose3A_41 = tpu.transpose %slice3A_40, [1, 0] : vector<64x1024xf32> -> vector<1024x64xf32>
    %swap3A_42 = arith.constant 0 : index
    %swap3A_43 = arith.constant 0 : index
    %swap3A_44 = arith.constant 0 : index
    %swap3A_45 = vector.load %arg6[%swap3A_42, %swap3A_43, %swap3A_44] : memref<1x2048x64xf32, #tpu.memory_space<vmem>>, vector<1x1024x64xf32>
    %swap3A_46 = vector.shape_cast %swap3A_45 : vector<1x1024x64xf32> to vector<1024x64xf32>
    %swap3A_47 = vector.shape_cast %transpose3A_41 : vector<1024x64xf32> to vector<1x1024x64xf32>
    tpu.vector_store %arg6[%swap3A_42, %swap3A_43, %swap3A_44], %swap3A_47 {strides = array<i32>} : memref<1x2048x64xf32, #tpu.memory_space<vmem>>, vector<1x1024x64xf32>,
    %slice3A_48 = vector.extract_strided_slice %add3A_33 {offsets = [0, 1024], sizes = [64, 1024], strides = [1, 1]} : vector<64x8192xf32> to vector<64x1024xf32>
    %transpose3A_49 = tpu.transpose %slice3A_48, [1, 0] : vector<64x1024xf32> -> vector<1024x64xf32>
    %swap3A_50 = arith.constant 0 : index
    %swap3A_51 = arith.constant 1024 : index
    %swap3A_52 = arith.constant 0 : index
    %swap3A_53 = vector.load %arg5[%swap3A_50, %swap3A_51, %swap3A_52] : memref<1x8192x64xf32, #tpu.memory_space<vmem>>, vector<1x1024x64xf32>
    %swap3A_54 = vector.shape_cast %swap3A_53 : vector<1x1024x64xf32> to vector<1024x64xf32>
    %swap3A_55 = vector.shape_cast %transpose3A_49 : vector<1024x64xf32> to vector<1x1024x64xf32>
    tpu.vector_store %arg5[%swap3A_50, %swap3A_51, %swap3A_52], %swap3A_55 {strides = array<i32>} : memref<1x8192x64xf32, #tpu.memory_space<vmem>>, vector<1x1024x64xf32>,
    %slice3A_56 = vector.extract_strided_slice %add3A_23 {offsets = [0, 1024], sizes = [64, 1024], strides = [1, 1]} : vector<64x8192xf32> to vector<64x1024xf32>
    %transpose3A_57 = tpu.transpose %slice3A_56, [1, 0] : vector<64x1024xf32> -> vector<1024x64xf32>
    %swap3A_58 = arith.constant 0 : index
    %swap3A_59 = arith.constant 1024 : index
    %swap3A_60 = arith.constant 0 : index
    %swap3A_61 = vector.load %arg6[%swap3A_58, %swap3A_59, %swap3A_60] : memref<1x2048x64xf32, #tpu.memory_space<vmem>>, vector<1x1024x64xf32>
    %swap3A_62 = vector.shape_cast %swap3A_61 : vector<1x1024x64xf32> to vector<1024x64xf32>
    %swap3A_63 = vector.shape_cast %transpose3A_57 : vector<1024x64xf32> to vector<1x1024x64xf32>
    tpu.vector_store %arg6[%swap3A_58, %swap3A_59, %swap3A_60], %swap3A_63 {strides = array<i32>} : memref<1x2048x64xf32, #tpu.memory_space<vmem>>, vector<1x1024x64xf32>,
    %slice3A_64 = vector.extract_strided_slice %add3A_33 {offsets = [0, 2048], sizes = [64, 1024], strides = [1, 1]} : vector<64x8192xf32> to vector<64x1024xf32>
    %transpose3A_65 = tpu.transpose %slice3A_64, [1, 0] : vector<64x1024xf32> -> vector<1024x64xf32>
    %swap3A_66 = arith.constant 0 : index
    %swap3A_67 = arith.constant 2048 : index
    %swap3A_68 = arith.constant 0 : index
    %swap3A_69 = vector.load %arg5[%swap3A_66, %swap3A_67, %swap3A_68] : memref<1x8192x64xf32, #tpu.memory_space<vmem>>, vector<1x1024x64xf32>
    %swap3A_70 = vector.shape_cast %swap3A_69 : vector<1x1024x64xf32> to vector<1024x64xf32>
    %swap3A_71 = vector.shape_cast %transpose3A_65 : vector<1024x64xf32> to vector<1x1024x64xf32>
    tpu.vector_store %arg5[%swap3A_66, %swap3A_67, %swap3A_68], %swap3A_71 {strides = array<i32>} : memref<1x8192x64xf32, #tpu.memory_space<vmem>>, vector<1x1024x64xf32>,
    %slice3A_72 = vector.extract_strided_slice %add3A_33 {offsets = [0, 3072], sizes = [64, 1024], strides = [1, 1]} : vector<64x8192xf32> to vector<64x1024xf32>
    %transpose3A_73 = tpu.transpose %slice3A_72, [1, 0] : vector<64x1024xf32> -> vector<1024x64xf32>
    %swap3A_74 = arith.constant 0 : index
    %swap3A_75 = arith.constant 3072 : index
    %swap3A_76 = arith.constant 0 : index
    %swap3A_77 = vector.load %arg5[%swap3A_74, %swap3A_75, %swap3A_76] : memref<1x8192x64xf32, #tpu.memory_space<vmem>>, vector<1x1024x64xf32>
    %swap3A_78 = vector.shape_cast %swap3A_77 : vector<1x1024x64xf32> to vector<1024x64xf32>
    %swap3A_79 = vector.shape_cast %transpose3A_73 : vector<1024x64xf32> to vector<1x1024x64xf32>
    tpu.vector_store %arg5[%swap3A_74, %swap3A_75, %swap3A_76], %swap3A_79 {strides = array<i32>} : memref<1x8192x64xf32, #tpu.memory_space<vmem>>, vector<1x1024x64xf32>,
    %slice3A_80 = vector.extract_strided_slice %add3A_33 {offsets = [0, 4096], sizes = [64, 1024], strides = [1, 1]} : vector<64x8192xf32> to vector<64x1024xf32>
    %transpose3A_81 = tpu.transpose %slice3A_80, [1, 0] : vector<64x1024xf32> -> vector<1024x64xf32>
    %swap3A_82 = arith.constant 0 : index
    %swap3A_83 = arith.constant 4096 : index
    %swap3A_84 = arith.constant 0 : index
    %swap3A_85 = vector.load %arg5[%swap3A_82, %swap3A_83, %swap3A_84] : memref<1x8192x64xf32, #tpu.memory_space<vmem>>, vector<1x1024x64xf32>
    %swap3A_86 = vector.shape_cast %swap3A_85 : vector<1x1024x64xf32> to vector<1024x64xf32>
    %swap3A_87 = vector.shape_cast %transpose3A_81 : vector<1024x64xf32> to vector<1x1024x64xf32>
    tpu.vector_store %arg5[%swap3A_82, %swap3A_83, %swap3A_84], %swap3A_87 {strides = array<i32>} : memref<1x8192x64xf32, #tpu.memory_space<vmem>>, vector<1x1024x64xf32>,
    %slice3A_88 = vector.extract_strided_slice %add3A_33 {offsets = [0, 5120], sizes = [64, 1024], strides = [1, 1]} : vector<64x8192xf32> to vector<64x1024xf32>
    %transpose3A_89 = tpu.transpose %slice3A_88, [1, 0] : vector<64x1024xf32> -> vector<1024x64xf32>
    %swap3A_90 = arith.constant 0 : index
    %swap3A_91 = arith.constant 5120 : index
    %swap3A_92 = arith.constant 0 : index
    %swap3A_93 = vector.load %arg5[%swap3A_90, %swap3A_91, %swap3A_92] : memref<1x8192x64xf32, #tpu.memory_space<vmem>>, vector<1x1024x64xf32>
    %swap3A_94 = vector.shape_cast %swap3A_93 : vector<1x1024x64xf32> to vector<1024x64xf32>
    %swap3A_95 = vector.shape_cast %transpose3A_89 : vector<1024x64xf32> to vector<1x1024x64xf32>
    tpu.vector_store %arg5[%swap3A_90, %swap3A_91, %swap3A_92], %swap3A_95 {strides = array<i32>} : memref<1x8192x64xf32, #tpu.memory_space<vmem>>, vector<1x1024x64xf32>,
    %slice3A_96 = vector.extract_strided_slice %add3A_33 {offsets = [0, 6144], sizes = [64, 1024], strides = [1, 1]} : vector<64x8192xf32> to vector<64x1024xf32>
    %transpose3A_97 = tpu.transpose %slice3A_96, [1, 0] : vector<64x1024xf32> -> vector<1024x64xf32>
    %swap3A_98 = arith.constant 0 : index
    %swap3A_99 = arith.constant 6144 : index
    %swap3A_100 = arith.constant 0 : index
    %swap3A_101 = vector.load %arg5[%swap3A_98, %swap3A_99, %swap3A_100] : memref<1x8192x64xf32, #tpu.memory_space<vmem>>, vector<1x1024x64xf32>
    %swap3A_102 = vector.shape_cast %swap3A_101 : vector<1x1024x64xf32> to vector<1024x64xf32>
    %swap3A_103 = vector.shape_cast %transpose3A_97 : vector<1024x64xf32> to vector<1x1024x64xf32>
    tpu.vector_store %arg5[%swap3A_98, %swap3A_99, %swap3A_100], %swap3A_103 {strides = array<i32>} : memref<1x8192x64xf32, #tpu.memory_space<vmem>>, vector<1x1024x64xf32>,
    %slice3A_104 = vector.extract_strided_slice %add3A_33 {offsets = [0, 7168], sizes = [64, 1024], strides = [1, 1]} : vector<64x8192xf32> to vector<64x1024xf32>
    %transpose3A_105 = tpu.transpose %slice3A_104, [1, 0] : vector<64x1024xf32> -> vector<1024x64xf32>
    %swap3A_106 = arith.constant 0 : index
    %swap3A_107 = arith.constant 7168 : index
    %swap3A_108 = arith.constant 0 : index
    %swap3A_109 = vector.load %arg5[%swap3A_106, %swap3A_107, %swap3A_108] : memref<1x8192x64xf32, #tpu.memory_space<vmem>>, vector<1x1024x64xf32>
    %swap3A_110 = vector.shape_cast %swap3A_109 : vector<1x1024x64xf32> to vector<1024x64xf32>
    %swap3A_111 = vector.shape_cast %transpose3A_105 : vector<1024x64xf32> to vector<1x1024x64xf32>
    tpu.vector_store %arg5[%swap3A_106, %swap3A_107, %swap3A_108], %swap3A_111 {strides = array<i32>} : memref<1x8192x64xf32, #tpu.memory_space<vmem>>, vector<1x1024x64xf32>,
    return
  }
  func.func @transform_0(%arg0: i32) -> (i32, i32, i32) {
    %c0_i32 = arith.constant 0 : i32
    %c0_i32_0 = arith.constant 0 : i32
    %c0_i32_1 = arith.constant 0 : i32
    return %arg0, %c0_i32, %c0_i32_0 : i32, i32, i32
  }
  func.func @transform_1(%arg0: i32) -> (i32, i32, i32) {
    %c0_i32 = arith.constant 0 : i32
    %c0_i32_0 = arith.constant 0 : i32
    %c0_i32_1 = arith.constant 0 : i32
    return %arg0, %c0_i32, %c0_i32_0 : i32, i32, i32
  }
  func.func @transform_2(%arg0: i32) -> (i32, i32) {
    %c0_i32 = arith.constant 0 : i32
    %c0_i32_0 = arith.constant 0 : i32
    %c0_i32_1 = arith.constant 0 : i32
    return %c0_i32, %c0_i32_0 : i32, i32
  }
  func.func @transform_3(%arg0: i32) -> (i32, i32) {
    %c0_i32 = arith.constant 0 : i32
    %c0_i32_0 = arith.constant 0 : i32
    %c0_i32_1 = arith.constant 0 : i32
    return %c0_i32, %c0_i32_0 : i32, i32
  }
  func.func @transform_4(%arg0: i32) -> (i32, i32, i32) {
    %c0_i32 = arith.constant 0 : i32
    %c0_i32_0 = arith.constant 0 : i32
    %c0_i32_1 = arith.constant 0 : i32
    return %arg0, %c0_i32, %c0_i32_0 : i32, i32, i32
  }
  func.func @transform_5(%arg0: i32) -> (i32, i32, i32) {
    %c0_i32 = arith.constant 0 : i32
    %c0_i32_0 = arith.constant 0 : i32
    %c0_i32_1 = arith.constant 0 : i32
    return %arg0, %c0_i32, %c0_i32_0 : i32, i32, i32
  }
}

module attributes {stable_mosaic.version = 14 : i64} {
  func.func @_topk_cand_body(%arg0: i32, %arg1: i32, %arg2: memref<1x256x1024xf32, #tpu.memory_space<vmem>>, %arg3: memref<1x256x32xi32, #tpu.memory_space<vmem>>, %arg4: memref<1x256x32xi32, #tpu.memory_space<vmem>>) attributes {dimension_semantics = [#tpu.dimension_semantics<arbitrary>, #tpu.dimension_semantics<arbitrary>], iteration_bounds = array<i64: 1, 8>, scalar_prefetch = 0 : i64, scratch_operands = 0 : i64, tpu.core_type = #tpu.core_type<tc>, window_params = [{transform_indices = @transform_0, window_bounds = array<i64: 1, 256, 1024>}, {transform_indices = @transform_1, window_bounds = array<i64: 1, 256, 32>}, {transform_indices = @transform_2, window_bounds = array<i64: 1, 256, 32>}]} {
    %get3A = arith.constant 0 : index
    %get3A_0 = arith.constant 0 : index
    %get3A_1 = arith.constant 0 : index
    %get3A_2 = vector.load %arg2[%get3A, %get3A_0, %get3A_1] : memref<1x256x1024xf32, #tpu.memory_space<vmem>>, vector<1x256x1024xf32>
    %get3A_3 = vector.shape_cast %get3A_2 : vector<1x256x1024xf32> to vector<256x1024xf32>
    %get3A_4 = arith.constant 0 : index
    %get3A_5 = arith.constant 0 : index
    %get3A_6 = arith.constant 0 : index
    %get3A_7 = vector.load %arg3[%get3A_4, %get3A_5, %get3A_6] : memref<1x256x32xi32, #tpu.memory_space<vmem>>, vector<1x256x32xi32>
    %get3A_8 = vector.shape_cast %get3A_7 : vector<1x256x32xi32> to vector<256x32xi32>
    %broadcast_in_dim3A = vector.shape_cast %get3A_8 : vector<256x32xi32> to vector<256x32x1xi32>
    %mul3A = arith.constant 32 : i32
    %mul3A_9 = vector.broadcast %mul3A : i32 to vector<256x32x1xi32>
    %mul3A_10 = arith.muli %broadcast_in_dim3A, %mul3A_9 : vector<256x32x1xi32>
    %iota3A = tpu.iota {dimensions = array<i32: 2>} : vector<256x32x32xi32>
    %add3A = vector.broadcast %mul3A_10 : vector<256x32x1xi32> to vector<256x32x32xi32>
    %add3A_11 = arith.addi %add3A, %iota3A : vector<256x32x32xi32>
    %reshape3A = vector.shape_cast %add3A_11 : vector<256x32x32xi32> to vector<256x1024xi32>
    %reduce_min3A = arith.constant dense<0x7F800000> : vector<256xf32>
    %reduce_min3A_12 = vector.multi_reduction <minimumf>, %get3A_3, %reduce_min3A [1] : vector<256x1024xf32> to vector<256xf32>
    %broadcast_in_dim3A_13 = vector.shape_cast %reduce_min3A_12 : vector<256xf32> to vector<256x1xf32>
    %eq3A = vector.broadcast %broadcast_in_dim3A_13 : vector<256x1xf32> to vector<256x1024xf32>
    %eq3A_14 = arith.cmpf oeq, %get3A_3, %eq3A : vector<256x1024xf32>
    %jit3A = arith.constant 1073741824 : i32
    %broadcast_in_dim3A_15 = vector.broadcast %jit3A : i32 to vector<256x1024xi32>
    %select_n3A = arith.select %eq3A_14, %reshape3A, %broadcast_in_dim3A_15 : vector<256x1024xi1>, vector<256x1024xi32>
    %reduce_min3A_16 = arith.constant dense<2147483647> : vector<256xi32>
    %reduce_min3A_17 = vector.multi_reduction <minsi>, %select_n3A, %reduce_min3A_16 [1] : vector<256x1024xi32> to vector<256xi32>
    %swap3A = arith.constant 0 : index
    %swap3A_18 = arith.constant 0 : index
    %swap3A_19 = arith.constant 0 : index
    %swap3A_20 = vector.load %arg4[%swap3A, %swap3A_18, %swap3A_19] : memref<1x256x32xi32, #tpu.memory_space<vmem>>, vector<1x256x1xi32>
    %swap3A_21 = vector.shape_cast %swap3A_20 : vector<1x256x1xi32> to vector<256xi32>
    %swap3A_22 = vector.shape_cast %reduce_min3A_17 : vector<256xi32> to vector<1x256x1xi32>
    tpu.vector_store %arg4[%swap3A, %swap3A_18, %swap3A_19], %swap3A_22 {strides = array<i32>} : memref<1x256x32xi32, #tpu.memory_space<vmem>>, vector<1x256x1xi32>,
    %broadcast_in_dim3A_23 = vector.shape_cast %reduce_min3A_17 : vector<256xi32> to vector<256x1xi32>
    %eq3A_24 = vector.broadcast %broadcast_in_dim3A_23 : vector<256x1xi32> to vector<256x1024xi32>
    %eq3A_25 = arith.cmpi eq, %reshape3A, %eq3A_24 : vector<256x1024xi32>
    %jit3A_26 = arith.constant 0x7F800000 : f32
    %broadcast_in_dim3A_27 = vector.broadcast %jit3A_26 : f32 to vector<256x1024xf32>
    %select_n3A_28 = arith.select %eq3A_25, %broadcast_in_dim3A_27, %get3A_3 : vector<256x1024xi1>, vector<256x1024xf32>
    %reduce_min3A_29 = arith.constant dense<0x7F800000> : vector<256xf32>
    %reduce_min3A_30 = vector.multi_reduction <minimumf>, %select_n3A_28, %reduce_min3A_29 [1] : vector<256x1024xf32> to vector<256xf32>
    %broadcast_in_dim3A_31 = vector.shape_cast %reduce_min3A_30 : vector<256xf32> to vector<256x1xf32>
    %eq3A_32 = vector.broadcast %broadcast_in_dim3A_31 : vector<256x1xf32> to vector<256x1024xf32>
    %eq3A_33 = arith.cmpf oeq, %select_n3A_28, %eq3A_32 : vector<256x1024xf32>
    %jit3A_34 = arith.constant 1073741824 : i32
    %broadcast_in_dim3A_35 = vector.broadcast %jit3A_34 : i32 to vector<256x1024xi32>
    %select_n3A_36 = arith.select %eq3A_33, %reshape3A, %broadcast_in_dim3A_35 : vector<256x1024xi1>, vector<256x1024xi32>
    %reduce_min3A_37 = arith.constant dense<2147483647> : vector<256xi32>
    %reduce_min3A_38 = vector.multi_reduction <minsi>, %select_n3A_36, %reduce_min3A_37 [1] : vector<256x1024xi32> to vector<256xi32>
    %swap3A_39 = arith.constant 0 : index
    %swap3A_40 = arith.constant 0 : index
    %swap3A_41 = arith.constant 1 : index
    %swap3A_42 = vector.load %arg4[%swap3A_39, %swap3A_40, %swap3A_41] : memref<1x256x32xi32, #tpu.memory_space<vmem>>, vector<1x256x1xi32>
    %swap3A_43 = vector.shape_cast %swap3A_42 : vector<1x256x1xi32> to vector<256xi32>
    %swap3A_44 = vector.shape_cast %reduce_min3A_38 : vector<256xi32> to vector<1x256x1xi32>
    tpu.vector_store %arg4[%swap3A_39, %swap3A_40, %swap3A_41], %swap3A_44 {strides = array<i32>} : memref<1x256x32xi32, #tpu.memory_space<vmem>>, vector<1x256x1xi32>,
    %broadcast_in_dim3A_45 = vector.shape_cast %reduce_min3A_38 : vector<256xi32> to vector<256x1xi32>
    %eq3A_46 = vector.broadcast %broadcast_in_dim3A_45 : vector<256x1xi32> to vector<256x1024xi32>
    %eq3A_47 = arith.cmpi eq, %reshape3A, %eq3A_46 : vector<256x1024xi32>
    %jit3A_48 = arith.constant 0x7F800000 : f32
    %broadcast_in_dim3A_49 = vector.broadcast %jit3A_48 : f32 to vector<256x1024xf32>
    %select_n3A_50 = arith.select %eq3A_47, %broadcast_in_dim3A_49, %select_n3A_28 : vector<256x1024xi1>, vector<256x1024xf32>
    %reduce_min3A_51 = arith.constant dense<0x7F800000> : vector<256xf32>
    %reduce_min3A_52 = vector.multi_reduction <minimumf>, %select_n3A_50, %reduce_min3A_51 [1] : vector<256x1024xf32> to vector<256xf32>
    %broadcast_in_dim3A_53 = vector.shape_cast %reduce_min3A_52 : vector<256xf32> to vector<256x1xf32>
    %eq3A_54 = vector.broadcast %broadcast_in_dim3A_53 : vector<256x1xf32> to vector<256x1024xf32>
    %eq3A_55 = arith.cmpf oeq, %select_n3A_50, %eq3A_54 : vector<256x1024xf32>
    %jit3A_56 = arith.constant 1073741824 : i32
    %broadcast_in_dim3A_57 = vector.broadcast %jit3A_56 : i32 to vector<256x1024xi32>
    %select_n3A_58 = arith.select %eq3A_55, %reshape3A, %broadcast_in_dim3A_57 : vector<256x1024xi1>, vector<256x1024xi32>
    %reduce_min3A_59 = arith.constant dense<2147483647> : vector<256xi32>
    %reduce_min3A_60 = vector.multi_reduction <minsi>, %select_n3A_58, %reduce_min3A_59 [1] : vector<256x1024xi32> to vector<256xi32>
    %swap3A_61 = arith.constant 0 : index
    %swap3A_62 = arith.constant 0 : index
    %swap3A_63 = arith.constant 2 : index
    %swap3A_64 = vector.load %arg4[%swap3A_61, %swap3A_62, %swap3A_63] : memref<1x256x32xi32, #tpu.memory_space<vmem>>, vector<1x256x1xi32>
    %swap3A_65 = vector.shape_cast %swap3A_64 : vector<1x256x1xi32> to vector<256xi32>
    %swap3A_66 = vector.shape_cast %reduce_min3A_60 : vector<256xi32> to vector<1x256x1xi32>
    tpu.vector_store %arg4[%swap3A_61, %swap3A_62, %swap3A_63], %swap3A_66 {strides = array<i32>} : memref<1x256x32xi32, #tpu.memory_space<vmem>>, vector<1x256x1xi32>,
    %broadcast_in_dim3A_67 = vector.shape_cast %reduce_min3A_60 : vector<256xi32> to vector<256x1xi32>
    %eq3A_68 = vector.broadcast %broadcast_in_dim3A_67 : vector<256x1xi32> to vector<256x1024xi32>
    %eq3A_69 = arith.cmpi eq, %reshape3A, %eq3A_68 : vector<256x1024xi32>
    %jit3A_70 = arith.constant 0x7F800000 : f32
    %broadcast_in_dim3A_71 = vector.broadcast %jit3A_70 : f32 to vector<256x1024xf32>
    %select_n3A_72 = arith.select %eq3A_69, %broadcast_in_dim3A_71, %select_n3A_50 : vector<256x1024xi1>, vector<256x1024xf32>
    %reduce_min3A_73 = arith.constant dense<0x7F800000> : vector<256xf32>
    %reduce_min3A_74 = vector.multi_reduction <minimumf>, %select_n3A_72, %reduce_min3A_73 [1] : vector<256x1024xf32> to vector<256xf32>
    %broadcast_in_dim3A_75 = vector.shape_cast %reduce_min3A_74 : vector<256xf32> to vector<256x1xf32>
    %eq3A_76 = vector.broadcast %broadcast_in_dim3A_75 : vector<256x1xf32> to vector<256x1024xf32>
    %eq3A_77 = arith.cmpf oeq, %select_n3A_72, %eq3A_76 : vector<256x1024xf32>
    %jit3A_78 = arith.constant 1073741824 : i32
    %broadcast_in_dim3A_79 = vector.broadcast %jit3A_78 : i32 to vector<256x1024xi32>
    %select_n3A_80 = arith.select %eq3A_77, %reshape3A, %broadcast_in_dim3A_79 : vector<256x1024xi1>, vector<256x1024xi32>
    %reduce_min3A_81 = arith.constant dense<2147483647> : vector<256xi32>
    %reduce_min3A_82 = vector.multi_reduction <minsi>, %select_n3A_80, %reduce_min3A_81 [1] : vector<256x1024xi32> to vector<256xi32>
    %swap3A_83 = arith.constant 0 : index
    %swap3A_84 = arith.constant 0 : index
    %swap3A_85 = arith.constant 3 : index
    %swap3A_86 = vector.load %arg4[%swap3A_83, %swap3A_84, %swap3A_85] : memref<1x256x32xi32, #tpu.memory_space<vmem>>, vector<1x256x1xi32>
    %swap3A_87 = vector.shape_cast %swap3A_86 : vector<1x256x1xi32> to vector<256xi32>
    %swap3A_88 = vector.shape_cast %reduce_min3A_82 : vector<256xi32> to vector<1x256x1xi32>
    tpu.vector_store %arg4[%swap3A_83, %swap3A_84, %swap3A_85], %swap3A_88 {strides = array<i32>} : memref<1x256x32xi32, #tpu.memory_space<vmem>>, vector<1x256x1xi32>,
    %broadcast_in_dim3A_89 = vector.shape_cast %reduce_min3A_82 : vector<256xi32> to vector<256x1xi32>
    %eq3A_90 = vector.broadcast %broadcast_in_dim3A_89 : vector<256x1xi32> to vector<256x1024xi32>
    %eq3A_91 = arith.cmpi eq, %reshape3A, %eq3A_90 : vector<256x1024xi32>
    %jit3A_92 = arith.constant 0x7F800000 : f32
    %broadcast_in_dim3A_93 = vector.broadcast %jit3A_92 : f32 to vector<256x1024xf32>
    %select_n3A_94 = arith.select %eq3A_91, %broadcast_in_dim3A_93, %select_n3A_72 : vector<256x1024xi1>, vector<256x1024xf32>
    %reduce_min3A_95 = arith.constant dense<0x7F800000> : vector<256xf32>
    %reduce_min3A_96 = vector.multi_reduction <minimumf>, %select_n3A_94, %reduce_min3A_95 [1] : vector<256x1024xf32> to vector<256xf32>
    %broadcast_in_dim3A_97 = vector.shape_cast %reduce_min3A_96 : vector<256xf32> to vector<256x1xf32>
    %eq3A_98 = vector.broadcast %broadcast_in_dim3A_97 : vector<256x1xf32> to vector<256x1024xf32>
    %eq3A_99 = arith.cmpf oeq, %select_n3A_94, %eq3A_98 : vector<256x1024xf32>
    %jit3A_100 = arith.constant 1073741824 : i32
    %broadcast_in_dim3A_101 = vector.broadcast %jit3A_100 : i32 to vector<256x1024xi32>
    %select_n3A_102 = arith.select %eq3A_99, %reshape3A, %broadcast_in_dim3A_101 : vector<256x1024xi1>, vector<256x1024xi32>
    %reduce_min3A_103 = arith.constant dense<2147483647> : vector<256xi32>
    %reduce_min3A_104 = vector.multi_reduction <minsi>, %select_n3A_102, %reduce_min3A_103 [1] : vector<256x1024xi32> to vector<256xi32>
    %swap3A_105 = arith.constant 0 : index
    %swap3A_106 = arith.constant 0 : index
    %swap3A_107 = arith.constant 4 : index
    %swap3A_108 = vector.load %arg4[%swap3A_105, %swap3A_106, %swap3A_107] : memref<1x256x32xi32, #tpu.memory_space<vmem>>, vector<1x256x1xi32>
    %swap3A_109 = vector.shape_cast %swap3A_108 : vector<1x256x1xi32> to vector<256xi32>
    %swap3A_110 = vector.shape_cast %reduce_min3A_104 : vector<256xi32> to vector<1x256x1xi32>
    tpu.vector_store %arg4[%swap3A_105, %swap3A_106, %swap3A_107], %swap3A_110 {strides = array<i32>} : memref<1x256x32xi32, #tpu.memory_space<vmem>>, vector<1x256x1xi32>,
    %broadcast_in_dim3A_111 = vector.shape_cast %reduce_min3A_104 : vector<256xi32> to vector<256x1xi32>
    %eq3A_112 = vector.broadcast %broadcast_in_dim3A_111 : vector<256x1xi32> to vector<256x1024xi32>
    %eq3A_113 = arith.cmpi eq, %reshape3A, %eq3A_112 : vector<256x1024xi32>
    %jit3A_114 = arith.constant 0x7F800000 : f32
    %broadcast_in_dim3A_115 = vector.broadcast %jit3A_114 : f32 to vector<256x1024xf32>
    %select_n3A_116 = arith.select %eq3A_113, %broadcast_in_dim3A_115, %select_n3A_94 : vector<256x1024xi1>, vector<256x1024xf32>
    %reduce_min3A_117 = arith.constant dense<0x7F800000> : vector<256xf32>
    %reduce_min3A_118 = vector.multi_reduction <minimumf>, %select_n3A_116, %reduce_min3A_117 [1] : vector<256x1024xf32> to vector<256xf32>
    %broadcast_in_dim3A_119 = vector.shape_cast %reduce_min3A_118 : vector<256xf32> to vector<256x1xf32>
    %eq3A_120 = vector.broadcast %broadcast_in_dim3A_119 : vector<256x1xf32> to vector<256x1024xf32>
    %eq3A_121 = arith.cmpf oeq, %select_n3A_116, %eq3A_120 : vector<256x1024xf32>
    %jit3A_122 = arith.constant 1073741824 : i32
    %broadcast_in_dim3A_123 = vector.broadcast %jit3A_122 : i32 to vector<256x1024xi32>
    %select_n3A_124 = arith.select %eq3A_121, %reshape3A, %broadcast_in_dim3A_123 : vector<256x1024xi1>, vector<256x1024xi32>
    %reduce_min3A_125 = arith.constant dense<2147483647> : vector<256xi32>
    %reduce_min3A_126 = vector.multi_reduction <minsi>, %select_n3A_124, %reduce_min3A_125 [1] : vector<256x1024xi32> to vector<256xi32>
    %swap3A_127 = arith.constant 0 : index
    %swap3A_128 = arith.constant 0 : index
    %swap3A_129 = arith.constant 5 : index
    %swap3A_130 = vector.load %arg4[%swap3A_127, %swap3A_128, %swap3A_129] : memref<1x256x32xi32, #tpu.memory_space<vmem>>, vector<1x256x1xi32>
    %swap3A_131 = vector.shape_cast %swap3A_130 : vector<1x256x1xi32> to vector<256xi32>
    %swap3A_132 = vector.shape_cast %reduce_min3A_126 : vector<256xi32> to vector<1x256x1xi32>
    tpu.vector_store %arg4[%swap3A_127, %swap3A_128, %swap3A_129], %swap3A_132 {strides = array<i32>} : memref<1x256x32xi32, #tpu.memory_space<vmem>>, vector<1x256x1xi32>,
    %broadcast_in_dim3A_133 = vector.shape_cast %reduce_min3A_126 : vector<256xi32> to vector<256x1xi32>
    %eq3A_134 = vector.broadcast %broadcast_in_dim3A_133 : vector<256x1xi32> to vector<256x1024xi32>
    %eq3A_135 = arith.cmpi eq, %reshape3A, %eq3A_134 : vector<256x1024xi32>
    %jit3A_136 = arith.constant 0x7F800000 : f32
    %broadcast_in_dim3A_137 = vector.broadcast %jit3A_136 : f32 to vector<256x1024xf32>
    %select_n3A_138 = arith.select %eq3A_135, %broadcast_in_dim3A_137, %select_n3A_116 : vector<256x1024xi1>, vector<256x1024xf32>
    %reduce_min3A_139 = arith.constant dense<0x7F800000> : vector<256xf32>
    %reduce_min3A_140 = vector.multi_reduction <minimumf>, %select_n3A_138, %reduce_min3A_139 [1] : vector<256x1024xf32> to vector<256xf32>
    %broadcast_in_dim3A_141 = vector.shape_cast %reduce_min3A_140 : vector<256xf32> to vector<256x1xf32>
    %eq3A_142 = vector.broadcast %broadcast_in_dim3A_141 : vector<256x1xf32> to vector<256x1024xf32>
    %eq3A_143 = arith.cmpf oeq, %select_n3A_138, %eq3A_142 : vector<256x1024xf32>
    %jit3A_144 = arith.constant 1073741824 : i32
    %broadcast_in_dim3A_145 = vector.broadcast %jit3A_144 : i32 to vector<256x1024xi32>
    %select_n3A_146 = arith.select %eq3A_143, %reshape3A, %broadcast_in_dim3A_145 : vector<256x1024xi1>, vector<256x1024xi32>
    %reduce_min3A_147 = arith.constant dense<2147483647> : vector<256xi32>
    %reduce_min3A_148 = vector.multi_reduction <minsi>, %select_n3A_146, %reduce_min3A_147 [1] : vector<256x1024xi32> to vector<256xi32>
    %swap3A_149 = arith.constant 0 : index
    %swap3A_150 = arith.constant 0 : index
    %swap3A_151 = arith.constant 6 : index
    %swap3A_152 = vector.load %arg4[%swap3A_149, %swap3A_150, %swap3A_151] : memref<1x256x32xi32, #tpu.memory_space<vmem>>, vector<1x256x1xi32>
    %swap3A_153 = vector.shape_cast %swap3A_152 : vector<1x256x1xi32> to vector<256xi32>
    %swap3A_154 = vector.shape_cast %reduce_min3A_148 : vector<256xi32> to vector<1x256x1xi32>
    tpu.vector_store %arg4[%swap3A_149, %swap3A_150, %swap3A_151], %swap3A_154 {strides = array<i32>} : memref<1x256x32xi32, #tpu.memory_space<vmem>>, vector<1x256x1xi32>,
    %broadcast_in_dim3A_155 = vector.shape_cast %reduce_min3A_148 : vector<256xi32> to vector<256x1xi32>
    %eq3A_156 = vector.broadcast %broadcast_in_dim3A_155 : vector<256x1xi32> to vector<256x1024xi32>
    %eq3A_157 = arith.cmpi eq, %reshape3A, %eq3A_156 : vector<256x1024xi32>
    %jit3A_158 = arith.constant 0x7F800000 : f32
    %broadcast_in_dim3A_159 = vector.broadcast %jit3A_158 : f32 to vector<256x1024xf32>
    %select_n3A_160 = arith.select %eq3A_157, %broadcast_in_dim3A_159, %select_n3A_138 : vector<256x1024xi1>, vector<256x1024xf32>
    %reduce_min3A_161 = arith.constant dense<0x7F800000> : vector<256xf32>
    %reduce_min3A_162 = vector.multi_reduction <minimumf>, %select_n3A_160, %reduce_min3A_161 [1] : vector<256x1024xf32> to vector<256xf32>
    %broadcast_in_dim3A_163 = vector.shape_cast %reduce_min3A_162 : vector<256xf32> to vector<256x1xf32>
    %eq3A_164 = vector.broadcast %broadcast_in_dim3A_163 : vector<256x1xf32> to vector<256x1024xf32>
    %eq3A_165 = arith.cmpf oeq, %select_n3A_160, %eq3A_164 : vector<256x1024xf32>
    %jit3A_166 = arith.constant 1073741824 : i32
    %broadcast_in_dim3A_167 = vector.broadcast %jit3A_166 : i32 to vector<256x1024xi32>
    %select_n3A_168 = arith.select %eq3A_165, %reshape3A, %broadcast_in_dim3A_167 : vector<256x1024xi1>, vector<256x1024xi32>
    %reduce_min3A_169 = arith.constant dense<2147483647> : vector<256xi32>
    %reduce_min3A_170 = vector.multi_reduction <minsi>, %select_n3A_168, %reduce_min3A_169 [1] : vector<256x1024xi32> to vector<256xi32>
    %swap3A_171 = arith.constant 0 : index
    %swap3A_172 = arith.constant 0 : index
    %swap3A_173 = arith.constant 7 : index
    %swap3A_174 = vector.load %arg4[%swap3A_171, %swap3A_172, %swap3A_173] : memref<1x256x32xi32, #tpu.memory_space<vmem>>, vector<1x256x1xi32>
    %swap3A_175 = vector.shape_cast %swap3A_174 : vector<1x256x1xi32> to vector<256xi32>
    %swap3A_176 = vector.shape_cast %reduce_min3A_170 : vector<256xi32> to vector<1x256x1xi32>
    tpu.vector_store %arg4[%swap3A_171, %swap3A_172, %swap3A_173], %swap3A_176 {strides = array<i32>} : memref<1x256x32xi32, #tpu.memory_space<vmem>>, vector<1x256x1xi32>,
    %broadcast_in_dim3A_177 = vector.shape_cast %reduce_min3A_170 : vector<256xi32> to vector<256x1xi32>
    %eq3A_178 = vector.broadcast %broadcast_in_dim3A_177 : vector<256x1xi32> to vector<256x1024xi32>
    %eq3A_179 = arith.cmpi eq, %reshape3A, %eq3A_178 : vector<256x1024xi32>
    %jit3A_180 = arith.constant 0x7F800000 : f32
    %broadcast_in_dim3A_181 = vector.broadcast %jit3A_180 : f32 to vector<256x1024xf32>
    %select_n3A_182 = arith.select %eq3A_179, %broadcast_in_dim3A_181, %select_n3A_160 : vector<256x1024xi1>, vector<256x1024xf32>
    %reduce_min3A_183 = arith.constant dense<0x7F800000> : vector<256xf32>
    %reduce_min3A_184 = vector.multi_reduction <minimumf>, %select_n3A_182, %reduce_min3A_183 [1] : vector<256x1024xf32> to vector<256xf32>
    %broadcast_in_dim3A_185 = vector.shape_cast %reduce_min3A_184 : vector<256xf32> to vector<256x1xf32>
    %eq3A_186 = vector.broadcast %broadcast_in_dim3A_185 : vector<256x1xf32> to vector<256x1024xf32>
    %eq3A_187 = arith.cmpf oeq, %select_n3A_182, %eq3A_186 : vector<256x1024xf32>
    %jit3A_188 = arith.constant 1073741824 : i32
    %broadcast_in_dim3A_189 = vector.broadcast %jit3A_188 : i32 to vector<256x1024xi32>
    %select_n3A_190 = arith.select %eq3A_187, %reshape3A, %broadcast_in_dim3A_189 : vector<256x1024xi1>, vector<256x1024xi32>
    %reduce_min3A_191 = arith.constant dense<2147483647> : vector<256xi32>
    %reduce_min3A_192 = vector.multi_reduction <minsi>, %select_n3A_190, %reduce_min3A_191 [1] : vector<256x1024xi32> to vector<256xi32>
    %swap3A_193 = arith.constant 0 : index
    %swap3A_194 = arith.constant 0 : index
    %swap3A_195 = arith.constant 8 : index
    %swap3A_196 = vector.load %arg4[%swap3A_193, %swap3A_194, %swap3A_195] : memref<1x256x32xi32, #tpu.memory_space<vmem>>, vector<1x256x1xi32>
    %swap3A_197 = vector.shape_cast %swap3A_196 : vector<1x256x1xi32> to vector<256xi32>
    %swap3A_198 = vector.shape_cast %reduce_min3A_192 : vector<256xi32> to vector<1x256x1xi32>
    tpu.vector_store %arg4[%swap3A_193, %swap3A_194, %swap3A_195], %swap3A_198 {strides = array<i32>} : memref<1x256x32xi32, #tpu.memory_space<vmem>>, vector<1x256x1xi32>,
    %broadcast_in_dim3A_199 = vector.shape_cast %reduce_min3A_192 : vector<256xi32> to vector<256x1xi32>
    %eq3A_200 = vector.broadcast %broadcast_in_dim3A_199 : vector<256x1xi32> to vector<256x1024xi32>
    %eq3A_201 = arith.cmpi eq, %reshape3A, %eq3A_200 : vector<256x1024xi32>
    %jit3A_202 = arith.constant 0x7F800000 : f32
    %broadcast_in_dim3A_203 = vector.broadcast %jit3A_202 : f32 to vector<256x1024xf32>
    %select_n3A_204 = arith.select %eq3A_201, %broadcast_in_dim3A_203, %select_n3A_182 : vector<256x1024xi1>, vector<256x1024xf32>
    %reduce_min3A_205 = arith.constant dense<0x7F800000> : vector<256xf32>
    %reduce_min3A_206 = vector.multi_reduction <minimumf>, %select_n3A_204, %reduce_min3A_205 [1] : vector<256x1024xf32> to vector<256xf32>
    %broadcast_in_dim3A_207 = vector.shape_cast %reduce_min3A_206 : vector<256xf32> to vector<256x1xf32>
    %eq3A_208 = vector.broadcast %broadcast_in_dim3A_207 : vector<256x1xf32> to vector<256x1024xf32>
    %eq3A_209 = arith.cmpf oeq, %select_n3A_204, %eq3A_208 : vector<256x1024xf32>
    %jit3A_210 = arith.constant 1073741824 : i32
    %broadcast_in_dim3A_211 = vector.broadcast %jit3A_210 : i32 to vector<256x1024xi32>
    %select_n3A_212 = arith.select %eq3A_209, %reshape3A, %broadcast_in_dim3A_211 : vector<256x1024xi1>, vector<256x1024xi32>
    %reduce_min3A_213 = arith.constant dense<2147483647> : vector<256xi32>
    %reduce_min3A_214 = vector.multi_reduction <minsi>, %select_n3A_212, %reduce_min3A_213 [1] : vector<256x1024xi32> to vector<256xi32>
    %swap3A_215 = arith.constant 0 : index
    %swap3A_216 = arith.constant 0 : index
    %swap3A_217 = arith.constant 9 : index
    %swap3A_218 = vector.load %arg4[%swap3A_215, %swap3A_216, %swap3A_217] : memref<1x256x32xi32, #tpu.memory_space<vmem>>, vector<1x256x1xi32>
    %swap3A_219 = vector.shape_cast %swap3A_218 : vector<1x256x1xi32> to vector<256xi32>
    %swap3A_220 = vector.shape_cast %reduce_min3A_214 : vector<256xi32> to vector<1x256x1xi32>
    tpu.vector_store %arg4[%swap3A_215, %swap3A_216, %swap3A_217], %swap3A_220 {strides = array<i32>} : memref<1x256x32xi32, #tpu.memory_space<vmem>>, vector<1x256x1xi32>,
    %broadcast_in_dim3A_221 = vector.shape_cast %reduce_min3A_214 : vector<256xi32> to vector<256x1xi32>
    %eq3A_222 = vector.broadcast %broadcast_in_dim3A_221 : vector<256x1xi32> to vector<256x1024xi32>
    %eq3A_223 = arith.cmpi eq, %reshape3A, %eq3A_222 : vector<256x1024xi32>
    %jit3A_224 = arith.constant 0x7F800000 : f32
    %broadcast_in_dim3A_225 = vector.broadcast %jit3A_224 : f32 to vector<256x1024xf32>
    %select_n3A_226 = arith.select %eq3A_223, %broadcast_in_dim3A_225, %select_n3A_204 : vector<256x1024xi1>, vector<256x1024xf32>
    %reduce_min3A_227 = arith.constant dense<0x7F800000> : vector<256xf32>
    %reduce_min3A_228 = vector.multi_reduction <minimumf>, %select_n3A_226, %reduce_min3A_227 [1] : vector<256x1024xf32> to vector<256xf32>
    %broadcast_in_dim3A_229 = vector.shape_cast %reduce_min3A_228 : vector<256xf32> to vector<256x1xf32>
    %eq3A_230 = vector.broadcast %broadcast_in_dim3A_229 : vector<256x1xf32> to vector<256x1024xf32>
    %eq3A_231 = arith.cmpf oeq, %select_n3A_226, %eq3A_230 : vector<256x1024xf32>
    %jit3A_232 = arith.constant 1073741824 : i32
    %broadcast_in_dim3A_233 = vector.broadcast %jit3A_232 : i32 to vector<256x1024xi32>
    %select_n3A_234 = arith.select %eq3A_231, %reshape3A, %broadcast_in_dim3A_233 : vector<256x1024xi1>, vector<256x1024xi32>
    %reduce_min3A_235 = arith.constant dense<2147483647> : vector<256xi32>
    %reduce_min3A_236 = vector.multi_reduction <minsi>, %select_n3A_234, %reduce_min3A_235 [1] : vector<256x1024xi32> to vector<256xi32>
    %swap3A_237 = arith.constant 0 : index
    %swap3A_238 = arith.constant 0 : index
    %swap3A_239 = arith.constant 10 : index
    %swap3A_240 = vector.load %arg4[%swap3A_237, %swap3A_238, %swap3A_239] : memref<1x256x32xi32, #tpu.memory_space<vmem>>, vector<1x256x1xi32>
    %swap3A_241 = vector.shape_cast %swap3A_240 : vector<1x256x1xi32> to vector<256xi32>
    %swap3A_242 = vector.shape_cast %reduce_min3A_236 : vector<256xi32> to vector<1x256x1xi32>
    tpu.vector_store %arg4[%swap3A_237, %swap3A_238, %swap3A_239], %swap3A_242 {strides = array<i32>} : memref<1x256x32xi32, #tpu.memory_space<vmem>>, vector<1x256x1xi32>,
    %broadcast_in_dim3A_243 = vector.shape_cast %reduce_min3A_236 : vector<256xi32> to vector<256x1xi32>
    %eq3A_244 = vector.broadcast %broadcast_in_dim3A_243 : vector<256x1xi32> to vector<256x1024xi32>
    %eq3A_245 = arith.cmpi eq, %reshape3A, %eq3A_244 : vector<256x1024xi32>
    %jit3A_246 = arith.constant 0x7F800000 : f32
    %broadcast_in_dim3A_247 = vector.broadcast %jit3A_246 : f32 to vector<256x1024xf32>
    %select_n3A_248 = arith.select %eq3A_245, %broadcast_in_dim3A_247, %select_n3A_226 : vector<256x1024xi1>, vector<256x1024xf32>
    %reduce_min3A_249 = arith.constant dense<0x7F800000> : vector<256xf32>
    %reduce_min3A_250 = vector.multi_reduction <minimumf>, %select_n3A_248, %reduce_min3A_249 [1] : vector<256x1024xf32> to vector<256xf32>
    %broadcast_in_dim3A_251 = vector.shape_cast %reduce_min3A_250 : vector<256xf32> to vector<256x1xf32>
    %eq3A_252 = vector.broadcast %broadcast_in_dim3A_251 : vector<256x1xf32> to vector<256x1024xf32>
    %eq3A_253 = arith.cmpf oeq, %select_n3A_248, %eq3A_252 : vector<256x1024xf32>
    %jit3A_254 = arith.constant 1073741824 : i32
    %broadcast_in_dim3A_255 = vector.broadcast %jit3A_254 : i32 to vector<256x1024xi32>
    %select_n3A_256 = arith.select %eq3A_253, %reshape3A, %broadcast_in_dim3A_255 : vector<256x1024xi1>, vector<256x1024xi32>
    %reduce_min3A_257 = arith.constant dense<2147483647> : vector<256xi32>
    %reduce_min3A_258 = vector.multi_reduction <minsi>, %select_n3A_256, %reduce_min3A_257 [1] : vector<256x1024xi32> to vector<256xi32>
    %swap3A_259 = arith.constant 0 : index
    %swap3A_260 = arith.constant 0 : index
    %swap3A_261 = arith.constant 11 : index
    %swap3A_262 = vector.load %arg4[%swap3A_259, %swap3A_260, %swap3A_261] : memref<1x256x32xi32, #tpu.memory_space<vmem>>, vector<1x256x1xi32>
    %swap3A_263 = vector.shape_cast %swap3A_262 : vector<1x256x1xi32> to vector<256xi32>
    %swap3A_264 = vector.shape_cast %reduce_min3A_258 : vector<256xi32> to vector<1x256x1xi32>
    tpu.vector_store %arg4[%swap3A_259, %swap3A_260, %swap3A_261], %swap3A_264 {strides = array<i32>} : memref<1x256x32xi32, #tpu.memory_space<vmem>>, vector<1x256x1xi32>,
    %broadcast_in_dim3A_265 = vector.shape_cast %reduce_min3A_258 : vector<256xi32> to vector<256x1xi32>
    %eq3A_266 = vector.broadcast %broadcast_in_dim3A_265 : vector<256x1xi32> to vector<256x1024xi32>
    %eq3A_267 = arith.cmpi eq, %reshape3A, %eq3A_266 : vector<256x1024xi32>
    %jit3A_268 = arith.constant 0x7F800000 : f32
    %broadcast_in_dim3A_269 = vector.broadcast %jit3A_268 : f32 to vector<256x1024xf32>
    %select_n3A_270 = arith.select %eq3A_267, %broadcast_in_dim3A_269, %select_n3A_248 : vector<256x1024xi1>, vector<256x1024xf32>
    %reduce_min3A_271 = arith.constant dense<0x7F800000> : vector<256xf32>
    %reduce_min3A_272 = vector.multi_reduction <minimumf>, %select_n3A_270, %reduce_min3A_271 [1] : vector<256x1024xf32> to vector<256xf32>
    %broadcast_in_dim3A_273 = vector.shape_cast %reduce_min3A_272 : vector<256xf32> to vector<256x1xf32>
    %eq3A_274 = vector.broadcast %broadcast_in_dim3A_273 : vector<256x1xf32> to vector<256x1024xf32>
    %eq3A_275 = arith.cmpf oeq, %select_n3A_270, %eq3A_274 : vector<256x1024xf32>
    %jit3A_276 = arith.constant 1073741824 : i32
    %broadcast_in_dim3A_277 = vector.broadcast %jit3A_276 : i32 to vector<256x1024xi32>
    %select_n3A_278 = arith.select %eq3A_275, %reshape3A, %broadcast_in_dim3A_277 : vector<256x1024xi1>, vector<256x1024xi32>
    %reduce_min3A_279 = arith.constant dense<2147483647> : vector<256xi32>
    %reduce_min3A_280 = vector.multi_reduction <minsi>, %select_n3A_278, %reduce_min3A_279 [1] : vector<256x1024xi32> to vector<256xi32>
    %swap3A_281 = arith.constant 0 : index
    %swap3A_282 = arith.constant 0 : index
    %swap3A_283 = arith.constant 12 : index
    %swap3A_284 = vector.load %arg4[%swap3A_281, %swap3A_282, %swap3A_283] : memref<1x256x32xi32, #tpu.memory_space<vmem>>, vector<1x256x1xi32>
    %swap3A_285 = vector.shape_cast %swap3A_284 : vector<1x256x1xi32> to vector<256xi32>
    %swap3A_286 = vector.shape_cast %reduce_min3A_280 : vector<256xi32> to vector<1x256x1xi32>
    tpu.vector_store %arg4[%swap3A_281, %swap3A_282, %swap3A_283], %swap3A_286 {strides = array<i32>} : memref<1x256x32xi32, #tpu.memory_space<vmem>>, vector<1x256x1xi32>,
    %broadcast_in_dim3A_287 = vector.shape_cast %reduce_min3A_280 : vector<256xi32> to vector<256x1xi32>
    %eq3A_288 = vector.broadcast %broadcast_in_dim3A_287 : vector<256x1xi32> to vector<256x1024xi32>
    %eq3A_289 = arith.cmpi eq, %reshape3A, %eq3A_288 : vector<256x1024xi32>
    %jit3A_290 = arith.constant 0x7F800000 : f32
    %broadcast_in_dim3A_291 = vector.broadcast %jit3A_290 : f32 to vector<256x1024xf32>
    %select_n3A_292 = arith.select %eq3A_289, %broadcast_in_dim3A_291, %select_n3A_270 : vector<256x1024xi1>, vector<256x1024xf32>
    %reduce_min3A_293 = arith.constant dense<0x7F800000> : vector<256xf32>
    %reduce_min3A_294 = vector.multi_reduction <minimumf>, %select_n3A_292, %reduce_min3A_293 [1] : vector<256x1024xf32> to vector<256xf32>
    %broadcast_in_dim3A_295 = vector.shape_cast %reduce_min3A_294 : vector<256xf32> to vector<256x1xf32>
    %eq3A_296 = vector.broadcast %broadcast_in_dim3A_295 : vector<256x1xf32> to vector<256x1024xf32>
    %eq3A_297 = arith.cmpf oeq, %select_n3A_292, %eq3A_296 : vector<256x1024xf32>
    %jit3A_298 = arith.constant 1073741824 : i32
    %broadcast_in_dim3A_299 = vector.broadcast %jit3A_298 : i32 to vector<256x1024xi32>
    %select_n3A_300 = arith.select %eq3A_297, %reshape3A, %broadcast_in_dim3A_299 : vector<256x1024xi1>, vector<256x1024xi32>
    %reduce_min3A_301 = arith.constant dense<2147483647> : vector<256xi32>
    %reduce_min3A_302 = vector.multi_reduction <minsi>, %select_n3A_300, %reduce_min3A_301 [1] : vector<256x1024xi32> to vector<256xi32>
    %swap3A_303 = arith.constant 0 : index
    %swap3A_304 = arith.constant 0 : index
    %swap3A_305 = arith.constant 13 : index
    %swap3A_306 = vector.load %arg4[%swap3A_303, %swap3A_304, %swap3A_305] : memref<1x256x32xi32, #tpu.memory_space<vmem>>, vector<1x256x1xi32>
    %swap3A_307 = vector.shape_cast %swap3A_306 : vector<1x256x1xi32> to vector<256xi32>
    %swap3A_308 = vector.shape_cast %reduce_min3A_302 : vector<256xi32> to vector<1x256x1xi32>
    tpu.vector_store %arg4[%swap3A_303, %swap3A_304, %swap3A_305], %swap3A_308 {strides = array<i32>} : memref<1x256x32xi32, #tpu.memory_space<vmem>>, vector<1x256x1xi32>,
    %broadcast_in_dim3A_309 = vector.shape_cast %reduce_min3A_302 : vector<256xi32> to vector<256x1xi32>
    %eq3A_310 = vector.broadcast %broadcast_in_dim3A_309 : vector<256x1xi32> to vector<256x1024xi32>
    %eq3A_311 = arith.cmpi eq, %reshape3A, %eq3A_310 : vector<256x1024xi32>
    %jit3A_312 = arith.constant 0x7F800000 : f32
    %broadcast_in_dim3A_313 = vector.broadcast %jit3A_312 : f32 to vector<256x1024xf32>
    %select_n3A_314 = arith.select %eq3A_311, %broadcast_in_dim3A_313, %select_n3A_292 : vector<256x1024xi1>, vector<256x1024xf32>
    %reduce_min3A_315 = arith.constant dense<0x7F800000> : vector<256xf32>
    %reduce_min3A_316 = vector.multi_reduction <minimumf>, %select_n3A_314, %reduce_min3A_315 [1] : vector<256x1024xf32> to vector<256xf32>
    %broadcast_in_dim3A_317 = vector.shape_cast %reduce_min3A_316 : vector<256xf32> to vector<256x1xf32>
    %eq3A_318 = vector.broadcast %broadcast_in_dim3A_317 : vector<256x1xf32> to vector<256x1024xf32>
    %eq3A_319 = arith.cmpf oeq, %select_n3A_314, %eq3A_318 : vector<256x1024xf32>
    %jit3A_320 = arith.constant 1073741824 : i32
    %broadcast_in_dim3A_321 = vector.broadcast %jit3A_320 : i32 to vector<256x1024xi32>
    %select_n3A_322 = arith.select %eq3A_319, %reshape3A, %broadcast_in_dim3A_321 : vector<256x1024xi1>, vector<256x1024xi32>
    %reduce_min3A_323 = arith.constant dense<2147483647> : vector<256xi32>
    %reduce_min3A_324 = vector.multi_reduction <minsi>, %select_n3A_322, %reduce_min3A_323 [1] : vector<256x1024xi32> to vector<256xi32>
    %swap3A_325 = arith.constant 0 : index
    %swap3A_326 = arith.constant 0 : index
    %swap3A_327 = arith.constant 14 : index
    %swap3A_328 = vector.load %arg4[%swap3A_325, %swap3A_326, %swap3A_327] : memref<1x256x32xi32, #tpu.memory_space<vmem>>, vector<1x256x1xi32>
    %swap3A_329 = vector.shape_cast %swap3A_328 : vector<1x256x1xi32> to vector<256xi32>
    %swap3A_330 = vector.shape_cast %reduce_min3A_324 : vector<256xi32> to vector<1x256x1xi32>
    tpu.vector_store %arg4[%swap3A_325, %swap3A_326, %swap3A_327], %swap3A_330 {strides = array<i32>} : memref<1x256x32xi32, #tpu.memory_space<vmem>>, vector<1x256x1xi32>,
    %broadcast_in_dim3A_331 = vector.shape_cast %reduce_min3A_324 : vector<256xi32> to vector<256x1xi32>
    %eq3A_332 = vector.broadcast %broadcast_in_dim3A_331 : vector<256x1xi32> to vector<256x1024xi32>
    %eq3A_333 = arith.cmpi eq, %reshape3A, %eq3A_332 : vector<256x1024xi32>
    %jit3A_334 = arith.constant 0x7F800000 : f32
    %broadcast_in_dim3A_335 = vector.broadcast %jit3A_334 : f32 to vector<256x1024xf32>
    %select_n3A_336 = arith.select %eq3A_333, %broadcast_in_dim3A_335, %select_n3A_314 : vector<256x1024xi1>, vector<256x1024xf32>
    %reduce_min3A_337 = arith.constant dense<0x7F800000> : vector<256xf32>
    %reduce_min3A_338 = vector.multi_reduction <minimumf>, %select_n3A_336, %reduce_min3A_337 [1] : vector<256x1024xf32> to vector<256xf32>
    %broadcast_in_dim3A_339 = vector.shape_cast %reduce_min3A_338 : vector<256xf32> to vector<256x1xf32>
    %eq3A_340 = vector.broadcast %broadcast_in_dim3A_339 : vector<256x1xf32> to vector<256x1024xf32>
    %eq3A_341 = arith.cmpf oeq, %select_n3A_336, %eq3A_340 : vector<256x1024xf32>
    %jit3A_342 = arith.constant 1073741824 : i32
    %broadcast_in_dim3A_343 = vector.broadcast %jit3A_342 : i32 to vector<256x1024xi32>
    %select_n3A_344 = arith.select %eq3A_341, %reshape3A, %broadcast_in_dim3A_343 : vector<256x1024xi1>, vector<256x1024xi32>
    %reduce_min3A_345 = arith.constant dense<2147483647> : vector<256xi32>
    %reduce_min3A_346 = vector.multi_reduction <minsi>, %select_n3A_344, %reduce_min3A_345 [1] : vector<256x1024xi32> to vector<256xi32>
    %swap3A_347 = arith.constant 0 : index
    %swap3A_348 = arith.constant 0 : index
    %swap3A_349 = arith.constant 15 : index
    %swap3A_350 = vector.load %arg4[%swap3A_347, %swap3A_348, %swap3A_349] : memref<1x256x32xi32, #tpu.memory_space<vmem>>, vector<1x256x1xi32>
    %swap3A_351 = vector.shape_cast %swap3A_350 : vector<1x256x1xi32> to vector<256xi32>
    %swap3A_352 = vector.shape_cast %reduce_min3A_346 : vector<256xi32> to vector<1x256x1xi32>
    tpu.vector_store %arg4[%swap3A_347, %swap3A_348, %swap3A_349], %swap3A_352 {strides = array<i32>} : memref<1x256x32xi32, #tpu.memory_space<vmem>>, vector<1x256x1xi32>,
    %broadcast_in_dim3A_353 = vector.shape_cast %reduce_min3A_346 : vector<256xi32> to vector<256x1xi32>
    %eq3A_354 = vector.broadcast %broadcast_in_dim3A_353 : vector<256x1xi32> to vector<256x1024xi32>
    %eq3A_355 = arith.cmpi eq, %reshape3A, %eq3A_354 : vector<256x1024xi32>
    %jit3A_356 = arith.constant 0x7F800000 : f32
    %broadcast_in_dim3A_357 = vector.broadcast %jit3A_356 : f32 to vector<256x1024xf32>
    %select_n3A_358 = arith.select %eq3A_355, %broadcast_in_dim3A_357, %select_n3A_336 : vector<256x1024xi1>, vector<256x1024xf32>
    %reduce_min3A_359 = arith.constant dense<0x7F800000> : vector<256xf32>
    %reduce_min3A_360 = vector.multi_reduction <minimumf>, %select_n3A_358, %reduce_min3A_359 [1] : vector<256x1024xf32> to vector<256xf32>
    %broadcast_in_dim3A_361 = vector.shape_cast %reduce_min3A_360 : vector<256xf32> to vector<256x1xf32>
    %eq3A_362 = vector.broadcast %broadcast_in_dim3A_361 : vector<256x1xf32> to vector<256x1024xf32>
    %eq3A_363 = arith.cmpf oeq, %select_n3A_358, %eq3A_362 : vector<256x1024xf32>
    %jit3A_364 = arith.constant 1073741824 : i32
    %broadcast_in_dim3A_365 = vector.broadcast %jit3A_364 : i32 to vector<256x1024xi32>
    %select_n3A_366 = arith.select %eq3A_363, %reshape3A, %broadcast_in_dim3A_365 : vector<256x1024xi1>, vector<256x1024xi32>
    %reduce_min3A_367 = arith.constant dense<2147483647> : vector<256xi32>
    %reduce_min3A_368 = vector.multi_reduction <minsi>, %select_n3A_366, %reduce_min3A_367 [1] : vector<256x1024xi32> to vector<256xi32>
    %swap3A_369 = arith.constant 0 : index
    %swap3A_370 = arith.constant 0 : index
    %swap3A_371 = arith.constant 16 : index
    %swap3A_372 = vector.load %arg4[%swap3A_369, %swap3A_370, %swap3A_371] : memref<1x256x32xi32, #tpu.memory_space<vmem>>, vector<1x256x1xi32>
    %swap3A_373 = vector.shape_cast %swap3A_372 : vector<1x256x1xi32> to vector<256xi32>
    %swap3A_374 = vector.shape_cast %reduce_min3A_368 : vector<256xi32> to vector<1x256x1xi32>
    tpu.vector_store %arg4[%swap3A_369, %swap3A_370, %swap3A_371], %swap3A_374 {strides = array<i32>} : memref<1x256x32xi32, #tpu.memory_space<vmem>>, vector<1x256x1xi32>,
    %broadcast_in_dim3A_375 = vector.shape_cast %reduce_min3A_368 : vector<256xi32> to vector<256x1xi32>
    %eq3A_376 = vector.broadcast %broadcast_in_dim3A_375 : vector<256x1xi32> to vector<256x1024xi32>
    %eq3A_377 = arith.cmpi eq, %reshape3A, %eq3A_376 : vector<256x1024xi32>
    %jit3A_378 = arith.constant 0x7F800000 : f32
    %broadcast_in_dim3A_379 = vector.broadcast %jit3A_378 : f32 to vector<256x1024xf32>
    %select_n3A_380 = arith.select %eq3A_377, %broadcast_in_dim3A_379, %select_n3A_358 : vector<256x1024xi1>, vector<256x1024xf32>
    %reduce_min3A_381 = arith.constant dense<0x7F800000> : vector<256xf32>
    %reduce_min3A_382 = vector.multi_reduction <minimumf>, %select_n3A_380, %reduce_min3A_381 [1] : vector<256x1024xf32> to vector<256xf32>
    %broadcast_in_dim3A_383 = vector.shape_cast %reduce_min3A_382 : vector<256xf32> to vector<256x1xf32>
    %eq3A_384 = vector.broadcast %broadcast_in_dim3A_383 : vector<256x1xf32> to vector<256x1024xf32>
    %eq3A_385 = arith.cmpf oeq, %select_n3A_380, %eq3A_384 : vector<256x1024xf32>
    %jit3A_386 = arith.constant 1073741824 : i32
    %broadcast_in_dim3A_387 = vector.broadcast %jit3A_386 : i32 to vector<256x1024xi32>
    %select_n3A_388 = arith.select %eq3A_385, %reshape3A, %broadcast_in_dim3A_387 : vector<256x1024xi1>, vector<256x1024xi32>
    %reduce_min3A_389 = arith.constant dense<2147483647> : vector<256xi32>
    %reduce_min3A_390 = vector.multi_reduction <minsi>, %select_n3A_388, %reduce_min3A_389 [1] : vector<256x1024xi32> to vector<256xi32>
    %swap3A_391 = arith.constant 0 : index
    %swap3A_392 = arith.constant 0 : index
    %swap3A_393 = arith.constant 17 : index
    %swap3A_394 = vector.load %arg4[%swap3A_391, %swap3A_392, %swap3A_393] : memref<1x256x32xi32, #tpu.memory_space<vmem>>, vector<1x256x1xi32>
    %swap3A_395 = vector.shape_cast %swap3A_394 : vector<1x256x1xi32> to vector<256xi32>
    %swap3A_396 = vector.shape_cast %reduce_min3A_390 : vector<256xi32> to vector<1x256x1xi32>
    tpu.vector_store %arg4[%swap3A_391, %swap3A_392, %swap3A_393], %swap3A_396 {strides = array<i32>} : memref<1x256x32xi32, #tpu.memory_space<vmem>>, vector<1x256x1xi32>,
    %broadcast_in_dim3A_397 = vector.shape_cast %reduce_min3A_390 : vector<256xi32> to vector<256x1xi32>
    %eq3A_398 = vector.broadcast %broadcast_in_dim3A_397 : vector<256x1xi32> to vector<256x1024xi32>
    %eq3A_399 = arith.cmpi eq, %reshape3A, %eq3A_398 : vector<256x1024xi32>
    %jit3A_400 = arith.constant 0x7F800000 : f32
    %broadcast_in_dim3A_401 = vector.broadcast %jit3A_400 : f32 to vector<256x1024xf32>
    %select_n3A_402 = arith.select %eq3A_399, %broadcast_in_dim3A_401, %select_n3A_380 : vector<256x1024xi1>, vector<256x1024xf32>
    %reduce_min3A_403 = arith.constant dense<0x7F800000> : vector<256xf32>
    %reduce_min3A_404 = vector.multi_reduction <minimumf>, %select_n3A_402, %reduce_min3A_403 [1] : vector<256x1024xf32> to vector<256xf32>
    %broadcast_in_dim3A_405 = vector.shape_cast %reduce_min3A_404 : vector<256xf32> to vector<256x1xf32>
    %eq3A_406 = vector.broadcast %broadcast_in_dim3A_405 : vector<256x1xf32> to vector<256x1024xf32>
    %eq3A_407 = arith.cmpf oeq, %select_n3A_402, %eq3A_406 : vector<256x1024xf32>
    %jit3A_408 = arith.constant 1073741824 : i32
    %broadcast_in_dim3A_409 = vector.broadcast %jit3A_408 : i32 to vector<256x1024xi32>
    %select_n3A_410 = arith.select %eq3A_407, %reshape3A, %broadcast_in_dim3A_409 : vector<256x1024xi1>, vector<256x1024xi32>
    %reduce_min3A_411 = arith.constant dense<2147483647> : vector<256xi32>
    %reduce_min3A_412 = vector.multi_reduction <minsi>, %select_n3A_410, %reduce_min3A_411 [1] : vector<256x1024xi32> to vector<256xi32>
    %swap3A_413 = arith.constant 0 : index
    %swap3A_414 = arith.constant 0 : index
    %swap3A_415 = arith.constant 18 : index
    %swap3A_416 = vector.load %arg4[%swap3A_413, %swap3A_414, %swap3A_415] : memref<1x256x32xi32, #tpu.memory_space<vmem>>, vector<1x256x1xi32>
    %swap3A_417 = vector.shape_cast %swap3A_416 : vector<1x256x1xi32> to vector<256xi32>
    %swap3A_418 = vector.shape_cast %reduce_min3A_412 : vector<256xi32> to vector<1x256x1xi32>
    tpu.vector_store %arg4[%swap3A_413, %swap3A_414, %swap3A_415], %swap3A_418 {strides = array<i32>} : memref<1x256x32xi32, #tpu.memory_space<vmem>>, vector<1x256x1xi32>,
    %broadcast_in_dim3A_419 = vector.shape_cast %reduce_min3A_412 : vector<256xi32> to vector<256x1xi32>
    %eq3A_420 = vector.broadcast %broadcast_in_dim3A_419 : vector<256x1xi32> to vector<256x1024xi32>
    %eq3A_421 = arith.cmpi eq, %reshape3A, %eq3A_420 : vector<256x1024xi32>
    %jit3A_422 = arith.constant 0x7F800000 : f32
    %broadcast_in_dim3A_423 = vector.broadcast %jit3A_422 : f32 to vector<256x1024xf32>
    %select_n3A_424 = arith.select %eq3A_421, %broadcast_in_dim3A_423, %select_n3A_402 : vector<256x1024xi1>, vector<256x1024xf32>
    %reduce_min3A_425 = arith.constant dense<0x7F800000> : vector<256xf32>
    %reduce_min3A_426 = vector.multi_reduction <minimumf>, %select_n3A_424, %reduce_min3A_425 [1] : vector<256x1024xf32> to vector<256xf32>
    %broadcast_in_dim3A_427 = vector.shape_cast %reduce_min3A_426 : vector<256xf32> to vector<256x1xf32>
    %eq3A_428 = vector.broadcast %broadcast_in_dim3A_427 : vector<256x1xf32> to vector<256x1024xf32>
    %eq3A_429 = arith.cmpf oeq, %select_n3A_424, %eq3A_428 : vector<256x1024xf32>
    %jit3A_430 = arith.constant 1073741824 : i32
    %broadcast_in_dim3A_431 = vector.broadcast %jit3A_430 : i32 to vector<256x1024xi32>
    %select_n3A_432 = arith.select %eq3A_429, %reshape3A, %broadcast_in_dim3A_431 : vector<256x1024xi1>, vector<256x1024xi32>
    %reduce_min3A_433 = arith.constant dense<2147483647> : vector<256xi32>
    %reduce_min3A_434 = vector.multi_reduction <minsi>, %select_n3A_432, %reduce_min3A_433 [1] : vector<256x1024xi32> to vector<256xi32>
    %swap3A_435 = arith.constant 0 : index
    %swap3A_436 = arith.constant 0 : index
    %swap3A_437 = arith.constant 19 : index
    %swap3A_438 = vector.load %arg4[%swap3A_435, %swap3A_436, %swap3A_437] : memref<1x256x32xi32, #tpu.memory_space<vmem>>, vector<1x256x1xi32>
    %swap3A_439 = vector.shape_cast %swap3A_438 : vector<1x256x1xi32> to vector<256xi32>
    %swap3A_440 = vector.shape_cast %reduce_min3A_434 : vector<256xi32> to vector<1x256x1xi32>
    tpu.vector_store %arg4[%swap3A_435, %swap3A_436, %swap3A_437], %swap3A_440 {strides = array<i32>} : memref<1x256x32xi32, #tpu.memory_space<vmem>>, vector<1x256x1xi32>,
    %broadcast_in_dim3A_441 = vector.shape_cast %reduce_min3A_434 : vector<256xi32> to vector<256x1xi32>
    %eq3A_442 = vector.broadcast %broadcast_in_dim3A_441 : vector<256x1xi32> to vector<256x1024xi32>
    %eq3A_443 = arith.cmpi eq, %reshape3A, %eq3A_442 : vector<256x1024xi32>
    %jit3A_444 = arith.constant 0x7F800000 : f32
    %broadcast_in_dim3A_445 = vector.broadcast %jit3A_444 : f32 to vector<256x1024xf32>
    %select_n3A_446 = arith.select %eq3A_443, %broadcast_in_dim3A_445, %select_n3A_424 : vector<256x1024xi1>, vector<256x1024xf32>
    %reduce_min3A_447 = arith.constant dense<0x7F800000> : vector<256xf32>
    %reduce_min3A_448 = vector.multi_reduction <minimumf>, %select_n3A_446, %reduce_min3A_447 [1] : vector<256x1024xf32> to vector<256xf32>
    %broadcast_in_dim3A_449 = vector.shape_cast %reduce_min3A_448 : vector<256xf32> to vector<256x1xf32>
    %eq3A_450 = vector.broadcast %broadcast_in_dim3A_449 : vector<256x1xf32> to vector<256x1024xf32>
    %eq3A_451 = arith.cmpf oeq, %select_n3A_446, %eq3A_450 : vector<256x1024xf32>
    %jit3A_452 = arith.constant 1073741824 : i32
    %broadcast_in_dim3A_453 = vector.broadcast %jit3A_452 : i32 to vector<256x1024xi32>
    %select_n3A_454 = arith.select %eq3A_451, %reshape3A, %broadcast_in_dim3A_453 : vector<256x1024xi1>, vector<256x1024xi32>
    %reduce_min3A_455 = arith.constant dense<2147483647> : vector<256xi32>
    %reduce_min3A_456 = vector.multi_reduction <minsi>, %select_n3A_454, %reduce_min3A_455 [1] : vector<256x1024xi32> to vector<256xi32>
    %swap3A_457 = arith.constant 0 : index
    %swap3A_458 = arith.constant 0 : index
    %swap3A_459 = arith.constant 20 : index
    %swap3A_460 = vector.load %arg4[%swap3A_457, %swap3A_458, %swap3A_459] : memref<1x256x32xi32, #tpu.memory_space<vmem>>, vector<1x256x1xi32>
    %swap3A_461 = vector.shape_cast %swap3A_460 : vector<1x256x1xi32> to vector<256xi32>
    %swap3A_462 = vector.shape_cast %reduce_min3A_456 : vector<256xi32> to vector<1x256x1xi32>
    tpu.vector_store %arg4[%swap3A_457, %swap3A_458, %swap3A_459], %swap3A_462 {strides = array<i32>} : memref<1x256x32xi32, #tpu.memory_space<vmem>>, vector<1x256x1xi32>,
    %broadcast_in_dim3A_463 = vector.shape_cast %reduce_min3A_456 : vector<256xi32> to vector<256x1xi32>
    %eq3A_464 = vector.broadcast %broadcast_in_dim3A_463 : vector<256x1xi32> to vector<256x1024xi32>
    %eq3A_465 = arith.cmpi eq, %reshape3A, %eq3A_464 : vector<256x1024xi32>
    %jit3A_466 = arith.constant 0x7F800000 : f32
    %broadcast_in_dim3A_467 = vector.broadcast %jit3A_466 : f32 to vector<256x1024xf32>
    %select_n3A_468 = arith.select %eq3A_465, %broadcast_in_dim3A_467, %select_n3A_446 : vector<256x1024xi1>, vector<256x1024xf32>
    %reduce_min3A_469 = arith.constant dense<0x7F800000> : vector<256xf32>
    %reduce_min3A_470 = vector.multi_reduction <minimumf>, %select_n3A_468, %reduce_min3A_469 [1] : vector<256x1024xf32> to vector<256xf32>
    %broadcast_in_dim3A_471 = vector.shape_cast %reduce_min3A_470 : vector<256xf32> to vector<256x1xf32>
    %eq3A_472 = vector.broadcast %broadcast_in_dim3A_471 : vector<256x1xf32> to vector<256x1024xf32>
    %eq3A_473 = arith.cmpf oeq, %select_n3A_468, %eq3A_472 : vector<256x1024xf32>
    %jit3A_474 = arith.constant 1073741824 : i32
    %broadcast_in_dim3A_475 = vector.broadcast %jit3A_474 : i32 to vector<256x1024xi32>
    %select_n3A_476 = arith.select %eq3A_473, %reshape3A, %broadcast_in_dim3A_475 : vector<256x1024xi1>, vector<256x1024xi32>
    %reduce_min3A_477 = arith.constant dense<2147483647> : vector<256xi32>
    %reduce_min3A_478 = vector.multi_reduction <minsi>, %select_n3A_476, %reduce_min3A_477 [1] : vector<256x1024xi32> to vector<256xi32>
    %swap3A_479 = arith.constant 0 : index
    %swap3A_480 = arith.constant 0 : index
    %swap3A_481 = arith.constant 21 : index
    %swap3A_482 = vector.load %arg4[%swap3A_479, %swap3A_480, %swap3A_481] : memref<1x256x32xi32, #tpu.memory_space<vmem>>, vector<1x256x1xi32>
    %swap3A_483 = vector.shape_cast %swap3A_482 : vector<1x256x1xi32> to vector<256xi32>
    %swap3A_484 = vector.shape_cast %reduce_min3A_478 : vector<256xi32> to vector<1x256x1xi32>
    tpu.vector_store %arg4[%swap3A_479, %swap3A_480, %swap3A_481], %swap3A_484 {strides = array<i32>} : memref<1x256x32xi32, #tpu.memory_space<vmem>>, vector<1x256x1xi32>,
    %broadcast_in_dim3A_485 = vector.shape_cast %reduce_min3A_478 : vector<256xi32> to vector<256x1xi32>
    %eq3A_486 = vector.broadcast %broadcast_in_dim3A_485 : vector<256x1xi32> to vector<256x1024xi32>
    %eq3A_487 = arith.cmpi eq, %reshape3A, %eq3A_486 : vector<256x1024xi32>
    %jit3A_488 = arith.constant 0x7F800000 : f32
    %broadcast_in_dim3A_489 = vector.broadcast %jit3A_488 : f32 to vector<256x1024xf32>
    %select_n3A_490 = arith.select %eq3A_487, %broadcast_in_dim3A_489, %select_n3A_468 : vector<256x1024xi1>, vector<256x1024xf32>
    %reduce_min3A_491 = arith.constant dense<0x7F800000> : vector<256xf32>
    %reduce_min3A_492 = vector.multi_reduction <minimumf>, %select_n3A_490, %reduce_min3A_491 [1] : vector<256x1024xf32> to vector<256xf32>
    %broadcast_in_dim3A_493 = vector.shape_cast %reduce_min3A_492 : vector<256xf32> to vector<256x1xf32>
    %eq3A_494 = vector.broadcast %broadcast_in_dim3A_493 : vector<256x1xf32> to vector<256x1024xf32>
    %eq3A_495 = arith.cmpf oeq, %select_n3A_490, %eq3A_494 : vector<256x1024xf32>
    %jit3A_496 = arith.constant 1073741824 : i32
    %broadcast_in_dim3A_497 = vector.broadcast %jit3A_496 : i32 to vector<256x1024xi32>
    %select_n3A_498 = arith.select %eq3A_495, %reshape3A, %broadcast_in_dim3A_497 : vector<256x1024xi1>, vector<256x1024xi32>
    %reduce_min3A_499 = arith.constant dense<2147483647> : vector<256xi32>
    %reduce_min3A_500 = vector.multi_reduction <minsi>, %select_n3A_498, %reduce_min3A_499 [1] : vector<256x1024xi32> to vector<256xi32>
    %swap3A_501 = arith.constant 0 : index
    %swap3A_502 = arith.constant 0 : index
    %swap3A_503 = arith.constant 22 : index
    %swap3A_504 = vector.load %arg4[%swap3A_501, %swap3A_502, %swap3A_503] : memref<1x256x32xi32, #tpu.memory_space<vmem>>, vector<1x256x1xi32>
    %swap3A_505 = vector.shape_cast %swap3A_504 : vector<1x256x1xi32> to vector<256xi32>
    %swap3A_506 = vector.shape_cast %reduce_min3A_500 : vector<256xi32> to vector<1x256x1xi32>
    tpu.vector_store %arg4[%swap3A_501, %swap3A_502, %swap3A_503], %swap3A_506 {strides = array<i32>} : memref<1x256x32xi32, #tpu.memory_space<vmem>>, vector<1x256x1xi32>,
    %broadcast_in_dim3A_507 = vector.shape_cast %reduce_min3A_500 : vector<256xi32> to vector<256x1xi32>
    %eq3A_508 = vector.broadcast %broadcast_in_dim3A_507 : vector<256x1xi32> to vector<256x1024xi32>
    %eq3A_509 = arith.cmpi eq, %reshape3A, %eq3A_508 : vector<256x1024xi32>
    %jit3A_510 = arith.constant 0x7F800000 : f32
    %broadcast_in_dim3A_511 = vector.broadcast %jit3A_510 : f32 to vector<256x1024xf32>
    %select_n3A_512 = arith.select %eq3A_509, %broadcast_in_dim3A_511, %select_n3A_490 : vector<256x1024xi1>, vector<256x1024xf32>
    %reduce_min3A_513 = arith.constant dense<0x7F800000> : vector<256xf32>
    %reduce_min3A_514 = vector.multi_reduction <minimumf>, %select_n3A_512, %reduce_min3A_513 [1] : vector<256x1024xf32> to vector<256xf32>
    %broadcast_in_dim3A_515 = vector.shape_cast %reduce_min3A_514 : vector<256xf32> to vector<256x1xf32>
    %eq3A_516 = vector.broadcast %broadcast_in_dim3A_515 : vector<256x1xf32> to vector<256x1024xf32>
    %eq3A_517 = arith.cmpf oeq, %select_n3A_512, %eq3A_516 : vector<256x1024xf32>
    %jit3A_518 = arith.constant 1073741824 : i32
    %broadcast_in_dim3A_519 = vector.broadcast %jit3A_518 : i32 to vector<256x1024xi32>
    %select_n3A_520 = arith.select %eq3A_517, %reshape3A, %broadcast_in_dim3A_519 : vector<256x1024xi1>, vector<256x1024xi32>
    %reduce_min3A_521 = arith.constant dense<2147483647> : vector<256xi32>
    %reduce_min3A_522 = vector.multi_reduction <minsi>, %select_n3A_520, %reduce_min3A_521 [1] : vector<256x1024xi32> to vector<256xi32>
    %swap3A_523 = arith.constant 0 : index
    %swap3A_524 = arith.constant 0 : index
    %swap3A_525 = arith.constant 23 : index
    %swap3A_526 = vector.load %arg4[%swap3A_523, %swap3A_524, %swap3A_525] : memref<1x256x32xi32, #tpu.memory_space<vmem>>, vector<1x256x1xi32>
    %swap3A_527 = vector.shape_cast %swap3A_526 : vector<1x256x1xi32> to vector<256xi32>
    %swap3A_528 = vector.shape_cast %reduce_min3A_522 : vector<256xi32> to vector<1x256x1xi32>
    tpu.vector_store %arg4[%swap3A_523, %swap3A_524, %swap3A_525], %swap3A_528 {strides = array<i32>} : memref<1x256x32xi32, #tpu.memory_space<vmem>>, vector<1x256x1xi32>,
    %broadcast_in_dim3A_529 = vector.shape_cast %reduce_min3A_522 : vector<256xi32> to vector<256x1xi32>
    %eq3A_530 = vector.broadcast %broadcast_in_dim3A_529 : vector<256x1xi32> to vector<256x1024xi32>
    %eq3A_531 = arith.cmpi eq, %reshape3A, %eq3A_530 : vector<256x1024xi32>
    %jit3A_532 = arith.constant 0x7F800000 : f32
    %broadcast_in_dim3A_533 = vector.broadcast %jit3A_532 : f32 to vector<256x1024xf32>
    %select_n3A_534 = arith.select %eq3A_531, %broadcast_in_dim3A_533, %select_n3A_512 : vector<256x1024xi1>, vector<256x1024xf32>
    %reduce_min3A_535 = arith.constant dense<0x7F800000> : vector<256xf32>
    %reduce_min3A_536 = vector.multi_reduction <minimumf>, %select_n3A_534, %reduce_min3A_535 [1] : vector<256x1024xf32> to vector<256xf32>
    %broadcast_in_dim3A_537 = vector.shape_cast %reduce_min3A_536 : vector<256xf32> to vector<256x1xf32>
    %eq3A_538 = vector.broadcast %broadcast_in_dim3A_537 : vector<256x1xf32> to vector<256x1024xf32>
    %eq3A_539 = arith.cmpf oeq, %select_n3A_534, %eq3A_538 : vector<256x1024xf32>
    %jit3A_540 = arith.constant 1073741824 : i32
    %broadcast_in_dim3A_541 = vector.broadcast %jit3A_540 : i32 to vector<256x1024xi32>
    %select_n3A_542 = arith.select %eq3A_539, %reshape3A, %broadcast_in_dim3A_541 : vector<256x1024xi1>, vector<256x1024xi32>
    %reduce_min3A_543 = arith.constant dense<2147483647> : vector<256xi32>
    %reduce_min3A_544 = vector.multi_reduction <minsi>, %select_n3A_542, %reduce_min3A_543 [1] : vector<256x1024xi32> to vector<256xi32>
    %swap3A_545 = arith.constant 0 : index
    %swap3A_546 = arith.constant 0 : index
    %swap3A_547 = arith.constant 24 : index
    %swap3A_548 = vector.load %arg4[%swap3A_545, %swap3A_546, %swap3A_547] : memref<1x256x32xi32, #tpu.memory_space<vmem>>, vector<1x256x1xi32>
    %swap3A_549 = vector.shape_cast %swap3A_548 : vector<1x256x1xi32> to vector<256xi32>
    %swap3A_550 = vector.shape_cast %reduce_min3A_544 : vector<256xi32> to vector<1x256x1xi32>
    tpu.vector_store %arg4[%swap3A_545, %swap3A_546, %swap3A_547], %swap3A_550 {strides = array<i32>} : memref<1x256x32xi32, #tpu.memory_space<vmem>>, vector<1x256x1xi32>,
    %broadcast_in_dim3A_551 = vector.shape_cast %reduce_min3A_544 : vector<256xi32> to vector<256x1xi32>
    %eq3A_552 = vector.broadcast %broadcast_in_dim3A_551 : vector<256x1xi32> to vector<256x1024xi32>
    %eq3A_553 = arith.cmpi eq, %reshape3A, %eq3A_552 : vector<256x1024xi32>
    %jit3A_554 = arith.constant 0x7F800000 : f32
    %broadcast_in_dim3A_555 = vector.broadcast %jit3A_554 : f32 to vector<256x1024xf32>
    %select_n3A_556 = arith.select %eq3A_553, %broadcast_in_dim3A_555, %select_n3A_534 : vector<256x1024xi1>, vector<256x1024xf32>
    %reduce_min3A_557 = arith.constant dense<0x7F800000> : vector<256xf32>
    %reduce_min3A_558 = vector.multi_reduction <minimumf>, %select_n3A_556, %reduce_min3A_557 [1] : vector<256x1024xf32> to vector<256xf32>
    %broadcast_in_dim3A_559 = vector.shape_cast %reduce_min3A_558 : vector<256xf32> to vector<256x1xf32>
    %eq3A_560 = vector.broadcast %broadcast_in_dim3A_559 : vector<256x1xf32> to vector<256x1024xf32>
    %eq3A_561 = arith.cmpf oeq, %select_n3A_556, %eq3A_560 : vector<256x1024xf32>
    %jit3A_562 = arith.constant 1073741824 : i32
    %broadcast_in_dim3A_563 = vector.broadcast %jit3A_562 : i32 to vector<256x1024xi32>
    %select_n3A_564 = arith.select %eq3A_561, %reshape3A, %broadcast_in_dim3A_563 : vector<256x1024xi1>, vector<256x1024xi32>
    %reduce_min3A_565 = arith.constant dense<2147483647> : vector<256xi32>
    %reduce_min3A_566 = vector.multi_reduction <minsi>, %select_n3A_564, %reduce_min3A_565 [1] : vector<256x1024xi32> to vector<256xi32>
    %swap3A_567 = arith.constant 0 : index
    %swap3A_568 = arith.constant 0 : index
    %swap3A_569 = arith.constant 25 : index
    %swap3A_570 = vector.load %arg4[%swap3A_567, %swap3A_568, %swap3A_569] : memref<1x256x32xi32, #tpu.memory_space<vmem>>, vector<1x256x1xi32>
    %swap3A_571 = vector.shape_cast %swap3A_570 : vector<1x256x1xi32> to vector<256xi32>
    %swap3A_572 = vector.shape_cast %reduce_min3A_566 : vector<256xi32> to vector<1x256x1xi32>
    tpu.vector_store %arg4[%swap3A_567, %swap3A_568, %swap3A_569], %swap3A_572 {strides = array<i32>} : memref<1x256x32xi32, #tpu.memory_space<vmem>>, vector<1x256x1xi32>,
    %broadcast_in_dim3A_573 = vector.shape_cast %reduce_min3A_566 : vector<256xi32> to vector<256x1xi32>
    %eq3A_574 = vector.broadcast %broadcast_in_dim3A_573 : vector<256x1xi32> to vector<256x1024xi32>
    %eq3A_575 = arith.cmpi eq, %reshape3A, %eq3A_574 : vector<256x1024xi32>
    %jit3A_576 = arith.constant 0x7F800000 : f32
    %broadcast_in_dim3A_577 = vector.broadcast %jit3A_576 : f32 to vector<256x1024xf32>
    %select_n3A_578 = arith.select %eq3A_575, %broadcast_in_dim3A_577, %select_n3A_556 : vector<256x1024xi1>, vector<256x1024xf32>
    %reduce_min3A_579 = arith.constant dense<0x7F800000> : vector<256xf32>
    %reduce_min3A_580 = vector.multi_reduction <minimumf>, %select_n3A_578, %reduce_min3A_579 [1] : vector<256x1024xf32> to vector<256xf32>
    %broadcast_in_dim3A_581 = vector.shape_cast %reduce_min3A_580 : vector<256xf32> to vector<256x1xf32>
    %eq3A_582 = vector.broadcast %broadcast_in_dim3A_581 : vector<256x1xf32> to vector<256x1024xf32>
    %eq3A_583 = arith.cmpf oeq, %select_n3A_578, %eq3A_582 : vector<256x1024xf32>
    %jit3A_584 = arith.constant 1073741824 : i32
    %broadcast_in_dim3A_585 = vector.broadcast %jit3A_584 : i32 to vector<256x1024xi32>
    %select_n3A_586 = arith.select %eq3A_583, %reshape3A, %broadcast_in_dim3A_585 : vector<256x1024xi1>, vector<256x1024xi32>
    %reduce_min3A_587 = arith.constant dense<2147483647> : vector<256xi32>
    %reduce_min3A_588 = vector.multi_reduction <minsi>, %select_n3A_586, %reduce_min3A_587 [1] : vector<256x1024xi32> to vector<256xi32>
    %swap3A_589 = arith.constant 0 : index
    %swap3A_590 = arith.constant 0 : index
    %swap3A_591 = arith.constant 26 : index
    %swap3A_592 = vector.load %arg4[%swap3A_589, %swap3A_590, %swap3A_591] : memref<1x256x32xi32, #tpu.memory_space<vmem>>, vector<1x256x1xi32>
    %swap3A_593 = vector.shape_cast %swap3A_592 : vector<1x256x1xi32> to vector<256xi32>
    %swap3A_594 = vector.shape_cast %reduce_min3A_588 : vector<256xi32> to vector<1x256x1xi32>
    tpu.vector_store %arg4[%swap3A_589, %swap3A_590, %swap3A_591], %swap3A_594 {strides = array<i32>} : memref<1x256x32xi32, #tpu.memory_space<vmem>>, vector<1x256x1xi32>,
    %broadcast_in_dim3A_595 = vector.shape_cast %reduce_min3A_588 : vector<256xi32> to vector<256x1xi32>
    %eq3A_596 = vector.broadcast %broadcast_in_dim3A_595 : vector<256x1xi32> to vector<256x1024xi32>
    %eq3A_597 = arith.cmpi eq, %reshape3A, %eq3A_596 : vector<256x1024xi32>
    %jit3A_598 = arith.constant 0x7F800000 : f32
    %broadcast_in_dim3A_599 = vector.broadcast %jit3A_598 : f32 to vector<256x1024xf32>
    %select_n3A_600 = arith.select %eq3A_597, %broadcast_in_dim3A_599, %select_n3A_578 : vector<256x1024xi1>, vector<256x1024xf32>
    %reduce_min3A_601 = arith.constant dense<0x7F800000> : vector<256xf32>
    %reduce_min3A_602 = vector.multi_reduction <minimumf>, %select_n3A_600, %reduce_min3A_601 [1] : vector<256x1024xf32> to vector<256xf32>
    %broadcast_in_dim3A_603 = vector.shape_cast %reduce_min3A_602 : vector<256xf32> to vector<256x1xf32>
    %eq3A_604 = vector.broadcast %broadcast_in_dim3A_603 : vector<256x1xf32> to vector<256x1024xf32>
    %eq3A_605 = arith.cmpf oeq, %select_n3A_600, %eq3A_604 : vector<256x1024xf32>
    %jit3A_606 = arith.constant 1073741824 : i32
    %broadcast_in_dim3A_607 = vector.broadcast %jit3A_606 : i32 to vector<256x1024xi32>
    %select_n3A_608 = arith.select %eq3A_605, %reshape3A, %broadcast_in_dim3A_607 : vector<256x1024xi1>, vector<256x1024xi32>
    %reduce_min3A_609 = arith.constant dense<2147483647> : vector<256xi32>
    %reduce_min3A_610 = vector.multi_reduction <minsi>, %select_n3A_608, %reduce_min3A_609 [1] : vector<256x1024xi32> to vector<256xi32>
    %swap3A_611 = arith.constant 0 : index
    %swap3A_612 = arith.constant 0 : index
    %swap3A_613 = arith.constant 27 : index
    %swap3A_614 = vector.load %arg4[%swap3A_611, %swap3A_612, %swap3A_613] : memref<1x256x32xi32, #tpu.memory_space<vmem>>, vector<1x256x1xi32>
    %swap3A_615 = vector.shape_cast %swap3A_614 : vector<1x256x1xi32> to vector<256xi32>
    %swap3A_616 = vector.shape_cast %reduce_min3A_610 : vector<256xi32> to vector<1x256x1xi32>
    tpu.vector_store %arg4[%swap3A_611, %swap3A_612, %swap3A_613], %swap3A_616 {strides = array<i32>} : memref<1x256x32xi32, #tpu.memory_space<vmem>>, vector<1x256x1xi32>,
    %broadcast_in_dim3A_617 = vector.shape_cast %reduce_min3A_610 : vector<256xi32> to vector<256x1xi32>
    %eq3A_618 = vector.broadcast %broadcast_in_dim3A_617 : vector<256x1xi32> to vector<256x1024xi32>
    %eq3A_619 = arith.cmpi eq, %reshape3A, %eq3A_618 : vector<256x1024xi32>
    %jit3A_620 = arith.constant 0x7F800000 : f32
    %broadcast_in_dim3A_621 = vector.broadcast %jit3A_620 : f32 to vector<256x1024xf32>
    %select_n3A_622 = arith.select %eq3A_619, %broadcast_in_dim3A_621, %select_n3A_600 : vector<256x1024xi1>, vector<256x1024xf32>
    %reduce_min3A_623 = arith.constant dense<0x7F800000> : vector<256xf32>
    %reduce_min3A_624 = vector.multi_reduction <minimumf>, %select_n3A_622, %reduce_min3A_623 [1] : vector<256x1024xf32> to vector<256xf32>
    %broadcast_in_dim3A_625 = vector.shape_cast %reduce_min3A_624 : vector<256xf32> to vector<256x1xf32>
    %eq3A_626 = vector.broadcast %broadcast_in_dim3A_625 : vector<256x1xf32> to vector<256x1024xf32>
    %eq3A_627 = arith.cmpf oeq, %select_n3A_622, %eq3A_626 : vector<256x1024xf32>
    %jit3A_628 = arith.constant 1073741824 : i32
    %broadcast_in_dim3A_629 = vector.broadcast %jit3A_628 : i32 to vector<256x1024xi32>
    %select_n3A_630 = arith.select %eq3A_627, %reshape3A, %broadcast_in_dim3A_629 : vector<256x1024xi1>, vector<256x1024xi32>
    %reduce_min3A_631 = arith.constant dense<2147483647> : vector<256xi32>
    %reduce_min3A_632 = vector.multi_reduction <minsi>, %select_n3A_630, %reduce_min3A_631 [1] : vector<256x1024xi32> to vector<256xi32>
    %swap3A_633 = arith.constant 0 : index
    %swap3A_634 = arith.constant 0 : index
    %swap3A_635 = arith.constant 28 : index
    %swap3A_636 = vector.load %arg4[%swap3A_633, %swap3A_634, %swap3A_635] : memref<1x256x32xi32, #tpu.memory_space<vmem>>, vector<1x256x1xi32>
    %swap3A_637 = vector.shape_cast %swap3A_636 : vector<1x256x1xi32> to vector<256xi32>
    %swap3A_638 = vector.shape_cast %reduce_min3A_632 : vector<256xi32> to vector<1x256x1xi32>
    tpu.vector_store %arg4[%swap3A_633, %swap3A_634, %swap3A_635], %swap3A_638 {strides = array<i32>} : memref<1x256x32xi32, #tpu.memory_space<vmem>>, vector<1x256x1xi32>,
    %broadcast_in_dim3A_639 = vector.shape_cast %reduce_min3A_632 : vector<256xi32> to vector<256x1xi32>
    %eq3A_640 = vector.broadcast %broadcast_in_dim3A_639 : vector<256x1xi32> to vector<256x1024xi32>
    %eq3A_641 = arith.cmpi eq, %reshape3A, %eq3A_640 : vector<256x1024xi32>
    %jit3A_642 = arith.constant 0x7F800000 : f32
    %broadcast_in_dim3A_643 = vector.broadcast %jit3A_642 : f32 to vector<256x1024xf32>
    %select_n3A_644 = arith.select %eq3A_641, %broadcast_in_dim3A_643, %select_n3A_622 : vector<256x1024xi1>, vector<256x1024xf32>
    %reduce_min3A_645 = arith.constant dense<0x7F800000> : vector<256xf32>
    %reduce_min3A_646 = vector.multi_reduction <minimumf>, %select_n3A_644, %reduce_min3A_645 [1] : vector<256x1024xf32> to vector<256xf32>
    %broadcast_in_dim3A_647 = vector.shape_cast %reduce_min3A_646 : vector<256xf32> to vector<256x1xf32>
    %eq3A_648 = vector.broadcast %broadcast_in_dim3A_647 : vector<256x1xf32> to vector<256x1024xf32>
    %eq3A_649 = arith.cmpf oeq, %select_n3A_644, %eq3A_648 : vector<256x1024xf32>
    %jit3A_650 = arith.constant 1073741824 : i32
    %broadcast_in_dim3A_651 = vector.broadcast %jit3A_650 : i32 to vector<256x1024xi32>
    %select_n3A_652 = arith.select %eq3A_649, %reshape3A, %broadcast_in_dim3A_651 : vector<256x1024xi1>, vector<256x1024xi32>
    %reduce_min3A_653 = arith.constant dense<2147483647> : vector<256xi32>
    %reduce_min3A_654 = vector.multi_reduction <minsi>, %select_n3A_652, %reduce_min3A_653 [1] : vector<256x1024xi32> to vector<256xi32>
    %swap3A_655 = arith.constant 0 : index
    %swap3A_656 = arith.constant 0 : index
    %swap3A_657 = arith.constant 29 : index
    %swap3A_658 = vector.load %arg4[%swap3A_655, %swap3A_656, %swap3A_657] : memref<1x256x32xi32, #tpu.memory_space<vmem>>, vector<1x256x1xi32>
    %swap3A_659 = vector.shape_cast %swap3A_658 : vector<1x256x1xi32> to vector<256xi32>
    %swap3A_660 = vector.shape_cast %reduce_min3A_654 : vector<256xi32> to vector<1x256x1xi32>
    tpu.vector_store %arg4[%swap3A_655, %swap3A_656, %swap3A_657], %swap3A_660 {strides = array<i32>} : memref<1x256x32xi32, #tpu.memory_space<vmem>>, vector<1x256x1xi32>,
    %broadcast_in_dim3A_661 = vector.shape_cast %reduce_min3A_654 : vector<256xi32> to vector<256x1xi32>
    %eq3A_662 = vector.broadcast %broadcast_in_dim3A_661 : vector<256x1xi32> to vector<256x1024xi32>
    %eq3A_663 = arith.cmpi eq, %reshape3A, %eq3A_662 : vector<256x1024xi32>
    %jit3A_664 = arith.constant 0x7F800000 : f32
    %broadcast_in_dim3A_665 = vector.broadcast %jit3A_664 : f32 to vector<256x1024xf32>
    %select_n3A_666 = arith.select %eq3A_663, %broadcast_in_dim3A_665, %select_n3A_644 : vector<256x1024xi1>, vector<256x1024xf32>
    %reduce_min3A_667 = arith.constant dense<0x7F800000> : vector<256xf32>
    %reduce_min3A_668 = vector.multi_reduction <minimumf>, %select_n3A_666, %reduce_min3A_667 [1] : vector<256x1024xf32> to vector<256xf32>
    %broadcast_in_dim3A_669 = vector.shape_cast %reduce_min3A_668 : vector<256xf32> to vector<256x1xf32>
    %eq3A_670 = vector.broadcast %broadcast_in_dim3A_669 : vector<256x1xf32> to vector<256x1024xf32>
    %eq3A_671 = arith.cmpf oeq, %select_n3A_666, %eq3A_670 : vector<256x1024xf32>
    %jit3A_672 = arith.constant 1073741824 : i32
    %broadcast_in_dim3A_673 = vector.broadcast %jit3A_672 : i32 to vector<256x1024xi32>
    %select_n3A_674 = arith.select %eq3A_671, %reshape3A, %broadcast_in_dim3A_673 : vector<256x1024xi1>, vector<256x1024xi32>
    %reduce_min3A_675 = arith.constant dense<2147483647> : vector<256xi32>
    %reduce_min3A_676 = vector.multi_reduction <minsi>, %select_n3A_674, %reduce_min3A_675 [1] : vector<256x1024xi32> to vector<256xi32>
    %swap3A_677 = arith.constant 0 : index
    %swap3A_678 = arith.constant 0 : index
    %swap3A_679 = arith.constant 30 : index
    %swap3A_680 = vector.load %arg4[%swap3A_677, %swap3A_678, %swap3A_679] : memref<1x256x32xi32, #tpu.memory_space<vmem>>, vector<1x256x1xi32>
    %swap3A_681 = vector.shape_cast %swap3A_680 : vector<1x256x1xi32> to vector<256xi32>
    %swap3A_682 = vector.shape_cast %reduce_min3A_676 : vector<256xi32> to vector<1x256x1xi32>
    tpu.vector_store %arg4[%swap3A_677, %swap3A_678, %swap3A_679], %swap3A_682 {strides = array<i32>} : memref<1x256x32xi32, #tpu.memory_space<vmem>>, vector<1x256x1xi32>,
    %broadcast_in_dim3A_683 = vector.shape_cast %reduce_min3A_676 : vector<256xi32> to vector<256x1xi32>
    %eq3A_684 = vector.broadcast %broadcast_in_dim3A_683 : vector<256x1xi32> to vector<256x1024xi32>
    %eq3A_685 = arith.cmpi eq, %reshape3A, %eq3A_684 : vector<256x1024xi32>
    %jit3A_686 = arith.constant 0x7F800000 : f32
    %broadcast_in_dim3A_687 = vector.broadcast %jit3A_686 : f32 to vector<256x1024xf32>
    %select_n3A_688 = arith.select %eq3A_685, %broadcast_in_dim3A_687, %select_n3A_666 : vector<256x1024xi1>, vector<256x1024xf32>
    %reduce_min3A_689 = arith.constant dense<0x7F800000> : vector<256xf32>
    %reduce_min3A_690 = vector.multi_reduction <minimumf>, %select_n3A_688, %reduce_min3A_689 [1] : vector<256x1024xf32> to vector<256xf32>
    %broadcast_in_dim3A_691 = vector.shape_cast %reduce_min3A_690 : vector<256xf32> to vector<256x1xf32>
    %eq3A_692 = vector.broadcast %broadcast_in_dim3A_691 : vector<256x1xf32> to vector<256x1024xf32>
    %eq3A_693 = arith.cmpf oeq, %select_n3A_688, %eq3A_692 : vector<256x1024xf32>
    %jit3A_694 = arith.constant 1073741824 : i32
    %broadcast_in_dim3A_695 = vector.broadcast %jit3A_694 : i32 to vector<256x1024xi32>
    %select_n3A_696 = arith.select %eq3A_693, %reshape3A, %broadcast_in_dim3A_695 : vector<256x1024xi1>, vector<256x1024xi32>
    %reduce_min3A_697 = arith.constant dense<2147483647> : vector<256xi32>
    %reduce_min3A_698 = vector.multi_reduction <minsi>, %select_n3A_696, %reduce_min3A_697 [1] : vector<256x1024xi32> to vector<256xi32>
    %swap3A_699 = arith.constant 0 : index
    %swap3A_700 = arith.constant 0 : index
    %swap3A_701 = arith.constant 31 : index
    %swap3A_702 = vector.load %arg4[%swap3A_699, %swap3A_700, %swap3A_701] : memref<1x256x32xi32, #tpu.memory_space<vmem>>, vector<1x256x1xi32>
    %swap3A_703 = vector.shape_cast %swap3A_702 : vector<1x256x1xi32> to vector<256xi32>
    %swap3A_704 = vector.shape_cast %reduce_min3A_698 : vector<256xi32> to vector<1x256x1xi32>
    tpu.vector_store %arg4[%swap3A_699, %swap3A_700, %swap3A_701], %swap3A_704 {strides = array<i32>} : memref<1x256x32xi32, #tpu.memory_space<vmem>>, vector<1x256x1xi32>,
    return
  }
  func.func @transform_0(%arg0: i32, %arg1: i32) -> (i32, i32, i32) {
    %c0_i32 = arith.constant 0 : i32
    %c0_i32_0 = arith.constant 0 : i32
    return %arg0, %arg1, %c0_i32 : i32, i32, i32
  }
  func.func @transform_1(%arg0: i32, %arg1: i32) -> (i32, i32, i32) {
    %c0_i32 = arith.constant 0 : i32
    %c0_i32_0 = arith.constant 0 : i32
    return %arg0, %arg1, %c0_i32 : i32, i32, i32
  }
  func.func @transform_2(%arg0: i32, %arg1: i32) -> (i32, i32, i32) {
    %c0_i32 = arith.constant 0 : i32
    %c0_i32_0 = arith.constant 0 : i32
    return %arg0, %arg1, %c0_i32 : i32, i32, i32
  }
}

module attributes {stable_mosaic.version = 14 : i64} {
  func.func @_mlp_pool_body(%arg0: i32, %arg1: i32, %arg2: memref<1x256x32x64xf32, #tpu.memory_space<vmem>>, %arg3: memref<1x256x64xf32, #tpu.memory_space<vmem>>, %arg4: memref<64x64xf32, #tpu.memory_space<vmem>>, %arg5: memref<1x256x64xf32, #tpu.memory_space<vmem>>) attributes {dimension_semantics = [#tpu.dimension_semantics<arbitrary>, #tpu.dimension_semantics<arbitrary>], iteration_bounds = array<i64: 1, 8>, scalar_prefetch = 0 : i64, scratch_operands = 0 : i64, tpu.core_type = #tpu.core_type<tc>, window_params = [{transform_indices = @transform_0, window_bounds = array<i64: 1, 256, 32, 64>}, {transform_indices = @transform_1, window_bounds = array<i64: 1, 256, 64>}, {pipeline_mode = #tpu.pipeline_mode<synchronous>, transform_indices = @transform_2, window_bounds = array<i64: 64, 64>}, {transform_indices = @transform_3, window_bounds = array<i64: 1, 256, 64>}]} {
    %get3A = arith.constant 0 : index
    %get3A_0 = arith.constant 0 : index
    %get3A_1 = arith.constant 0 : index
    %get3A_2 = arith.constant 0 : index
    %get3A_3 = vector.load %arg2[%get3A, %get3A_0, %get3A_1, %get3A_2] : memref<1x256x32x64xf32, #tpu.memory_space<vmem>>, vector<1x256x32x64xf32>
    %get3A_4 = vector.shape_cast %get3A_3 : vector<1x256x32x64xf32> to vector<256x32x64xf32>
    %get3A_5 = arith.constant 0 : index
    %get3A_6 = arith.constant 0 : index
    %get3A_7 = arith.constant 0 : index
    %get3A_8 = vector.load %arg3[%get3A_5, %get3A_6, %get3A_7] : memref<1x256x64xf32, #tpu.memory_space<vmem>>, vector<1x256x64xf32>
    %get3A_9 = vector.shape_cast %get3A_8 : vector<1x256x64xf32> to vector<256x64xf32>
    %broadcast_in_dim3A = vector.shape_cast %get3A_9 : vector<256x64xf32> to vector<256x1x64xf32>
    %sub3A = vector.broadcast %broadcast_in_dim3A : vector<256x1x64xf32> to vector<256x32x64xf32>
    %sub3A_10 = arith.subf %get3A_4, %sub3A : vector<256x32x64xf32>
    %ge3A = arith.constant 0.000000e+00 : f32
    %ge3A_11 = vector.broadcast %ge3A : f32 to vector<256x32x64xf32>
    %ge3A_12 = arith.cmpf oge, %sub3A_10, %ge3A_11 : vector<256x32x64xf32>
    %mul3A = arith.constant 1.000000e-01 : f32
    %mul3A_13 = vector.broadcast %mul3A : f32 to vector<256x32x64xf32>
    %mul3A_14 = arith.mulf %mul3A_13, %sub3A_10 : vector<256x32x64xf32>
    %select_n3A = arith.select %ge3A_12, %sub3A_10, %mul3A_14 : vector<256x32x64xi1>, vector<256x32x64xf32>
    %reshape3A = vector.shape_cast %select_n3A : vector<256x32x64xf32> to vector<8192x64xf32>
    %get3A_15 = arith.constant 0 : index
    %get3A_16 = arith.constant 0 : index
    %get3A_17 = vector.load %arg4[%get3A_15, %get3A_16] : memref<64x64xf32, #tpu.memory_space<vmem>>, vector<64x64xf32>
    %dot_general3A = arith.constant dense<0.000000e+00> : vector<8192x64xf32>
    %dot_general3A_18 = tpu.matmul %reshape3A, %get3A_17, %dot_general3A {dimension_numbers = #tpu.dot_dimension_numbers<[1], [0], [0], [1], [0, 0, 1, 1], [], []>, transpose_lhs_hint = false} : vector<8192x64xf32>, vector<64x64xf32>, vector<8192x64xf32> -> vector<8192x64xf32>
    %ge3A_19 = arith.constant 0.000000e+00 : f32
    %ge3A_20 = vector.broadcast %ge3A_19 : f32 to vector<8192x64xf32>
    %ge3A_21 = arith.cmpf oge, %dot_general3A_18, %ge3A_20 : vector<8192x64xf32>
    %mul3A_22 = arith.constant 1.000000e-01 : f32
    %mul3A_23 = vector.broadcast %mul3A_22 : f32 to vector<8192x64xf32>
    %mul3A_24 = arith.mulf %mul3A_23, %dot_general3A_18 : vector<8192x64xf32>
    %select_n3A_25 = arith.select %ge3A_21, %dot_general3A_18, %mul3A_24 : vector<8192x64xi1>, vector<8192x64xf32>
    %reshape3A_26 = vector.shape_cast %select_n3A_25 : vector<8192x64xf32> to vector<256x32x64xf32>
    %reduce_max3A = arith.constant dense<0xFF800000> : vector<256x64xf32>
    %reduce_max3A_27 = vector.multi_reduction <maximumf>, %reshape3A_26, %reduce_max3A [1] : vector<256x32x64xf32> to vector<256x64xf32>
    %swap3A = arith.constant 0 : index
    %swap3A_28 = arith.constant 0 : index
    %swap3A_29 = arith.constant 0 : index
    %swap3A_30 = vector.load %arg5[%swap3A, %swap3A_28, %swap3A_29] : memref<1x256x64xf32, #tpu.memory_space<vmem>>, vector<1x256x64xf32>
    %swap3A_31 = vector.shape_cast %swap3A_30 : vector<1x256x64xf32> to vector<256x64xf32>
    %swap3A_32 = vector.shape_cast %reduce_max3A_27 : vector<256x64xf32> to vector<1x256x64xf32>
    tpu.vector_store %arg5[%swap3A, %swap3A_28, %swap3A_29], %swap3A_32 {strides = array<i32>} : memref<1x256x64xf32, #tpu.memory_space<vmem>>, vector<1x256x64xf32>,
    return
  }
  func.func @transform_0(%arg0: i32, %arg1: i32) -> (i32, i32, i32, i32) {
    %c0_i32 = arith.constant 0 : i32
    %c0_i32_0 = arith.constant 0 : i32
    %c0_i32_1 = arith.constant 0 : i32
    return %arg0, %arg1, %c0_i32, %c0_i32_0 : i32, i32, i32, i32
  }
  func.func @transform_1(%arg0: i32, %arg1: i32) -> (i32, i32, i32) {
    %c0_i32 = arith.constant 0 : i32
    %c0_i32_0 = arith.constant 0 : i32
    return %arg0, %arg1, %c0_i32 : i32, i32, i32
  }
  func.func @transform_2(%arg0: i32, %arg1: i32) -> (i32, i32) {
    %c0_i32 = arith.constant 0 : i32
    %c0_i32_0 = arith.constant 0 : i32
    %c0_i32_1 = arith.constant 0 : i32
    return %c0_i32, %c0_i32_0 : i32, i32
  }
  func.func @transform_3(%arg0: i32, %arg1: i32) -> (i32, i32, i32) {
    %c0_i32 = arith.constant 0 : i32
    %c0_i32_0 = arith.constant 0 : i32
    return %arg0, %arg1, %c0_i32 : i32, i32, i32
  }
}

</mosaic_0001>

<sc_bundles>
// kernel: kernel.23.cloned.1.call-start
scs
__scs_entry_jumppad:
0x0: {  	(pc) =	sbr.rel $0x88, $3  }
0x1: {  	(tag) =	ssettag $0x0;
	lr =	simm.s32 $0x1  }
0x2: {  	[smem:$0x3F9D] =	sst lr;
	_ =	strace $0xD0000000  }
0x3: {  	_ = 	snop  }
0x4: {  	_ = 	snop  }
0x5: {  	_ = 	snop  }
0x6: {  	_ = 	snop  }
0x7: {  	_ = 	snop  }
__scs_overlays_trampoline_lowered:
0x8: {  	[smem:$0x3FAC] =	sst s0  }
0x9: {  	[smem:$0x3FAD] =	sst s1  }
0xa: {  	[smem:$0x3FAE] =	sst s2  }
0xb: {  	[smem:$0x3FAF] =	sst s3  }
0xc: {  	[smem:$0x3FB0] =	sst s4  }
0xd: {  	[smem:$0x3FB1] =	sst s5  }
0xe: {  	[smem:$0x3FB2] =	sst s6  }
0xf: {  	[smem:$0x3FB3] =	sst s7  }
0x10: {  	[smem:$0x3FB4] =	sst s8  }
0x11: {  	[smem:$0x3FB5] =	sst s9;
	s0 =	simm.s32 @!p0 $0x0  }
0x12: {  	s1 =	sld [smem:$0x3F9B];
	s0 =	simm.s32 @p0 $0x1  }
0x13: {  	[smem:$0x3FB6] =	sst s0;
	s0 =	simm.s32 @!p1 $0x0  }
0x14: {  	s2 =	sld [smem:$0x3F9A];
	s0 =	simm.s32 @p1 $0x1  }
0x15: {  	[smem:$0x3FB7] =	sst s0;
	s0 =	simm.s32 @!p2 $0x0  }
0x16: {  	s3 =	sld [smem:$0x3FDB];
	s0 =	simm.s32 @p2 $0x1  }
0x17: {  	s4 =	simm.s32 $0x1BF5;
	[smem:$0x3FB9] =	sst s0  }
0x18: {  	s0 =	sld [smem:$0x3F9C];
	_ =	swait.ge [sflag:s4], $0x0  }
0x19: {  	s7 =	sld [smem:$0x3F9D]  }
0x1a: {  	s8 =	sadd.s32 $0xFFFFE003, lr  }
0x1b: {  	s9 =	sadd.s32 $0xFFFFFEF7, lr;
	s5 =	simm.s32 $0xFFFFFFFF;
	p2 =	slt.u32 s8, $0xFFFFF086  }
0x1c: {  	p1 =	slt.u32 s9, $0xF7A;
	s5 =	simm.s32 @!p2 $0x0  }
0x1d: {  	s5 =	simm.s32 @p1 $0x1;
	p0 =	seq.s32 s7, s2  }
0x1e: {  	s7 =	smul.u32 @!p0 $0xF7A, s2;
	p2 =	seq.s32 @!p0 s5, $0x0  }
0x1f: {  	s9 =	smul.u32 $0xF7A, s1;
	s8 =	simm.s32 @!p0 $0x1BF5;
	p2 =	por !p2, p0  }
0x20: {  	[sflag:s8] =	ssyncset.s32 @!p0 $0xFFFFF086;
	s6 =	sadd.s32 @!p0 s3, s7;
	s7 =	simm.s32 @!p0 $0x108  }
0x21: {  	s3 =	sadd.s32 s3, s9;
	s6 =	sadd.s32 @!p0 $0x88, s6;
	s7 =	simm.s32 @p2 $0x1082  }
0x22: {  	[simem:s7], [sflag:s8] =	dma.local @!p0 [hbm:s6], $0xF7A  }
0x23: {  	s9 =	sor.u32 $0xD0000000, s2;
	s6 =	simm.s32 $0x108;
	_ =	swait.ge @!p0 [sflag:s8], $0x0  }
0x24: {  	s3 =	sadd.s32 $0x88, s3;
	s6 =	simm.s32 @!p1 $0x1082;
	[sflag:s4] =	ssyncset.s32 $0xFFFFF086  }
0x25: {  	[simem:s6], [sflag:s4] =	dma.local [hbm:s3], $0xF7A  }
0x26: {  	[smem:$0x3F9D] =	sst s1;
	(tag) =	ssettag s2;
	_ =	strace s9  }
0x27: {  	s1 =	sld [smem:$0x3FAD]  }
0x28: {  	s2 =	sld [smem:$0x3FAE]  }
0x29: {  	s4 =	sld [smem:$0x3FB0]  }
0x2a: {  	p0 =	seq.s32 s5, $0x0;
	s5 =	sld [smem:$0x3FB1]  }
0x2b: {  	s6 =	sld [smem:$0x3FB2]  }
0x2c: {  	s7 =	sld [smem:$0x3FB3]  }
0x2d: {  	s3 =	simm.s32 $0x108;
	s8 =	sld [smem:$0x3FB4]  }
0x2e: {  	s3 =	simm.s32 @!p0 $0x1082;
	s9 =	sld [smem:$0x3FB5]  }
0x2f: {  	lr =	sadd.s32 s0, s3;
	s0 =	sld [smem:$0x3FAC]  }
0x30: {  	s3 =	sld [smem:$0x3FAF]  }
0x31: {  	[smem:$0x3FB8] =	sst s10  }
0x32: {  	s10 =	sld [smem:$0x3FB6];
	_ =	sdelay $0x3  }
0x33: {  	p0 =	seq.s32 s10, $0x1;
	s10 =	sld [smem:$0x3FB8];
	_ =	sdelay $0x3  }
0x34: {  	[smem:$0x3FB8] =	sst s10  }
0x35: {  	s10 =	sld [smem:$0x3FB7];
	_ =	sdelay $0x3  }
0x36: {  	p1 =	seq.s32 s10, $0x1;
	s10 =	sld [smem:$0x3FB8];
	_ =	sdelay $0x3  }
0x37: {  	[smem:$0x3FB8] =	sst s10  }
0x38: {  	s10 =	sld [smem:$0x3FB9]  }
0x39: {  	_ = 	snop;
	(pc) =	sbr.ind lr, $3  }
0x3a: {  	_ = 	snop  }
0x3b: {  	_ = 	snop  }
0x3c: {  	p2 =	seq.s32 s10, $0x1;
	s10 =	sld [smem:$0x3FB8]  }
0x3d: {  	_ =	shalt  }
0x3e: {  	_ =	shalt  }
0x3f: {  	_ =	shalt  }
0x40: {  	_ =	shalt  }
0x41: {  	_ =	shalt  }
0x42: {  	_ =	shalt  }
0x43: {  	_ =	shalt  }
0x44: {  	_ =	shalt  }
0x45: {  	_ =	shalt  }
0x46: {  	_ =	shalt  }
0x47: {  	_ =	shalt  }
0x48: {  	_ =	shalt  }
0x49: {  	_ =	shalt  }
0x4a: {  	_ =	shalt  }
0x4b: {  	_ =	shalt  }
0x4c: {  	_ =	shalt  }
0x4d: {  	_ =	shalt  }
0x4e: {  	_ =	shalt  }
0x4f: {  	_ =	shalt  }
0x50: {  	_ =	shalt  }
0x51: {  	_ =	shalt  }
0x52: {  	_ =	shalt  }
0x53: {  	_ =	shalt  }
0x54: {  	_ =	shalt  }
0x55: {  	_ =	shalt  }
0x56: {  	_ =	shalt  }
0x57: {  	_ =	shalt  }
0x58: {  	_ =	shalt  }
0x59: {  	_ =	shalt  }
0x5a: {  	_ =	shalt  }
0x5b: {  	_ =	shalt  }
0x5c: {  	_ =	shalt  }
0x5d: {  	_ =	shalt  }
0x5e: {  	_ =	shalt  }
0x5f: {  	_ =	shalt  }
0x60: {  	_ =	shalt  }
0x61: {  	_ =	shalt  }
0x62: {  	_ =	shalt  }
0x63: {  	_ =	shalt  }
0x64: {  	_ =	shalt  }
0x65: {  	_ =	shalt  }
0x66: {  	_ =	shalt  }
0x67: {  	_ =	shalt  }
0x68: {  	_ =	shalt  }
0x69: {  	_ =	shalt  }
0x6a: {  	_ =	shalt  }
0x6b: {  	_ =	shalt  }
0x6c: {  	_ =	shalt  }
0x6d: {  	_ =	shalt  }
0x6e: {  	_ =	shalt  }
0x6f: {  	_ =	shalt  }
0x70: {  	_ =	shalt  }
0x71: {  	_ =	shalt  }
0x72: {  	_ =	shalt  }
0x73: {  	_ =	shalt  }
0x74: {  	_ =	shalt  }
0x75: {  	_ =	shalt  }
0x76: {  	_ =	shalt  }
0x77: {  	_ =	shalt  }
0x78: {  	_ =	shalt  }
0x79: {  	_ =	shalt  }
0x7a: {  	_ =	shalt  }
0x7b: {  	_ =	shalt  }
0x7c: {  	_ =	shalt  }
0x7d: {  	_ =	shalt  }
0x7e: {  	_ =	shalt  }
0x7f: {  	_ =	shalt  }
0x80: {  	_ =	shalt  }
0x81: {  	_ =	shalt  }
0x82: {  	_ =	shalt  }
0x83: {  	_ =	shalt  }
0x84: {  	_ =	shalt  }
0x85: {  	_ =	shalt  }
0x86: {  	_ =	shalt  }
0x87: {  	_ =	shalt  }
.Lfunc_end0:
.L_simem_size_0:
called_computation.4_lowered:
.L_overlay_start_0:
0x88: {  	s2 =	sld [smem:$0x3FD9]  }
0x89: {  	s3 =	sld [smem:$0x3FFE];
	_ =	sdelay $0x1  }
0x8a: {  	s1 =	srdreg.scid  }
0x8b: {  	s0 =	sand.u32 $0x1, s1  }
0x8c: {  	s17 =	sshll.u32 s0, $0xA;
	s2 =	sadd.s32 s3, s2  }
0x8d: {  	s2 =	sadd.s32 s2, s17  }
0x8e: {  	[smem:$0x3FC4] =	sst s2  }
0x8f: {  	_ = 	snop  }
0x90: {  	(tm) =	ssettm $0x1  }
0x91: {  	s18 =	sld [smem:$0x3FFB];
	_ =	sdelay $0x3  }
0x92: {  	_ =	strace s18  }
0x93: {  	s2 =	sld [smem:$0x3FFC];
	_ =	sdelay $0x3  }
0x94: {  	_ =	strace s2  }
0x95: {  	s2 =	sld [smem:$0x3FFD];
	_ =	sdelay $0x3  }
0x96: {  	_ =	strace s2  }
0x97: {  	_ =	strace $0x8FFFFFFF  }
0x98: {  	s19 =	sld [smem:$0x3FDB];
	_ =	sdelay $0x1  }
0x99: {  	s20 =	simm.s32 $_scs_section_size  }
0x9a: {  	s4 =	simm.s32 $_size__tile_overlayer_lowered;
	s5 =	simm.s32 $_tile_overlayer_lowered  }
0x9b: {  	s6 =	simm.s32 $0x1BFF;
	s21 =	sshll.u32 s5, $0x1;
	s3 =	sadd.s32 s20, s19  }
0x9c: {  	s22 =	simm.s32 $0x0;
	s4 =	sshll.u32 s4, $0x1;
	s5 =	sadd.s32 s21, s3  }
0x9d: {  	[timem:s22], [sflag:s6] =	dma.local [hbm:s5], s4  }
0x9e: {  	_ =	swait.ge [sflag:s6], s4  }
0x9f: {  	s4 =	ssub.s32 $0x0, s4;
	[sflag:s6] =	ssyncset.done $0x0  }
0xa0: {  	[sflag:s6] =	ssyncadd.s32 s4;
	_ =	sdelay $0x1  }
0xa1: {  	s23 =	simm.s32 $0x1B8B  }
0xa2: {  	_ =	swait.ge [sflag:s23], $0x1  }
0xa3: {  	[sflag:s23] =	ssyncset.done $0x0  }
0xa4: {  	[sflag:s23] =	ssyncadd.s32 $0xFFFFFFFF  }
0xa5: {  	s4 =	sld [smem:$0x0]  }
0xa6: {  	s5 =	sand.u32 $0xFFFFFFFE, s1  }
0xa7: {  	p0 =	sne.s32 s1, s5  }
0xa8: {  	s5 =	sshll.u32 @p0 s5, $0xE  }
0xa9: {  	s5 =	sadd.s32 @p0 $0x11B8D, s5;
	s6 =	sshll.u32 @p0 s4, $0x11  }
0xaa: {  	s5 =	sor.u32 @p0 s6, s5  }
0xab: {  	[sflag:s5] =	ssyncadd.remote.s32 @p0 $0x1;
	_ =	sdelay $0x1  }
0xac: {  	s5 =	simm.s32 @p0 $0x1B8D  }
0xad: {  	_ =	swait.eq @p0 [sflag:s5], $0x1  }
0xae: {  	[sflag:s5] =	ssyncadd.s32 @p0 $0xFFFFFFFF  }
0xaf: {  	s6 =	sshll.u32 @!p0 s1, $0xE  }
0xb0: {  	s6 =	sor.u32 @!p0 $0x4000, s6;
	s5 =	simm.s32 @!p0 $0x1B8D  }
0xb1: {  	s4 =	sshll.u32 @!p0 s4, $0x11;
	s6 =	sadd.s32 @!p0 $0x11B8D, s6;
	_ =	swait.eq @!p0 [sflag:s5], $0x1  }
0xb2: {  	s4 =	sor.u32 @!p0 s4, s6;
	[sflag:s5] =	ssyncadd.s32 @!p0 $0xFFFFFFFF  }
0xb3: {  	s25 =	simm.s32 $0x1B8E;
	s24 =	sld [smem:$0x3FFE];
	[sflag:s4] =	ssyncadd.remote.s32 @!p0 $0x1  }
0xb4: {  	s26 =	simm.s32 $execute0_lowered;
	[smem:$0x3FD2] =	sst s25  }
0xb5: {  	s5 =	sshll.u32 s26, $0x1;
	_ =	strace $0x80000055;
	[dreg:$0x1] =	wrdreg $0xFFFFFFFF  }
0xb6: {  	s28 =	simm.s32 $_size_execute0_lowered;
	s3 =	sadd.s32 s3, s5;
	[dreg:$0x0] =	wrdreg $0x0  }
0xb7: {  	s5 =	sshll.u32 s28, $0x1;
	[dreg:$0x2] =	wrdreg s3  }
0xb8: {  	[dreg:$0x3] =	wrdreg s5  }
0xb9: {  	[dreg:$0x4] =	wrdreg $0xC0  }
0xba: {  	_ =	task [dreg:s22], $0x5FFFF  }
0xbb: {  	[dreg:$0x1] =	wrdreg $0xFFFFFFFF  }
0xbc: {  	[dreg:$0x0] =	wrdreg $0x60  }
0xbd: {  	[dreg:$0x2] =	wrdreg s24  }
0xbe: {  	[dreg:$0x3] =	wrdreg $0xA  }
0xbf: {  	_ =	task.clear_ibuf [dreg:s22], $0x4FFFF;
	_ =	strace $0x90000055  }
0xc0: {  	s29 =	simm.s32 $0xA;
	_ =	strace $0x80000057  }
0xc1: {  	_ =	swait.ge [sflag:s29], $0x1  }
0xc2: {  	[sflag:s29] =	ssyncadd.s32 $0xFFFFFFFF  }
0xc3: {  	_ =	strace $0x90000057  }
0xc4: {  	_ =	sfence  }
0xc5: {  	s30 =	sld [smem:$0x0];
	_ =	sdelay $0x2  }
0xc6: {  	s31 =	sshll.u32 s1, $0xD;
	s1 =	sshrl.u32 s1, $0x2  }
0xc7: {  	s4 =	sand.u32 $0x4000, s31;
	s1 =	sadd.s32 s1, s30  }
0xc8: {  	s0 =	sor.u32 s4, s0;
	s1 =	sshll.u32 s1, $0x11  }
0xc9: {  	s0 =	sor.u32 s1, s0  }
0xca: {  	s0 =	sadd.s32 $0x8F2B, s0  }
0xcb: {  	[sflag:s0] =	ssyncadd.remote.s32 $0x1  }
0xcc: {  	_ =	sfence.sel $0xFFFF  }
0xcd: {  	[dreg:$0x0] =	wrdreg $0xFFFFFFFF;
	(pc) =	sbr.abs _section_cstart, $3  }
0xce: {  	[dreg:$0x1] =	wrdreg $0xFFFFFFFF  }
0xcf: {  	_ =	task.clear_ibuf [dreg:s22], $0x2FFFF;
	_ =	strace $0x9FFFFFFF  }
0xd0: {  	(tm) =	ssettm $0x7FFFFFFF  }
0xd1: {  	_ =	shalt  }
tec
execute0_lowered:
.L_overlay_start_1:
0x0: {  	(tag) =	ssettag $0x1  }
0x1: {  	s1 =	srdreg.scid  }
0x2: {  	s0 =	stileid.u32;
	s10 =	sand.u32 $0x1, s1  }
0x3: {  	s8 =	rddreg [dreg:$0x0];
	s3 =	sshll.u32 s0, $0xC;
	s4 =	sshll.u32 s10, $0xB  }
0x4: {  	s2 =	simm.s32 $0x0;
	s1 =	rddreg [dreg:$0x1];
	s9 =	sor.u32 s4, s3  }
0x5: {  	[smem:$0x7FF] =	sst s2;
	s11 =	sadd.s32 $0xA0FC00, s8;
	s3 =	sshrl.u32 s9, $0x3  }
0x6: {  	_ =	strace $0x80000056;
	s4 =	sadd.s32 s11, s3;
	s3 =	simm.s32 $0x2  }
0x7: {  	[tilespmem:s2], [sflag:$0x2] =	stream.linear.gather [hbm4b:s4+s2], $0x400, $0x38;
	[tilespmem:$0x8400] =	vst v63  }
0x8: {  	_ =	swait.ge [sflag:s3], $0x400  }
0x9: {  	s6 =	simm.s32 $0x400;
	[sflag:s3] =	ssyncset.done $0x0  }
0xa: {  	s7 =	simm.s32 $0x1;
	s5 =	sadd.s32 $0x60FC00, s8;
	[sflag:s3] =	ssyncadd.s32 $0xFFFFFC00  }
0xb: {  	[tilespmem:s6], [sflag:$0x1] =	stream.indirect.gather [hbm4b:s5+s6], $0x20, s2, s6, $0xb8;
	[tilespmem:$0x8400] =	vst v63  }
0xc: {  	_ =	swait.ge [sflag:s7], $0x8000  }
0xd: {  	s12 =	sadd.s32 $0x4DC00, s8;
	s29 =	sshll.u32 s9, $0x2;
	[sflag:s7] =	ssyncset.done $0x0  }
0xe: {  	s8 =	sadd.s32 s12, s29;
	[sflag:s7] =	ssyncadd.s32 $0xFFFF8000  }
0xf: {  	[hbm4b:s8+s2] =	stream.linear.scatter [tilespmem:s6], [sflag:$0x2], $0x8000, $0x38;
	[tilespmem:$0x8400] =	vst v63  }
0x10: {  	s13 =	sor.u32 $0x400, s9;
	_ =	swait.ge [sflag:s3], $0x8000  }
0x11: {  	s9 =	sshrl.u32 s13, $0x3;
	[sflag:s3] =	ssyncset.done $0x0  }
0x12: {  	s10 =	ssub.s32 $0x2, s10;
	s9 =	sadd.s32 s11, s9;
	[sflag:s3] =	ssyncadd.s32 $0xFFFF8000  }
0x13: {  	[tilespmem:s2], [sflag:$0x2] =	stream.linear.gather [hbm4b:s9+s2], $0x400, $0x38;
	[tilespmem:$0x8400] =	vst v63  }
0x14: {  	s30 =	sshrl.u32 s10, $0x1;
	_ =	swait.ge [sflag:s3], $0x400  }
0x15: {  	s11 =	ssub.s32 s10, s30;
	[sflag:s3] =	ssyncset.done $0x0  }
0x16: {  	s11 =	smax.u32 s11, $0x1;
	[sflag:s3] =	ssyncadd.s32 $0xFFFFFC00  }
0x17: {  	[tilespmem:s6], [sflag:$0x1] =	stream.indirect.gather [hbm4b:s5+s6], $0x20, s2, s6, $0xb8;
	[tilespmem:$0x8400] =	vst v63  }
0x18: {  	p0 =	sne.s32 s11, $0x1;
	_ =	swait.ge [sflag:s7], $0x8000  }
.Ltmp0:
0x19: {  	s31 =	sshll.u32 s13, $0x2;
	[sflag:s7] =	ssyncset.done $0x0;
	(pc) =	sbr.rel @!p0 .LBB2_2-.Ltmp0, $4  }
0x1a: {  	s10 =	sadd.s32 s12, s31;
	[sflag:s7] =	ssyncadd.s32 $0xFFFF8000  }
0x1b: {  	[hbm4b:s10+s2] =	stream.linear.scatter [tilespmem:s6], [sflag:$0x2], $0x8000, $0x38;
	[tilespmem:$0x8400] =	vst v63  }
0x1c: {  	_ =	swait.ge [sflag:s3], $0x8000  }
0x1d: {  	s11 =	sadd.s32 $0xFFFFFFFF, s11;
	[sflag:s3] =	ssyncset.done $0x0  }
.LBB2_1:
0x1e: {  	p0 =	sne.s32 s11, $0x1;
	s11 =	sadd.s32 $0xFFFFFFFF, s11;
	[sflag:s3] =	ssyncadd.s32 $0xFFFF8000  }
0x1f: {  	[tilespmem:s2], [sflag:$0x2] =	stream.linear.gather [hbm4b:s4+s2], $0x400, $0x38;
	[tilespmem:$0x8400] =	vst v63  }
0x20: {  	_ =	swait.ge [sflag:s3], $0x400  }
0x21: {  	[sflag:s3] =	ssyncset.done $0x0  }
0x22: {  	[sflag:s3] =	ssyncadd.s32 $0xFFFFFC00  }
0x23: {  	[tilespmem:s6], [sflag:$0x1] =	stream.indirect.gather [hbm4b:s5+s6], $0x20, s2, s6, $0xb8;
	[tilespmem:$0x8400] =	vst v63  }
0x24: {  	_ =	swait.ge [sflag:s7], $0x8000  }
0x25: {  	[sflag:s7] =	ssyncset.done $0x0  }
0x26: {  	[sflag:s7] =	ssyncadd.s32 $0xFFFF8000  }
0x27: {  	[hbm4b:s8+s2] =	stream.linear.scatter [tilespmem:s6], [sflag:$0x2], $0x8000, $0x38;
	[tilespmem:$0x8400] =	vst v63  }
0x28: {  	_ =	swait.ge [sflag:s3], $0x8000  }
0x29: {  	[sflag:s3] =	ssyncset.done $0x0  }
0x2a: {  	[sflag:s3] =	ssyncadd.s32 $0xFFFF8000  }
0x2b: {  	[tilespmem:s2], [sflag:$0x2] =	stream.linear.gather [hbm4b:s9+s2], $0x400, $0x38;
	[tilespmem:$0x8400] =	vst v63  }
0x2c: {  	_ =	swait.ge [sflag:s3], $0x400  }
0x2d: {  	[sflag:s3] =	ssyncset.done $0x0  }
0x2e: {  	[sflag:s3] =	ssyncadd.s32 $0xFFFFFC00  }
0x2f: {  	[tilespmem:s6], [sflag:$0x1] =	stream.indirect.gather [hbm4b:s5+s6], $0x20, s2, s6, $0xb8;
	[tilespmem:$0x8400] =	vst v63  }
0x30: {  	_ =	swait.ge [sflag:s7], $0x8000  }
.Ltmp1:
0x31: {  	[sflag:s7] =	ssyncset.done $0x0;
	(pc) =	sbr.rel @p0 .LBB2_1-.Ltmp1, $4  }
0x32: {  	[sflag:s7] =	ssyncadd.s32 $0xFFFF8000  }
0x33: {  	[hbm4b:s10+s2] =	stream.linear.scatter [tilespmem:s6], [sflag:$0x2], $0x8000, $0x38;
	[tilespmem:$0x8400] =	vst v63  }
0x34: {  	_ =	swait.ge [sflag:s3], $0x8000  }
0x35: {  	[sflag:s3] =	ssyncset.done $0x0  }
.LBB2_2:
0x36: {  	[sflag:s3] =	ssyncadd.s32 $0xFFFF8000  }
0x37: {  	_ =	sfence.sel $0x180000  }
0x38: {  	[bflag:$0x0] =	sbarrier.arrive $0xFFFF  }
0x39: {  	p0 =	sne.s32 s0, $0x0;
	_ =	strace $0x90000056  }
0x3a: {  	s0 =	sadd.s32 @!p0 $0x100000, s1;
	[bflag:$0x2] =	sbarrier.arrive $0xFFFF  }
0x3b: {  	[sflag:s0] =	ssyncadd.tile.s32 @!p0 $0x1;
	_ =	shalt  }
.Lfunc_end2:
_tile_overlayer_lowered:
.L_overlay_start_2:
0x3c: {  	(tag) =	ssettag $0x2  }
0x3d: {  	s0 =	rddreg [dreg:$0x0];
	s2 =	stileid.u32  }
0x3e: {  	s1 =	rddreg [dreg:$0x1];
	p0 =	sne.s32 s2, $0x0  }
0x3f: {  	s3 =	rddreg [dreg:$0x2];
	[bflag:$0x3] =	sbarrier.arrive $0xFFFF;
	s2 =	simm.s32 @!p0 $0x1C02  }
0x40: {  	[timem:s3], [sflag:s2] =	dma.local @!p0 [hbm:s0], s1  }
0x41: {  	s0 =	simm.s32 @!p0 $0x2  }
0x42: {  	_ =	swait.ge @!p0 [sflag:s0], s1  }
0x43: {  	s1 =	ssub.s32 @!p0 $0x0, s1;
	[sflag:s0] =	ssyncset.done @!p0 $0x0  }
0x44: {  	[sflag:s0] =	ssyncadd.s32 @!p0 s1  }
0x45: {  	[bflag:$0x3] =	sbarrier.arrive $0xFFFF  }
0x46: {  	_ =	shalt  }

// kernel: kernel.26.cloned.1.call-start
scs
__scs_entry_jumppad:
0x0: {  	(pc) =	sbr.rel $0x88, $3  }
0x1: {  	(tag) =	ssettag $0x0;
	lr =	simm.s32 $0x1  }
0x2: {  	[smem:$0x3F9D] =	sst lr;
	_ =	strace $0xD0000000  }
0x3: {  	_ = 	snop  }
0x4: {  	_ = 	snop  }
0x5: {  	_ = 	snop  }
0x6: {  	_ = 	snop  }
0x7: {  	_ = 	snop  }
__scs_overlays_trampoline_lowered:
0x8: {  	[smem:$0x3FAC] =	sst s0  }
0x9: {  	[smem:$0x3FAD] =	sst s1  }
0xa: {  	[smem:$0x3FAE] =	sst s2  }
0xb: {  	[smem:$0x3FAF] =	sst s3  }
0xc: {  	[smem:$0x3FB0] =	sst s4  }
0xd: {  	[smem:$0x3FB1] =	sst s5  }
0xe: {  	[smem:$0x3FB2] =	sst s6  }
0xf: {  	[smem:$0x3FB3] =	sst s7  }
0x10: {  	[smem:$0x3FB4] =	sst s8  }
0x11: {  	[smem:$0x3FB5] =	sst s9;
	s0 =	simm.s32 @!p0 $0x0  }
0x12: {  	s1 =	sld [smem:$0x3F9B];
	s0 =	simm.s32 @p0 $0x1  }
0x13: {  	[smem:$0x3FB6] =	sst s0;
	s0 =	simm.s32 @!p1 $0x0  }
0x14: {  	s2 =	sld [smem:$0x3F9A];
	s0 =	simm.s32 @p1 $0x1  }
0x15: {  	[smem:$0x3FB7] =	sst s0;
	s0 =	simm.s32 @!p2 $0x0  }
0x16: {  	s3 =	sld [smem:$0x3FDB];
	s0 =	simm.s32 @p2 $0x1  }
0x17: {  	s4 =	simm.s32 $0x1BF5;
	[smem:$0x3FB9] =	sst s0  }
0x18: {  	s0 =	sld [smem:$0x3F9C];
	_ =	swait.ge [sflag:s4], $0x0  }
0x19: {  	s7 =	sld [smem:$0x3F9D]  }
0x1a: {  	s8 =	sadd.s32 $0xFFFFE003, lr  }
0x1b: {  	s9 =	sadd.s32 $0xFFFFFEF7, lr;
	s5 =	simm.s32 $0xFFFFFFFF;
	p2 =	slt.u32 s8, $0xFFFFF086  }
0x1c: {  	p1 =	slt.u32 s9, $0xF7A;
	s5 =	simm.s32 @!p2 $0x0  }
0x1d: {  	s5 =	simm.s32 @p1 $0x1;
	p0 =	seq.s32 s7, s2  }
0x1e: {  	s7 =	smul.u32 @!p0 $0xF7A, s2;
	p2 =	seq.s32 @!p0 s5, $0x0  }
0x1f: {  	s9 =	smul.u32 $0xF7A, s1;
	s8 =	simm.s32 @!p0 $0x1BF5;
	p2 =	por !p2, p0  }
0x20: {  	[sflag:s8] =	ssyncset.s32 @!p0 $0xFFFFF086;
	s6 =	sadd.s32 @!p0 s3, s7;
	s7 =	simm.s32 @!p0 $0x108  }
0x21: {  	s3 =	sadd.s32 s3, s9;
	s6 =	sadd.s32 @!p0 $0x88, s6;
	s7 =	simm.s32 @p2 $0x1082  }
0x22: {  	[simem:s7], [sflag:s8] =	dma.local @!p0 [hbm:s6], $0xF7A  }
0x23: {  	s9 =	sor.u32 $0xD0000000, s2;
	s6 =	simm.s32 $0x108;
	_ =	swait.ge @!p0 [sflag:s8], $0x0  }
0x24: {  	s3 =	sadd.s32 $0x88, s3;
	s6 =	simm.s32 @!p1 $0x1082;
	[sflag:s4] =	ssyncset.s32 $0xFFFFF086  }
0x25: {  	[simem:s6], [sflag:s4] =	dma.local [hbm:s3], $0xF7A  }
0x26: {  	[smem:$0x3F9D] =	sst s1;
	(tag) =	ssettag s2;
	_ =	strace s9  }
0x27: {  	s1 =	sld [smem:$0x3FAD]  }
0x28: {  	s2 =	sld [smem:$0x3FAE]  }
0x29: {  	s4 =	sld [smem:$0x3FB0]  }
0x2a: {  	p0 =	seq.s32 s5, $0x0;
	s5 =	sld [smem:$0x3FB1]  }
0x2b: {  	s6 =	sld [smem:$0x3FB2]  }
0x2c: {  	s7 =	sld [smem:$0x3FB3]  }
0x2d: {  	s3 =	simm.s32 $0x108;
	s8 =	sld [smem:$0x3FB4]  }
0x2e: {  	s3 =	simm.s32 @!p0 $0x1082;
	s9 =	sld [smem:$0x3FB5]  }
0x2f: {  	lr =	sadd.s32 s0, s3;
	s0 =	sld [smem:$0x3FAC]  }
0x30: {  	s3 =	sld [smem:$0x3FAF]  }
0x31: {  	[smem:$0x3FB8] =	sst s10  }
0x32: {  	s10 =	sld [smem:$0x3FB6];
	_ =	sdelay $0x3  }
0x33: {  	p0 =	seq.s32 s10, $0x1;
	s10 =	sld [smem:$0x3FB8];
	_ =	sdelay $0x3  }
0x34: {  	[smem:$0x3FB8] =	sst s10  }
0x35: {  	s10 =	sld [smem:$0x3FB7];
	_ =	sdelay $0x3  }
0x36: {  	p1 =	seq.s32 s10, $0x1;
	s10 =	sld [smem:$0x3FB8];
	_ =	sdelay $0x3  }
0x37: {  	[smem:$0x3FB8] =	sst s10  }
0x38: {  	s10 =	sld [smem:$0x3FB9]  }
0x39: {  	_ = 	snop;
	(pc) =	sbr.ind lr, $3  }
0x3a: {  	_ = 	snop  }
0x3b: {  	_ = 	snop  }
0x3c: {  	p2 =	seq.s32 s10, $0x1;
	s10 =	sld [smem:$0x3FB8]  }
0x3d: {  	_ =	shalt  }
0x3e: {  	_ =	shalt  }
0x3f: {  	_ =	shalt  }
0x40: {  	_ =	shalt  }
0x41: {  	_ =	shalt  }
0x42: {  	_ =	shalt  }
0x43: {  	_ =	shalt  }
0x44: {  	_ =	shalt  }
0x45: {  	_ =	shalt  }
0x46: {  	_ =	shalt  }
0x47: {  	_ =	shalt  }
0x48: {  	_ =	shalt  }
0x49: {  	_ =	shalt  }
0x4a: {  	_ =	shalt  }
0x4b: {  	_ =	shalt  }
0x4c: {  	_ =	shalt  }
0x4d: {  	_ =	shalt  }
0x4e: {  	_ =	shalt  }
0x4f: {  	_ =	shalt  }
0x50: {  	_ =	shalt  }
0x51: {  	_ =	shalt  }
0x52: {  	_ =	shalt  }
0x53: {  	_ =	shalt  }
0x54: {  	_ =	shalt  }
0x55: {  	_ =	shalt  }
0x56: {  	_ =	shalt  }
0x57: {  	_ =	shalt  }
0x58: {  	_ =	shalt  }
0x59: {  	_ =	shalt  }
0x5a: {  	_ =	shalt  }
0x5b: {  	_ =	shalt  }
0x5c: {  	_ =	shalt  }
0x5d: {  	_ =	shalt  }
0x5e: {  	_ =	shalt  }
0x5f: {  	_ =	shalt  }
0x60: {  	_ =	shalt  }
0x61: {  	_ =	shalt  }
0x62: {  	_ =	shalt  }
0x63: {  	_ =	shalt  }
0x64: {  	_ =	shalt  }
0x65: {  	_ =	shalt  }
0x66: {  	_ =	shalt  }
0x67: {  	_ =	shalt  }
0x68: {  	_ =	shalt  }
0x69: {  	_ =	shalt  }
0x6a: {  	_ =	shalt  }
0x6b: {  	_ =	shalt  }
0x6c: {  	_ =	shalt  }
0x6d: {  	_ =	shalt  }
0x6e: {  	_ =	shalt  }
0x6f: {  	_ =	shalt  }
0x70: {  	_ =	shalt  }
0x71: {  	_ =	shalt  }
0x72: {  	_ =	shalt  }
0x73: {  	_ =	shalt  }
0x74: {  	_ =	shalt  }
0x75: {  	_ =	shalt  }
0x76: {  	_ =	shalt  }
0x77: {  	_ =	shalt  }
0x78: {  	_ =	shalt  }
0x79: {  	_ =	shalt  }
0x7a: {  	_ =	shalt  }
0x7b: {  	_ =	shalt  }
0x7c: {  	_ =	shalt  }
0x7d: {  	_ =	shalt  }
0x7e: {  	_ =	shalt  }
0x7f: {  	_ =	shalt  }
0x80: {  	_ =	shalt  }
0x81: {  	_ =	shalt  }
0x82: {  	_ =	shalt  }
0x83: {  	_ =	shalt  }
0x84: {  	_ =	shalt  }
0x85: {  	_ =	shalt  }
0x86: {  	_ =	shalt  }
0x87: {  	_ =	shalt  }
.Lfunc_end0:
.L_simem_size_0:
called_computation.5_lowered:
.L_overlay_start_0:
0x88: {  	s2 =	sld [smem:$0x3FD9]  }
0x89: {  	s3 =	sld [smem:$0x3FFE];
	_ =	sdelay $0x1  }
0x8a: {  	s1 =	srdreg.scid  }
0x8b: {  	s0 =	sand.u32 $0x1, s1  }
0x8c: {  	s17 =	sshll.u32 s0, $0xA;
	s2 =	sadd.s32 s3, s2  }
0x8d: {  	s2 =	sadd.s32 s2, s17  }
0x8e: {  	[smem:$0x3FC4] =	sst s2  }
0x8f: {  	_ = 	snop  }
0x90: {  	(tm) =	ssettm $0x1  }
0x91: {  	s18 =	sld [smem:$0x3FFB];
	_ =	sdelay $0x3  }
0x92: {  	_ =	strace s18  }
0x93: {  	s2 =	sld [smem:$0x3FFC];
	_ =	sdelay $0x3  }
0x94: {  	_ =	strace s2  }
0x95: {  	s2 =	sld [smem:$0x3FFD];
	_ =	sdelay $0x3  }
0x96: {  	_ =	strace s2  }
0x97: {  	_ =	strace $0x8FFFFFFF  }
0x98: {  	s19 =	sld [smem:$0x3FDB];
	_ =	sdelay $0x1  }
0x99: {  	s20 =	simm.s32 $_scs_section_size  }
0x9a: {  	s4 =	simm.s32 $_size__tile_overlayer_lowered;
	s5 =	simm.s32 $_tile_overlayer_lowered  }
0x9b: {  	s6 =	simm.s32 $0x1BFF;
	s21 =	sshll.u32 s5, $0x1;
	s3 =	sadd.s32 s20, s19  }
0x9c: {  	s22 =	simm.s32 $0x0;
	s4 =	sshll.u32 s4, $0x1;
	s5 =	sadd.s32 s21, s3  }
0x9d: {  	[timem:s22], [sflag:s6] =	dma.local [hbm:s5], s4  }
0x9e: {  	_ =	swait.ge [sflag:s6], s4  }
0x9f: {  	s4 =	ssub.s32 $0x0, s4;
	[sflag:s6] =	ssyncset.done $0x0  }
0xa0: {  	[sflag:s6] =	ssyncadd.s32 s4;
	_ =	sdelay $0x1  }
0xa1: {  	s23 =	simm.s32 $0x1B8B  }
0xa2: {  	_ =	swait.ge [sflag:s23], $0x1  }
0xa3: {  	[sflag:s23] =	ssyncset.done $0x0  }
0xa4: {  	[sflag:s23] =	ssyncadd.s32 $0xFFFFFFFF  }
0xa5: {  	s4 =	sld [smem:$0x0]  }
0xa6: {  	s5 =	sand.u32 $0xFFFFFFFE, s1  }
0xa7: {  	p0 =	sne.s32 s1, s5  }
0xa8: {  	s5 =	sshll.u32 @p0 s5, $0xE  }
0xa9: {  	s5 =	sadd.s32 @p0 $0x11B8D, s5;
	s6 =	sshll.u32 @p0 s4, $0x11  }
0xaa: {  	s5 =	sor.u32 @p0 s6, s5  }
0xab: {  	[sflag:s5] =	ssyncadd.remote.s32 @p0 $0x1;
	_ =	sdelay $0x1  }
0xac: {  	s5 =	simm.s32 @p0 $0x1B8D  }
0xad: {  	_ =	swait.eq @p0 [sflag:s5], $0x1  }
0xae: {  	[sflag:s5] =	ssyncadd.s32 @p0 $0xFFFFFFFF  }
0xaf: {  	s6 =	sshll.u32 @!p0 s1, $0xE  }
0xb0: {  	s6 =	sor.u32 @!p0 $0x4000, s6;
	s5 =	simm.s32 @!p0 $0x1B8D  }
0xb1: {  	s4 =	sshll.u32 @!p0 s4, $0x11;
	s6 =	sadd.s32 @!p0 $0x11B8D, s6;
	_ =	swait.eq @!p0 [sflag:s5], $0x1  }
0xb2: {  	s4 =	sor.u32 @!p0 s4, s6;
	[sflag:s5] =	ssyncadd.s32 @!p0 $0xFFFFFFFF  }
0xb3: {  	s25 =	simm.s32 $0x1B8E;
	s24 =	sld [smem:$0x3FFE];
	[sflag:s4] =	ssyncadd.remote.s32 @!p0 $0x1  }
0xb4: {  	s26 =	simm.s32 $execute0_lowered;
	[smem:$0x3FD2] =	sst s25  }
0xb5: {  	s5 =	sshll.u32 s26, $0x1;
	_ =	strace $0x80000061;
	[dreg:$0x1] =	wrdreg $0xFFFFFFFF  }
0xb6: {  	s28 =	simm.s32 $_size_execute0_lowered;
	s3 =	sadd.s32 s3, s5;
	[dreg:$0x0] =	wrdreg $0x0  }
0xb7: {  	s5 =	sshll.u32 s28, $0x1;
	[dreg:$0x2] =	wrdreg s3  }
0xb8: {  	[dreg:$0x3] =	wrdreg s5  }
0xb9: {  	[dreg:$0x4] =	wrdreg $0xC0  }
0xba: {  	_ =	task [dreg:s22], $0x5FFFF  }
0xbb: {  	[dreg:$0x1] =	wrdreg $0xFFFFFFFF  }
0xbc: {  	[dreg:$0x0] =	wrdreg $0x60  }
0xbd: {  	[dreg:$0x2] =	wrdreg s24  }
0xbe: {  	[dreg:$0x3] =	wrdreg $0xA  }
0xbf: {  	_ =	task.clear_ibuf [dreg:s22], $0x4FFFF;
	_ =	strace $0x90000061  }
0xc0: {  	s29 =	simm.s32 $0xA;
	_ =	strace $0x80000063  }
0xc1: {  	_ =	swait.ge [sflag:s29], $0x1  }
0xc2: {  	[sflag:s29] =	ssyncadd.s32 $0xFFFFFFFF  }
0xc3: {  	_ =	strace $0x90000063  }
0xc4: {  	_ =	sfence  }
0xc5: {  	s30 =	sld [smem:$0x0];
	_ =	sdelay $0x2  }
0xc6: {  	s31 =	sshll.u32 s1, $0xD;
	s1 =	sshrl.u32 s1, $0x2  }
0xc7: {  	s4 =	sand.u32 $0x4000, s31;
	s1 =	sadd.s32 s1, s30  }
0xc8: {  	s0 =	sor.u32 s4, s0;
	s1 =	sshll.u32 s1, $0x11  }
0xc9: {  	s0 =	sor.u32 s1, s0  }
0xca: {  	s0 =	sadd.s32 $0x8F2B, s0  }
0xcb: {  	[sflag:s0] =	ssyncadd.remote.s32 $0x1  }
0xcc: {  	_ =	sfence.sel $0xFFFF  }
0xcd: {  	[dreg:$0x0] =	wrdreg $0xFFFFFFFF;
	(pc) =	sbr.abs _section_cstart, $3  }
0xce: {  	[dreg:$0x1] =	wrdreg $0xFFFFFFFF  }
0xcf: {  	_ =	task.clear_ibuf [dreg:s22], $0x2FFFF;
	_ =	strace $0x9FFFFFFF  }
0xd0: {  	(tm) =	ssettm $0x7FFFFFFF  }
0xd1: {  	_ =	shalt  }
tec
execute0_lowered:
.L_overlay_start_1:
0x0: {  	(tag) =	ssettag $0x1  }
0x1: {  	s1 =	srdreg.scid  }
0x2: {  	s0 =	stileid.u32;
	s10 =	sand.u32 $0x1, s1  }
0x3: {  	s8 =	rddreg [dreg:$0x0];
	s3 =	sshll.u32 s0, $0xC;
	s4 =	sshll.u32 s10, $0xB  }
0x4: {  	s2 =	simm.s32 $0x0;
	s1 =	rddreg [dreg:$0x1];
	s9 =	sor.u32 s4, s3  }
0x5: {  	[smem:$0x7FF] =	sst s2;
	s11 =	sadd.s32 $0x1011C00, s8;
	s3 =	sshrl.u32 s9, $0x3  }
0x6: {  	_ =	strace $0x80000062;
	s4 =	sadd.s32 s11, s3;
	s3 =	simm.s32 $0x2  }
0x7: {  	[tilespmem:s2], [sflag:$0x2] =	stream.linear.gather [hbm4b:s4+s2], $0x400, $0x38;
	[tilespmem:$0x10400] =	vst v63  }
0x8: {  	_ =	swait.ge [sflag:s3], $0x400  }
0x9: {  	s6 =	simm.s32 $0x400;
	[sflag:s3] =	ssyncset.done $0x0  }
0xa: {  	s7 =	simm.s32 $0x1;
	s5 =	sadd.s32 $0xB800, s8;
	[sflag:s3] =	ssyncadd.s32 $0xFFFFFC00  }
0xb: {  	[tilespmem:s6], [sflag:$0x1] =	stream.indirect.gather [hbm4b:s5+s6], $0x40, s2, s6, $0xb8;
	[tilespmem:$0x10400] =	vst v63  }
0xc: {  	_ =	swait.ge [sflag:s7], $0x10000  }
0xd: {  	s12 =	sadd.s32 $0x10DC00, s8;
	s29 =	sshll.u32 s9, $0x3;
	[sflag:s7] =	ssyncset.done $0x0  }
0xe: {  	s8 =	sadd.s32 s12, s29;
	[sflag:s7] =	ssyncadd.s32 $0xFFFF0000  }
0xf: {  	[hbm4b:s8+s2] =	stream.linear.scatter [tilespmem:s6], [sflag:$0x2], $0x10000, $0x38;
	[tilespmem:$0x10400] =	vst v63  }
0x10: {  	s13 =	sor.u32 $0x400, s9;
	_ =	swait.ge [sflag:s3], $0x10000  }
0x11: {  	s9 =	sshrl.u32 s13, $0x3;
	[sflag:s3] =	ssyncset.done $0x0  }
0x12: {  	s10 =	ssub.s32 $0x2, s10;
	s9 =	sadd.s32 s11, s9;
	[sflag:s3] =	ssyncadd.s32 $0xFFFF0000  }
0x13: {  	[tilespmem:s2], [sflag:$0x2] =	stream.linear.gather [hbm4b:s9+s2], $0x400, $0x38;
	[tilespmem:$0x10400] =	vst v63  }
0x14: {  	s30 =	sshrl.u32 s10, $0x1;
	_ =	swait.ge [sflag:s3], $0x400  }
0x15: {  	s11 =	ssub.s32 s10, s30;
	[sflag:s3] =	ssyncset.done $0x0  }
0x16: {  	s11 =	smax.u32 s11, $0x1;
	[sflag:s3] =	ssyncadd.s32 $0xFFFFFC00  }
0x17: {  	[tilespmem:s6], [sflag:$0x1] =	stream.indirect.gather [hbm4b:s5+s6], $0x40, s2, s6, $0xb8;
	[tilespmem:$0x10400] =	vst v63  }
0x18: {  	p0 =	sne.s32 s11, $0x1;
	_ =	swait.ge [sflag:s7], $0x10000  }
.Ltmp0:
0x19: {  	s31 =	sshll.u32 s13, $0x3;
	[sflag:s7] =	ssyncset.done $0x0;
	(pc) =	sbr.rel @!p0 .LBB2_2-.Ltmp0, $4  }
0x1a: {  	s10 =	sadd.s32 s12, s31;
	[sflag:s7] =	ssyncadd.s32 $0xFFFF0000  }
0x1b: {  	[hbm4b:s10+s2] =	stream.linear.scatter [tilespmem:s6], [sflag:$0x2], $0x10000, $0x38;
	[tilespmem:$0x10400] =	vst v63  }
0x1c: {  	_ =	swait.ge [sflag:s3], $0x10000  }
0x1d: {  	s11 =	sadd.s32 $0xFFFFFFFF, s11;
	[sflag:s3] =	ssyncset.done $0x0  }
.LBB2_1:
0x1e: {  	p0 =	sne.s32 s11, $0x1;
	s11 =	sadd.s32 $0xFFFFFFFF, s11;
	[sflag:s3] =	ssyncadd.s32 $0xFFFF0000  }
0x1f: {  	[tilespmem:s2], [sflag:$0x2] =	stream.linear.gather [hbm4b:s4+s2], $0x400, $0x38;
	[tilespmem:$0x10400] =	vst v63  }
0x20: {  	_ =	swait.ge [sflag:s3], $0x400  }
0x21: {  	[sflag:s3] =	ssyncset.done $0x0  }
0x22: {  	[sflag:s3] =	ssyncadd.s32 $0xFFFFFC00  }
0x23: {  	[tilespmem:s6], [sflag:$0x1] =	stream.indirect.gather [hbm4b:s5+s6], $0x40, s2, s6, $0xb8;
	[tilespmem:$0x10400] =	vst v63  }
0x24: {  	_ =	swait.ge [sflag:s7], $0x10000  }
0x25: {  	[sflag:s7] =	ssyncset.done $0x0  }
0x26: {  	[sflag:s7] =	ssyncadd.s32 $0xFFFF0000  }
0x27: {  	[hbm4b:s8+s2] =	stream.linear.scatter [tilespmem:s6], [sflag:$0x2], $0x10000, $0x38;
	[tilespmem:$0x10400] =	vst v63  }
0x28: {  	_ =	swait.ge [sflag:s3], $0x10000  }
0x29: {  	[sflag:s3] =	ssyncset.done $0x0  }
0x2a: {  	[sflag:s3] =	ssyncadd.s32 $0xFFFF0000  }
0x2b: {  	[tilespmem:s2], [sflag:$0x2] =	stream.linear.gather [hbm4b:s9+s2], $0x400, $0x38;
	[tilespmem:$0x10400] =	vst v63  }
0x2c: {  	_ =	swait.ge [sflag:s3], $0x400  }
0x2d: {  	[sflag:s3] =	ssyncset.done $0x0  }
0x2e: {  	[sflag:s3] =	ssyncadd.s32 $0xFFFFFC00  }
0x2f: {  	[tilespmem:s6], [sflag:$0x1] =	stream.indirect.gather [hbm4b:s5+s6], $0x40, s2, s6, $0xb8;
	[tilespmem:$0x10400] =	vst v63  }
0x30: {  	_ =	swait.ge [sflag:s7], $0x10000  }
.Ltmp1:
0x31: {  	[sflag:s7] =	ssyncset.done $0x0;
	(pc) =	sbr.rel @p0 .LBB2_1-.Ltmp1, $4  }
0x32: {  	[sflag:s7] =	ssyncadd.s32 $0xFFFF0000  }
0x33: {  	[hbm4b:s10+s2] =	stream.linear.scatter [tilespmem:s6], [sflag:$0x2], $0x10000, $0x38;
	[tilespmem:$0x10400] =	vst v63  }
0x34: {  	_ =	swait.ge [sflag:s3], $0x10000  }
0x35: {  	[sflag:s3] =	ssyncset.done $0x0  }
.LBB2_2:
0x36: {  	[sflag:s3] =	ssyncadd.s32 $0xFFFF0000  }
0x37: {  	_ =	sfence.sel $0x180000  }
0x38: {  	[bflag:$0x0] =	sbarrier.arrive $0xFFFF  }
0x39: {  	p0 =	sne.s32 s0, $0x0;
	_ =	strace $0x90000062  }
0x3a: {  	s0 =	sadd.s32 @!p0 $0x100000, s1;
	[bflag:$0x2] =	sbarrier.arrive $0xFFFF  }
0x3b: {  	[sflag:s0] =	ssyncadd.tile.s32 @!p0 $0x1;
	_ =	shalt  }
.Lfunc_end2:
_tile_overlayer_lowered:
.L_overlay_start_2:
0x3c: {  	(tag) =	ssettag $0x2  }
0x3d: {  	s0 =	rddreg [dreg:$0x0];
	s2 =	stileid.u32  }
0x3e: {  	s1 =	rddreg [dreg:$0x1];
	p0 =	sne.s32 s2, $0x0  }
0x3f: {  	s3 =	rddreg [dreg:$0x2];
	[bflag:$0x3] =	sbarrier.arrive $0xFFFF;
	s2 =	simm.s32 @!p0 $0x1C02  }
0x40: {  	[timem:s3], [sflag:s2] =	dma.local @!p0 [hbm:s0], s1  }
0x41: {  	s0 =	simm.s32 @!p0 $0x2  }
0x42: {  	_ =	swait.ge @!p0 [sflag:s0], s1  }
0x43: {  	s1 =	ssub.s32 @!p0 $0x0, s1;
	[sflag:s0] =	ssyncset.done @!p0 $0x0  }
0x44: {  	[sflag:s0] =	ssyncadd.s32 @!p0 s1  }
0x45: {  	[bflag:$0x3] =	sbarrier.arrive $0xFFFF  }
0x46: {  	_ =	shalt  }

// kernel: kernel.29.cloned.1.call-start
scs
__scs_entry_jumppad:
0x0: {  	(pc) =	sbr.rel $0x88, $3  }
0x1: {  	(tag) =	ssettag $0x0;
	lr =	simm.s32 $0x1  }
0x2: {  	[smem:$0x3F9D] =	sst lr;
	_ =	strace $0xD0000000  }
0x3: {  	_ = 	snop  }
0x4: {  	_ = 	snop  }
0x5: {  	_ = 	snop  }
0x6: {  	_ = 	snop  }
0x7: {  	_ = 	snop  }
__scs_overlays_trampoline_lowered:
0x8: {  	[smem:$0x3FAC] =	sst s0  }
0x9: {  	[smem:$0x3FAD] =	sst s1  }
0xa: {  	[smem:$0x3FAE] =	sst s2  }
0xb: {  	[smem:$0x3FAF] =	sst s3  }
0xc: {  	[smem:$0x3FB0] =	sst s4  }
0xd: {  	[smem:$0x3FB1] =	sst s5  }
0xe: {  	[smem:$0x3FB2] =	sst s6  }
0xf: {  	[smem:$0x3FB3] =	sst s7  }
0x10: {  	[smem:$0x3FB4] =	sst s8  }
0x11: {  	[smem:$0x3FB5] =	sst s9;
	s0 =	simm.s32 @!p0 $0x0  }
0x12: {  	s1 =	sld [smem:$0x3F9B];
	s0 =	simm.s32 @p0 $0x1  }
0x13: {  	[smem:$0x3FB6] =	sst s0;
	s0 =	simm.s32 @!p1 $0x0  }
0x14: {  	s2 =	sld [smem:$0x3F9A];
	s0 =	simm.s32 @p1 $0x1  }
0x15: {  	[smem:$0x3FB7] =	sst s0;
	s0 =	simm.s32 @!p2 $0x0  }
0x16: {  	s3 =	sld [smem:$0x3FDB];
	s0 =	simm.s32 @p2 $0x1  }
0x17: {  	s4 =	simm.s32 $0x1BF5;
	[smem:$0x3FB9] =	sst s0  }
0x18: {  	s0 =	sld [smem:$0x3F9C];
	_ =	swait.ge [sflag:s4], $0x0  }
0x19: {  	s7 =	sld [smem:$0x3F9D]  }
0x1a: {  	s8 =	sadd.s32 $0xFFFFE003, lr  }
0x1b: {  	s9 =	sadd.s32 $0xFFFFFEF7, lr;
	s5 =	simm.s32 $0xFFFFFFFF;
	p2 =	slt.u32 s8, $0xFFFFF086  }
0x1c: {  	p1 =	slt.u32 s9, $0xF7A;
	s5 =	simm.s32 @!p2 $0x0  }
0x1d: {  	s5 =	simm.s32 @p1 $0x1;
	p0 =	seq.s32 s7, s2  }
0x1e: {  	s7 =	smul.u32 @!p0 $0xF7A, s2;
	p2 =	seq.s32 @!p0 s5, $0x0  }
0x1f: {  	s9 =	smul.u32 $0xF7A, s1;
	s8 =	simm.s32 @!p0 $0x1BF5;
	p2 =	por !p2, p0  }
0x20: {  	[sflag:s8] =	ssyncset.s32 @!p0 $0xFFFFF086;
	s6 =	sadd.s32 @!p0 s3, s7;
	s7 =	simm.s32 @!p0 $0x108  }
0x21: {  	s3 =	sadd.s32 s3, s9;
	s6 =	sadd.s32 @!p0 $0x88, s6;
	s7 =	simm.s32 @p2 $0x1082  }
0x22: {  	[simem:s7], [sflag:s8] =	dma.local @!p0 [hbm:s6], $0xF7A  }
0x23: {  	s9 =	sor.u32 $0xD0000000, s2;
	s6 =	simm.s32 $0x108;
	_ =	swait.ge @!p0 [sflag:s8], $0x0  }
0x24: {  	s3 =	sadd.s32 $0x88, s3;
	s6 =	simm.s32 @!p1 $0x1082;
	[sflag:s4] =	ssyncset.s32 $0xFFFFF086  }
0x25: {  	[simem:s6], [sflag:s4] =	dma.local [hbm:s3], $0xF7A  }
0x26: {  	[smem:$0x3F9D] =	sst s1;
	(tag) =	ssettag s2;
	_ =	strace s9  }
0x27: {  	s1 =	sld [smem:$0x3FAD]  }
0x28: {  	s2 =	sld [smem:$0x3FAE]  }
0x29: {  	s4 =	sld [smem:$0x3FB0]  }
0x2a: {  	p0 =	seq.s32 s5, $0x0;
	s5 =	sld [smem:$0x3FB1]  }
0x2b: {  	s6 =	sld [smem:$0x3FB2]  }
0x2c: {  	s7 =	sld [smem:$0x3FB3]  }
0x2d: {  	s3 =	simm.s32 $0x108;
	s8 =	sld [smem:$0x3FB4]  }
0x2e: {  	s3 =	simm.s32 @!p0 $0x1082;
	s9 =	sld [smem:$0x3FB5]  }
0x2f: {  	lr =	sadd.s32 s0, s3;
	s0 =	sld [smem:$0x3FAC]  }
0x30: {  	s3 =	sld [smem:$0x3FAF]  }
0x31: {  	[smem:$0x3FB8] =	sst s10  }
0x32: {  	s10 =	sld [smem:$0x3FB6];
	_ =	sdelay $0x3  }
0x33: {  	p0 =	seq.s32 s10, $0x1;
	s10 =	sld [smem:$0x3FB8];
	_ =	sdelay $0x3  }
0x34: {  	[smem:$0x3FB8] =	sst s10  }
0x35: {  	s10 =	sld [smem:$0x3FB7];
	_ =	sdelay $0x3  }
0x36: {  	p1 =	seq.s32 s10, $0x1;
	s10 =	sld [smem:$0x3FB8];
	_ =	sdelay $0x3  }
0x37: {  	[smem:$0x3FB8] =	sst s10  }
0x38: {  	s10 =	sld [smem:$0x3FB9]  }
0x39: {  	_ = 	snop;
	(pc) =	sbr.ind lr, $3  }
0x3a: {  	_ = 	snop  }
0x3b: {  	_ = 	snop  }
0x3c: {  	p2 =	seq.s32 s10, $0x1;
	s10 =	sld [smem:$0x3FB8]  }
0x3d: {  	_ =	shalt  }
0x3e: {  	_ =	shalt  }
0x3f: {  	_ =	shalt  }
0x40: {  	_ =	shalt  }
0x41: {  	_ =	shalt  }
0x42: {  	_ =	shalt  }
0x43: {  	_ =	shalt  }
0x44: {  	_ =	shalt  }
0x45: {  	_ =	shalt  }
0x46: {  	_ =	shalt  }
0x47: {  	_ =	shalt  }
0x48: {  	_ =	shalt  }
0x49: {  	_ =	shalt  }
0x4a: {  	_ =	shalt  }
0x4b: {  	_ =	shalt  }
0x4c: {  	_ =	shalt  }
0x4d: {  	_ =	shalt  }
0x4e: {  	_ =	shalt  }
0x4f: {  	_ =	shalt  }
0x50: {  	_ =	shalt  }
0x51: {  	_ =	shalt  }
0x52: {  	_ =	shalt  }
0x53: {  	_ =	shalt  }
0x54: {  	_ =	shalt  }
0x55: {  	_ =	shalt  }
0x56: {  	_ =	shalt  }
0x57: {  	_ =	shalt  }
0x58: {  	_ =	shalt  }
0x59: {  	_ =	shalt  }
0x5a: {  	_ =	shalt  }
0x5b: {  	_ =	shalt  }
0x5c: {  	_ =	shalt  }
0x5d: {  	_ =	shalt  }
0x5e: {  	_ =	shalt  }
0x5f: {  	_ =	shalt  }
0x60: {  	_ =	shalt  }
0x61: {  	_ =	shalt  }
0x62: {  	_ =	shalt  }
0x63: {  	_ =	shalt  }
0x64: {  	_ =	shalt  }
0x65: {  	_ =	shalt  }
0x66: {  	_ =	shalt  }
0x67: {  	_ =	shalt  }
0x68: {  	_ =	shalt  }
0x69: {  	_ =	shalt  }
0x6a: {  	_ =	shalt  }
0x6b: {  	_ =	shalt  }
0x6c: {  	_ =	shalt  }
0x6d: {  	_ =	shalt  }
0x6e: {  	_ =	shalt  }
0x6f: {  	_ =	shalt  }
0x70: {  	_ =	shalt  }
0x71: {  	_ =	shalt  }
0x72: {  	_ =	shalt  }
0x73: {  	_ =	shalt  }
0x74: {  	_ =	shalt  }
0x75: {  	_ =	shalt  }
0x76: {  	_ =	shalt  }
0x77: {  	_ =	shalt  }
0x78: {  	_ =	shalt  }
0x79: {  	_ =	shalt  }
0x7a: {  	_ =	shalt  }
0x7b: {  	_ =	shalt  }
0x7c: {  	_ =	shalt  }
0x7d: {  	_ =	shalt  }
0x7e: {  	_ =	shalt  }
0x7f: {  	_ =	shalt  }
0x80: {  	_ =	shalt  }
0x81: {  	_ =	shalt  }
0x82: {  	_ =	shalt  }
0x83: {  	_ =	shalt  }
0x84: {  	_ =	shalt  }
0x85: {  	_ =	shalt  }
0x86: {  	_ =	shalt  }
0x87: {  	_ =	shalt  }
.Lfunc_end0:
.L_simem_size_0:
called_computation.6_lowered:
.L_overlay_start_0:
0x88: {  	s2 =	sld [smem:$0x3FD9]  }
0x89: {  	s3 =	sld [smem:$0x3FFE];
	_ =	sdelay $0x1  }
0x8a: {  	s1 =	srdreg.scid  }
0x8b: {  	s0 =	sand.u32 $0x1, s1  }
0x8c: {  	s17 =	sshll.u32 s0, $0xA;
	s2 =	sadd.s32 s3, s2  }
0x8d: {  	s2 =	sadd.s32 s2, s17  }
0x8e: {  	[smem:$0x3FC4] =	sst s2  }
0x8f: {  	_ = 	snop  }
0x90: {  	(tm) =	ssettm $0x1  }
0x91: {  	s18 =	sld [smem:$0x3FFB];
	_ =	sdelay $0x3  }
0x92: {  	_ =	strace s18  }
0x93: {  	s2 =	sld [smem:$0x3FFC];
	_ =	sdelay $0x3  }
0x94: {  	_ =	strace s2  }
0x95: {  	s2 =	sld [smem:$0x3FFD];
	_ =	sdelay $0x3  }
0x96: {  	_ =	strace s2  }
0x97: {  	_ =	strace $0x8FFFFFFF  }
0x98: {  	s19 =	sld [smem:$0x3FDB];
	_ =	sdelay $0x1  }
0x99: {  	s20 =	simm.s32 $_scs_section_size  }
0x9a: {  	s4 =	simm.s32 $_size__tile_overlayer_lowered;
	s5 =	simm.s32 $_tile_overlayer_lowered  }
0x9b: {  	s6 =	simm.s32 $0x1BFF;
	s21 =	sshll.u32 s5, $0x1;
	s3 =	sadd.s32 s20, s19  }
0x9c: {  	s22 =	simm.s32 $0x0;
	s4 =	sshll.u32 s4, $0x1;
	s5 =	sadd.s32 s21, s3  }
0x9d: {  	[timem:s22], [sflag:s6] =	dma.local [hbm:s5], s4  }
0x9e: {  	_ =	swait.ge [sflag:s6], s4  }
0x9f: {  	s4 =	ssub.s32 $0x0, s4;
	[sflag:s6] =	ssyncset.done $0x0  }
0xa0: {  	[sflag:s6] =	ssyncadd.s32 s4;
	_ =	sdelay $0x1  }
0xa1: {  	s23 =	simm.s32 $0x1B8B  }
0xa2: {  	_ =	swait.ge [sflag:s23], $0x1  }
0xa3: {  	[sflag:s23] =	ssyncset.done $0x0  }
0xa4: {  	[sflag:s23] =	ssyncadd.s32 $0xFFFFFFFF  }
0xa5: {  	s4 =	sld [smem:$0x0]  }
0xa6: {  	s5 =	sand.u32 $0xFFFFFFFE, s1  }
0xa7: {  	p0 =	sne.s32 s1, s5  }
0xa8: {  	s5 =	sshll.u32 @p0 s5, $0xE  }
0xa9: {  	s5 =	sadd.s32 @p0 $0x11B8D, s5;
	s6 =	sshll.u32 @p0 s4, $0x11  }
0xaa: {  	s5 =	sor.u32 @p0 s6, s5  }
0xab: {  	[sflag:s5] =	ssyncadd.remote.s32 @p0 $0x1;
	_ =	sdelay $0x1  }
0xac: {  	s5 =	simm.s32 @p0 $0x1B8D  }
0xad: {  	_ =	swait.eq @p0 [sflag:s5], $0x1  }
0xae: {  	[sflag:s5] =	ssyncadd.s32 @p0 $0xFFFFFFFF  }
0xaf: {  	s6 =	sshll.u32 @!p0 s1, $0xE  }
0xb0: {  	s6 =	sor.u32 @!p0 $0x4000, s6;
	s5 =	simm.s32 @!p0 $0x1B8D  }
0xb1: {  	s4 =	sshll.u32 @!p0 s4, $0x11;
	s6 =	sadd.s32 @!p0 $0x11B8D, s6;
	_ =	swait.eq @!p0 [sflag:s5], $0x1  }
0xb2: {  	s4 =	sor.u32 @!p0 s4, s6;
	[sflag:s5] =	ssyncadd.s32 @!p0 $0xFFFFFFFF  }
0xb3: {  	s25 =	simm.s32 $0x1B8E;
	s24 =	sld [smem:$0x3FFE];
	[sflag:s4] =	ssyncadd.remote.s32 @!p0 $0x1  }
0xb4: {  	s26 =	simm.s32 $execute0_lowered;
	[smem:$0x3FD2] =	sst s25  }
0xb5: {  	s5 =	sshll.u32 s26, $0x1;
	_ =	strace $0x8000005B;
	[dreg:$0x1] =	wrdreg $0xFFFFFFFF  }
0xb6: {  	s28 =	simm.s32 $_size_execute0_lowered;
	s3 =	sadd.s32 s3, s5;
	[dreg:$0x0] =	wrdreg $0x0  }
0xb7: {  	s5 =	sshll.u32 s28, $0x1;
	[dreg:$0x2] =	wrdreg s3  }
0xb8: {  	[dreg:$0x3] =	wrdreg s5  }
0xb9: {  	[dreg:$0x4] =	wrdreg $0xC0  }
0xba: {  	_ =	task [dreg:s22], $0x5FFFF  }
0xbb: {  	[dreg:$0x1] =	wrdreg $0xFFFFFFFF  }
0xbc: {  	[dreg:$0x0] =	wrdreg $0x60  }
0xbd: {  	[dreg:$0x2] =	wrdreg s24  }
0xbe: {  	[dreg:$0x3] =	wrdreg $0x9  }
0xbf: {  	_ =	task.clear_ibuf [dreg:s22], $0x4FFFF;
	_ =	strace $0x9000005B  }
0xc0: {  	s29 =	simm.s32 $0x9;
	_ =	strace $0x8000005D  }
0xc1: {  	_ =	swait.ge [sflag:s29], $0x1  }
0xc2: {  	[sflag:s29] =	ssyncadd.s32 $0xFFFFFFFF  }
0xc3: {  	_ =	strace $0x9000005D  }
0xc4: {  	_ =	sfence  }
0xc5: {  	s30 =	sld [smem:$0x0];
	_ =	sdelay $0x2  }
0xc6: {  	s31 =	sshll.u32 s1, $0xD;
	s1 =	sshrl.u32 s1, $0x2  }
0xc7: {  	s4 =	sand.u32 $0x4000, s31;
	s1 =	sadd.s32 s1, s30  }
0xc8: {  	s0 =	sor.u32 s4, s0;
	s1 =	sshll.u32 s1, $0x11  }
0xc9: {  	s0 =	sor.u32 s1, s0  }
0xca: {  	s0 =	sadd.s32 $0x8F2B, s0  }
0xcb: {  	[sflag:s0] =	ssyncadd.remote.s32 $0x1  }
0xcc: {  	_ =	sfence.sel $0xFFFF  }
0xcd: {  	[dreg:$0x0] =	wrdreg $0xFFFFFFFF;
	(pc) =	sbr.abs _section_cstart, $3  }
0xce: {  	[dreg:$0x1] =	wrdreg $0xFFFFFFFF  }
0xcf: {  	_ =	task.clear_ibuf [dreg:s22], $0x2FFFF;
	_ =	strace $0x9FFFFFFF  }
0xd0: {  	(tm) =	ssettm $0x7FFFFFFF  }
0xd1: {  	_ =	shalt  }
tec
execute0_lowered:
.L_overlay_start_1:
0x0: {  	(tag) =	ssettag $0x1  }
0x1: {  	s1 =	srdreg.scid  }
0x2: {  	s0 =	stileid.u32;
	s10 =	sand.u32 $0x1, s1  }
0x3: {  	s8 =	rddreg [dreg:$0x0];
	s3 =	sshll.u32 s0, $0xC;
	s4 =	sshll.u32 s10, $0xB  }
0x4: {  	s2 =	simm.s32 $0x0;
	s1 =	rddreg [dreg:$0x1];
	s9 =	sor.u32 s4, s3  }
0x5: {  	[smem:$0x7FF] =	sst s2;
	s11 =	sadd.s32 $0x1029C00, s8;
	s3 =	sshrl.u32 s9, $0x3  }
0x6: {  	_ =	strace $0x8000005C;
	s4 =	sadd.s32 s11, s3;
	s3 =	simm.s32 $0x2  }
0x7: {  	[tilespmem:s2], [sflag:$0x2] =	stream.linear.gather [hbm4b:s4+s2], $0x400, $0x38;
	[tilespmem:$0x8400] =	vst v63  }
0x8: {  	_ =	swait.ge [sflag:s3], $0x400  }
0x9: {  	s6 =	simm.s32 $0x400;
	[sflag:s3] =	ssyncset.done $0x0  }
0xa: {  	s7 =	simm.s32 $0x1;
	s5 =	sadd.s32 $0xE11C00, s8;
	[sflag:s3] =	ssyncadd.s32 $0xFFFFFC00  }
0xb: {  	[tilespmem:s6], [sflag:$0x1] =	stream.indirect.gather [hbm4b:s5+s6], $0x20, s2, s6, $0xb8;
	[tilespmem:$0x8400] =	vst v63  }
0xc: {  	_ =	swait.ge [sflag:s7], $0x8000  }
0xd: {  	s12 =	sadd.s32 $0xCDC00, s8;
	s29 =	sshll.u32 s9, $0x2;
	[sflag:s7] =	ssyncset.done $0x0  }
0xe: {  	s8 =	sadd.s32 s12, s29;
	[sflag:s7] =	ssyncadd.s32 $0xFFFF8000  }
0xf: {  	[hbm4b:s8+s2] =	stream.linear.scatter [tilespmem:s6], [sflag:$0x2], $0x8000, $0x38;
	[tilespmem:$0x8400] =	vst v63  }
0x10: {  	s13 =	sor.u32 $0x400, s9;
	_ =	swait.ge [sflag:s3], $0x8000  }
0x11: {  	s9 =	sshrl.u32 s13, $0x3;
	[sflag:s3] =	ssyncset.done $0x0  }
0x12: {  	s10 =	ssub.s32 $0x2, s10;
	s9 =	sadd.s32 s11, s9;
	[sflag:s3] =	ssyncadd.s32 $0xFFFF8000  }
0x13: {  	[tilespmem:s2], [sflag:$0x2] =	stream.linear.gather [hbm4b:s9+s2], $0x400, $0x38;
	[tilespmem:$0x8400] =	vst v63  }
0x14: {  	s30 =	sshrl.u32 s10, $0x1;
	_ =	swait.ge [sflag:s3], $0x400  }
0x15: {  	s11 =	ssub.s32 s10, s30;
	[sflag:s3] =	ssyncset.done $0x0  }
0x16: {  	s11 =	smax.u32 s11, $0x1;
	[sflag:s3] =	ssyncadd.s32 $0xFFFFFC00  }
0x17: {  	[tilespmem:s6], [sflag:$0x1] =	stream.indirect.gather [hbm4b:s5+s6], $0x20, s2, s6, $0xb8;
	[tilespmem:$0x8400] =	vst v63  }
0x18: {  	p0 =	sne.s32 s11, $0x1;
	_ =	swait.ge [sflag:s7], $0x8000  }
.Ltmp0:
0x19: {  	s31 =	sshll.u32 s13, $0x2;
	[sflag:s7] =	ssyncset.done $0x0;
	(pc) =	sbr.rel @!p0 .LBB2_2-.Ltmp0, $4  }
0x1a: {  	s10 =	sadd.s32 s12, s31;
	[sflag:s7] =	ssyncadd.s32 $0xFFFF8000  }
0x1b: {  	[hbm4b:s10+s2] =	stream.linear.scatter [tilespmem:s6], [sflag:$0x2], $0x8000, $0x38;
	[tilespmem:$0x8400] =	vst v63  }
0x1c: {  	_ =	swait.ge [sflag:s3], $0x8000  }
0x1d: {  	s11 =	sadd.s32 $0xFFFFFFFF, s11;
	[sflag:s3] =	ssyncset.done $0x0  }
.LBB2_1:
0x1e: {  	p0 =	sne.s32 s11, $0x1;
	s11 =	sadd.s32 $0xFFFFFFFF, s11;
	[sflag:s3] =	ssyncadd.s32 $0xFFFF8000  }
0x1f: {  	[tilespmem:s2], [sflag:$0x2] =	stream.linear.gather [hbm4b:s4+s2], $0x400, $0x38;
	[tilespmem:$0x8400] =	vst v63  }
0x20: {  	_ =	swait.ge [sflag:s3], $0x400  }
0x21: {  	[sflag:s3] =	ssyncset.done $0x0  }
0x22: {  	[sflag:s3] =	ssyncadd.s32 $0xFFFFFC00  }
0x23: {  	[tilespmem:s6], [sflag:$0x1] =	stream.indirect.gather [hbm4b:s5+s6], $0x20, s2, s6, $0xb8;
	[tilespmem:$0x8400] =	vst v63  }
0x24: {  	_ =	swait.ge [sflag:s7], $0x8000  }
0x25: {  	[sflag:s7] =	ssyncset.done $0x0  }
0x26: {  	[sflag:s7] =	ssyncadd.s32 $0xFFFF8000  }
0x27: {  	[hbm4b:s8+s2] =	stream.linear.scatter [tilespmem:s6], [sflag:$0x2], $0x8000, $0x38;
	[tilespmem:$0x8400] =	vst v63  }
0x28: {  	_ =	swait.ge [sflag:s3], $0x8000  }
0x29: {  	[sflag:s3] =	ssyncset.done $0x0  }
0x2a: {  	[sflag:s3] =	ssyncadd.s32 $0xFFFF8000  }
0x2b: {  	[tilespmem:s2], [sflag:$0x2] =	stream.linear.gather [hbm4b:s9+s2], $0x400, $0x38;
	[tilespmem:$0x8400] =	vst v63  }
0x2c: {  	_ =	swait.ge [sflag:s3], $0x400  }
0x2d: {  	[sflag:s3] =	ssyncset.done $0x0  }
0x2e: {  	[sflag:s3] =	ssyncadd.s32 $0xFFFFFC00  }
0x2f: {  	[tilespmem:s6], [sflag:$0x1] =	stream.indirect.gather [hbm4b:s5+s6], $0x20, s2, s6, $0xb8;
	[tilespmem:$0x8400] =	vst v63  }
0x30: {  	_ =	swait.ge [sflag:s7], $0x8000  }
.Ltmp1:
0x31: {  	[sflag:s7] =	ssyncset.done $0x0;
	(pc) =	sbr.rel @p0 .LBB2_1-.Ltmp1, $4  }
0x32: {  	[sflag:s7] =	ssyncadd.s32 $0xFFFF8000  }
0x33: {  	[hbm4b:s10+s2] =	stream.linear.scatter [tilespmem:s6], [sflag:$0x2], $0x8000, $0x38;
	[tilespmem:$0x8400] =	vst v63  }
0x34: {  	_ =	swait.ge [sflag:s3], $0x8000  }
0x35: {  	[sflag:s3] =	ssyncset.done $0x0  }
.LBB2_2:
0x36: {  	[sflag:s3] =	ssyncadd.s32 $0xFFFF8000  }
0x37: {  	_ =	sfence.sel $0x180000  }
0x38: {  	[bflag:$0x0] =	sbarrier.arrive $0xFFFF  }
0x39: {  	p0 =	sne.s32 s0, $0x0;
	_ =	strace $0x9000005C  }
0x3a: {  	s0 =	sadd.s32 @!p0 $0x100000, s1;
	[bflag:$0x2] =	sbarrier.arrive $0xFFFF  }
0x3b: {  	[sflag:s0] =	ssyncadd.tile.s32 @!p0 $0x1;
	_ =	shalt  }
.Lfunc_end2:
_tile_overlayer_lowered:
.L_overlay_start_2:
0x3c: {  	(tag) =	ssettag $0x2  }
0x3d: {  	s0 =	rddreg [dreg:$0x0];
	s2 =	stileid.u32  }
0x3e: {  	s1 =	rddreg [dreg:$0x1];
	p0 =	sne.s32 s2, $0x0  }
0x3f: {  	s3 =	rddreg [dreg:$0x2];
	[bflag:$0x3] =	sbarrier.arrive $0xFFFF;
	s2 =	simm.s32 @!p0 $0x1C02  }
0x40: {  	[timem:s3], [sflag:s2] =	dma.local @!p0 [hbm:s0], s1  }
0x41: {  	s0 =	simm.s32 @!p0 $0x2  }
0x42: {  	_ =	swait.ge @!p0 [sflag:s0], s1  }
0x43: {  	s1 =	ssub.s32 @!p0 $0x0, s1;
	[sflag:s0] =	ssyncset.done @!p0 $0x0  }
0x44: {  	[sflag:s0] =	ssyncadd.s32 @!p0 s1  }
0x45: {  	[bflag:$0x3] =	sbarrier.arrive $0xFFFF  }
0x46: {  	_ =	shalt  }

// kernel: kernel.32.cloned.1.call-start
scs
__scs_entry_jumppad:
0x0: {  	(pc) =	sbr.rel $0x88, $3  }
0x1: {  	(tag) =	ssettag $0x0;
	lr =	simm.s32 $0x1  }
0x2: {  	[smem:$0x3F9D] =	sst lr;
	_ =	strace $0xD0000000  }
0x3: {  	_ = 	snop  }
0x4: {  	_ = 	snop  }
0x5: {  	_ = 	snop  }
0x6: {  	_ = 	snop  }
0x7: {  	_ = 	snop  }
__scs_overlays_trampoline_lowered:
0x8: {  	[smem:$0x3FAC] =	sst s0  }
0x9: {  	[smem:$0x3FAD] =	sst s1  }
0xa: {  	[smem:$0x3FAE] =	sst s2  }
0xb: {  	[smem:$0x3FAF] =	sst s3  }
0xc: {  	[smem:$0x3FB0] =	sst s4  }
0xd: {  	[smem:$0x3FB1] =	sst s5  }
0xe: {  	[smem:$0x3FB2] =	sst s6  }
0xf: {  	[smem:$0x3FB3] =	sst s7  }
0x10: {  	[smem:$0x3FB4] =	sst s8  }
0x11: {  	[smem:$0x3FB5] =	sst s9;
	s0 =	simm.s32 @!p0 $0x0  }
0x12: {  	s1 =	sld [smem:$0x3F9B];
	s0 =	simm.s32 @p0 $0x1  }
0x13: {  	[smem:$0x3FB6] =	sst s0;
	s0 =	simm.s32 @!p1 $0x0  }
0x14: {  	s2 =	sld [smem:$0x3F9A];
	s0 =	simm.s32 @p1 $0x1  }
0x15: {  	[smem:$0x3FB7] =	sst s0;
	s0 =	simm.s32 @!p2 $0x0  }
0x16: {  	s3 =	sld [smem:$0x3FDB];
	s0 =	simm.s32 @p2 $0x1  }
0x17: {  	s4 =	simm.s32 $0x1BF5;
	[smem:$0x3FB9] =	sst s0  }
0x18: {  	s0 =	sld [smem:$0x3F9C];
	_ =	swait.ge [sflag:s4], $0x0  }
0x19: {  	s7 =	sld [smem:$0x3F9D]  }
0x1a: {  	s8 =	sadd.s32 $0xFFFFE003, lr  }
0x1b: {  	s9 =	sadd.s32 $0xFFFFFEF7, lr;
	s5 =	simm.s32 $0xFFFFFFFF;
	p2 =	slt.u32 s8, $0xFFFFF086  }
0x1c: {  	p1 =	slt.u32 s9, $0xF7A;
	s5 =	simm.s32 @!p2 $0x0  }
0x1d: {  	s5 =	simm.s32 @p1 $0x1;
	p0 =	seq.s32 s7, s2  }
0x1e: {  	s7 =	smul.u32 @!p0 $0xF7A, s2;
	p2 =	seq.s32 @!p0 s5, $0x0  }
0x1f: {  	s9 =	smul.u32 $0xF7A, s1;
	s8 =	simm.s32 @!p0 $0x1BF5;
	p2 =	por !p2, p0  }
0x20: {  	[sflag:s8] =	ssyncset.s32 @!p0 $0xFFFFF086;
	s6 =	sadd.s32 @!p0 s3, s7;
	s7 =	simm.s32 @!p0 $0x108  }
0x21: {  	s3 =	sadd.s32 s3, s9;
	s6 =	sadd.s32 @!p0 $0x88, s6;
	s7 =	simm.s32 @p2 $0x1082  }
0x22: {  	[simem:s7], [sflag:s8] =	dma.local @!p0 [hbm:s6], $0xF7A  }
0x23: {  	s9 =	sor.u32 $0xD0000000, s2;
	s6 =	simm.s32 $0x108;
	_ =	swait.ge @!p0 [sflag:s8], $0x0  }
0x24: {  	s3 =	sadd.s32 $0x88, s3;
	s6 =	simm.s32 @!p1 $0x1082;
	[sflag:s4] =	ssyncset.s32 $0xFFFFF086  }
0x25: {  	[simem:s6], [sflag:s4] =	dma.local [hbm:s3], $0xF7A  }
0x26: {  	[smem:$0x3F9D] =	sst s1;
	(tag) =	ssettag s2;
	_ =	strace s9  }
0x27: {  	s1 =	sld [smem:$0x3FAD]  }
0x28: {  	s2 =	sld [smem:$0x3FAE]  }
0x29: {  	s4 =	sld [smem:$0x3FB0]  }
0x2a: {  	p0 =	seq.s32 s5, $0x0;
	s5 =	sld [smem:$0x3FB1]  }
0x2b: {  	s6 =	sld [smem:$0x3FB2]  }
0x2c: {  	s7 =	sld [smem:$0x3FB3]  }
0x2d: {  	s3 =	simm.s32 $0x108;
	s8 =	sld [smem:$0x3FB4]  }
0x2e: {  	s3 =	simm.s32 @!p0 $0x1082;
	s9 =	sld [smem:$0x3FB5]  }
0x2f: {  	lr =	sadd.s32 s0, s3;
	s0 =	sld [smem:$0x3FAC]  }
0x30: {  	s3 =	sld [smem:$0x3FAF]  }
0x31: {  	[smem:$0x3FB8] =	sst s10  }
0x32: {  	s10 =	sld [smem:$0x3FB6];
	_ =	sdelay $0x3  }
0x33: {  	p0 =	seq.s32 s10, $0x1;
	s10 =	sld [smem:$0x3FB8];
	_ =	sdelay $0x3  }
0x34: {  	[smem:$0x3FB8] =	sst s10  }
0x35: {  	s10 =	sld [smem:$0x3FB7];
	_ =	sdelay $0x3  }
0x36: {  	p1 =	seq.s32 s10, $0x1;
	s10 =	sld [smem:$0x3FB8];
	_ =	sdelay $0x3  }
0x37: {  	[smem:$0x3FB8] =	sst s10  }
0x38: {  	s10 =	sld [smem:$0x3FB9]  }
0x39: {  	_ = 	snop;
	(pc) =	sbr.ind lr, $3  }
0x3a: {  	_ = 	snop  }
0x3b: {  	_ = 	snop  }
0x3c: {  	p2 =	seq.s32 s10, $0x1;
	s10 =	sld [smem:$0x3FB8]  }
0x3d: {  	_ =	shalt  }
0x3e: {  	_ =	shalt  }
0x3f: {  	_ =	shalt  }
0x40: {  	_ =	shalt  }
0x41: {  	_ =	shalt  }
0x42: {  	_ =	shalt  }
0x43: {  	_ =	shalt  }
0x44: {  	_ =	shalt  }
0x45: {  	_ =	shalt  }
0x46: {  	_ =	shalt  }
0x47: {  	_ =	shalt  }
0x48: {  	_ =	shalt  }
0x49: {  	_ =	shalt  }
0x4a: {  	_ =	shalt  }
0x4b: {  	_ =	shalt  }
0x4c: {  	_ =	shalt  }
0x4d: {  	_ =	shalt  }
0x4e: {  	_ =	shalt  }
0x4f: {  	_ =	shalt  }
0x50: {  	_ =	shalt  }
0x51: {  	_ =	shalt  }
0x52: {  	_ =	shalt  }
0x53: {  	_ =	shalt  }
0x54: {  	_ =	shalt  }
0x55: {  	_ =	shalt  }
0x56: {  	_ =	shalt  }
0x57: {  	_ =	shalt  }
0x58: {  	_ =	shalt  }
0x59: {  	_ =	shalt  }
0x5a: {  	_ =	shalt  }
0x5b: {  	_ =	shalt  }
0x5c: {  	_ =	shalt  }
0x5d: {  	_ =	shalt  }
0x5e: {  	_ =	shalt  }
0x5f: {  	_ =	shalt  }
0x60: {  	_ =	shalt  }
0x61: {  	_ =	shalt  }
0x62: {  	_ =	shalt  }
0x63: {  	_ =	shalt  }
0x64: {  	_ =	shalt  }
0x65: {  	_ =	shalt  }
0x66: {  	_ =	shalt  }
0x67: {  	_ =	shalt  }
0x68: {  	_ =	shalt  }
0x69: {  	_ =	shalt  }
0x6a: {  	_ =	shalt  }
0x6b: {  	_ =	shalt  }
0x6c: {  	_ =	shalt  }
0x6d: {  	_ =	shalt  }
0x6e: {  	_ =	shalt  }
0x6f: {  	_ =	shalt  }
0x70: {  	_ =	shalt  }
0x71: {  	_ =	shalt  }
0x72: {  	_ =	shalt  }
0x73: {  	_ =	shalt  }
0x74: {  	_ =	shalt  }
0x75: {  	_ =	shalt  }
0x76: {  	_ =	shalt  }
0x77: {  	_ =	shalt  }
0x78: {  	_ =	shalt  }
0x79: {  	_ =	shalt  }
0x7a: {  	_ =	shalt  }
0x7b: {  	_ =	shalt  }
0x7c: {  	_ =	shalt  }
0x7d: {  	_ =	shalt  }
0x7e: {  	_ =	shalt  }
0x7f: {  	_ =	shalt  }
0x80: {  	_ =	shalt  }
0x81: {  	_ =	shalt  }
0x82: {  	_ =	shalt  }
0x83: {  	_ =	shalt  }
0x84: {  	_ =	shalt  }
0x85: {  	_ =	shalt  }
0x86: {  	_ =	shalt  }
0x87: {  	_ =	shalt  }
.Lfunc_end0:
.L_simem_size_0:
called_computation.7_lowered:
.L_overlay_start_0:
0x88: {  	s2 =	sld [smem:$0x3FD9]  }
0x89: {  	s3 =	sld [smem:$0x3FFE];
	_ =	sdelay $0x1  }
0x8a: {  	s1 =	srdreg.scid  }
0x8b: {  	s0 =	sand.u32 $0x1, s1  }
0x8c: {  	s17 =	sshll.u32 s0, $0xA;
	s2 =	sadd.s32 s3, s2  }
0x8d: {  	s2 =	sadd.s32 s2, s17  }
0x8e: {  	[smem:$0x3FC4] =	sst s2  }
0x8f: {  	_ = 	snop  }
0x90: {  	(tm) =	ssettm $0x1  }
0x91: {  	s18 =	sld [smem:$0x3FFB];
	_ =	sdelay $0x3  }
0x92: {  	_ =	strace s18  }
0x93: {  	s2 =	sld [smem:$0x3FFC];
	_ =	sdelay $0x3  }
0x94: {  	_ =	strace s2  }
0x95: {  	s2 =	sld [smem:$0x3FFD];
	_ =	sdelay $0x3  }
0x96: {  	_ =	strace s2  }
0x97: {  	_ =	strace $0x8FFFFFFF  }
0x98: {  	s19 =	sld [smem:$0x3FDB];
	_ =	sdelay $0x1  }
0x99: {  	s20 =	simm.s32 $_scs_section_size  }
0x9a: {  	s4 =	simm.s32 $_size__tile_overlayer_lowered;
	s5 =	simm.s32 $_tile_overlayer_lowered  }
0x9b: {  	s6 =	simm.s32 $0x1BFF;
	s21 =	sshll.u32 s5, $0x1;
	s3 =	sadd.s32 s20, s19  }
0x9c: {  	s22 =	simm.s32 $0x0;
	s4 =	sshll.u32 s4, $0x1;
	s5 =	sadd.s32 s21, s3  }
0x9d: {  	[timem:s22], [sflag:s6] =	dma.local [hbm:s5], s4  }
0x9e: {  	_ =	swait.ge [sflag:s6], s4  }
0x9f: {  	s4 =	ssub.s32 $0x0, s4;
	[sflag:s6] =	ssyncset.done $0x0  }
0xa0: {  	[sflag:s6] =	ssyncadd.s32 s4;
	_ =	sdelay $0x1  }
0xa1: {  	s23 =	simm.s32 $0x1B8B  }
0xa2: {  	_ =	swait.ge [sflag:s23], $0x1  }
0xa3: {  	[sflag:s23] =	ssyncset.done $0x0  }
0xa4: {  	[sflag:s23] =	ssyncadd.s32 $0xFFFFFFFF  }
0xa5: {  	s4 =	sld [smem:$0x0]  }
0xa6: {  	s5 =	sand.u32 $0xFFFFFFFE, s1  }
0xa7: {  	p0 =	sne.s32 s1, s5  }
0xa8: {  	s5 =	sshll.u32 @p0 s5, $0xE  }
0xa9: {  	s5 =	sadd.s32 @p0 $0x11B8D, s5;
	s6 =	sshll.u32 @p0 s4, $0x11  }
0xaa: {  	s5 =	sor.u32 @p0 s6, s5  }
0xab: {  	[sflag:s5] =	ssyncadd.remote.s32 @p0 $0x1;
	_ =	sdelay $0x1  }
0xac: {  	s5 =	simm.s32 @p0 $0x1B8D  }
0xad: {  	_ =	swait.eq @p0 [sflag:s5], $0x1  }
0xae: {  	[sflag:s5] =	ssyncadd.s32 @p0 $0xFFFFFFFF  }
0xaf: {  	s6 =	sshll.u32 @!p0 s1, $0xE  }
0xb0: {  	s6 =	sor.u32 @!p0 $0x4000, s6;
	s5 =	simm.s32 @!p0 $0x1B8D  }
0xb1: {  	s4 =	sshll.u32 @!p0 s4, $0x11;
	s6 =	sadd.s32 @!p0 $0x11B8D, s6;
	_ =	swait.eq @!p0 [sflag:s5], $0x1  }
0xb2: {  	s4 =	sor.u32 @!p0 s4, s6;
	[sflag:s5] =	ssyncadd.s32 @!p0 $0xFFFFFFFF  }
0xb3: {  	s25 =	simm.s32 $0x1B8E;
	s24 =	sld [smem:$0x3FFE];
	[sflag:s4] =	ssyncadd.remote.s32 @!p0 $0x1  }
0xb4: {  	s26 =	simm.s32 $execute0_lowered;
	[smem:$0x3FD2] =	sst s25  }
0xb5: {  	s5 =	sshll.u32 s26, $0x1;
	_ =	strace $0x80000067;
	[dreg:$0x1] =	wrdreg $0xFFFFFFFF  }
0xb6: {  	s28 =	simm.s32 $_size_execute0_lowered;
	s3 =	sadd.s32 s3, s5;
	[dreg:$0x0] =	wrdreg $0x0  }
0xb7: {  	s5 =	sshll.u32 s28, $0x1;
	[dreg:$0x2] =	wrdreg s3  }
0xb8: {  	[dreg:$0x3] =	wrdreg s5  }
0xb9: {  	[dreg:$0x4] =	wrdreg $0xC0  }
0xba: {  	_ =	task [dreg:s22], $0x5FFFF  }
0xbb: {  	[dreg:$0x1] =	wrdreg $0xFFFFFFFF  }
0xbc: {  	[dreg:$0x0] =	wrdreg $0x60  }
0xbd: {  	[dreg:$0x2] =	wrdreg s24  }
0xbe: {  	[dreg:$0x3] =	wrdreg $0x9  }
0xbf: {  	_ =	task.clear_ibuf [dreg:s22], $0x4FFFF;
	_ =	strace $0x90000067  }
0xc0: {  	s29 =	simm.s32 $0x9;
	_ =	strace $0x80000069  }
0xc1: {  	_ =	swait.ge [sflag:s29], $0x1  }
0xc2: {  	[sflag:s29] =	ssyncadd.s32 $0xFFFFFFFF  }
0xc3: {  	_ =	strace $0x90000069  }
0xc4: {  	_ =	sfence  }
0xc5: {  	s30 =	sld [smem:$0x0];
	_ =	sdelay $0x2  }
0xc6: {  	s31 =	sshll.u32 s1, $0xD;
	s1 =	sshrl.u32 s1, $0x2  }
0xc7: {  	s4 =	sand.u32 $0x4000, s31;
	s1 =	sadd.s32 s1, s30  }
0xc8: {  	s0 =	sor.u32 s4, s0;
	s1 =	sshll.u32 s1, $0x11  }
0xc9: {  	s0 =	sor.u32 s1, s0  }
0xca: {  	s0 =	sadd.s32 $0x8F2B, s0  }
0xcb: {  	[sflag:s0] =	ssyncadd.remote.s32 $0x1  }
0xcc: {  	_ =	sfence.sel $0xFFFF  }
0xcd: {  	[dreg:$0x0] =	wrdreg $0xFFFFFFFF;
	(pc) =	sbr.abs _section_cstart, $3  }
0xce: {  	[dreg:$0x1] =	wrdreg $0xFFFFFFFF  }
0xcf: {  	_ =	task.clear_ibuf [dreg:s22], $0x2FFFF;
	_ =	strace $0x9FFFFFFF  }
0xd0: {  	(tm) =	ssettm $0x7FFFFFFF  }
0xd1: {  	_ =	shalt  }
tec
execute0_lowered:
.L_overlay_start_1:
0x0: {  	(tag) =	ssettag $0x1  }
0x1: {  	s1 =	srdreg.scid  }
0x2: {  	s0 =	stileid.u32;
	s10 =	sand.u32 $0x1, s1  }
0x3: {  	s8 =	rddreg [dreg:$0x0];
	s3 =	sshll.u32 s0, $0xC;
	s4 =	sshll.u32 s10, $0xB  }
0x4: {  	s2 =	simm.s32 $0x0;
	s1 =	rddreg [dreg:$0x1];
	s9 =	sor.u32 s4, s3  }
0x5: {  	[smem:$0x7FF] =	sst s2;
	s11 =	sadd.s32 $0xAB800, s8;
	s3 =	sshrl.u32 s9, $0x3  }
0x6: {  	_ =	strace $0x80000068;
	s4 =	sadd.s32 s11, s3;
	s3 =	simm.s32 $0x2  }
0x7: {  	[tilespmem:s2], [sflag:$0x2] =	stream.linear.gather [hbm4b:s4+s2], $0x400, $0x38;
	[tilespmem:$0x10400] =	vst v63  }
0x8: {  	_ =	swait.ge [sflag:s3], $0x400  }
0x9: {  	s6 =	simm.s32 $0x400;
	[sflag:s3] =	ssyncset.done $0x0  }
0xa: {  	s7 =	simm.s32 $0x1;
	s5 =	sadd.s32 $0x9B800, s8;
	[sflag:s3] =	ssyncadd.s32 $0xFFFFFC00  }
0xb: {  	[tilespmem:s6], [sflag:$0x1] =	stream.indirect.gather [hbm4b:s5+s6], $0x40, s2, s6, $0xb8;
	[tilespmem:$0x10400] =	vst v63  }
0xc: {  	_ =	swait.ge [sflag:s7], $0x10000  }
0xd: {  	s12 =	sadd.s32 $0x19DC00, s8;
	s29 =	sshll.u32 s9, $0x3;
	[sflag:s7] =	ssyncset.done $0x0  }
0xe: {  	s8 =	sadd.s32 s12, s29;
	[sflag:s7] =	ssyncadd.s32 $0xFFFF0000  }
0xf: {  	[hbm4b:s8+s2] =	stream.linear.scatter [tilespmem:s6], [sflag:$0x2], $0x10000, $0x38;
	[tilespmem:$0x10400] =	vst v63  }
0x10: {  	s13 =	sor.u32 $0x400, s9;
	_ =	swait.ge [sflag:s3], $0x10000  }
0x11: {  	s9 =	sshrl.u32 s13, $0x3;
	[sflag:s3] =	ssyncset.done $0x0  }
0x12: {  	s10 =	ssub.s32 $0x2, s10;
	s9 =	sadd.s32 s11, s9;
	[sflag:s3] =	ssyncadd.s32 $0xFFFF0000  }
0x13: {  	[tilespmem:s2], [sflag:$0x2] =	stream.linear.gather [hbm4b:s9+s2], $0x400, $0x38;
	[tilespmem:$0x10400] =	vst v63  }
0x14: {  	s30 =	sshrl.u32 s10, $0x1;
	_ =	swait.ge [sflag:s3], $0x400  }
0x15: {  	s11 =	ssub.s32 s10, s30;
	[sflag:s3] =	ssyncset.done $0x0  }
0x16: {  	s11 =	smax.u32 s11, $0x1;
	[sflag:s3] =	ssyncadd.s32 $0xFFFFFC00  }
0x17: {  	[tilespmem:s6], [sflag:$0x1] =	stream.indirect.gather [hbm4b:s5+s6], $0x40, s2, s6, $0xb8;
	[tilespmem:$0x10400] =	vst v63  }
0x18: {  	p0 =	sne.s32 s11, $0x1;
	_ =	swait.ge [sflag:s7], $0x10000  }
.Ltmp0:
0x19: {  	s31 =	sshll.u32 s13, $0x3;
	[sflag:s7] =	ssyncset.done $0x0;
	(pc) =	sbr.rel @!p0 .LBB2_2-.Ltmp0, $4  }
0x1a: {  	s10 =	sadd.s32 s12, s31;
	[sflag:s7] =	ssyncadd.s32 $0xFFFF0000  }
0x1b: {  	[hbm4b:s10+s2] =	stream.linear.scatter [tilespmem:s6], [sflag:$0x2], $0x10000, $0x38;
	[tilespmem:$0x10400] =	vst v63  }
0x1c: {  	_ =	swait.ge [sflag:s3], $0x10000  }
0x1d: {  	s11 =	sadd.s32 $0xFFFFFFFF, s11;
	[sflag:s3] =	ssyncset.done $0x0  }
.LBB2_1:
0x1e: {  	p0 =	sne.s32 s11, $0x1;
	s11 =	sadd.s32 $0xFFFFFFFF, s11;
	[sflag:s3] =	ssyncadd.s32 $0xFFFF0000  }
0x1f: {  	[tilespmem:s2], [sflag:$0x2] =	stream.linear.gather [hbm4b:s4+s2], $0x400, $0x38;
	[tilespmem:$0x10400] =	vst v63  }
0x20: {  	_ =	swait.ge [sflag:s3], $0x400  }
0x21: {  	[sflag:s3] =	ssyncset.done $0x0  }
0x22: {  	[sflag:s3] =	ssyncadd.s32 $0xFFFFFC00  }
0x23: {  	[tilespmem:s6], [sflag:$0x1] =	stream.indirect.gather [hbm4b:s5+s6], $0x40, s2, s6, $0xb8;
	[tilespmem:$0x10400] =	vst v63  }
0x24: {  	_ =	swait.ge [sflag:s7], $0x10000  }
0x25: {  	[sflag:s7] =	ssyncset.done $0x0  }
0x26: {  	[sflag:s7] =	ssyncadd.s32 $0xFFFF0000  }
0x27: {  	[hbm4b:s8+s2] =	stream.linear.scatter [tilespmem:s6], [sflag:$0x2], $0x10000, $0x38;
	[tilespmem:$0x10400] =	vst v63  }
0x28: {  	_ =	swait.ge [sflag:s3], $0x10000  }
0x29: {  	[sflag:s3] =	ssyncset.done $0x0  }
0x2a: {  	[sflag:s3] =	ssyncadd.s32 $0xFFFF0000  }
0x2b: {  	[tilespmem:s2], [sflag:$0x2] =	stream.linear.gather [hbm4b:s9+s2], $0x400, $0x38;
	[tilespmem:$0x10400] =	vst v63  }
0x2c: {  	_ =	swait.ge [sflag:s3], $0x400  }
0x2d: {  	[sflag:s3] =	ssyncset.done $0x0  }
0x2e: {  	[sflag:s3] =	ssyncadd.s32 $0xFFFFFC00  }
0x2f: {  	[tilespmem:s6], [sflag:$0x1] =	stream.indirect.gather [hbm4b:s5+s6], $0x40, s2, s6, $0xb8;
	[tilespmem:$0x10400] =	vst v63  }
0x30: {  	_ =	swait.ge [sflag:s7], $0x10000  }
.Ltmp1:
0x31: {  	[sflag:s7] =	ssyncset.done $0x0;
	(pc) =	sbr.rel @p0 .LBB2_1-.Ltmp1, $4  }
0x32: {  	[sflag:s7] =	ssyncadd.s32 $0xFFFF0000  }
0x33: {  	[hbm4b:s10+s2] =	stream.linear.scatter [tilespmem:s6], [sflag:$0x2], $0x10000, $0x38;
	[tilespmem:$0x10400] =	vst v63  }
0x34: {  	_ =	swait.ge [sflag:s3], $0x10000  }
0x35: {  	[sflag:s3] =	ssyncset.done $0x0  }
.LBB2_2:
0x36: {  	[sflag:s3] =	ssyncadd.s32 $0xFFFF0000  }
0x37: {  	_ =	sfence.sel $0x180000  }
0x38: {  	[bflag:$0x0] =	sbarrier.arrive $0xFFFF  }
0x39: {  	p0 =	sne.s32 s0, $0x0;
	_ =	strace $0x90000068  }
0x3a: {  	s0 =	sadd.s32 @!p0 $0x100000, s1;
	[bflag:$0x2] =	sbarrier.arrive $0xFFFF  }
0x3b: {  	[sflag:s0] =	ssyncadd.tile.s32 @!p0 $0x1;
	_ =	shalt  }
.Lfunc_end2:
_tile_overlayer_lowered:
.L_overlay_start_2:
0x3c: {  	(tag) =	ssettag $0x2  }
0x3d: {  	s0 =	rddreg [dreg:$0x0];
	s2 =	stileid.u32  }
0x3e: {  	s1 =	rddreg [dreg:$0x1];
	p0 =	sne.s32 s2, $0x0  }
0x3f: {  	s3 =	rddreg [dreg:$0x2];
	[bflag:$0x3] =	sbarrier.arrive $0xFFFF;
	s2 =	simm.s32 @!p0 $0x1C02  }
0x40: {  	[timem:s3], [sflag:s2] =	dma.local @!p0 [hbm:s0], s1  }
0x41: {  	s0 =	simm.s32 @!p0 $0x2  }
0x42: {  	_ =	swait.ge @!p0 [sflag:s0], s1  }
0x43: {  	s1 =	ssub.s32 @!p0 $0x0, s1;
	[sflag:s0] =	ssyncset.done @!p0 $0x0  }
0x44: {  	[sflag:s0] =	ssyncadd.s32 @!p0 s1  }
0x45: {  	[bflag:$0x3] =	sbarrier.arrive $0xFFFF  }
0x46: {  	_ =	shalt  }

// kernel: kernel.35.cloned.1.call-start
scs
__scs_entry_jumppad:
0x0: {  	(pc) =	sbr.rel $0x88, $3  }
0x1: {  	(tag) =	ssettag $0x0;
	lr =	simm.s32 $0x1  }
0x2: {  	[smem:$0x3F9D] =	sst lr;
	_ =	strace $0xD0000000  }
0x3: {  	_ = 	snop  }
0x4: {  	_ = 	snop  }
0x5: {  	_ = 	snop  }
0x6: {  	_ = 	snop  }
0x7: {  	_ = 	snop  }
__scs_overlays_trampoline_lowered:
0x8: {  	[smem:$0x3FAC] =	sst s0  }
0x9: {  	[smem:$0x3FAD] =	sst s1  }
0xa: {  	[smem:$0x3FAE] =	sst s2  }
0xb: {  	[smem:$0x3FAF] =	sst s3  }
0xc: {  	[smem:$0x3FB0] =	sst s4  }
0xd: {  	[smem:$0x3FB1] =	sst s5  }
0xe: {  	[smem:$0x3FB2] =	sst s6  }
0xf: {  	[smem:$0x3FB3] =	sst s7  }
0x10: {  	[smem:$0x3FB4] =	sst s8  }
0x11: {  	[smem:$0x3FB5] =	sst s9;
	s0 =	simm.s32 @!p0 $0x0  }
0x12: {  	s1 =	sld [smem:$0x3F9B];
	s0 =	simm.s32 @p0 $0x1  }
0x13: {  	[smem:$0x3FB6] =	sst s0;
	s0 =	simm.s32 @!p1 $0x0  }
0x14: {  	s2 =	sld [smem:$0x3F9A];
	s0 =	simm.s32 @p1 $0x1  }
0x15: {  	[smem:$0x3FB7] =	sst s0;
	s0 =	simm.s32 @!p2 $0x0  }
0x16: {  	s3 =	sld [smem:$0x3FDB];
	s0 =	simm.s32 @p2 $0x1  }
0x17: {  	s4 =	simm.s32 $0x1BF5;
	[smem:$0x3FB9] =	sst s0  }
0x18: {  	s0 =	sld [smem:$0x3F9C];
	_ =	swait.ge [sflag:s4], $0x0  }
0x19: {  	s7 =	sld [smem:$0x3F9D]  }
0x1a: {  	s8 =	sadd.s32 $0xFFFFE003, lr  }
0x1b: {  	s9 =	sadd.s32 $0xFFFFFEF7, lr;
	s5 =	simm.s32 $0xFFFFFFFF;
	p2 =	slt.u32 s8, $0xFFFFF086  }
0x1c: {  	p1 =	slt.u32 s9, $0xF7A;
	s5 =	simm.s32 @!p2 $0x0  }
0x1d: {  	s5 =	simm.s32 @p1 $0x1;
	p0 =	seq.s32 s7, s2  }
0x1e: {  	s7 =	smul.u32 @!p0 $0xF7A, s2;
	p2 =	seq.s32 @!p0 s5, $0x0  }
0x1f: {  	s9 =	smul.u32 $0xF7A, s1;
	s8 =	simm.s32 @!p0 $0x1BF5;
	p2 =	por !p2, p0  }
0x20: {  	[sflag:s8] =	ssyncset.s32 @!p0 $0xFFFFF086;
	s6 =	sadd.s32 @!p0 s3, s7;
	s7 =	simm.s32 @!p0 $0x108  }
0x21: {  	s3 =	sadd.s32 s3, s9;
	s6 =	sadd.s32 @!p0 $0x88, s6;
	s7 =	simm.s32 @p2 $0x1082  }
0x22: {  	[simem:s7], [sflag:s8] =	dma.local @!p0 [hbm:s6], $0xF7A  }
0x23: {  	s9 =	sor.u32 $0xD0000000, s2;
	s6 =	simm.s32 $0x108;
	_ =	swait.ge @!p0 [sflag:s8], $0x0  }
0x24: {  	s3 =	sadd.s32 $0x88, s3;
	s6 =	simm.s32 @!p1 $0x1082;
	[sflag:s4] =	ssyncset.s32 $0xFFFFF086  }
0x25: {  	[simem:s6], [sflag:s4] =	dma.local [hbm:s3], $0xF7A  }
0x26: {  	[smem:$0x3F9D] =	sst s1;
	(tag) =	ssettag s2;
	_ =	strace s9  }
0x27: {  	s1 =	sld [smem:$0x3FAD]  }
0x28: {  	s2 =	sld [smem:$0x3FAE]  }
0x29: {  	s4 =	sld [smem:$0x3FB0]  }
0x2a: {  	p0 =	seq.s32 s5, $0x0;
	s5 =	sld [smem:$0x3FB1]  }
0x2b: {  	s6 =	sld [smem:$0x3FB2]  }
0x2c: {  	s7 =	sld [smem:$0x3FB3]  }
0x2d: {  	s3 =	simm.s32 $0x108;
	s8 =	sld [smem:$0x3FB4]  }
0x2e: {  	s3 =	simm.s32 @!p0 $0x1082;
	s9 =	sld [smem:$0x3FB5]  }
0x2f: {  	lr =	sadd.s32 s0, s3;
	s0 =	sld [smem:$0x3FAC]  }
0x30: {  	s3 =	sld [smem:$0x3FAF]  }
0x31: {  	[smem:$0x3FB8] =	sst s10  }
0x32: {  	s10 =	sld [smem:$0x3FB6];
	_ =	sdelay $0x3  }
0x33: {  	p0 =	seq.s32 s10, $0x1;
	s10 =	sld [smem:$0x3FB8];
	_ =	sdelay $0x3  }
0x34: {  	[smem:$0x3FB8] =	sst s10  }
0x35: {  	s10 =	sld [smem:$0x3FB7];
	_ =	sdelay $0x3  }
0x36: {  	p1 =	seq.s32 s10, $0x1;
	s10 =	sld [smem:$0x3FB8];
	_ =	sdelay $0x3  }
0x37: {  	[smem:$0x3FB8] =	sst s10  }
0x38: {  	s10 =	sld [smem:$0x3FB9]  }
0x39: {  	_ = 	snop;
	(pc) =	sbr.ind lr, $3  }
0x3a: {  	_ = 	snop  }
0x3b: {  	_ = 	snop  }
0x3c: {  	p2 =	seq.s32 s10, $0x1;
	s10 =	sld [smem:$0x3FB8]  }
0x3d: {  	_ =	shalt  }
0x3e: {  	_ =	shalt  }
0x3f: {  	_ =	shalt  }
0x40: {  	_ =	shalt  }
0x41: {  	_ =	shalt  }
0x42: {  	_ =	shalt  }
0x43: {  	_ =	shalt  }
0x44: {  	_ =	shalt  }
0x45: {  	_ =	shalt  }
0x46: {  	_ =	shalt  }
0x47: {  	_ =	shalt  }
0x48: {  	_ =	shalt  }
0x49: {  	_ =	shalt  }
0x4a: {  	_ =	shalt  }
0x4b: {  	_ =	shalt  }
0x4c: {  	_ =	shalt  }
0x4d: {  	_ =	shalt  }
0x4e: {  	_ =	shalt  }
0x4f: {  	_ =	shalt  }
0x50: {  	_ =	shalt  }
0x51: {  	_ =	shalt  }
0x52: {  	_ =	shalt  }
0x53: {  	_ =	shalt  }
0x54: {  	_ =	shalt  }
0x55: {  	_ =	shalt  }
0x56: {  	_ =	shalt  }
0x57: {  	_ =	shalt  }
0x58: {  	_ =	shalt  }
0x59: {  	_ =	shalt  }
0x5a: {  	_ =	shalt  }
0x5b: {  	_ =	shalt  }
0x5c: {  	_ =	shalt  }
0x5d: {  	_ =	shalt  }
0x5e: {  	_ =	shalt  }
0x5f: {  	_ =	shalt  }
0x60: {  	_ =	shalt  }
0x61: {  	_ =	shalt  }
0x62: {  	_ =	shalt  }
0x63: {  	_ =	shalt  }
0x64: {  	_ =	shalt  }
0x65: {  	_ =	shalt  }
0x66: {  	_ =	shalt  }
0x67: {  	_ =	shalt  }
0x68: {  	_ =	shalt  }
0x69: {  	_ =	shalt  }
0x6a: {  	_ =	shalt  }
0x6b: {  	_ =	shalt  }
0x6c: {  	_ =	shalt  }
0x6d: {  	_ =	shalt  }
0x6e: {  	_ =	shalt  }
0x6f: {  	_ =	shalt  }
0x70: {  	_ =	shalt  }
0x71: {  	_ =	shalt  }
0x72: {  	_ =	shalt  }
0x73: {  	_ =	shalt  }
0x74: {  	_ =	shalt  }
0x75: {  	_ =	shalt  }
0x76: {  	_ =	shalt  }
0x77: {  	_ =	shalt  }
0x78: {  	_ =	shalt  }
0x79: {  	_ =	shalt  }
0x7a: {  	_ =	shalt  }
0x7b: {  	_ =	shalt  }
0x7c: {  	_ =	shalt  }
0x7d: {  	_ =	shalt  }
0x7e: {  	_ =	shalt  }
0x7f: {  	_ =	shalt  }
0x80: {  	_ =	shalt  }
0x81: {  	_ =	shalt  }
0x82: {  	_ =	shalt  }
0x83: {  	_ =	shalt  }
0x84: {  	_ =	shalt  }
0x85: {  	_ =	shalt  }
0x86: {  	_ =	shalt  }
0x87: {  	_ =	shalt  }
.Lfunc_end0:
.L_simem_size_0:
called_computation.8_lowered:
.L_overlay_start_0:
0x88: {  	s2 =	sld [smem:$0x3FD9]  }
0x89: {  	s3 =	sld [smem:$0x3FFE];
	_ =	sdelay $0x1  }
0x8a: {  	s1 =	srdreg.scid  }
0x8b: {  	s0 =	sand.u32 $0x1, s1  }
0x8c: {  	s17 =	sshll.u32 s0, $0xA;
	s2 =	sadd.s32 s3, s2  }
0x8d: {  	s2 =	sadd.s32 s2, s17  }
0x8e: {  	[smem:$0x3FC4] =	sst s2  }
0x8f: {  	_ = 	snop  }
0x90: {  	(tm) =	ssettm $0x1  }
0x91: {  	s18 =	sld [smem:$0x3FFB];
	_ =	sdelay $0x3  }
0x92: {  	_ =	strace s18  }
0x93: {  	s2 =	sld [smem:$0x3FFC];
	_ =	sdelay $0x3  }
0x94: {  	_ =	strace s2  }
0x95: {  	s2 =	sld [smem:$0x3FFD];
	_ =	sdelay $0x3  }
0x96: {  	_ =	strace s2  }
0x97: {  	_ =	strace $0x8FFFFFFF  }
0x98: {  	s19 =	sld [smem:$0x3FDB];
	_ =	sdelay $0x1  }
0x99: {  	s20 =	simm.s32 $_scs_section_size  }
0x9a: {  	s4 =	simm.s32 $_size__tile_overlayer_lowered;
	s5 =	simm.s32 $_tile_overlayer_lowered  }
0x9b: {  	s6 =	simm.s32 $0x1BFF;
	s21 =	sshll.u32 s5, $0x1;
	s3 =	sadd.s32 s20, s19  }
0x9c: {  	s22 =	simm.s32 $0x0;
	s4 =	sshll.u32 s4, $0x1;
	s5 =	sadd.s32 s21, s3  }
0x9d: {  	[timem:s22], [sflag:s6] =	dma.local [hbm:s5], s4  }
0x9e: {  	_ =	swait.ge [sflag:s6], s4  }
0x9f: {  	s4 =	ssub.s32 $0x0, s4;
	[sflag:s6] =	ssyncset.done $0x0  }
0xa0: {  	[sflag:s6] =	ssyncadd.s32 s4;
	_ =	sdelay $0x1  }
0xa1: {  	s23 =	simm.s32 $0x1B8B  }
0xa2: {  	_ =	swait.ge [sflag:s23], $0x1  }
0xa3: {  	[sflag:s23] =	ssyncset.done $0x0  }
0xa4: {  	[sflag:s23] =	ssyncadd.s32 $0xFFFFFFFF  }
0xa5: {  	s4 =	sld [smem:$0x0]  }
0xa6: {  	s5 =	sand.u32 $0xFFFFFFFE, s1  }
0xa7: {  	p0 =	sne.s32 s1, s5  }
0xa8: {  	s5 =	sshll.u32 @p0 s5, $0xE  }
0xa9: {  	s5 =	sadd.s32 @p0 $0x11B8D, s5;
	s6 =	sshll.u32 @p0 s4, $0x11  }
0xaa: {  	s5 =	sor.u32 @p0 s6, s5  }
0xab: {  	[sflag:s5] =	ssyncadd.remote.s32 @p0 $0x1;
	_ =	sdelay $0x1  }
0xac: {  	s5 =	simm.s32 @p0 $0x1B8D  }
0xad: {  	_ =	swait.eq @p0 [sflag:s5], $0x1  }
0xae: {  	[sflag:s5] =	ssyncadd.s32 @p0 $0xFFFFFFFF  }
0xaf: {  	s6 =	sshll.u32 @!p0 s1, $0xE  }
0xb0: {  	s6 =	sor.u32 @!p0 $0x4000, s6;
	s5 =	simm.s32 @!p0 $0x1B8D  }
0xb1: {  	s4 =	sshll.u32 @!p0 s4, $0x11;
	s6 =	sadd.s32 @!p0 $0x11B8D, s6;
	_ =	swait.eq @!p0 [sflag:s5], $0x1  }
0xb2: {  	s4 =	sor.u32 @!p0 s4, s6;
	[sflag:s5] =	ssyncadd.s32 @!p0 $0xFFFFFFFF  }
0xb3: {  	s25 =	simm.s32 $0x1B8E;
	s24 =	sld [smem:$0x3FFE];
	[sflag:s4] =	ssyncadd.remote.s32 @!p0 $0x1  }
0xb4: {  	s26 =	simm.s32 $execute0_lowered;
	[smem:$0x3FD2] =	sst s25  }
0xb5: {  	s5 =	sshll.u32 s26, $0x1;
	_ =	strace $0x80000052;
	[dreg:$0x1] =	wrdreg $0xFFFFFFFF  }
0xb6: {  	s28 =	simm.s32 $_size_execute0_lowered;
	s3 =	sadd.s32 s3, s5;
	[dreg:$0x0] =	wrdreg $0x0  }
0xb7: {  	s5 =	sshll.u32 s28, $0x1;
	[dreg:$0x2] =	wrdreg s3  }
0xb8: {  	[dreg:$0x3] =	wrdreg s5  }
0xb9: {  	[dreg:$0x4] =	wrdreg $0xC0  }
0xba: {  	_ =	task [dreg:s22], $0x5FFFF  }
0xbb: {  	[dreg:$0x1] =	wrdreg $0xFFFFFFFF  }
0xbc: {  	[dreg:$0x0] =	wrdreg $0x60  }
0xbd: {  	[dreg:$0x2] =	wrdreg s24  }
0xbe: {  	[dreg:$0x3] =	wrdreg $0xB  }
0xbf: {  	_ =	task.clear_ibuf [dreg:s22], $0x4FFFF;
	_ =	strace $0x90000052  }
0xc0: {  	s29 =	simm.s32 $0xB;
	_ =	strace $0x80000054  }
0xc1: {  	_ =	swait.ge [sflag:s29], $0x1  }
0xc2: {  	[sflag:s29] =	ssyncadd.s32 $0xFFFFFFFF  }
0xc3: {  	_ =	strace $0x90000054  }
0xc4: {  	_ =	sfence  }
0xc5: {  	s30 =	sld [smem:$0x0];
	_ =	sdelay $0x2  }
0xc6: {  	s31 =	sshll.u32 s1, $0xD;
	s1 =	sshrl.u32 s1, $0x2  }
0xc7: {  	s4 =	sand.u32 $0x4000, s31;
	s1 =	sadd.s32 s1, s30  }
0xc8: {  	s0 =	sor.u32 s4, s0;
	s1 =	sshll.u32 s1, $0x11  }
0xc9: {  	s0 =	sor.u32 s1, s0  }
0xca: {  	s0 =	sadd.s32 $0x8F2B, s0  }
0xcb: {  	[sflag:s0] =	ssyncadd.remote.s32 $0x1  }
0xcc: {  	_ =	sfence.sel $0xFFFF  }
0xcd: {  	[dreg:$0x0] =	wrdreg $0xFFFFFFFF;
	(pc) =	sbr.abs _section_cstart, $3  }
0xce: {  	[dreg:$0x1] =	wrdreg $0xFFFFFFFF  }
0xcf: {  	_ =	task.clear_ibuf [dreg:s22], $0x2FFFF;
	_ =	strace $0x9FFFFFFF  }
0xd0: {  	(tm) =	ssettm $0x7FFFFFFF  }
0xd1: {  	_ =	shalt  }
tec
execute0_lowered:
.L_overlay_start_1:
0x0: {  	(tag) =	ssettag $0x1  }
0x1: {  	s1 =	srdreg.scid  }
0x2: {  	s0 =	stileid.u32;
	s10 =	sand.u32 $0x1, s1  }
0x3: {  	s8 =	rddreg [dreg:$0x0];
	s3 =	sshll.u32 s0, $0xC;
	s4 =	sshll.u32 s10, $0xB  }
0x4: {  	s2 =	simm.s32 $0x0;
	s1 =	rddreg [dreg:$0x1];
	s9 =	sor.u32 s4, s3  }
0x5: {  	[smem:$0x7FF] =	sst s2;
	s11 =	sadd.s32 $0x20DC00, s8;
	s3 =	sshrl.u32 s9, $0x3  }
0x6: {  	_ =	strace $0x80000053;
	s4 =	sadd.s32 s11, s3;
	s3 =	simm.s32 $0x2  }
0x7: {  	[tilespmem:s2], [sflag:$0x2] =	stream.linear.gather [hbm4b:s4+s2], $0x400, $0x38;
	[tilespmem:$0x8400] =	vst v63  }
0x8: {  	_ =	swait.ge [sflag:s3], $0x400  }
0x9: {  	s6 =	simm.s32 $0x400;
	[sflag:s3] =	ssyncset.done $0x0  }
0xa: {  	s7 =	simm.s32 $0x1;
	s5 =	sadd.s32 $0x20FC00, s8;
	[sflag:s3] =	ssyncadd.s32 $0xFFFFFC00  }
0xb: {  	[tilespmem:s6], [sflag:$0x1] =	stream.indirect.gather [hbm4b:s5+s6], $0x20, s2, s6, $0xb8;
	[tilespmem:$0x8400] =	vst v63  }
0xc: {  	_ =	swait.ge [sflag:s7], $0x8000  }
0xd: {  	s12 =	sadd.s32 $0xDC00, s8;
	s29 =	sshll.u32 s9, $0x2;
	[sflag:s7] =	ssyncset.done $0x0  }
0xe: {  	s8 =	sadd.s32 s12, s29;
	[sflag:s7] =	ssyncadd.s32 $0xFFFF8000  }
0xf: {  	[hbm4b:s8+s2] =	stream.linear.scatter [tilespmem:s6], [sflag:$0x2], $0x8000, $0x38;
	[tilespmem:$0x8400] =	vst v63  }
0x10: {  	s13 =	sor.u32 $0x400, s9;
	_ =	swait.ge [sflag:s3], $0x8000  }
0x11: {  	s9 =	sshrl.u32 s13, $0x3;
	[sflag:s3] =	ssyncset.done $0x0  }
0x12: {  	s10 =	ssub.s32 $0x2, s10;
	s9 =	sadd.s32 s11, s9;
	[sflag:s3] =	ssyncadd.s32 $0xFFFF8000  }
0x13: {  	[tilespmem:s2], [sflag:$0x2] =	stream.linear.gather [hbm4b:s9+s2], $0x400, $0x38;
	[tilespmem:$0x8400] =	vst v63  }
0x14: {  	s30 =	sshrl.u32 s10, $0x1;
	_ =	swait.ge [sflag:s3], $0x400  }
0x15: {  	s11 =	ssub.s32 s10, s30;
	[sflag:s3] =	ssyncset.done $0x0  }
0x16: {  	s11 =	smax.u32 s11, $0x1;
	[sflag:s3] =	ssyncadd.s32 $0xFFFFFC00  }
0x17: {  	[tilespmem:s6], [sflag:$0x1] =	stream.indirect.gather [hbm4b:s5+s6], $0x20, s2, s6, $0xb8;
	[tilespmem:$0x8400] =	vst v63  }
0x18: {  	p0 =	sne.s32 s11, $0x1;
	_ =	swait.ge [sflag:s7], $0x8000  }
.Ltmp0:
0x19: {  	s31 =	sshll.u32 s13, $0x2;
	[sflag:s7] =	ssyncset.done $0x0;
	(pc) =	sbr.rel @!p0 .LBB2_2-.Ltmp0, $4  }
0x1a: {  	s10 =	sadd.s32 s12, s31;
	[sflag:s7] =	ssyncadd.s32 $0xFFFF8000  }
0x1b: {  	[hbm4b:s10+s2] =	stream.linear.scatter [tilespmem:s6], [sflag:$0x2], $0x8000, $0x38;
	[tilespmem:$0x8400] =	vst v63  }
0x1c: {  	_ =	swait.ge [sflag:s3], $0x8000  }
0x1d: {  	s11 =	sadd.s32 $0xFFFFFFFF, s11;
	[sflag:s3] =	ssyncset.done $0x0  }
.LBB2_1:
0x1e: {  	p0 =	sne.s32 s11, $0x1;
	s11 =	sadd.s32 $0xFFFFFFFF, s11;
	[sflag:s3] =	ssyncadd.s32 $0xFFFF8000  }
0x1f: {  	[tilespmem:s2], [sflag:$0x2] =	stream.linear.gather [hbm4b:s4+s2], $0x400, $0x38;
	[tilespmem:$0x8400] =	vst v63  }
0x20: {  	_ =	swait.ge [sflag:s3], $0x400  }
0x21: {  	[sflag:s3] =	ssyncset.done $0x0  }
0x22: {  	[sflag:s3] =	ssyncadd.s32 $0xFFFFFC00  }
0x23: {  	[tilespmem:s6], [sflag:$0x1] =	stream.indirect.gather [hbm4b:s5+s6], $0x20, s2, s6, $0xb8;
	[tilespmem:$0x8400] =	vst v63  }
0x24: {  	_ =	swait.ge [sflag:s7], $0x8000  }
0x25: {  	[sflag:s7] =	ssyncset.done $0x0  }
0x26: {  	[sflag:s7] =	ssyncadd.s32 $0xFFFF8000  }
0x27: {  	[hbm4b:s8+s2] =	stream.linear.scatter [tilespmem:s6], [sflag:$0x2], $0x8000, $0x38;
	[tilespmem:$0x8400] =	vst v63  }
0x28: {  	_ =	swait.ge [sflag:s3], $0x8000  }
0x29: {  	[sflag:s3] =	ssyncset.done $0x0  }
0x2a: {  	[sflag:s3] =	ssyncadd.s32 $0xFFFF8000  }
0x2b: {  	[tilespmem:s2], [sflag:$0x2] =	stream.linear.gather [hbm4b:s9+s2], $0x400, $0x38;
	[tilespmem:$0x8400] =	vst v63  }
0x2c: {  	_ =	swait.ge [sflag:s3], $0x400  }
0x2d: {  	[sflag:s3] =	ssyncset.done $0x0  }
0x2e: {  	[sflag:s3] =	ssyncadd.s32 $0xFFFFFC00  }
0x2f: {  	[tilespmem:s6], [sflag:$0x1] =	stream.indirect.gather [hbm4b:s5+s6], $0x20, s2, s6, $0xb8;
	[tilespmem:$0x8400] =	vst v63  }
0x30: {  	_ =	swait.ge [sflag:s7], $0x8000  }
.Ltmp1:
0x31: {  	[sflag:s7] =	ssyncset.done $0x0;
	(pc) =	sbr.rel @p0 .LBB2_1-.Ltmp1, $4  }
0x32: {  	[sflag:s7] =	ssyncadd.s32 $0xFFFF8000  }
0x33: {  	[hbm4b:s10+s2] =	stream.linear.scatter [tilespmem:s6], [sflag:$0x2], $0x8000, $0x38;
	[tilespmem:$0x8400] =	vst v63  }
0x34: {  	_ =	swait.ge [sflag:s3], $0x8000  }
0x35: {  	[sflag:s3] =	ssyncset.done $0x0  }
.LBB2_2:
0x36: {  	[sflag:s3] =	ssyncadd.s32 $0xFFFF8000  }
0x37: {  	_ =	sfence.sel $0x180000  }
0x38: {  	[bflag:$0x0] =	sbarrier.arrive $0xFFFF  }
0x39: {  	p0 =	sne.s32 s0, $0x0;
	_ =	strace $0x90000053  }
0x3a: {  	s0 =	sadd.s32 @!p0 $0x100000, s1;
	[bflag:$0x2] =	sbarrier.arrive $0xFFFF  }
0x3b: {  	[sflag:s0] =	ssyncadd.tile.s32 @!p0 $0x1;
	_ =	shalt  }
.Lfunc_end2:
_tile_overlayer_lowered:
.L_overlay_start_2:
0x3c: {  	(tag) =	ssettag $0x2  }
0x3d: {  	s0 =	rddreg [dreg:$0x0];
	s2 =	stileid.u32  }
0x3e: {  	s1 =	rddreg [dreg:$0x1];
	p0 =	sne.s32 s2, $0x0  }
0x3f: {  	s3 =	rddreg [dreg:$0x2];
	[bflag:$0x3] =	sbarrier.arrive $0xFFFF;
	s2 =	simm.s32 @!p0 $0x1C02  }
0x40: {  	[timem:s3], [sflag:s2] =	dma.local @!p0 [hbm:s0], s1  }
0x41: {  	s0 =	simm.s32 @!p0 $0x2  }
0x42: {  	_ =	swait.ge @!p0 [sflag:s0], s1  }
0x43: {  	s1 =	ssub.s32 @!p0 $0x0, s1;
	[sflag:s0] =	ssyncset.done @!p0 $0x0  }
0x44: {  	[sflag:s0] =	ssyncadd.s32 @!p0 s1  }
0x45: {  	[bflag:$0x3] =	sbarrier.arrive $0xFFFF  }
0x46: {  	_ =	shalt  }

// kernel: kernel.38.cloned.1.call-start
scs
__scs_entry_jumppad:
0x0: {  	(pc) =	sbr.rel $0x88, $3  }
0x1: {  	(tag) =	ssettag $0x0;
	lr =	simm.s32 $0x1  }
0x2: {  	[smem:$0x3F9D] =	sst lr;
	_ =	strace $0xD0000000  }
0x3: {  	_ = 	snop  }
0x4: {  	_ = 	snop  }
0x5: {  	_ = 	snop  }
0x6: {  	_ = 	snop  }
0x7: {  	_ = 	snop  }
__scs_overlays_trampoline_lowered:
0x8: {  	[smem:$0x3FAC] =	sst s0  }
0x9: {  	[smem:$0x3FAD] =	sst s1  }
0xa: {  	[smem:$0x3FAE] =	sst s2  }
0xb: {  	[smem:$0x3FAF] =	sst s3  }
0xc: {  	[smem:$0x3FB0] =	sst s4  }
0xd: {  	[smem:$0x3FB1] =	sst s5  }
0xe: {  	[smem:$0x3FB2] =	sst s6  }
0xf: {  	[smem:$0x3FB3] =	sst s7  }
0x10: {  	[smem:$0x3FB4] =	sst s8  }
0x11: {  	[smem:$0x3FB5] =	sst s9;
	s0 =	simm.s32 @!p0 $0x0  }
0x12: {  	s1 =	sld [smem:$0x3F9B];
	s0 =	simm.s32 @p0 $0x1  }
0x13: {  	[smem:$0x3FB6] =	sst s0;
	s0 =	simm.s32 @!p1 $0x0  }
0x14: {  	s2 =	sld [smem:$0x3F9A];
	s0 =	simm.s32 @p1 $0x1  }
0x15: {  	[smem:$0x3FB7] =	sst s0;
	s0 =	simm.s32 @!p2 $0x0  }
0x16: {  	s3 =	sld [smem:$0x3FDB];
	s0 =	simm.s32 @p2 $0x1  }
0x17: {  	s4 =	simm.s32 $0x1BF5;
	[smem:$0x3FB9] =	sst s0  }
0x18: {  	s0 =	sld [smem:$0x3F9C];
	_ =	swait.ge [sflag:s4], $0x0  }
0x19: {  	s7 =	sld [smem:$0x3F9D]  }
0x1a: {  	s8 =	sadd.s32 $0xFFFFE003, lr  }
0x1b: {  	s9 =	sadd.s32 $0xFFFFFEF7, lr;
	s5 =	simm.s32 $0xFFFFFFFF;
	p2 =	slt.u32 s8, $0xFFFFF086  }
0x1c: {  	p1 =	slt.u32 s9, $0xF7A;
	s5 =	simm.s32 @!p2 $0x0  }
0x1d: {  	s5 =	simm.s32 @p1 $0x1;
	p0 =	seq.s32 s7, s2  }
0x1e: {  	s7 =	smul.u32 @!p0 $0xF7A, s2;
	p2 =	seq.s32 @!p0 s5, $0x0  }
0x1f: {  	s9 =	smul.u32 $0xF7A, s1;
	s8 =	simm.s32 @!p0 $0x1BF5;
	p2 =	por !p2, p0  }
0x20: {  	[sflag:s8] =	ssyncset.s32 @!p0 $0xFFFFF086;
	s6 =	sadd.s32 @!p0 s3, s7;
	s7 =	simm.s32 @!p0 $0x108  }
0x21: {  	s3 =	sadd.s32 s3, s9;
	s6 =	sadd.s32 @!p0 $0x88, s6;
	s7 =	simm.s32 @p2 $0x1082  }
0x22: {  	[simem:s7], [sflag:s8] =	dma.local @!p0 [hbm:s6], $0xF7A  }
0x23: {  	s9 =	sor.u32 $0xD0000000, s2;
	s6 =	simm.s32 $0x108;
	_ =	swait.ge @!p0 [sflag:s8], $0x0  }
0x24: {  	s3 =	sadd.s32 $0x88, s3;
	s6 =	simm.s32 @!p1 $0x1082;
	[sflag:s4] =	ssyncset.s32 $0xFFFFF086  }
0x25: {  	[simem:s6], [sflag:s4] =	dma.local [hbm:s3], $0xF7A  }
0x26: {  	[smem:$0x3F9D] =	sst s1;
	(tag) =	ssettag s2;
	_ =	strace s9  }
0x27: {  	s1 =	sld [smem:$0x3FAD]  }
0x28: {  	s2 =	sld [smem:$0x3FAE]  }
0x29: {  	s4 =	sld [smem:$0x3FB0]  }
0x2a: {  	p0 =	seq.s32 s5, $0x0;
	s5 =	sld [smem:$0x3FB1]  }
0x2b: {  	s6 =	sld [smem:$0x3FB2]  }
0x2c: {  	s7 =	sld [smem:$0x3FB3]  }
0x2d: {  	s3 =	simm.s32 $0x108;
	s8 =	sld [smem:$0x3FB4]  }
0x2e: {  	s3 =	simm.s32 @!p0 $0x1082;
	s9 =	sld [smem:$0x3FB5]  }
0x2f: {  	lr =	sadd.s32 s0, s3;
	s0 =	sld [smem:$0x3FAC]  }
0x30: {  	s3 =	sld [smem:$0x3FAF]  }
0x31: {  	[smem:$0x3FB8] =	sst s10  }
0x32: {  	s10 =	sld [smem:$0x3FB6];
	_ =	sdelay $0x3  }
0x33: {  	p0 =	seq.s32 s10, $0x1;
	s10 =	sld [smem:$0x3FB8];
	_ =	sdelay $0x3  }
0x34: {  	[smem:$0x3FB8] =	sst s10  }
0x35: {  	s10 =	sld [smem:$0x3FB7];
	_ =	sdelay $0x3  }
0x36: {  	p1 =	seq.s32 s10, $0x1;
	s10 =	sld [smem:$0x3FB8];
	_ =	sdelay $0x3  }
0x37: {  	[smem:$0x3FB8] =	sst s10  }
0x38: {  	s10 =	sld [smem:$0x3FB9]  }
0x39: {  	_ = 	snop;
	(pc) =	sbr.ind lr, $3  }
0x3a: {  	_ = 	snop  }
0x3b: {  	_ = 	snop  }
0x3c: {  	p2 =	seq.s32 s10, $0x1;
	s10 =	sld [smem:$0x3FB8]  }
0x3d: {  	_ =	shalt  }
0x3e: {  	_ =	shalt  }
0x3f: {  	_ =	shalt  }
0x40: {  	_ =	shalt  }
0x41: {  	_ =	shalt  }
0x42: {  	_ =	shalt  }
0x43: {  	_ =	shalt  }
0x44: {  	_ =	shalt  }
0x45: {  	_ =	shalt  }
0x46: {  	_ =	shalt  }
0x47: {  	_ =	shalt  }
0x48: {  	_ =	shalt  }
0x49: {  	_ =	shalt  }
0x4a: {  	_ =	shalt  }
0x4b: {  	_ =	shalt  }
0x4c: {  	_ =	shalt  }
0x4d: {  	_ =	shalt  }
0x4e: {  	_ =	shalt  }
0x4f: {  	_ =	shalt  }
0x50: {  	_ =	shalt  }
0x51: {  	_ =	shalt  }
0x52: {  	_ =	shalt  }
0x53: {  	_ =	shalt  }
0x54: {  	_ =	shalt  }
0x55: {  	_ =	shalt  }
0x56: {  	_ =	shalt  }
0x57: {  	_ =	shalt  }
0x58: {  	_ =	shalt  }
0x59: {  	_ =	shalt  }
0x5a: {  	_ =	shalt  }
0x5b: {  	_ =	shalt  }
0x5c: {  	_ =	shalt  }
0x5d: {  	_ =	shalt  }
0x5e: {  	_ =	shalt  }
0x5f: {  	_ =	shalt  }
0x60: {  	_ =	shalt  }
0x61: {  	_ =	shalt  }
0x62: {  	_ =	shalt  }
0x63: {  	_ =	shalt  }
0x64: {  	_ =	shalt  }
0x65: {  	_ =	shalt  }
0x66: {  	_ =	shalt  }
0x67: {  	_ =	shalt  }
0x68: {  	_ =	shalt  }
0x69: {  	_ =	shalt  }
0x6a: {  	_ =	shalt  }
0x6b: {  	_ =	shalt  }
0x6c: {  	_ =	shalt  }
0x6d: {  	_ =	shalt  }
0x6e: {  	_ =	shalt  }
0x6f: {  	_ =	shalt  }
0x70: {  	_ =	shalt  }
0x71: {  	_ =	shalt  }
0x72: {  	_ =	shalt  }
0x73: {  	_ =	shalt  }
0x74: {  	_ =	shalt  }
0x75: {  	_ =	shalt  }
0x76: {  	_ =	shalt  }
0x77: {  	_ =	shalt  }
0x78: {  	_ =	shalt  }
0x79: {  	_ =	shalt  }
0x7a: {  	_ =	shalt  }
0x7b: {  	_ =	shalt  }
0x7c: {  	_ =	shalt  }
0x7d: {  	_ =	shalt  }
0x7e: {  	_ =	shalt  }
0x7f: {  	_ =	shalt  }
0x80: {  	_ =	shalt  }
0x81: {  	_ =	shalt  }
0x82: {  	_ =	shalt  }
0x83: {  	_ =	shalt  }
0x84: {  	_ =	shalt  }
0x85: {  	_ =	shalt  }
0x86: {  	_ =	shalt  }
0x87: {  	_ =	shalt  }
.Lfunc_end0:
.L_simem_size_0:
called_computation.9_lowered:
.L_overlay_start_0:
0x88: {  	s2 =	sld [smem:$0x3FD9]  }
0x89: {  	s3 =	sld [smem:$0x3FFE];
	_ =	sdelay $0x1  }
0x8a: {  	s1 =	srdreg.scid  }
0x8b: {  	s0 =	sand.u32 $0x1, s1  }
0x8c: {  	s17 =	sshll.u32 s0, $0xA;
	s2 =	sadd.s32 s3, s2  }
0x8d: {  	s2 =	sadd.s32 s2, s17  }
0x8e: {  	[smem:$0x3FC4] =	sst s2  }
0x8f: {  	_ = 	snop  }
0x90: {  	(tm) =	ssettm $0x1  }
0x91: {  	s18 =	sld [smem:$0x3FFB];
	_ =	sdelay $0x3  }
0x92: {  	_ =	strace s18  }
0x93: {  	s2 =	sld [smem:$0x3FFC];
	_ =	sdelay $0x3  }
0x94: {  	_ =	strace s2  }
0x95: {  	s2 =	sld [smem:$0x3FFD];
	_ =	sdelay $0x3  }
0x96: {  	_ =	strace s2  }
0x97: {  	_ =	strace $0x8FFFFFFF  }
0x98: {  	s19 =	sld [smem:$0x3FDB];
	_ =	sdelay $0x1  }
0x99: {  	s20 =	simm.s32 $_scs_section_size  }
0x9a: {  	s4 =	simm.s32 $_size__tile_overlayer_lowered;
	s5 =	simm.s32 $_tile_overlayer_lowered  }
0x9b: {  	s6 =	simm.s32 $0x1BFF;
	s21 =	sshll.u32 s5, $0x1;
	s3 =	sadd.s32 s20, s19  }
0x9c: {  	s22 =	simm.s32 $0x0;
	s4 =	sshll.u32 s4, $0x1;
	s5 =	sadd.s32 s21, s3  }
0x9d: {  	[timem:s22], [sflag:s6] =	dma.local [hbm:s5], s4  }
0x9e: {  	_ =	swait.ge [sflag:s6], s4  }
0x9f: {  	s4 =	ssub.s32 $0x0, s4;
	[sflag:s6] =	ssyncset.done $0x0  }
0xa0: {  	[sflag:s6] =	ssyncadd.s32 s4;
	_ =	sdelay $0x1  }
0xa1: {  	s23 =	simm.s32 $0x1B8B  }
0xa2: {  	_ =	swait.ge [sflag:s23], $0x1  }
0xa3: {  	[sflag:s23] =	ssyncset.done $0x0  }
0xa4: {  	[sflag:s23] =	ssyncadd.s32 $0xFFFFFFFF  }
0xa5: {  	s4 =	sld [smem:$0x0]  }
0xa6: {  	s5 =	sand.u32 $0xFFFFFFFE, s1  }
0xa7: {  	p0 =	sne.s32 s1, s5  }
0xa8: {  	s5 =	sshll.u32 @p0 s5, $0xE  }
0xa9: {  	s5 =	sadd.s32 @p0 $0x11B8D, s5;
	s6 =	sshll.u32 @p0 s4, $0x11  }
0xaa: {  	s5 =	sor.u32 @p0 s6, s5  }
0xab: {  	[sflag:s5] =	ssyncadd.remote.s32 @p0 $0x1;
	_ =	sdelay $0x1  }
0xac: {  	s5 =	simm.s32 @p0 $0x1B8D  }
0xad: {  	_ =	swait.eq @p0 [sflag:s5], $0x1  }
0xae: {  	[sflag:s5] =	ssyncadd.s32 @p0 $0xFFFFFFFF  }
0xaf: {  	s6 =	sshll.u32 @!p0 s1, $0xE  }
0xb0: {  	s6 =	sor.u32 @!p0 $0x4000, s6;
	s5 =	simm.s32 @!p0 $0x1B8D  }
0xb1: {  	s4 =	sshll.u32 @!p0 s4, $0x11;
	s6 =	sadd.s32 @!p0 $0x11B8D, s6;
	_ =	swait.eq @!p0 [sflag:s5], $0x1  }
0xb2: {  	s4 =	sor.u32 @!p0 s4, s6;
	[sflag:s5] =	ssyncadd.s32 @!p0 $0xFFFFFFFF  }
0xb3: {  	s25 =	simm.s32 $0x1B8E;
	s24 =	sld [smem:$0x3FFE];
	[sflag:s4] =	ssyncadd.remote.s32 @!p0 $0x1  }
0xb4: {  	s26 =	simm.s32 $execute0_lowered;
	[smem:$0x3FD2] =	sst s25  }
0xb5: {  	s5 =	sshll.u32 s26, $0x1;
	_ =	strace $0x8000005E;
	[dreg:$0x1] =	wrdreg $0xFFFFFFFF  }
0xb6: {  	s28 =	simm.s32 $_size_execute0_lowered;
	s3 =	sadd.s32 s3, s5;
	[dreg:$0x0] =	wrdreg $0x0  }
0xb7: {  	s5 =	sshll.u32 s28, $0x1;
	[dreg:$0x2] =	wrdreg s3  }
0xb8: {  	[dreg:$0x3] =	wrdreg s5  }
0xb9: {  	[dreg:$0x4] =	wrdreg $0xC0  }
0xba: {  	_ =	task [dreg:s22], $0x5FFFF  }
0xbb: {  	[dreg:$0x1] =	wrdreg $0xFFFFFFFF  }
0xbc: {  	[dreg:$0x0] =	wrdreg $0x60  }
0xbd: {  	[dreg:$0x2] =	wrdreg s24  }
0xbe: {  	[dreg:$0x3] =	wrdreg $0xB  }
0xbf: {  	_ =	task.clear_ibuf [dreg:s22], $0x4FFFF;
	_ =	strace $0x9000005E  }
0xc0: {  	s29 =	simm.s32 $0xB;
	_ =	strace $0x80000060  }
0xc1: {  	_ =	swait.ge [sflag:s29], $0x1  }
0xc2: {  	[sflag:s29] =	ssyncadd.s32 $0xFFFFFFFF  }
0xc3: {  	_ =	strace $0x90000060  }
0xc4: {  	_ =	sfence  }
0xc5: {  	s30 =	sld [smem:$0x0];
	_ =	sdelay $0x2  }
0xc6: {  	s31 =	sshll.u32 s1, $0xD;
	s1 =	sshrl.u32 s1, $0x2  }
0xc7: {  	s4 =	sand.u32 $0x4000, s31;
	s1 =	sadd.s32 s1, s30  }
0xc8: {  	s0 =	sor.u32 s4, s0;
	s1 =	sshll.u32 s1, $0x11  }
0xc9: {  	s0 =	sor.u32 s1, s0  }
0xca: {  	s0 =	sadd.s32 $0x8F2B, s0  }
0xcb: {  	[sflag:s0] =	ssyncadd.remote.s32 $0x1  }
0xcc: {  	_ =	sfence.sel $0xFFFF  }
0xcd: {  	[dreg:$0x0] =	wrdreg $0xFFFFFFFF;
	(pc) =	sbr.abs _section_cstart, $3  }
0xce: {  	[dreg:$0x1] =	wrdreg $0xFFFFFFFF  }
0xcf: {  	_ =	task.clear_ibuf [dreg:s22], $0x2FFFF;
	_ =	strace $0x9FFFFFFF  }
0xd0: {  	(tm) =	ssettm $0x7FFFFFFF  }
0xd1: {  	_ =	shalt  }
tec
execute0_lowered:
.L_overlay_start_1:
0x0: {  	(tag) =	ssettag $0x1  }
0x1: {  	s1 =	srdreg.scid  }
0x2: {  	s0 =	stileid.u32;
	s10 =	sand.u32 $0x1, s1  }
0x3: {  	s8 =	rddreg [dreg:$0x0];
	s3 =	sshll.u32 s0, $0xC;
	s4 =	sshll.u32 s10, $0xB  }
0x4: {  	s2 =	simm.s32 $0x0;
	s1 =	rddreg [dreg:$0x1];
	s9 =	sor.u32 s4, s3  }
0x5: {  	[smem:$0x7FF] =	sst s2;
	s11 =	sadd.s32 $0x9800, s8;
	s3 =	sshrl.u32 s9, $0x3  }
0x6: {  	_ =	strace $0x8000005F;
	s4 =	sadd.s32 s11, s3;
	s3 =	simm.s32 $0x2  }
0x7: {  	[tilespmem:s2], [sflag:$0x2] =	stream.linear.gather [hbm4b:s4+s2], $0x400, $0x38;
	[tilespmem:$0x10400] =	vst v63  }
0x8: {  	_ =	swait.ge [sflag:s3], $0x400  }
0x9: {  	s6 =	simm.s32 $0x400;
	[sflag:s3] =	ssyncset.done $0x0  }
0xa: {  	s7 =	simm.s32 $0x1;
	s5 =	sadd.s32 $0x18DC00, s8;
	[sflag:s3] =	ssyncadd.s32 $0xFFFFFC00  }
0xb: {  	[tilespmem:s6], [sflag:$0x1] =	stream.indirect.gather [hbm4b:s5+s6], $0x40, s2, s6, $0xb8;
	[tilespmem:$0x10400] =	vst v63  }
0xc: {  	_ =	swait.ge [sflag:s7], $0x10000  }
0xd: {  	s12 =	sadd.s32 $0x80FC00, s8;
	s29 =	sshll.u32 s9, $0x3;
	[sflag:s7] =	ssyncset.done $0x0  }
0xe: {  	s8 =	sadd.s32 s12, s29;
	[sflag:s7] =	ssyncadd.s32 $0xFFFF0000  }
0xf: {  	[hbm4b:s8+s2] =	stream.linear.scatter [tilespmem:s6], [sflag:$0x2], $0x10000, $0x38;
	[tilespmem:$0x10400] =	vst v63  }
0x10: {  	s13 =	sor.u32 $0x400, s9;
	_ =	swait.ge [sflag:s3], $0x10000  }
0x11: {  	s9 =	sshrl.u32 s13, $0x3;
	[sflag:s3] =	ssyncset.done $0x0  }
0x12: {  	s10 =	ssub.s32 $0x2, s10;
	s9 =	sadd.s32 s11, s9;
	[sflag:s3] =	ssyncadd.s32 $0xFFFF0000  }
0x13: {  	[tilespmem:s2], [sflag:$0x2] =	stream.linear.gather [hbm4b:s9+s2], $0x400, $0x38;
	[tilespmem:$0x10400] =	vst v63  }
0x14: {  	s30 =	sshrl.u32 s10, $0x1;
	_ =	swait.ge [sflag:s3], $0x400  }
0x15: {  	s11 =	ssub.s32 s10, s30;
	[sflag:s3] =	ssyncset.done $0x0  }
0x16: {  	s11 =	smax.u32 s11, $0x1;
	[sflag:s3] =	ssyncadd.s32 $0xFFFFFC00  }
0x17: {  	[tilespmem:s6], [sflag:$0x1] =	stream.indirect.gather [hbm4b:s5+s6], $0x40, s2, s6, $0xb8;
	[tilespmem:$0x10400] =	vst v63  }
0x18: {  	p0 =	sne.s32 s11, $0x1;
	_ =	swait.ge [sflag:s7], $0x10000  }
.Ltmp0:
0x19: {  	s31 =	sshll.u32 s13, $0x3;
	[sflag:s7] =	ssyncset.done $0x0;
	(pc) =	sbr.rel @!p0 .LBB2_2-.Ltmp0, $4  }
0x1a: {  	s10 =	sadd.s32 s12, s31;
	[sflag:s7] =	ssyncadd.s32 $0xFFFF0000  }
0x1b: {  	[hbm4b:s10+s2] =	stream.linear.scatter [tilespmem:s6], [sflag:$0x2], $0x10000, $0x38;
	[tilespmem:$0x10400] =	vst v63  }
0x1c: {  	_ =	swait.ge [sflag:s3], $0x10000  }
0x1d: {  	s11 =	sadd.s32 $0xFFFFFFFF, s11;
	[sflag:s3] =	ssyncset.done $0x0  }
.LBB2_1:
0x1e: {  	p0 =	sne.s32 s11, $0x1;
	s11 =	sadd.s32 $0xFFFFFFFF, s11;
	[sflag:s3] =	ssyncadd.s32 $0xFFFF0000  }
0x1f: {  	[tilespmem:s2], [sflag:$0x2] =	stream.linear.gather [hbm4b:s4+s2], $0x400, $0x38;
	[tilespmem:$0x10400] =	vst v63  }
0x20: {  	_ =	swait.ge [sflag:s3], $0x400  }
0x21: {  	[sflag:s3] =	ssyncset.done $0x0  }
0x22: {  	[sflag:s3] =	ssyncadd.s32 $0xFFFFFC00  }
0x23: {  	[tilespmem:s6], [sflag:$0x1] =	stream.indirect.gather [hbm4b:s5+s6], $0x40, s2, s6, $0xb8;
	[tilespmem:$0x10400] =	vst v63  }
0x24: {  	_ =	swait.ge [sflag:s7], $0x10000  }
0x25: {  	[sflag:s7] =	ssyncset.done $0x0  }
0x26: {  	[sflag:s7] =	ssyncadd.s32 $0xFFFF0000  }
0x27: {  	[hbm4b:s8+s2] =	stream.linear.scatter [tilespmem:s6], [sflag:$0x2], $0x10000, $0x38;
	[tilespmem:$0x10400] =	vst v63  }
0x28: {  	_ =	swait.ge [sflag:s3], $0x10000  }
0x29: {  	[sflag:s3] =	ssyncset.done $0x0  }
0x2a: {  	[sflag:s3] =	ssyncadd.s32 $0xFFFF0000  }
0x2b: {  	[tilespmem:s2], [sflag:$0x2] =	stream.linear.gather [hbm4b:s9+s2], $0x400, $0x38;
	[tilespmem:$0x10400] =	vst v63  }
0x2c: {  	_ =	swait.ge [sflag:s3], $0x400  }
0x2d: {  	[sflag:s3] =	ssyncset.done $0x0  }
0x2e: {  	[sflag:s3] =	ssyncadd.s32 $0xFFFFFC00  }
0x2f: {  	[tilespmem:s6], [sflag:$0x1] =	stream.indirect.gather [hbm4b:s5+s6], $0x40, s2, s6, $0xb8;
	[tilespmem:$0x10400] =	vst v63  }
0x30: {  	_ =	swait.ge [sflag:s7], $0x10000  }
.Ltmp1:
0x31: {  	[sflag:s7] =	ssyncset.done $0x0;
	(pc) =	sbr.rel @p0 .LBB2_1-.Ltmp1, $4  }
0x32: {  	[sflag:s7] =	ssyncadd.s32 $0xFFFF0000  }
0x33: {  	[hbm4b:s10+s2] =	stream.linear.scatter [tilespmem:s6], [sflag:$0x2], $0x10000, $0x38;
	[tilespmem:$0x10400] =	vst v63  }
0x34: {  	_ =	swait.ge [sflag:s3], $0x10000  }
0x35: {  	[sflag:s3] =	ssyncset.done $0x0  }
.LBB2_2:
0x36: {  	[sflag:s3] =	ssyncadd.s32 $0xFFFF0000  }
0x37: {  	_ =	sfence.sel $0x180000  }
0x38: {  	[bflag:$0x0] =	sbarrier.arrive $0xFFFF  }
0x39: {  	p0 =	sne.s32 s0, $0x0;
	_ =	strace $0x9000005F  }
0x3a: {  	s0 =	sadd.s32 @!p0 $0x100000, s1;
	[bflag:$0x2] =	sbarrier.arrive $0xFFFF  }
0x3b: {  	[sflag:s0] =	ssyncadd.tile.s32 @!p0 $0x1;
	_ =	shalt  }
.Lfunc_end2:
_tile_overlayer_lowered:
.L_overlay_start_2:
0x3c: {  	(tag) =	ssettag $0x2  }
0x3d: {  	s0 =	rddreg [dreg:$0x0];
	s2 =	stileid.u32  }
0x3e: {  	s1 =	rddreg [dreg:$0x1];
	p0 =	sne.s32 s2, $0x0  }
0x3f: {  	s3 =	rddreg [dreg:$0x2];
	[bflag:$0x3] =	sbarrier.arrive $0xFFFF;
	s2 =	simm.s32 @!p0 $0x1C02  }
0x40: {  	[timem:s3], [sflag:s2] =	dma.local @!p0 [hbm:s0], s1  }
0x41: {  	s0 =	simm.s32 @!p0 $0x2  }
0x42: {  	_ =	swait.ge @!p0 [sflag:s0], s1  }
0x43: {  	s1 =	ssub.s32 @!p0 $0x0, s1;
	[sflag:s0] =	ssyncset.done @!p0 $0x0  }
0x44: {  	[sflag:s0] =	ssyncadd.s32 @!p0 s1  }
0x45: {  	[bflag:$0x3] =	sbarrier.arrive $0xFFFF  }
0x46: {  	_ =	shalt  }

// kernel: kernel.41.cloned.1.call-start
scs
__scs_entry_jumppad:
0x0: {  	(pc) =	sbr.rel $0x88, $3  }
0x1: {  	(tag) =	ssettag $0x0;
	lr =	simm.s32 $0x1  }
0x2: {  	[smem:$0x3F9D] =	sst lr;
	_ =	strace $0xD0000000  }
0x3: {  	_ = 	snop  }
0x4: {  	_ = 	snop  }
0x5: {  	_ = 	snop  }
0x6: {  	_ = 	snop  }
0x7: {  	_ = 	snop  }
__scs_overlays_trampoline_lowered:
0x8: {  	[smem:$0x3FAC] =	sst s0  }
0x9: {  	[smem:$0x3FAD] =	sst s1  }
0xa: {  	[smem:$0x3FAE] =	sst s2  }
0xb: {  	[smem:$0x3FAF] =	sst s3  }
0xc: {  	[smem:$0x3FB0] =	sst s4  }
0xd: {  	[smem:$0x3FB1] =	sst s5  }
0xe: {  	[smem:$0x3FB2] =	sst s6  }
0xf: {  	[smem:$0x3FB3] =	sst s7  }
0x10: {  	[smem:$0x3FB4] =	sst s8  }
0x11: {  	[smem:$0x3FB5] =	sst s9;
	s0 =	simm.s32 @!p0 $0x0  }
0x12: {  	s1 =	sld [smem:$0x3F9B];
	s0 =	simm.s32 @p0 $0x1  }
0x13: {  	[smem:$0x3FB6] =	sst s0;
	s0 =	simm.s32 @!p1 $0x0  }
0x14: {  	s2 =	sld [smem:$0x3F9A];
	s0 =	simm.s32 @p1 $0x1  }
0x15: {  	[smem:$0x3FB7] =	sst s0;
	s0 =	simm.s32 @!p2 $0x0  }
0x16: {  	s3 =	sld [smem:$0x3FDB];
	s0 =	simm.s32 @p2 $0x1  }
0x17: {  	s4 =	simm.s32 $0x1BF5;
	[smem:$0x3FB9] =	sst s0  }
0x18: {  	s0 =	sld [smem:$0x3F9C];
	_ =	swait.ge [sflag:s4], $0x0  }
0x19: {  	s7 =	sld [smem:$0x3F9D]  }
0x1a: {  	s8 =	sadd.s32 $0xFFFFE003, lr  }
0x1b: {  	s9 =	sadd.s32 $0xFFFFFEF7, lr;
	s5 =	simm.s32 $0xFFFFFFFF;
	p2 =	slt.u32 s8, $0xFFFFF086  }
0x1c: {  	p1 =	slt.u32 s9, $0xF7A;
	s5 =	simm.s32 @!p2 $0x0  }
0x1d: {  	s5 =	simm.s32 @p1 $0x1;
	p0 =	seq.s32 s7, s2  }
0x1e: {  	s7 =	smul.u32 @!p0 $0xF7A, s2;
	p2 =	seq.s32 @!p0 s5, $0x0  }
0x1f: {  	s9 =	smul.u32 $0xF7A, s1;
	s8 =	simm.s32 @!p0 $0x1BF5;
	p2 =	por !p2, p0  }
0x20: {  	[sflag:s8] =	ssyncset.s32 @!p0 $0xFFFFF086;
	s6 =	sadd.s32 @!p0 s3, s7;
	s7 =	simm.s32 @!p0 $0x108  }
0x21: {  	s3 =	sadd.s32 s3, s9;
	s6 =	sadd.s32 @!p0 $0x88, s6;
	s7 =	simm.s32 @p2 $0x1082  }
0x22: {  	[simem:s7], [sflag:s8] =	dma.local @!p0 [hbm:s6], $0xF7A  }
0x23: {  	s9 =	sor.u32 $0xD0000000, s2;
	s6 =	simm.s32 $0x108;
	_ =	swait.ge @!p0 [sflag:s8], $0x0  }
0x24: {  	s3 =	sadd.s32 $0x88, s3;
	s6 =	simm.s32 @!p1 $0x1082;
	[sflag:s4] =	ssyncset.s32 $0xFFFFF086  }
0x25: {  	[simem:s6], [sflag:s4] =	dma.local [hbm:s3], $0xF7A  }
0x26: {  	[smem:$0x3F9D] =	sst s1;
	(tag) =	ssettag s2;
	_ =	strace s9  }
0x27: {  	s1 =	sld [smem:$0x3FAD]  }
0x28: {  	s2 =	sld [smem:$0x3FAE]  }
0x29: {  	s4 =	sld [smem:$0x3FB0]  }
0x2a: {  	p0 =	seq.s32 s5, $0x0;
	s5 =	sld [smem:$0x3FB1]  }
0x2b: {  	s6 =	sld [smem:$0x3FB2]  }
0x2c: {  	s7 =	sld [smem:$0x3FB3]  }
0x2d: {  	s3 =	simm.s32 $0x108;
	s8 =	sld [smem:$0x3FB4]  }
0x2e: {  	s3 =	simm.s32 @!p0 $0x1082;
	s9 =	sld [smem:$0x3FB5]  }
0x2f: {  	lr =	sadd.s32 s0, s3;
	s0 =	sld [smem:$0x3FAC]  }
0x30: {  	s3 =	sld [smem:$0x3FAF]  }
0x31: {  	[smem:$0x3FB8] =	sst s10  }
0x32: {  	s10 =	sld [smem:$0x3FB6];
	_ =	sdelay $0x3  }
0x33: {  	p0 =	seq.s32 s10, $0x1;
	s10 =	sld [smem:$0x3FB8];
	_ =	sdelay $0x3  }
0x34: {  	[smem:$0x3FB8] =	sst s10  }
0x35: {  	s10 =	sld [smem:$0x3FB7];
	_ =	sdelay $0x3  }
0x36: {  	p1 =	seq.s32 s10, $0x1;
	s10 =	sld [smem:$0x3FB8];
	_ =	sdelay $0x3  }
0x37: {  	[smem:$0x3FB8] =	sst s10  }
0x38: {  	s10 =	sld [smem:$0x3FB9]  }
0x39: {  	_ = 	snop;
	(pc) =	sbr.ind lr, $3  }
0x3a: {  	_ = 	snop  }
0x3b: {  	_ = 	snop  }
0x3c: {  	p2 =	seq.s32 s10, $0x1;
	s10 =	sld [smem:$0x3FB8]  }
0x3d: {  	_ =	shalt  }
0x3e: {  	_ =	shalt  }
0x3f: {  	_ =	shalt  }
0x40: {  	_ =	shalt  }
0x41: {  	_ =	shalt  }
0x42: {  	_ =	shalt  }
0x43: {  	_ =	shalt  }
0x44: {  	_ =	shalt  }
0x45: {  	_ =	shalt  }
0x46: {  	_ =	shalt  }
0x47: {  	_ =	shalt  }
0x48: {  	_ =	shalt  }
0x49: {  	_ =	shalt  }
0x4a: {  	_ =	shalt  }
0x4b: {  	_ =	shalt  }
0x4c: {  	_ =	shalt  }
0x4d: {  	_ =	shalt  }
0x4e: {  	_ =	shalt  }
0x4f: {  	_ =	shalt  }
0x50: {  	_ =	shalt  }
0x51: {  	_ =	shalt  }
0x52: {  	_ =	shalt  }
0x53: {  	_ =	shalt  }
0x54: {  	_ =	shalt  }
0x55: {  	_ =	shalt  }
0x56: {  	_ =	shalt  }
0x57: {  	_ =	shalt  }
0x58: {  	_ =	shalt  }
0x59: {  	_ =	shalt  }
0x5a: {  	_ =	shalt  }
0x5b: {  	_ =	shalt  }
0x5c: {  	_ =	shalt  }
0x5d: {  	_ =	shalt  }
0x5e: {  	_ =	shalt  }
0x5f: {  	_ =	shalt  }
0x60: {  	_ =	shalt  }
0x61: {  	_ =	shalt  }
0x62: {  	_ =	shalt  }
0x63: {  	_ =	shalt  }
0x64: {  	_ =	shalt  }
0x65: {  	_ =	shalt  }
0x66: {  	_ =	shalt  }
0x67: {  	_ =	shalt  }
0x68: {  	_ =	shalt  }
0x69: {  	_ =	shalt  }
0x6a: {  	_ =	shalt  }
0x6b: {  	_ =	shalt  }
0x6c: {  	_ =	shalt  }
0x6d: {  	_ =	shalt  }
0x6e: {  	_ =	shalt  }
0x6f: {  	_ =	shalt  }
0x70: {  	_ =	shalt  }
0x71: {  	_ =	shalt  }
0x72: {  	_ =	shalt  }
0x73: {  	_ =	shalt  }
0x74: {  	_ =	shalt  }
0x75: {  	_ =	shalt  }
0x76: {  	_ =	shalt  }
0x77: {  	_ =	shalt  }
0x78: {  	_ =	shalt  }
0x79: {  	_ =	shalt  }
0x7a: {  	_ =	shalt  }
0x7b: {  	_ =	shalt  }
0x7c: {  	_ =	shalt  }
0x7d: {  	_ =	shalt  }
0x7e: {  	_ =	shalt  }
0x7f: {  	_ =	shalt  }
0x80: {  	_ =	shalt  }
0x81: {  	_ =	shalt  }
0x82: {  	_ =	shalt  }
0x83: {  	_ =	shalt  }
0x84: {  	_ =	shalt  }
0x85: {  	_ =	shalt  }
0x86: {  	_ =	shalt  }
0x87: {  	_ =	shalt  }
.Lfunc_end0:
.L_simem_size_0:
called_computation.10_lowered:
.L_overlay_start_0:
0x88: {  	s2 =	sld [smem:$0x3FD9]  }
0x89: {  	s3 =	sld [smem:$0x3FFE];
	_ =	sdelay $0x1  }
0x8a: {  	s1 =	srdreg.scid  }
0x8b: {  	s0 =	sand.u32 $0x1, s1  }
0x8c: {  	s17 =	sshll.u32 s0, $0xA;
	s2 =	sadd.s32 s3, s2  }
0x8d: {  	s2 =	sadd.s32 s2, s17  }
0x8e: {  	[smem:$0x3FC4] =	sst s2  }
0x8f: {  	_ = 	snop  }
0x90: {  	(tm) =	ssettm $0x1  }
0x91: {  	s18 =	sld [smem:$0x3FFB];
	_ =	sdelay $0x3  }
0x92: {  	_ =	strace s18  }
0x93: {  	s2 =	sld [smem:$0x3FFC];
	_ =	sdelay $0x3  }
0x94: {  	_ =	strace s2  }
0x95: {  	s2 =	sld [smem:$0x3FFD];
	_ =	sdelay $0x3  }
0x96: {  	_ =	strace s2  }
0x97: {  	_ =	strace $0x8FFFFFFF  }
0x98: {  	s19 =	sld [smem:$0x3FDB];
	_ =	sdelay $0x1  }
0x99: {  	s20 =	simm.s32 $_scs_section_size  }
0x9a: {  	s4 =	simm.s32 $_size__tile_overlayer_lowered;
	s5 =	simm.s32 $_tile_overlayer_lowered  }
0x9b: {  	s6 =	simm.s32 $0x1BFF;
	s21 =	sshll.u32 s5, $0x1;
	s3 =	sadd.s32 s20, s19  }
0x9c: {  	s22 =	simm.s32 $0x0;
	s4 =	sshll.u32 s4, $0x1;
	s5 =	sadd.s32 s21, s3  }
0x9d: {  	[timem:s22], [sflag:s6] =	dma.local [hbm:s5], s4  }
0x9e: {  	_ =	swait.ge [sflag:s6], s4  }
0x9f: {  	s4 =	ssub.s32 $0x0, s4;
	[sflag:s6] =	ssyncset.done $0x0  }
0xa0: {  	[sflag:s6] =	ssyncadd.s32 s4;
	_ =	sdelay $0x1  }
0xa1: {  	s23 =	simm.s32 $0x1B8B  }
0xa2: {  	_ =	swait.ge [sflag:s23], $0x1  }
0xa3: {  	[sflag:s23] =	ssyncset.done $0x0  }
0xa4: {  	[sflag:s23] =	ssyncadd.s32 $0xFFFFFFFF  }
0xa5: {  	s4 =	sld [smem:$0x0]  }
0xa6: {  	s5 =	sand.u32 $0xFFFFFFFE, s1  }
0xa7: {  	p0 =	sne.s32 s1, s5  }
0xa8: {  	s5 =	sshll.u32 @p0 s5, $0xE  }
0xa9: {  	s5 =	sadd.s32 @p0 $0x11B8D, s5;
	s6 =	sshll.u32 @p0 s4, $0x11  }
0xaa: {  	s5 =	sor.u32 @p0 s6, s5  }
0xab: {  	[sflag:s5] =	ssyncadd.remote.s32 @p0 $0x1;
	_ =	sdelay $0x1  }
0xac: {  	s5 =	simm.s32 @p0 $0x1B8D  }
0xad: {  	_ =	swait.eq @p0 [sflag:s5], $0x1  }
0xae: {  	[sflag:s5] =	ssyncadd.s32 @p0 $0xFFFFFFFF  }
0xaf: {  	s6 =	sshll.u32 @!p0 s1, $0xE  }
0xb0: {  	s6 =	sor.u32 @!p0 $0x4000, s6;
	s5 =	simm.s32 @!p0 $0x1B8D  }
0xb1: {  	s4 =	sshll.u32 @!p0 s4, $0x11;
	s6 =	sadd.s32 @!p0 $0x11B8D, s6;
	_ =	swait.eq @!p0 [sflag:s5], $0x1  }
0xb2: {  	s4 =	sor.u32 @!p0 s4, s6;
	[sflag:s5] =	ssyncadd.s32 @!p0 $0xFFFFFFFF  }
0xb3: {  	s25 =	simm.s32 $0x1B8E;
	s24 =	sld [smem:$0x3FFE];
	[sflag:s4] =	ssyncadd.remote.s32 @!p0 $0x1  }
0xb4: {  	s26 =	simm.s32 $execute0_lowered;
	[smem:$0x3FD2] =	sst s25  }
0xb5: {  	s5 =	sshll.u32 s26, $0x1;
	_ =	strace $0x80000058;
	[dreg:$0x1] =	wrdreg $0xFFFFFFFF  }
0xb6: {  	s28 =	simm.s32 $_size_execute0_lowered;
	s3 =	sadd.s32 s3, s5;
	[dreg:$0x0] =	wrdreg $0x0  }
0xb7: {  	s5 =	sshll.u32 s28, $0x1;
	[dreg:$0x2] =	wrdreg s3  }
0xb8: {  	[dreg:$0x3] =	wrdreg s5  }
0xb9: {  	[dreg:$0x4] =	wrdreg $0xC0  }
0xba: {  	_ =	task [dreg:s22], $0x5FFFF  }
0xbb: {  	[dreg:$0x1] =	wrdreg $0xFFFFFFFF  }
0xbc: {  	[dreg:$0x0] =	wrdreg $0x60  }
0xbd: {  	[dreg:$0x2] =	wrdreg s24  }
0xbe: {  	[dreg:$0x3] =	wrdreg $0xC  }
0xbf: {  	_ =	task.clear_ibuf [dreg:s22], $0x4FFFF;
	_ =	strace $0x90000058  }
0xc0: {  	s29 =	simm.s32 $0xC;
	_ =	strace $0x8000005A  }
0xc1: {  	_ =	swait.ge [sflag:s29], $0x1  }
0xc2: {  	[sflag:s29] =	ssyncadd.s32 $0xFFFFFFFF  }
0xc3: {  	_ =	strace $0x9000005A  }
0xc4: {  	_ =	sfence  }
0xc5: {  	s30 =	sld [smem:$0x0];
	_ =	sdelay $0x2  }
0xc6: {  	s31 =	sshll.u32 s1, $0xD;
	s1 =	sshrl.u32 s1, $0x2  }
0xc7: {  	s4 =	sand.u32 $0x4000, s31;
	s1 =	sadd.s32 s1, s30  }
0xc8: {  	s0 =	sor.u32 s4, s0;
	s1 =	sshll.u32 s1, $0x11  }
0xc9: {  	s0 =	sor.u32 s1, s0  }
0xca: {  	s0 =	sadd.s32 $0x8F2B, s0  }
0xcb: {  	[sflag:s0] =	ssyncadd.remote.s32 $0x1  }
0xcc: {  	_ =	sfence.sel $0xFFFF  }
0xcd: {  	[dreg:$0x0] =	wrdreg $0xFFFFFFFF;
	(pc) =	sbr.abs _section_cstart, $3  }
0xce: {  	[dreg:$0x1] =	wrdreg $0xFFFFFFFF  }
0xcf: {  	_ =	task.clear_ibuf [dreg:s22], $0x2FFFF;
	_ =	strace $0x9FFFFFFF  }
0xd0: {  	(tm) =	ssettm $0x7FFFFFFF  }
0xd1: {  	_ =	shalt  }
tec
execute0_lowered:
.L_overlay_start_1:
0x0: {  	(tag) =	ssettag $0x1  }
0x1: {  	s1 =	srdreg.scid  }
0x2: {  	s0 =	stileid.u32;
	s10 =	sand.u32 $0x1, s1  }
0x3: {  	s8 =	rddreg [dreg:$0x0];
	s3 =	sshll.u32 s0, $0xC;
	s4 =	sshll.u32 s10, $0xB  }
0x4: {  	s2 =	simm.s32 $0x0;
	s1 =	rddreg [dreg:$0x1];
	s9 =	sor.u32 s4, s3  }
0x5: {  	[smem:$0x7FF] =	sst s2;
	s11 =	sadd.s32 $0x7800, s8;
	s3 =	sshrl.u32 s9, $0x3  }
0x6: {  	_ =	strace $0x80000059;
	s4 =	sadd.s32 s11, s3;
	s3 =	simm.s32 $0x2  }
0x7: {  	[tilespmem:s2], [sflag:$0x2] =	stream.linear.gather [hbm4b:s4+s2], $0x400, $0x38;
	[tilespmem:$0x8400] =	vst v63  }
0x8: {  	_ =	swait.ge [sflag:s3], $0x400  }
0x9: {  	s6 =	simm.s32 $0x400;
	[sflag:s3] =	ssyncset.done $0x0  }
0xa: {  	s7 =	simm.s32 $0x1;
	s5 =	sadd.s32 $0xA11C00, s8;
	[sflag:s3] =	ssyncadd.s32 $0xFFFFFC00  }
0xb: {  	[tilespmem:s6], [sflag:$0x1] =	stream.indirect.gather [hbm4b:s5+s6], $0x20, s2, s6, $0xb8;
	[tilespmem:$0x8400] =	vst v63  }
0xc: {  	_ =	swait.ge [sflag:s7], $0x8000  }
0xd: {  	s12 =	sadd.s32 $0x8DC00, s8;
	s29 =	sshll.u32 s9, $0x2;
	[sflag:s7] =	ssyncset.done $0x0  }
0xe: {  	s8 =	sadd.s32 s12, s29;
	[sflag:s7] =	ssyncadd.s32 $0xFFFF8000  }
0xf: {  	[hbm4b:s8+s2] =	stream.linear.scatter [tilespmem:s6], [sflag:$0x2], $0x8000, $0x38;
	[tilespmem:$0x8400] =	vst v63  }
0x10: {  	s13 =	sor.u32 $0x400, s9;
	_ =	swait.ge [sflag:s3], $0x8000  }
0x11: {  	s9 =	sshrl.u32 s13, $0x3;
	[sflag:s3] =	ssyncset.done $0x0  }
0x12: {  	s10 =	ssub.s32 $0x2, s10;
	s9 =	sadd.s32 s11, s9;
	[sflag:s3] =	ssyncadd.s32 $0xFFFF8000  }
0x13: {  	[tilespmem:s2], [sflag:$0x2] =	stream.linear.gather [hbm4b:s9+s2], $0x400, $0x38;
	[tilespmem:$0x8400] =	vst v63  }
0x14: {  	s30 =	sshrl.u32 s10, $0x1;
	_ =	swait.ge [sflag:s3], $0x400  }
0x15: {  	s11 =	ssub.s32 s10, s30;
	[sflag:s3] =	ssyncset.done $0x0  }
0x16: {  	s11 =	smax.u32 s11, $0x1;
	[sflag:s3] =	ssyncadd.s32 $0xFFFFFC00  }
0x17: {  	[tilespmem:s6], [sflag:$0x1] =	stream.indirect.gather [hbm4b:s5+s6], $0x20, s2, s6, $0xb8;
	[tilespmem:$0x8400] =	vst v63  }
0x18: {  	p0 =	sne.s32 s11, $0x1;
	_ =	swait.ge [sflag:s7], $0x8000  }
.Ltmp0:
0x19: {  	s31 =	sshll.u32 s13, $0x2;
	[sflag:s7] =	ssyncset.done $0x0;
	(pc) =	sbr.rel @!p0 .LBB2_2-.Ltmp0, $4  }
0x1a: {  	s10 =	sadd.s32 s12, s31;
	[sflag:s7] =	ssyncadd.s32 $0xFFFF8000  }
0x1b: {  	[hbm4b:s10+s2] =	stream.linear.scatter [tilespmem:s6], [sflag:$0x2], $0x8000, $0x38;
	[tilespmem:$0x8400] =	vst v63  }
0x1c: {  	_ =	swait.ge [sflag:s3], $0x8000  }
0x1d: {  	s11 =	sadd.s32 $0xFFFFFFFF, s11;
	[sflag:s3] =	ssyncset.done $0x0  }
.LBB2_1:
0x1e: {  	p0 =	sne.s32 s11, $0x1;
	s11 =	sadd.s32 $0xFFFFFFFF, s11;
	[sflag:s3] =	ssyncadd.s32 $0xFFFF8000  }
0x1f: {  	[tilespmem:s2], [sflag:$0x2] =	stream.linear.gather [hbm4b:s4+s2], $0x400, $0x38;
	[tilespmem:$0x8400] =	vst v63  }
0x20: {  	_ =	swait.ge [sflag:s3], $0x400  }
0x21: {  	[sflag:s3] =	ssyncset.done $0x0  }
0x22: {  	[sflag:s3] =	ssyncadd.s32 $0xFFFFFC00  }
0x23: {  	[tilespmem:s6], [sflag:$0x1] =	stream.indirect.gather [hbm4b:s5+s6], $0x20, s2, s6, $0xb8;
	[tilespmem:$0x8400] =	vst v63  }
0x24: {  	_ =	swait.ge [sflag:s7], $0x8000  }
0x25: {  	[sflag:s7] =	ssyncset.done $0x0  }
0x26: {  	[sflag:s7] =	ssyncadd.s32 $0xFFFF8000  }
0x27: {  	[hbm4b:s8+s2] =	stream.linear.scatter [tilespmem:s6], [sflag:$0x2], $0x8000, $0x38;
	[tilespmem:$0x8400] =	vst v63  }
0x28: {  	_ =	swait.ge [sflag:s3], $0x8000  }
0x29: {  	[sflag:s3] =	ssyncset.done $0x0  }
0x2a: {  	[sflag:s3] =	ssyncadd.s32 $0xFFFF8000  }
0x2b: {  	[tilespmem:s2], [sflag:$0x2] =	stream.linear.gather [hbm4b:s9+s2], $0x400, $0x38;
	[tilespmem:$0x8400] =	vst v63  }
0x2c: {  	_ =	swait.ge [sflag:s3], $0x400  }
0x2d: {  	[sflag:s3] =	ssyncset.done $0x0  }
0x2e: {  	[sflag:s3] =	ssyncadd.s32 $0xFFFFFC00  }
0x2f: {  	[tilespmem:s6], [sflag:$0x1] =	stream.indirect.gather [hbm4b:s5+s6], $0x20, s2, s6, $0xb8;
	[tilespmem:$0x8400] =	vst v63  }
0x30: {  	_ =	swait.ge [sflag:s7], $0x8000  }
.Ltmp1:
0x31: {  	[sflag:s7] =	ssyncset.done $0x0;
	(pc) =	sbr.rel @p0 .LBB2_1-.Ltmp1, $4  }
0x32: {  	[sflag:s7] =	ssyncadd.s32 $0xFFFF8000  }
0x33: {  	[hbm4b:s10+s2] =	stream.linear.scatter [tilespmem:s6], [sflag:$0x2], $0x8000, $0x38;
	[tilespmem:$0x8400] =	vst v63  }
0x34: {  	_ =	swait.ge [sflag:s3], $0x8000  }
0x35: {  	[sflag:s3] =	ssyncset.done $0x0  }
.LBB2_2:
0x36: {  	[sflag:s3] =	ssyncadd.s32 $0xFFFF8000  }
0x37: {  	_ =	sfence.sel $0x180000  }
0x38: {  	[bflag:$0x0] =	sbarrier.arrive $0xFFFF  }
0x39: {  	p0 =	sne.s32 s0, $0x0;
	_ =	strace $0x90000059  }
0x3a: {  	s0 =	sadd.s32 @!p0 $0x100000, s1;
	[bflag:$0x2] =	sbarrier.arrive $0xFFFF  }
0x3b: {  	[sflag:s0] =	ssyncadd.tile.s32 @!p0 $0x1;
	_ =	shalt  }
.Lfunc_end2:
_tile_overlayer_lowered:
.L_overlay_start_2:
0x3c: {  	(tag) =	ssettag $0x2  }
0x3d: {  	s0 =	rddreg [dreg:$0x0];
	s2 =	stileid.u32  }
0x3e: {  	s1 =	rddreg [dreg:$0x1];
	p0 =	sne.s32 s2, $0x0  }
0x3f: {  	s3 =	rddreg [dreg:$0x2];
	[bflag:$0x3] =	sbarrier.arrive $0xFFFF;
	s2 =	simm.s32 @!p0 $0x1C02  }
0x40: {  	[timem:s3], [sflag:s2] =	dma.local @!p0 [hbm:s0], s1  }
0x41: {  	s0 =	simm.s32 @!p0 $0x2  }
0x42: {  	_ =	swait.ge @!p0 [sflag:s0], s1  }
0x43: {  	s1 =	ssub.s32 @!p0 $0x0, s1;
	[sflag:s0] =	ssyncset.done @!p0 $0x0  }
0x44: {  	[sflag:s0] =	ssyncadd.s32 @!p0 s1  }
0x45: {  	[bflag:$0x3] =	sbarrier.arrive $0xFFFF  }
0x46: {  	_ =	shalt  }

// kernel: kernel.44.cloned.1.call-start
scs
__scs_entry_jumppad:
0x0: {  	(pc) =	sbr.rel $0x88, $3  }
0x1: {  	(tag) =	ssettag $0x0;
	lr =	simm.s32 $0x1  }
0x2: {  	[smem:$0x3F9D] =	sst lr;
	_ =	strace $0xD0000000  }
0x3: {  	_ = 	snop  }
0x4: {  	_ = 	snop  }
0x5: {  	_ = 	snop  }
0x6: {  	_ = 	snop  }
0x7: {  	_ = 	snop  }
__scs_overlays_trampoline_lowered:
0x8: {  	[smem:$0x3FAC] =	sst s0  }
0x9: {  	[smem:$0x3FAD] =	sst s1  }
0xa: {  	[smem:$0x3FAE] =	sst s2  }
0xb: {  	[smem:$0x3FAF] =	sst s3  }
0xc: {  	[smem:$0x3FB0] =	sst s4  }
0xd: {  	[smem:$0x3FB1] =	sst s5  }
0xe: {  	[smem:$0x3FB2] =	sst s6  }
0xf: {  	[smem:$0x3FB3] =	sst s7  }
0x10: {  	[smem:$0x3FB4] =	sst s8  }
0x11: {  	[smem:$0x3FB5] =	sst s9;
	s0 =	simm.s32 @!p0 $0x0  }
0x12: {  	s1 =	sld [smem:$0x3F9B];
	s0 =	simm.s32 @p0 $0x1  }
0x13: {  	[smem:$0x3FB6] =	sst s0;
	s0 =	simm.s32 @!p1 $0x0  }
0x14: {  	s2 =	sld [smem:$0x3F9A];
	s0 =	simm.s32 @p1 $0x1  }
0x15: {  	[smem:$0x3FB7] =	sst s0;
	s0 =	simm.s32 @!p2 $0x0  }
0x16: {  	s3 =	sld [smem:$0x3FDB];
	s0 =	simm.s32 @p2 $0x1  }
0x17: {  	s4 =	simm.s32 $0x1BF5;
	[smem:$0x3FB9] =	sst s0  }
0x18: {  	s0 =	sld [smem:$0x3F9C];
	_ =	swait.ge [sflag:s4], $0x0  }
0x19: {  	s7 =	sld [smem:$0x3F9D]  }
0x1a: {  	s8 =	sadd.s32 $0xFFFFE003, lr  }
0x1b: {  	s9 =	sadd.s32 $0xFFFFFEF7, lr;
	s5 =	simm.s32 $0xFFFFFFFF;
	p2 =	slt.u32 s8, $0xFFFFF086  }
0x1c: {  	p1 =	slt.u32 s9, $0xF7A;
	s5 =	simm.s32 @!p2 $0x0  }
0x1d: {  	s5 =	simm.s32 @p1 $0x1;
	p0 =	seq.s32 s7, s2  }
0x1e: {  	s7 =	smul.u32 @!p0 $0xF7A, s2;
	p2 =	seq.s32 @!p0 s5, $0x0  }
0x1f: {  	s9 =	smul.u32 $0xF7A, s1;
	s8 =	simm.s32 @!p0 $0x1BF5;
	p2 =	por !p2, p0  }
0x20: {  	[sflag:s8] =	ssyncset.s32 @!p0 $0xFFFFF086;
	s6 =	sadd.s32 @!p0 s3, s7;
	s7 =	simm.s32 @!p0 $0x108  }
0x21: {  	s3 =	sadd.s32 s3, s9;
	s6 =	sadd.s32 @!p0 $0x88, s6;
	s7 =	simm.s32 @p2 $0x1082  }
0x22: {  	[simem:s7], [sflag:s8] =	dma.local @!p0 [hbm:s6], $0xF7A  }
0x23: {  	s9 =	sor.u32 $0xD0000000, s2;
	s6 =	simm.s32 $0x108;
	_ =	swait.ge @!p0 [sflag:s8], $0x0  }
0x24: {  	s3 =	sadd.s32 $0x88, s3;
	s6 =	simm.s32 @!p1 $0x1082;
	[sflag:s4] =	ssyncset.s32 $0xFFFFF086  }
0x25: {  	[simem:s6], [sflag:s4] =	dma.local [hbm:s3], $0xF7A  }
0x26: {  	[smem:$0x3F9D] =	sst s1;
	(tag) =	ssettag s2;
	_ =	strace s9  }
0x27: {  	s1 =	sld [smem:$0x3FAD]  }
0x28: {  	s2 =	sld [smem:$0x3FAE]  }
0x29: {  	s4 =	sld [smem:$0x3FB0]  }
0x2a: {  	p0 =	seq.s32 s5, $0x0;
	s5 =	sld [smem:$0x3FB1]  }
0x2b: {  	s6 =	sld [smem:$0x3FB2]  }
0x2c: {  	s7 =	sld [smem:$0x3FB3]  }
0x2d: {  	s3 =	simm.s32 $0x108;
	s8 =	sld [smem:$0x3FB4]  }
0x2e: {  	s3 =	simm.s32 @!p0 $0x1082;
	s9 =	sld [smem:$0x3FB5]  }
0x2f: {  	lr =	sadd.s32 s0, s3;
	s0 =	sld [smem:$0x3FAC]  }
0x30: {  	s3 =	sld [smem:$0x3FAF]  }
0x31: {  	[smem:$0x3FB8] =	sst s10  }
0x32: {  	s10 =	sld [smem:$0x3FB6];
	_ =	sdelay $0x3  }
0x33: {  	p0 =	seq.s32 s10, $0x1;
	s10 =	sld [smem:$0x3FB8];
	_ =	sdelay $0x3  }
0x34: {  	[smem:$0x3FB8] =	sst s10  }
0x35: {  	s10 =	sld [smem:$0x3FB7];
	_ =	sdelay $0x3  }
0x36: {  	p1 =	seq.s32 s10, $0x1;
	s10 =	sld [smem:$0x3FB8];
	_ =	sdelay $0x3  }
0x37: {  	[smem:$0x3FB8] =	sst s10  }
0x38: {  	s10 =	sld [smem:$0x3FB9]  }
0x39: {  	_ = 	snop;
	(pc) =	sbr.ind lr, $3  }
0x3a: {  	_ = 	snop  }
0x3b: {  	_ = 	snop  }
0x3c: {  	p2 =	seq.s32 s10, $0x1;
	s10 =	sld [smem:$0x3FB8]  }
0x3d: {  	_ =	shalt  }
0x3e: {  	_ =	shalt  }
0x3f: {  	_ =	shalt  }
0x40: {  	_ =	shalt  }
0x41: {  	_ =	shalt  }
0x42: {  	_ =	shalt  }
0x43: {  	_ =	shalt  }
0x44: {  	_ =	shalt  }
0x45: {  	_ =	shalt  }
0x46: {  	_ =	shalt  }
0x47: {  	_ =	shalt  }
0x48: {  	_ =	shalt  }
0x49: {  	_ =	shalt  }
0x4a: {  	_ =	shalt  }
0x4b: {  	_ =	shalt  }
0x4c: {  	_ =	shalt  }
0x4d: {  	_ =	shalt  }
0x4e: {  	_ =	shalt  }
0x4f: {  	_ =	shalt  }
0x50: {  	_ =	shalt  }
0x51: {  	_ =	shalt  }
0x52: {  	_ =	shalt  }
0x53: {  	_ =	shalt  }
0x54: {  	_ =	shalt  }
0x55: {  	_ =	shalt  }
0x56: {  	_ =	shalt  }
0x57: {  	_ =	shalt  }
0x58: {  	_ =	shalt  }
0x59: {  	_ =	shalt  }
0x5a: {  	_ =	shalt  }
0x5b: {  	_ =	shalt  }
0x5c: {  	_ =	shalt  }
0x5d: {  	_ =	shalt  }
0x5e: {  	_ =	shalt  }
0x5f: {  	_ =	shalt  }
0x60: {  	_ =	shalt  }
0x61: {  	_ =	shalt  }
0x62: {  	_ =	shalt  }
0x63: {  	_ =	shalt  }
0x64: {  	_ =	shalt  }
0x65: {  	_ =	shalt  }
0x66: {  	_ =	shalt  }
0x67: {  	_ =	shalt  }
0x68: {  	_ =	shalt  }
0x69: {  	_ =	shalt  }
0x6a: {  	_ =	shalt  }
0x6b: {  	_ =	shalt  }
0x6c: {  	_ =	shalt  }
0x6d: {  	_ =	shalt  }
0x6e: {  	_ =	shalt  }
0x6f: {  	_ =	shalt  }
0x70: {  	_ =	shalt  }
0x71: {  	_ =	shalt  }
0x72: {  	_ =	shalt  }
0x73: {  	_ =	shalt  }
0x74: {  	_ =	shalt  }
0x75: {  	_ =	shalt  }
0x76: {  	_ =	shalt  }
0x77: {  	_ =	shalt  }
0x78: {  	_ =	shalt  }
0x79: {  	_ =	shalt  }
0x7a: {  	_ =	shalt  }
0x7b: {  	_ =	shalt  }
0x7c: {  	_ =	shalt  }
0x7d: {  	_ =	shalt  }
0x7e: {  	_ =	shalt  }
0x7f: {  	_ =	shalt  }
0x80: {  	_ =	shalt  }
0x81: {  	_ =	shalt  }
0x82: {  	_ =	shalt  }
0x83: {  	_ =	shalt  }
0x84: {  	_ =	shalt  }
0x85: {  	_ =	shalt  }
0x86: {  	_ =	shalt  }
0x87: {  	_ =	shalt  }
.Lfunc_end0:
.L_simem_size_0:
called_computation.11_lowered:
.L_overlay_start_0:
0x88: {  	s2 =	sld [smem:$0x3FD9]  }
0x89: {  	s3 =	sld [smem:$0x3FFE];
	_ =	sdelay $0x1  }
0x8a: {  	s1 =	srdreg.scid  }
0x8b: {  	s0 =	sand.u32 $0x1, s1  }
0x8c: {  	s15 =	sshll.u32 s0, $0xA;
	s2 =	sadd.s32 s3, s2  }
0x8d: {  	s2 =	sadd.s32 s2, s15  }
0x8e: {  	[smem:$0x3FC4] =	sst s2  }
0x8f: {  	_ = 	snop  }
0x90: {  	s2 =	sld [smem:$0x3FD0];
	_ =	sdelay $0x2  }
0x91: {  	s16 =	simm.s32 $0xD;
	s4 =	simm.s32 $0x10  }
0x92: {  	[smem:s4], [sflag:s16] =	dma.local [hbm:s2], $0x1  }
0x93: {  	_ =	swait.eq [sflag:s16], $0x1  }
0x94: {  	[sflag:s16] =	ssyncset.done $0x0  }
0x95: {  	[sflag:s16] =	ssyncadd.s32 $0xFFFFFFFF  }
0x96: {  	s17 =	sld [smem:$0x11];
	(tm) =	ssettm $0x1  }
0x97: {  	s18 =	sld [smem:$0x3FFB];
	_ =	sdelay $0x3  }
0x98: {  	_ =	strace s18  }
0x99: {  	s2 =	sld [smem:$0x3FFC];
	_ =	sdelay $0x3  }
0x9a: {  	_ =	strace s2  }
0x9b: {  	s2 =	sld [smem:$0x3FFD];
	_ =	sdelay $0x3  }
0x9c: {  	_ =	strace s2  }
0x9d: {  	_ =	strace $0x8FFFFFFF  }
0x9e: {  	s19 =	sld [smem:$0x3FDB];
	_ =	sdelay $0x1  }
0x9f: {  	s20 =	simm.s32 $_scs_section_size  }
0xa0: {  	s5 =	simm.s32 $_size__tile_overlayer_lowered;
	s6 =	simm.s32 $_tile_overlayer_lowered  }
0xa1: {  	s7 =	simm.s32 $0x1BFF;
	s21 =	sshll.u32 s6, $0x1;
	s4 =	sadd.s32 s20, s19  }
0xa2: {  	s22 =	simm.s32 $0x0;
	s5 =	sshll.u32 s5, $0x1;
	s6 =	sadd.s32 s21, s4  }
0xa3: {  	[timem:s22], [sflag:s7] =	dma.local [hbm:s6], s5  }
0xa4: {  	_ =	swait.ge [sflag:s7], s5  }
0xa5: {  	s5 =	ssub.s32 $0x0, s5;
	[sflag:s7] =	ssyncset.done $0x0  }
0xa6: {  	[sflag:s7] =	ssyncadd.s32 s5;
	_ =	sdelay $0x1  }
0xa7: {  	s23 =	simm.s32 $0x1B8B  }
0xa8: {  	_ =	swait.ge [sflag:s23], $0x1  }
0xa9: {  	[sflag:s23] =	ssyncset.done $0x0  }
0xaa: {  	[sflag:s23] =	ssyncadd.s32 $0xFFFFFFFF  }
0xab: {  	s5 =	sld [smem:$0x0]  }
0xac: {  	s6 =	sand.u32 $0xFFFFFFFE, s1  }
0xad: {  	p0 =	sne.s32 s1, s6  }
0xae: {  	s6 =	sshll.u32 @p0 s6, $0xE  }
0xaf: {  	s6 =	sadd.s32 @p0 $0x11B8D, s6;
	s7 =	sshll.u32 @p0 s5, $0x11  }
0xb0: {  	s6 =	sor.u32 @p0 s7, s6  }
0xb1: {  	[sflag:s6] =	ssyncadd.remote.s32 @p0 $0x1;
	_ =	sdelay $0x1  }
0xb2: {  	s6 =	simm.s32 @p0 $0x1B8D  }
0xb3: {  	_ =	swait.eq @p0 [sflag:s6], $0x1  }
0xb4: {  	[sflag:s6] =	ssyncadd.s32 @p0 $0xFFFFFFFF  }
0xb5: {  	s7 =	sshll.u32 @!p0 s1, $0xE  }
0xb6: {  	s7 =	sor.u32 @!p0 $0x4000, s7;
	s6 =	simm.s32 @!p0 $0x1B8D  }
0xb7: {  	s5 =	sshll.u32 @!p0 s5, $0x11;
	s7 =	sadd.s32 @!p0 $0x11B8D, s7;
	_ =	swait.eq @!p0 [sflag:s6], $0x1  }
0xb8: {  	s5 =	sor.u32 @!p0 s5, s7;
	[sflag:s6] =	ssyncadd.s32 @!p0 $0xFFFFFFFF  }
0xb9: {  	s25 =	simm.s32 $0x1B8E;
	s24 =	sld [smem:$0x3FFE];
	[sflag:s5] =	ssyncadd.remote.s32 @!p0 $0x1  }
0xba: {  	s26 =	simm.s32 $execute0_lowered;
	[smem:$0x3FD2] =	sst s25  }
0xbb: {  	s6 =	sshll.u32 s26, $0x1;
	_ =	strace $0x80000064;
	[dreg:$0x1] =	wrdreg $0xFFFFFFFF  }
0xbc: {  	s28 =	simm.s32 $_size_execute0_lowered;
	s4 =	sadd.s32 s4, s6;
	[dreg:$0x0] =	wrdreg $0x0  }
0xbd: {  	s6 =	sshll.u32 s28, $0x1;
	[dreg:$0x2] =	wrdreg s4  }
0xbe: {  	[dreg:$0x3] =	wrdreg s6  }
0xbf: {  	[dreg:$0x4] =	wrdreg $0xC0  }
0xc0: {  	_ =	task [dreg:s22], $0x5FFFF  }
0xc1: {  	[dreg:$0x1] =	wrdreg $0xFFFFFFFF  }
0xc2: {  	[dreg:$0x0] =	wrdreg $0x60  }
0xc3: {  	[dreg:$0x2] =	wrdreg s17  }
0xc4: {  	[dreg:$0x3] =	wrdreg s24  }
0xc5: {  	[dreg:$0x4] =	wrdreg $0xC  }
0xc6: {  	_ =	task.clear_ibuf [dreg:s22], $0x5FFFF;
	_ =	strace $0x90000064  }
0xc7: {  	s29 =	simm.s32 $0xC;
	_ =	strace $0x80000066  }
0xc8: {  	_ =	swait.ge [sflag:s29], $0x1  }
0xc9: {  	[sflag:s29] =	ssyncadd.s32 $0xFFFFFFFF  }
0xca: {  	_ =	strace $0x90000066  }
0xcb: {  	_ =	sfence  }
0xcc: {  	s30 =	sld [smem:$0x0];
	_ =	sdelay $0x2  }
0xcd: {  	s31 =	sshll.u32 s1, $0xD;
	s1 =	sshrl.u32 s1, $0x2  }
0xce: {  	s4 =	sand.u32 $0x4000, s31;
	s1 =	sadd.s32 s1, s30  }
0xcf: {  	s0 =	sor.u32 s4, s0;
	s1 =	sshll.u32 s1, $0x11  }
0xd0: {  	s0 =	sor.u32 s1, s0  }
0xd1: {  	s0 =	sadd.s32 $0x8F2B, s0  }
0xd2: {  	[sflag:s0] =	ssyncadd.remote.s32 $0x1  }
0xd3: {  	_ =	sfence.sel $0xFFFF  }
0xd4: {  	[dreg:$0x0] =	wrdreg $0xFFFFFFFF;
	(pc) =	sbr.abs _section_cstart, $3  }
0xd5: {  	[dreg:$0x1] =	wrdreg $0xFFFFFFFF  }
0xd6: {  	_ =	task.clear_ibuf [dreg:s22], $0x2FFFF;
	_ =	strace $0x9FFFFFFF  }
0xd7: {  	(tm) =	ssettm $0x7FFFFFFF  }
tec
execute0_lowered:
.L_overlay_start_1:
0x0: {  	(tag) =	ssettag $0x1  }
0x1: {  	s1 =	srdreg.scid  }
0x2: {  	s2 =	rddreg [dreg:$0x0];
	s0 =	stileid.u32;
	s10 =	sand.u32 $0x1, s1  }
0x3: {  	s8 =	rddreg [dreg:$0x1];
	s4 =	sshll.u32 s0, $0xC;
	s5 =	sshll.u32 s10, $0xB  }
0x4: {  	s3 =	simm.s32 $0x0;
	s1 =	rddreg [dreg:$0x2];
	s9 =	sor.u32 s5, s4  }
0x5: {  	[smem:$0x7FF] =	sst s3;
	s11 =	sadd.s32 $0x7800, s8;
	s4 =	sshrl.u32 s9, $0x3  }
0x6: {  	_ =	strace $0x80000065;
	s5 =	sadd.s32 s11, s4;
	s4 =	simm.s32 $0x2  }
0x7: {  	[tilespmem:s3], [sflag:$0x2] =	stream.linear.gather [hbm4b:s5+s3], $0x400, $0x38;
	[tilespmem:$0x10400] =	vst v63  }
0x8: {  	_ =	swait.ge [sflag:s4], $0x400  }
0x9: {  	[sflag:s4] =	ssyncset.done $0x0  }
0xa: {  	s6 =	simm.s32 $0x400;
	s7 =	simm.s32 $0x1;
	[sflag:s4] =	ssyncadd.s32 $0xFFFFFC00  }
0xb: {  	[tilespmem:s6], [sflag:$0x1] =	stream.indirect.gather [hbm4b:s2+s6], $0x40, s3, s6, $0xb8;
	[tilespmem:$0x10400] =	vst v63  }
0xc: {  	_ =	swait.ge [sflag:s7], $0x10000  }
0xd: {  	s12 =	sadd.s32 $0x1B800, s8;
	s29 =	sshll.u32 s9, $0x3;
	[sflag:s7] =	ssyncset.done $0x0  }
0xe: {  	s8 =	sadd.s32 s12, s29;
	[sflag:s7] =	ssyncadd.s32 $0xFFFF0000  }
0xf: {  	[hbm4b:s8+s3] =	stream.linear.scatter [tilespmem:s6], [sflag:$0x2], $0x10000, $0x38;
	[tilespmem:$0x10400] =	vst v63  }
0x10: {  	s13 =	sor.u32 $0x400, s9;
	_ =	swait.ge [sflag:s4], $0x10000  }
0x11: {  	s9 =	sshrl.u32 s13, $0x3;
	[sflag:s4] =	ssyncset.done $0x0  }
0x12: {  	s10 =	ssub.s32 $0x2, s10;
	s9 =	sadd.s32 s11, s9;
	[sflag:s4] =	ssyncadd.s32 $0xFFFF0000  }
0x13: {  	[tilespmem:s3], [sflag:$0x2] =	stream.linear.gather [hbm4b:s9+s3], $0x400, $0x38;
	[tilespmem:$0x10400] =	vst v63  }
0x14: {  	s30 =	sshrl.u32 s10, $0x1;
	_ =	swait.ge [sflag:s4], $0x400  }
0x15: {  	s11 =	ssub.s32 s10, s30;
	[sflag:s4] =	ssyncset.done $0x0  }
0x16: {  	s11 =	smax.u32 s11, $0x1;
	[sflag:s4] =	ssyncadd.s32 $0xFFFFFC00  }
0x17: {  	[tilespmem:s6], [sflag:$0x1] =	stream.indirect.gather [hbm4b:s2+s6], $0x40, s3, s6, $0xb8;
	[tilespmem:$0x10400] =	vst v63  }
0x18: {  	p0 =	sne.s32 s11, $0x1;
	_ =	swait.ge [sflag:s7], $0x10000  }
.Ltmp0:
0x19: {  	s31 =	sshll.u32 s13, $0x3;
	[sflag:s7] =	ssyncset.done $0x0;
	(pc) =	sbr.rel @!p0 .LBB2_2-.Ltmp0, $4  }
0x1a: {  	s10 =	sadd.s32 s12, s31;
	[sflag:s7] =	ssyncadd.s32 $0xFFFF0000  }
0x1b: {  	[hbm4b:s10+s3] =	stream.linear.scatter [tilespmem:s6], [sflag:$0x2], $0x10000, $0x38;
	[tilespmem:$0x10400] =	vst v63  }
0x1c: {  	_ =	swait.ge [sflag:s4], $0x10000  }
0x1d: {  	s11 =	sadd.s32 $0xFFFFFFFF, s11;
	[sflag:s4] =	ssyncset.done $0x0  }
.LBB2_1:
0x1e: {  	p0 =	sne.s32 s11, $0x1;
	s11 =	sadd.s32 $0xFFFFFFFF, s11;
	[sflag:s4] =	ssyncadd.s32 $0xFFFF0000  }
0x1f: {  	[tilespmem:s3], [sflag:$0x2] =	stream.linear.gather [hbm4b:s5+s3], $0x400, $0x38;
	[tilespmem:$0x10400] =	vst v63  }
0x20: {  	_ =	swait.ge [sflag:s4], $0x400  }
0x21: {  	[sflag:s4] =	ssyncset.done $0x0  }
0x22: {  	[sflag:s4] =	ssyncadd.s32 $0xFFFFFC00  }
0x23: {  	[tilespmem:s6], [sflag:$0x1] =	stream.indirect.gather [hbm4b:s2+s6], $0x40, s3, s6, $0xb8;
	[tilespmem:$0x10400] =	vst v63  }
0x24: {  	_ =	swait.ge [sflag:s7], $0x10000  }
0x25: {  	[sflag:s7] =	ssyncset.done $0x0  }
0x26: {  	[sflag:s7] =	ssyncadd.s32 $0xFFFF0000  }
0x27: {  	[hbm4b:s8+s3] =	stream.linear.scatter [tilespmem:s6], [sflag:$0x2], $0x10000, $0x38;
	[tilespmem:$0x10400] =	vst v63  }
0x28: {  	_ =	swait.ge [sflag:s4], $0x10000  }
0x29: {  	[sflag:s4] =	ssyncset.done $0x0  }
0x2a: {  	[sflag:s4] =	ssyncadd.s32 $0xFFFF0000  }
0x2b: {  	[tilespmem:s3], [sflag:$0x2] =	stream.linear.gather [hbm4b:s9+s3], $0x400, $0x38;
	[tilespmem:$0x10400] =	vst v63  }
0x2c: {  	_ =	swait.ge [sflag:s4], $0x400  }
0x2d: {  	[sflag:s4] =	ssyncset.done $0x0  }
0x2e: {  	[sflag:s4] =	ssyncadd.s32 $0xFFFFFC00  }
0x2f: {  	[tilespmem:s6], [sflag:$0x1] =	stream.indirect.gather [hbm4b:s2+s6], $0x40, s3, s6, $0xb8;
	[tilespmem:$0x10400] =	vst v63  }
0x30: {  	_ =	swait.ge [sflag:s7], $0x10000  }
.Ltmp1:
0x31: {  	[sflag:s7] =	ssyncset.done $0x0;
	(pc) =	sbr.rel @p0 .LBB2_1-.Ltmp1, $4  }
0x32: {  	[sflag:s7] =	ssyncadd.s32 $0xFFFF0000  }
0x33: {  	[hbm4b:s10+s3] =	stream.linear.scatter [tilespmem:s6], [sflag:$0x2], $0x10000, $0x38;
	[tilespmem:$0x10400] =	vst v63  }
0x34: {  	_ =	swait.ge [sflag:s4], $0x10000  }
0x35: {  	[sflag:s4] =	ssyncset.done $0x0  }
.LBB2_2:
0x36: {  	[sflag:s4] =	ssyncadd.s32 $0xFFFF0000  }
0x37: {  	_ =	sfence.sel $0x180000  }
0x38: {  	[bflag:$0x0] =	sbarrier.arrive $0xFFFF  }
0x39: {  	p0 =	sne.s32 s0, $0x0;
	_ =	strace $0x90000065  }
0x3a: {  	s0 =	sadd.s32 @!p0 $0x100000, s1;
	[bflag:$0x2] =	sbarrier.arrive $0xFFFF  }
0x3b: {  	[sflag:s0] =	ssyncadd.tile.s32 @!p0 $0x1;
	_ =	shalt  }
.Lfunc_end2:
_tile_overlayer_lowered:
.L_overlay_start_2:
0x3c: {  	(tag) =	ssettag $0x2  }
0x3d: {  	s0 =	rddreg [dreg:$0x0];
	s2 =	stileid.u32  }
0x3e: {  	s1 =	rddreg [dreg:$0x1];
	p0 =	sne.s32 s2, $0x0  }
0x3f: {  	s3 =	rddreg [dreg:$0x2];
	[bflag:$0x3] =	sbarrier.arrive $0xFFFF;
	s2 =	simm.s32 @!p0 $0x1C02  }
0x40: {  	[timem:s3], [sflag:s2] =	dma.local @!p0 [hbm:s0], s1  }
0x41: {  	s0 =	simm.s32 @!p0 $0x2  }
0x42: {  	_ =	swait.ge @!p0 [sflag:s0], s1  }
0x43: {  	s1 =	ssub.s32 @!p0 $0x0, s1;
	[sflag:s0] =	ssyncset.done @!p0 $0x0  }
0x44: {  	[sflag:s0] =	ssyncadd.s32 @!p0 s1  }
0x45: {  	[bflag:$0x3] =	sbarrier.arrive $0xFFFF  }
0x46: {  	_ =	shalt  }

// kernel: sparse-core-data-format-call.1.cloned.1.call-start
scs
called_computation.1_lowered:
.L_overlay_start_0:
0x0: {  	s2 =	sld [smem:$0x3FD9]  }
0x1: {  	s3 =	sld [smem:$0x3FFE];
	_ =	sdelay $0x1  }
0x2: {  	s1 =	srdreg.scid  }
0x3: {  	s0 =	sand.u32 $0x1, s1  }
0x4: {  	s18 =	sshll.u32 s0, $0xA;
	s2 =	sadd.s32 s3, s2  }
0x5: {  	s2 =	sadd.s32 s2, s18  }
0x6: {  	[smem:$0x3FC4] =	sst s2  }
0x7: {  	_ = 	snop  }
0x8: {  	(tm) =	ssettm $0x1  }
0x9: {  	s19 =	sld [smem:$0x3FFB];
	_ =	sdelay $0x3  }
0xa: {  	_ =	strace s19  }
0xb: {  	s2 =	sld [smem:$0x3FFC];
	_ =	sdelay $0x3  }
0xc: {  	_ =	strace s2  }
0xd: {  	s2 =	sld [smem:$0x3FFD];
	_ =	sdelay $0x3  }
0xe: {  	_ =	strace s2  }
0xf: {  	_ =	strace $0x8FFFFFFF  }
0x10: {  	s20 =	sld [smem:$0x3FDB];
	_ =	sdelay $0x1  }
0x11: {  	s21 =	simm.s32 $_scs_section_size  }
0x12: {  	s4 =	simm.s32 $_size__tile_overlayer_lowered;
	s5 =	simm.s32 $_tile_overlayer_lowered  }
0x13: {  	s6 =	simm.s32 $0x1BFF;
	s22 =	sshll.u32 s5, $0x1;
	s3 =	sadd.s32 s21, s20  }
0x14: {  	s23 =	simm.s32 $0x0;
	s4 =	sshll.u32 s4, $0x1;
	s5 =	sadd.s32 s22, s3  }
0x15: {  	[timem:s23], [sflag:s6] =	dma.local [hbm:s5], s4  }
0x16: {  	_ =	swait.ge [sflag:s6], s4  }
0x17: {  	s4 =	ssub.s32 $0x0, s4;
	[sflag:s6] =	ssyncset.done $0x0  }
0x18: {  	[sflag:s6] =	ssyncadd.s32 s4;
	_ =	sdelay $0x1  }
0x19: {  	s24 =	simm.s32 $0x1B8B  }
0x1a: {  	_ =	swait.ge [sflag:s24], $0x1  }
0x1b: {  	[sflag:s24] =	ssyncset.done $0x0  }
0x1c: {  	[sflag:s24] =	ssyncadd.s32 $0xFFFFFFFF  }
0x1d: {  	s4 =	sld [smem:$0x0]  }
0x1e: {  	s5 =	sand.u32 $0xFFFFFFFE, s1  }
0x1f: {  	p0 =	sne.s32 s1, s5  }
0x20: {  	s5 =	sshll.u32 @p0 s5, $0xE  }
0x21: {  	s5 =	sadd.s32 @p0 $0x11B8D, s5;
	s6 =	sshll.u32 @p0 s4, $0x11  }
0x22: {  	s5 =	sor.u32 @p0 s6, s5  }
0x23: {  	[sflag:s5] =	ssyncadd.remote.s32 @p0 $0x1;
	_ =	sdelay $0x1  }
0x24: {  	s5 =	simm.s32 @p0 $0x1B8D  }
0x25: {  	_ =	swait.eq @p0 [sflag:s5], $0x1  }
0x26: {  	[sflag:s5] =	ssyncadd.s32 @p0 $0xFFFFFFFF  }
0x27: {  	s6 =	sshll.u32 @!p0 s1, $0xE  }
0x28: {  	s6 =	sor.u32 @!p0 $0x4000, s6;
	s5 =	simm.s32 @!p0 $0x1B8D  }
0x29: {  	s4 =	sshll.u32 @!p0 s4, $0x11;
	s6 =	sadd.s32 @!p0 $0x11B8D, s6;
	_ =	swait.eq @!p0 [sflag:s5], $0x1  }
0x2a: {  	s4 =	sor.u32 @!p0 s4, s6;
	[sflag:s5] =	ssyncadd.s32 @!p0 $0xFFFFFFFF  }
0x2b: {  	s26 =	simm.s32 $0x1B8E;
	s25 =	sld [smem:$0x3FFE];
	[sflag:s4] =	ssyncadd.remote.s32 @!p0 $0x1  }
0x2c: {  	s27 =	simm.s32 $execute0_lowered;
	[smem:$0x3FD2] =	sst s26  }
0x2d: {  	s5 =	sshll.u32 s27, $0x1;
	_ =	strace $0x8000004F;
	[dreg:$0x1] =	wrdreg $0xFFFFFFFF  }
0x2e: {  	s28 =	simm.s32 $_size_execute0_lowered;
	s3 =	sadd.s32 s3, s5;
	[dreg:$0x0] =	wrdreg $0x0  }
0x2f: {  	s5 =	sshll.u32 s28, $0x1;
	[dreg:$0x2] =	wrdreg s3  }
0x30: {  	[dreg:$0x3] =	wrdreg s5  }
0x31: {  	[dreg:$0x4] =	wrdreg $0xC0  }
0x32: {  	_ =	task [dreg:s23], $0x5FFFF  }
0x33: {  	[dreg:$0x1] =	wrdreg $0xFFFFFFFF  }
0x34: {  	[dreg:$0x0] =	wrdreg $0x60  }
0x35: {  	[dreg:$0x2] =	wrdreg s25  }
0x36: {  	[dreg:$0x3] =	wrdreg $0x9  }
0x37: {  	_ =	task.clear_ibuf [dreg:s23], $0x4FFFF;
	_ =	strace $0x9000004F  }
0x38: {  	s29 =	simm.s32 $0x9;
	_ =	strace $0x80000051  }
0x39: {  	_ =	swait.ge [sflag:s29], $0x1  }
0x3a: {  	[sflag:s29] =	ssyncadd.s32 $0xFFFFFFFF  }
0x3b: {  	_ =	strace $0x90000051  }
0x3c: {  	_ =	sfence  }
0x3d: {  	s30 =	sld [smem:$0x0];
	_ =	sdelay $0x2  }
0x3e: {  	s31 =	sshll.u32 s1, $0xD;
	s1 =	sshrl.u32 s1, $0x2  }
0x3f: {  	s4 =	sand.u32 $0x4000, s31;
	s1 =	sadd.s32 s1, s30  }
0x40: {  	s0 =	sor.u32 s4, s0;
	s1 =	sshll.u32 s1, $0x11  }
0x41: {  	s0 =	sor.u32 s1, s0  }
0x42: {  	s0 =	sadd.s32 $0x8F2B, s0  }
0x43: {  	[sflag:s0] =	ssyncadd.remote.s32 $0x1  }
0x44: {  	_ =	sfence.sel $0xFFFF  }
0x45: {  	[dreg:$0x0] =	wrdreg $0xFFFFFFFF;
	(pc) =	sbr.abs _section_cstart, $3  }
0x46: {  	[dreg:$0x1] =	wrdreg $0xFFFFFFFF  }
0x47: {  	_ =	task.clear_ibuf [dreg:s23], $0x2FFFF;
	_ =	strace $0x9FFFFFFF  }
0x48: {  	(tm) =	ssettm $0x7FFFFFFF  }
0x49: {  	_ =	shalt  }
tec
execute0_lowered:
.L_overlay_start_1:
0x0: {  	(tag) =	ssettag $0x1  }
0x1: {  	s1 =	rddreg [dreg:$0x0]  }
0x2: {  	s0 =	rddreg [dreg:$0x1]  }
0x3: {  	_ =	strace $0x80000050;
	s4 =	srdreg.scid;
	s6 =	simm.s32 $0x2  }
0x4: {  	s11 =	simm.s32 $0x0;
	p0 =	por $0x0, $0x0;
	s7 =	simm.s32 $0x2000  }
.Ltmp0:
0x5: {  	s12 =	simm.s32 $0x0;
	s9 =	simm.s32 $0x0;
	(pc) =	sbr.rel .LBB1_1-.Ltmp0, $4  }
0x6: {  	s2 =	sadd.s32 $0xC11C00, s1;
	s3 =	sadd.s32 $0xE11C00, s1;
	s5 =	sshll.u32 s4, $0x4  }
0x7: {  	s1 =	stileid.u32;
	s4 =	simm.s32 $0x1;
	s5 =	sand.u32 $0x10, s5  }
0x8: {  	s8 =	simm.s32 $0x0;
	[sflag:s4] =	ssyncpa.u1 $0x0;
	s5 =	sor.u32 s1, s5  }
0x9: {  	[sflag:s6] =	ssyncpa.u1 $0x0;
	s6 =	simm.s32 $0x800;
	s10 =	smov.u32 s5  }
.LBB1_7:
0xa: {  	s13 =	sadd.s32 $0x10, s9  }
0xb: {  	s11 =	sadd.s32 $0x20, s10;
	s15 =	smov.u32 s10;
	p2 =	sgt.s32 s13, $0x3F  }
0xc: {  	p1 =	slt.u32 s8, $0x2;
	s15 =	smov.u32 @p2 s11  }
0xd: {  	s8 =	sadd.s32 $0x1, s8;
	s13 =	simm.s32 @p2 $0x0;
	p2 =	sgt.s32 s15, $0xFF  }
0xe: {  	s15 =	smov.u32 @p2 s5;
	p2 =	sne.s32 s8, $0x22  }
.Ltmp1:
0xf: {  	_ = 	snop;
	(pc) =	sbr.rel @!p2 .LBB1_8-.Ltmp1, $4  }
0x10: {  	s14 =	simm.s32 @!p1 $0x2  }
0x11: {  	s12 =	smov.u32 s10;
	_ =	swait.ge @!p1 [sflag:s14], $0x4000  }
0x12: {  	p0 =	por !p0, !p0;
	s11 =	smov.u32 s9;
	[sflag:s14] =	ssyncset.done @!p1 $0x0  }
0x13: {  	s9 =	smov.u32 s13;
	[sflag:s14] =	ssyncadd.s32 @!p1 $0xFFFFC000;
	s10 =	smov.u32 s15  }
.LBB1_1:
0x14: {  	p1 =	sgt.u32 s8, $0x1F  }
0x15: {  	s13 =	sxor.u32 @!p1 $0xFFFFFFFF, s8;
	s14 =	sshll.u32 @!p1 s10, $0xD  }
0x16: {  	s15 =	sshll.u32 @!p1 s9, $0x7;
	s13 =	sshll.u32 @!p1 s13, $0xE;
	s14 =	sadd.s32 @!p1 s2, s14  }
0x17: {  	s13 =	sand.u32 @!p1 $0x4000, s13;
	s14 =	sadd.s32 @!p1 s15, s14;
	s15 =	simm.s32 @!p1 $0x0  }
0x18: {  	[tilespmem:s13], [sflag:$0x1] =	stream.linear.gather @!p1 [hbm4b:s14+s15], $0x4000, $0x38;
	[tilespmem:$0x10000] =	vst v63  }
0x19: {  	p1 =	seq.s32 s8, $0x0  }
0x1a: {  	p2 =	seq.s32 @!p1 s8, $0x21  }
0x1b: {  	p1 =	por p1, p2  }
.Ltmp2:
0x1c: {  	_ = 	snop;
	(pc) =	sbr.rel @p1 .LBB1_7-.Ltmp2, $1  }
0x1d: {  	_ =	sdelay $0x3  }
0x1e: {  	s13 =	simm.s32 $0x1;
	_ =	swait.ge [sflag:s4], $0x4000;
	s16 =	sshll.u32 s8, $0xE  }
0x1f: {  	s13 =	simm.s32 @!p0 $0x0;
	[sflag:s4] =	ssyncset.done $0x0;
	s31 =	sand.u32 $0x4000, s16  }
0x20: {  	s16 =	simm.s32 $0x0;
	s14 =	sshll.u32 s13, $0xE;
	[sflag:s4] =	ssyncadd.s32 $0xFFFFC000  }
0x21: {  	s13 =	sor.u32 $0x8040, s14;
	s15 =	sor.u32 $0x40, s14;
	s14 =	sor.u32 $0x8000, s31  }
.LBB1_3:
0x22: {  	v0 =	vmov s15;
	_ =	sdelay $0x3  }
0x23: {  	s18 =	simm.s32 $0x0  }
0x24: {  	v6 =	vld.idx.msk [tilespmem:v0+s18+$0x30 ss:$0x1], $0xffff  }
0x25: {  	v7 =	vld.idx.msk [tilespmem:v0+s18+$0xFFFFFFC0 ss:$0x1], $0xffff  }
0x26: {  	v5 =	vld.idx.msk [tilespmem:v0+s18+$0xFFFFFFD0 ss:$0x1], $0xffff  }
0x27: {  	v4 =	vld.idx.msk [tilespmem:v0+s18+$0xFFFFFFE0 ss:$0x1], $0xffff  }
0x28: {  	v3 =	vld.idx.msk [tilespmem:v0+s18+$0xFFFFFFF0 ss:$0x1], $0xffff  }
0x29: {  	v1 =	vld.idx.msk [tilespmem:v0+s18+$0x0 ss:$0x1], $0xffff  }
0x2a: {  	v2 =	vld.idx.msk [tilespmem:v0+s18+$0x10 ss:$0x1], $0xffff;
	[tilespmem:s13+$0x30] =	vst v6  }
0x2b: {  	s17 =	simm.s32 $0x80;
	s19 =	simm.s32 $0x400;
	[tilespmem:s13+$0xFFFFFFC0] =	vst v7;
	v6 =	vld.idx.msk [tilespmem:v0+s18+$0x20 ss:$0x1], $0xffff;
	s18 =	smov.u32 s13  }
.LBB1_4:
0x2c: {  	p1 =	sne.s32 s19, $0xE00;
	v7 =	vld.idx.msk [tilespmem:v0+s17+$0x30 ss:$0x1], $0xffff;
	[tilespmem:s18+$0xFFFFFFD0] =	vst v5  }
0x2d: {  	v8 =	vld.idx.msk [tilespmem:v0+s17+$0xFFFFFFC0 ss:$0x1], $0xffff;
	[tilespmem:s18+$0xFFFFFFE0] =	vst v4  }
0x2e: {  	v5 =	vld.idx.msk [tilespmem:v0+s17+$0xFFFFFFD0 ss:$0x1], $0xffff;
	[tilespmem:s18+$0xFFFFFFF0] =	vst v3  }
.Ltmp3:
0x2f: {  	v4 =	vld.idx.msk [tilespmem:v0+s17+$0xFFFFFFE0 ss:$0x1], $0xffff;
	[tilespmem:s18+$0x0] =	vst v1;
	(pc) =	sbr.rel @p1 .LBB1_4-.Ltmp3, $4  }
0x30: {  	v3 =	vld.idx.msk [tilespmem:v0+s17+$0xFFFFFFF0 ss:$0x1], $0xffff;
	[tilespmem:s18+$0x10] =	vst v2  }
0x31: {  	v1 =	vld.idx.msk [tilespmem:v0+s17+$0x0 ss:$0x1], $0xffff;
	[tilespmem:s18+$0x20] =	vst v6;
	s18 =	sadd.s32 $0x800, s18  }
0x32: {  	v2 =	vld.idx.msk [tilespmem:v0+s17+$0x10 ss:$0x1], $0xffff;
	[tilespmem:s18+$0x30] =	vst v7  }
0x33: {  	[tilespmem:s18+$0xFFFFFFC0] =	vst v8;
	v6 =	vld.idx.msk [tilespmem:v0+s17+$0x20 ss:$0x1], $0xffff;
	s17 =	sshra.s32 s19, $0x2;
	s19 =	sadd.s32 $0x200, s19  }
0x34: {  	_ =	sdelay $0x2  }
0x35: {  	[tilespmem:s18+$0xFFFFFFD0] =	vst v5  }
0x36: {  	v56 =	vld.idx.msk [tilespmem:v0+s17+$0x30 ss:$0x1], $0xffff;
	[tilespmem:s18+$0xFFFFFFE0] =	vst v4  }
0x37: {  	v57 =	vld.idx.msk [tilespmem:v0+s17+$0xFFFFFFC0 ss:$0x1], $0xffff;
	[tilespmem:s18+$0xFFFFFFF0] =	vst v3  }
0x38: {  	v58 =	vld.idx.msk [tilespmem:v0+s17+$0xFFFFFFD0 ss:$0x1], $0xffff;
	[tilespmem:s18+$0x0] =	vst v1  }
0x39: {  	v59 =	vld.idx.msk [tilespmem:v0+s17+$0xFFFFFFE0 ss:$0x1], $0xffff;
	[tilespmem:s18+$0x10] =	vst v2  }
0x3a: {  	v60 =	vld.idx.msk [tilespmem:v0+s17+$0xFFFFFFF0 ss:$0x1], $0xffff;
	s31 =	sadd.s32 $0x800, s18;
	[tilespmem:s18+$0x20] =	vst v6  }
0x3b: {  	v61 =	vld.idx.msk [tilespmem:v0+s17+$0x0 ss:$0x1], $0xffff;
	[tilespmem:s31+$0x30] =	vst v56  }
0x3c: {  	v62 =	vld.idx.msk [tilespmem:v0+s17+$0x10 ss:$0x1], $0xffff;
	s16 =	sadd.s32 $0x1, s16;
	[tilespmem:s31+$0xFFFFFFC0] =	vst v57  }
0x3d: {  	v63 =	vld.idx.msk [tilespmem:v0+s17+$0x20 ss:$0x1], $0xffff;
	p1 =	sne.s32 s16, $0x10;
	[tilespmem:s31+$0xFFFFFFD0] =	vst v58  }
.Ltmp4:
0x3e: {  	[tilespmem:s31+$0xFFFFFFE0] =	vst v59;
	(pc) =	sbr.rel @p1 .LBB1_3-.Ltmp4, $4  }
0x3f: {  	[tilespmem:s31+$0xFFFFFFF0] =	vst v60  }
0x40: {  	[tilespmem:s31+$0x0] =	vst v61  }
0x41: {  	[tilespmem:s31+$0x10] =	vst v62  }
0x42: {  	s13 =	sadd.s32 $0x80, s13;
	s15 =	sadd.s32 $0x400, s15;
	[tilespmem:s31+$0x20] =	vst v63  }
.Ltmp5:
0x43: {  	(pc) =	sbr.rel .LBB1_7-.Ltmp5, $4  }
0x44: {  	s12 =	sshll.u32 s12, $0xD;
	s11 =	sshll.u32 s11, $0x4  }
0x45: {  	s11 =	sand.u32 $0x3F0, s11;
	s12 =	sadd.s32 s3, s12  }
0x46: {  	s11 =	sadd.s32 s11, s12  }
0x47: {  	[hbm4b:s11+s6] =	stream.strided.scatter [tilespmem:s14], [sflag:$0x2], $0x4000, s7, s6, $0x38;
	[tilespmem:$0x10000] =	vst v63  }
.LBB1_8:
0x48: {  	_ =	sfence.sel $0x180000  }
0x49: {  	s2 =	simm.s32 $0x1;
	[bflag:$0x0] =	sbarrier.arrive $0xFFFF  }
0x4a: {  	s31 =	simm.s32 $0x2;
	[sflag:s2] =	ssyncpa.u1 $0x1  }
0x4b: {  	[sflag:s31] =	ssyncpa.u1 $0x1  }
0x4c: {  	p0 =	sne.s32 s1, $0x0;
	_ =	strace $0x90000050  }
0x4d: {  	s0 =	sadd.s32 @!p0 $0x100000, s0;
	[bflag:$0x2] =	sbarrier.arrive $0xFFFF  }
0x4e: {  	[sflag:s0] =	ssyncadd.tile.s32 @!p0 $0x1;
	_ =	shalt  }
.Lfunc_end1:
_tile_overlayer_lowered:
.L_overlay_start_2:
0x4f: {  	(tag) =	ssettag $0x2  }
0x50: {  	s0 =	rddreg [dreg:$0x0];
	s2 =	stileid.u32  }
0x51: {  	s1 =	rddreg [dreg:$0x1];
	p0 =	sne.s32 s2, $0x0  }
0x52: {  	s3 =	rddreg [dreg:$0x2];
	[bflag:$0x3] =	sbarrier.arrive $0xFFFF;
	s2 =	simm.s32 @!p0 $0x1C01  }
0x53: {  	[timem:s3], [sflag:s2] =	dma.local @!p0 [hbm:s0], s1  }
0x54: {  	s0 =	simm.s32 @!p0 $0x1  }
0x55: {  	_ =	swait.ge @!p0 [sflag:s0], s1  }
0x56: {  	s1 =	ssub.s32 @!p0 $0x0, s1;
	[sflag:s0] =	ssyncset.done @!p0 $0x0  }
0x57: {  	[sflag:s0] =	ssyncadd.s32 @!p0 s1  }
0x58: {  	[bflag:$0x3] =	sbarrier.arrive $0xFFFF  }
0x59: {  	_ =	shalt  }

// kernel: sparse-core-data-format-call.2.cloned.1.call-start
scs
called_computation.2_lowered:
.L_overlay_start_0:
0x0: {  	s1 =	sld [smem:$0x3FD9]  }
0x1: {  	s2 =	sld [smem:$0x3FFE];
	_ =	sdelay $0x1  }
0x2: {  	s3 =	srdreg.scid  }
0x3: {  	s0 =	sand.u32 $0x1, s3  }
0x4: {  	s17 =	sshll.u32 s0, $0xA;
	s1 =	sadd.s32 s2, s1  }
0x5: {  	s1 =	sadd.s32 s1, s17  }
0x6: {  	[smem:$0x3FC4] =	sst s1  }
0x7: {  	_ = 	snop  }
0x8: {  	(tm) =	ssettm $0x1  }
0x9: {  	s18 =	sld [smem:$0x3FFB];
	_ =	sdelay $0x3  }
0xa: {  	_ =	strace s18  }
0xb: {  	s1 =	sld [smem:$0x3FFC];
	_ =	sdelay $0x3  }
0xc: {  	_ =	strace s1  }
0xd: {  	s1 =	sld [smem:$0x3FFD];
	_ =	sdelay $0x3  }
0xe: {  	_ =	strace s1  }
0xf: {  	_ =	strace $0x8FFFFFFF  }
0x10: {  	s19 =	sld [smem:$0x3FDB];
	_ =	sdelay $0x1  }
0x11: {  	s20 =	simm.s32 $_scs_section_size  }
0x12: {  	s4 =	simm.s32 $_size__tile_overlayer_lowered;
	s5 =	simm.s32 $_tile_overlayer_lowered  }
0x13: {  	s23 =	simm.s32 $0x1BFF;
	s22 =	sshll.u32 s5, $0x1;
	s1 =	sadd.s32 s20, s19  }
0x14: {  	s6 =	simm.s32 $0x0;
	s21 =	sshll.u32 s4, $0x1;
	s4 =	sadd.s32 s22, s1  }
0x15: {  	[timem:s6], [sflag:s23] =	dma.local [hbm:s4], s21  }
0x16: {  	_ =	swait.ge [sflag:s23], s21  }
0x17: {  	s2 =	ssub.s32 $0x0, s21;
	[sflag:s23] =	ssyncset.done $0x0  }
0x18: {  	[sflag:s23] =	ssyncadd.s32 s2;
	_ =	sdelay $0x1  }
0x19: {  	s24 =	simm.s32 $0x1B8B  }
0x1a: {  	_ =	swait.ge [sflag:s24], $0x1  }
0x1b: {  	[sflag:s24] =	ssyncset.done $0x0  }
0x1c: {  	s26 =	simm.s32 $0x1B8E;
	s25 =	sld [smem:$0x3FFE];
	[sflag:s24] =	ssyncadd.s32 $0xFFFFFFFF  }
0x1d: {  	s27 =	simm.s32 $execute0_lowered;
	[smem:$0x3FD2] =	sst s26  }
0x1e: {  	s4 =	sshll.u32 s27, $0x1;
	_ =	strace $0x80000046;
	[dreg:$0x1] =	wrdreg $0xFFFFFFFF  }
0x1f: {  	s28 =	simm.s32 $_size_execute0_lowered;
	s1 =	sadd.s32 s1, s4;
	[dreg:$0x0] =	wrdreg $0x0  }
0x20: {  	s4 =	sshll.u32 s28, $0x1;
	[dreg:$0x2] =	wrdreg s1  }
0x21: {  	[dreg:$0x3] =	wrdreg s4  }
0x22: {  	[dreg:$0x4] =	wrdreg $0xC0  }
0x23: {  	_ =	task [dreg:s6], $0x5FFFF  }
0x24: {  	[dreg:$0x1] =	wrdreg $0xFFFFFFFF  }
0x25: {  	[dreg:$0x0] =	wrdreg $0x60  }
0x26: {  	[dreg:$0x2] =	wrdreg s25  }
0x27: {  	[dreg:$0x3] =	wrdreg $0xB  }
0x28: {  	_ =	task.clear_ibuf [dreg:s6], $0x4FFFF;
	_ =	strace $0x90000046  }
0x29: {  	s29 =	simm.s32 $0xB;
	_ =	strace $0x80000048  }
0x2a: {  	_ =	swait.ge [sflag:s29], $0x1  }
0x2b: {  	[sflag:s29] =	ssyncadd.s32 $0xFFFFFFFF  }
0x2c: {  	_ =	strace $0x90000048  }
0x2d: {  	_ =	sfence  }
0x2e: {  	s30 =	sld [smem:$0x0];
	_ =	sdelay $0x2  }
0x2f: {  	s31 =	sshll.u32 s3, $0xD;
	s3 =	sshrl.u32 s3, $0x2  }
0x30: {  	s2 =	sand.u32 $0x4000, s31;
	s1 =	sadd.s32 s3, s30  }
0x31: {  	s0 =	sor.u32 s2, s0;
	s1 =	sshll.u32 s1, $0x11  }
0x32: {  	s0 =	sor.u32 s1, s0  }
0x33: {  	s0 =	sadd.s32 $0x8F2B, s0  }
0x34: {  	[sflag:s0] =	ssyncadd.remote.s32 $0x1  }
0x35: {  	_ =	sfence.sel $0xFFFF  }
0x36: {  	[dreg:$0x0] =	wrdreg $0xFFFFFFFF;
	(pc) =	sbr.abs _section_cstart, $3  }
0x37: {  	[dreg:$0x1] =	wrdreg $0xFFFFFFFF  }
0x38: {  	_ =	task.clear_ibuf [dreg:s6], $0x2FFFF;
	_ =	strace $0x9FFFFFFF  }
0x39: {  	(tm) =	ssettm $0x7FFFFFFF  }
tec
execute0_lowered:
.L_overlay_start_1:
0x0: {  	(tag) =	ssettag $0x1  }
0x1: {  	s1 =	rddreg [dreg:$0x0]  }
0x2: {  	s0 =	rddreg [dreg:$0x1]  }
0x3: {  	_ =	strace $0x80000047;
	s4 =	srdreg.scid;
	s6 =	simm.s32 $0x2  }
0x4: {  	s11 =	simm.s32 $0x0;
	p0 =	por $0x0, $0x0;
	s7 =	simm.s32 $0x2000  }
.Ltmp0:
0x5: {  	s12 =	simm.s32 $0x0;
	s9 =	simm.s32 $0x0;
	(pc) =	sbr.rel .LBB1_1-.Ltmp0, $4  }
0x6: {  	s2 =	sadd.s32 $0xDC00, s1;
	s3 =	sadd.s32 $0x20FC00, s1;
	s5 =	sshll.u32 s4, $0x4  }
0x7: {  	s1 =	stileid.u32;
	s4 =	simm.s32 $0x1;
	s5 =	sand.u32 $0x10, s5  }
0x8: {  	s8 =	simm.s32 $0x0;
	[sflag:s4] =	ssyncpa.u1 $0x0;
	s5 =	sor.u32 s1, s5  }
0x9: {  	[sflag:s6] =	ssyncpa.u1 $0x0;
	s6 =	simm.s32 $0x800;
	s10 =	smov.u32 s5  }
.LBB1_7:
0xa: {  	s13 =	sadd.s32 $0x10, s9  }
0xb: {  	s11 =	sadd.s32 $0x20, s10;
	s15 =	smov.u32 s10;
	p2 =	sgt.s32 s13, $0x3F  }
0xc: {  	p1 =	slt.u32 s8, $0x2;
	s15 =	smov.u32 @p2 s11  }
0xd: {  	s8 =	sadd.s32 $0x1, s8;
	s13 =	simm.s32 @p2 $0x0;
	p2 =	sgt.s32 s15, $0xFF  }
0xe: {  	s15 =	smov.u32 @p2 s5;
	p2 =	sne.s32 s8, $0x22  }
.Ltmp1:
0xf: {  	_ = 	snop;
	(pc) =	sbr.rel @!p2 .LBB1_8-.Ltmp1, $4  }
0x10: {  	s14 =	simm.s32 @!p1 $0x2  }
0x11: {  	s12 =	smov.u32 s10;
	_ =	swait.ge @!p1 [sflag:s14], $0x4000  }
0x12: {  	p0 =	por !p0, !p0;
	s11 =	smov.u32 s9;
	[sflag:s14] =	ssyncset.done @!p1 $0x0  }
0x13: {  	s9 =	smov.u32 s13;
	[sflag:s14] =	ssyncadd.s32 @!p1 $0xFFFFC000;
	s10 =	smov.u32 s15  }
.LBB1_1:
0x14: {  	p1 =	sgt.u32 s8, $0x1F  }
0x15: {  	s13 =	sxor.u32 @!p1 $0xFFFFFFFF, s8;
	s14 =	sshll.u32 @!p1 s10, $0xD  }
0x16: {  	s15 =	sshll.u32 @!p1 s9, $0x7;
	s13 =	sshll.u32 @!p1 s13, $0xE;
	s14 =	sadd.s32 @!p1 s2, s14  }
0x17: {  	s13 =	sand.u32 @!p1 $0x4000, s13;
	s14 =	sadd.s32 @!p1 s15, s14;
	s15 =	simm.s32 @!p1 $0x0  }
0x18: {  	[tilespmem:s13], [sflag:$0x1] =	stream.linear.gather @!p1 [hbm4b:s14+s15], $0x4000, $0x38;
	[tilespmem:$0x10000] =	vst v63  }
0x19: {  	p1 =	seq.s32 s8, $0x0  }
0x1a: {  	p2 =	seq.s32 @!p1 s8, $0x21  }
0x1b: {  	p1 =	por p1, p2  }
.Ltmp2:
0x1c: {  	_ = 	snop;
	(pc) =	sbr.rel @p1 .LBB1_7-.Ltmp2, $1  }
0x1d: {  	_ =	sdelay $0x3  }
0x1e: {  	s13 =	simm.s32 $0x1;
	_ =	swait.ge [sflag:s4], $0x4000;
	s16 =	sshll.u32 s8, $0xE  }
0x1f: {  	s13 =	simm.s32 @!p0 $0x0;
	[sflag:s4] =	ssyncset.done $0x0;
	s31 =	sand.u32 $0x4000, s16  }
0x20: {  	s16 =	simm.s32 $0x0;
	s14 =	sshll.u32 s13, $0xE;
	[sflag:s4] =	ssyncadd.s32 $0xFFFFC000  }
0x21: {  	s13 =	sor.u32 $0x8040, s14;
	s15 =	sor.u32 $0x40, s14;
	s14 =	sor.u32 $0x8000, s31  }
.LBB1_3:
0x22: {  	v0 =	vmov s15;
	_ =	sdelay $0x3  }
0x23: {  	s18 =	simm.s32 $0x0  }
0x24: {  	v6 =	vld.idx.msk [tilespmem:v0+s18+$0x30 ss:$0x1], $0xffff  }
0x25: {  	v7 =	vld.idx.msk [tilespmem:v0+s18+$0xFFFFFFC0 ss:$0x1], $0xffff  }
0x26: {  	v5 =	vld.idx.msk [tilespmem:v0+s18+$0xFFFFFFD0 ss:$0x1], $0xffff  }
0x27: {  	v4 =	vld.idx.msk [tilespmem:v0+s18+$0xFFFFFFE0 ss:$0x1], $0xffff  }
0x28: {  	v3 =	vld.idx.msk [tilespmem:v0+s18+$0xFFFFFFF0 ss:$0x1], $0xffff  }
0x29: {  	v1 =	vld.idx.msk [tilespmem:v0+s18+$0x0 ss:$0x1], $0xffff  }
0x2a: {  	v2 =	vld.idx.msk [tilespmem:v0+s18+$0x10 ss:$0x1], $0xffff;
	[tilespmem:s13+$0x30] =	vst v6  }
0x2b: {  	s17 =	simm.s32 $0x80;
	s19 =	simm.s32 $0x400;
	[tilespmem:s13+$0xFFFFFFC0] =	vst v7;
	v6 =	vld.idx.msk [tilespmem:v0+s18+$0x20 ss:$0x1], $0xffff;
	s18 =	smov.u32 s13  }
.LBB1_4:
0x2c: {  	p1 =	sne.s32 s19, $0xE00;
	v7 =	vld.idx.msk [tilespmem:v0+s17+$0x30 ss:$0x1], $0xffff;
	[tilespmem:s18+$0xFFFFFFD0] =	vst v5  }
0x2d: {  	v8 =	vld.idx.msk [tilespmem:v0+s17+$0xFFFFFFC0 ss:$0x1], $0xffff;
	[tilespmem:s18+$0xFFFFFFE0] =	vst v4  }
0x2e: {  	v5 =	vld.idx.msk [tilespmem:v0+s17+$0xFFFFFFD0 ss:$0x1], $0xffff;
	[tilespmem:s18+$0xFFFFFFF0] =	vst v3  }
.Ltmp3:
0x2f: {  	v4 =	vld.idx.msk [tilespmem:v0+s17+$0xFFFFFFE0 ss:$0x1], $0xffff;
	[tilespmem:s18+$0x0] =	vst v1;
	(pc) =	sbr.rel @p1 .LBB1_4-.Ltmp3, $4  }
0x30: {  	v3 =	vld.idx.msk [tilespmem:v0+s17+$0xFFFFFFF0 ss:$0x1], $0xffff;
	[tilespmem:s18+$0x10] =	vst v2  }
0x31: {  	v1 =	vld.idx.msk [tilespmem:v0+s17+$0x0 ss:$0x1], $0xffff;
	[tilespmem:s18+$0x20] =	vst v6;
	s18 =	sadd.s32 $0x800, s18  }
0x32: {  	v2 =	vld.idx.msk [tilespmem:v0+s17+$0x10 ss:$0x1], $0xffff;
	[tilespmem:s18+$0x30] =	vst v7  }
0x33: {  	[tilespmem:s18+$0xFFFFFFC0] =	vst v8;
	v6 =	vld.idx.msk [tilespmem:v0+s17+$0x20 ss:$0x1], $0xffff;
	s17 =	sshra.s32 s19, $0x2;
	s19 =	sadd.s32 $0x200, s19  }
0x34: {  	_ =	sdelay $0x2  }
0x35: {  	[tilespmem:s18+$0xFFFFFFD0] =	vst v5  }
0x36: {  	v56 =	vld.idx.msk [tilespmem:v0+s17+$0x30 ss:$0x1], $0xffff;
	[tilespmem:s18+$0xFFFFFFE0] =	vst v4  }
0x37: {  	v57 =	vld.idx.msk [tilespmem:v0+s17+$0xFFFFFFC0 ss:$0x1], $0xffff;
	[tilespmem:s18+$0xFFFFFFF0] =	vst v3  }
0x38: {  	v58 =	vld.idx.msk [tilespmem:v0+s17+$0xFFFFFFD0 ss:$0x1], $0xffff;
	[tilespmem:s18+$0x0] =	vst v1  }
0x39: {  	v59 =	vld.idx.msk [tilespmem:v0+s17+$0xFFFFFFE0 ss:$0x1], $0xffff;
	[tilespmem:s18+$0x10] =	vst v2  }
0x3a: {  	v60 =	vld.idx.msk [tilespmem:v0+s17+$0xFFFFFFF0 ss:$0x1], $0xffff;
	s31 =	sadd.s32 $0x800, s18;
	[tilespmem:s18+$0x20] =	vst v6  }
0x3b: {  	v61 =	vld.idx.msk [tilespmem:v0+s17+$0x0 ss:$0x1], $0xffff;
	[tilespmem:s31+$0x30] =	vst v56  }
0x3c: {  	v62 =	vld.idx.msk [tilespmem:v0+s17+$0x10 ss:$0x1], $0xffff;
	s16 =	sadd.s32 $0x1, s16;
	[tilespmem:s31+$0xFFFFFFC0] =	vst v57  }
0x3d: {  	v63 =	vld.idx.msk [tilespmem:v0+s17+$0x20 ss:$0x1], $0xffff;
	p1 =	sne.s32 s16, $0x10;
	[tilespmem:s31+$0xFFFFFFD0] =	vst v58  }
.Ltmp4:
0x3e: {  	[tilespmem:s31+$0xFFFFFFE0] =	vst v59;
	(pc) =	sbr.rel @p1 .LBB1_3-.Ltmp4, $4  }
0x3f: {  	[tilespmem:s31+$0xFFFFFFF0] =	vst v60  }
0x40: {  	[tilespmem:s31+$0x0] =	vst v61  }
0x41: {  	[tilespmem:s31+$0x10] =	vst v62  }
0x42: {  	s13 =	sadd.s32 $0x80, s13;
	s15 =	sadd.s32 $0x400, s15;
	[tilespmem:s31+$0x20] =	vst v63  }
.Ltmp5:
0x43: {  	(pc) =	sbr.rel .LBB1_7-.Ltmp5, $4  }
0x44: {  	s12 =	sshll.u32 s12, $0xD;
	s11 =	sshll.u32 s11, $0x4  }
0x45: {  	s11 =	sand.u32 $0x3F0, s11;
	s12 =	sadd.s32 s3, s12  }
0x46: {  	s11 =	sadd.s32 s11, s12  }
0x47: {  	[hbm4b:s11+s6] =	stream.strided.scatter [tilespmem:s14], [sflag:$0x2], $0x4000, s7, s6, $0x38;
	[tilespmem:$0x10000] =	vst v63  }
.LBB1_8:
0x48: {  	_ =	sfence.sel $0x180000  }
0x49: {  	s2 =	simm.s32 $0x1;
	[bflag:$0x0] =	sbarrier.arrive $0xFFFF  }
0x4a: {  	s31 =	simm.s32 $0x2;
	[sflag:s2] =	ssyncpa.u1 $0x1  }
0x4b: {  	[sflag:s31] =	ssyncpa.u1 $0x1  }
0x4c: {  	p0 =	sne.s32 s1, $0x0;
	_ =	strace $0x90000047  }
0x4d: {  	s0 =	sadd.s32 @!p0 $0x100000, s0;
	[bflag:$0x2] =	sbarrier.arrive $0xFFFF  }
0x4e: {  	[sflag:s0] =	ssyncadd.tile.s32 @!p0 $0x1;
	_ =	shalt  }
.Lfunc_end1:
_tile_overlayer_lowered:
.L_overlay_start_2:
0x4f: {  	(tag) =	ssettag $0x2  }
0x50: {  	s0 =	rddreg [dreg:$0x0];
	s2 =	stileid.u32  }
0x51: {  	s1 =	rddreg [dreg:$0x1];
	p0 =	sne.s32 s2, $0x0  }
0x52: {  	s3 =	rddreg [dreg:$0x2];
	[bflag:$0x3] =	sbarrier.arrive $0xFFFF;
	s2 =	simm.s32 @!p0 $0x1C01  }
0x53: {  	[timem:s3], [sflag:s2] =	dma.local @!p0 [hbm:s0], s1  }
0x54: {  	s0 =	simm.s32 @!p0 $0x1  }
0x55: {  	_ =	swait.ge @!p0 [sflag:s0], s1  }
0x56: {  	s1 =	ssub.s32 @!p0 $0x0, s1;
	[sflag:s0] =	ssyncset.done @!p0 $0x0  }
0x57: {  	[sflag:s0] =	ssyncadd.s32 @!p0 s1  }
0x58: {  	[bflag:$0x3] =	sbarrier.arrive $0xFFFF  }
0x59: {  	_ =	shalt  }

// kernel: sparse-core-data-format-call.3.cloned.1.call-start
scs
called_computation.3_lowered:
.L_overlay_start_0:
0x0: {  	s2 =	sld [smem:$0x3FD9]  }
0x1: {  	s3 =	sld [smem:$0x3FFE];
	_ =	sdelay $0x1  }
0x2: {  	s1 =	srdreg.scid  }
0x3: {  	s0 =	sand.u32 $0x1, s1  }
0x4: {  	s18 =	sshll.u32 s0, $0xA;
	s2 =	sadd.s32 s3, s2  }
0x5: {  	s2 =	sadd.s32 s2, s18  }
0x6: {  	[smem:$0x3FC4] =	sst s2  }
0x7: {  	_ = 	snop  }
0x8: {  	(tm) =	ssettm $0x1  }
0x9: {  	s19 =	sld [smem:$0x3FFB];
	_ =	sdelay $0x3  }
0xa: {  	_ =	strace s19  }
0xb: {  	s2 =	sld [smem:$0x3FFC];
	_ =	sdelay $0x3  }
0xc: {  	_ =	strace s2  }
0xd: {  	s2 =	sld [smem:$0x3FFD];
	_ =	sdelay $0x3  }
0xe: {  	_ =	strace s2  }
0xf: {  	_ =	strace $0x8FFFFFFF  }
0x10: {  	s20 =	sld [smem:$0x3FDB];
	_ =	sdelay $0x1  }
0x11: {  	s21 =	simm.s32 $_scs_section_size  }
0x12: {  	s4 =	simm.s32 $_size__tile_overlayer_lowered;
	s5 =	simm.s32 $_tile_overlayer_lowered  }
0x13: {  	s6 =	simm.s32 $0x1BFF;
	s22 =	sshll.u32 s5, $0x1;
	s3 =	sadd.s32 s21, s20  }
0x14: {  	s23 =	simm.s32 $0x0;
	s4 =	sshll.u32 s4, $0x1;
	s5 =	sadd.s32 s22, s3  }
0x15: {  	[timem:s23], [sflag:s6] =	dma.local [hbm:s5], s4  }
0x16: {  	_ =	swait.ge [sflag:s6], s4  }
0x17: {  	s4 =	ssub.s32 $0x0, s4;
	[sflag:s6] =	ssyncset.done $0x0  }
0x18: {  	[sflag:s6] =	ssyncadd.s32 s4;
	_ =	sdelay $0x1  }
0x19: {  	s24 =	simm.s32 $0x1B8B  }
0x1a: {  	_ =	swait.ge [sflag:s24], $0x1  }
0x1b: {  	[sflag:s24] =	ssyncset.done $0x0  }
0x1c: {  	[sflag:s24] =	ssyncadd.s32 $0xFFFFFFFF  }
0x1d: {  	s4 =	sld [smem:$0x0]  }
0x1e: {  	s5 =	sand.u32 $0xFFFFFFFE, s1  }
0x1f: {  	p0 =	sne.s32 s1, s5  }
0x20: {  	s5 =	sshll.u32 @p0 s5, $0xE  }
0x21: {  	s5 =	sadd.s32 @p0 $0x11B8D, s5;
	s6 =	sshll.u32 @p0 s4, $0x11  }
0x22: {  	s5 =	sor.u32 @p0 s6, s5  }
0x23: {  	[sflag:s5] =	ssyncadd.remote.s32 @p0 $0x1;
	_ =	sdelay $0x1  }
0x24: {  	s5 =	simm.s32 @p0 $0x1B8D  }
0x25: {  	_ =	swait.eq @p0 [sflag:s5], $0x1  }
0x26: {  	[sflag:s5] =	ssyncadd.s32 @p0 $0xFFFFFFFF  }
0x27: {  	s6 =	sshll.u32 @!p0 s1, $0xE  }
0x28: {  	s6 =	sor.u32 @!p0 $0x4000, s6;
	s5 =	simm.s32 @!p0 $0x1B8D  }
0x29: {  	s4 =	sshll.u32 @!p0 s4, $0x11;
	s6 =	sadd.s32 @!p0 $0x11B8D, s6;
	_ =	swait.eq @!p0 [sflag:s5], $0x1  }
0x2a: {  	s4 =	sor.u32 @!p0 s4, s6;
	[sflag:s5] =	ssyncadd.s32 @!p0 $0xFFFFFFFF  }
0x2b: {  	s26 =	simm.s32 $0x1B8E;
	s25 =	sld [smem:$0x3FFE];
	[sflag:s4] =	ssyncadd.remote.s32 @!p0 $0x1  }
0x2c: {  	s27 =	simm.s32 $execute0_lowered;
	[smem:$0x3FD2] =	sst s26  }
0x2d: {  	s5 =	sshll.u32 s27, $0x1;
	_ =	strace $0x8000004C;
	[dreg:$0x1] =	wrdreg $0xFFFFFFFF  }
0x2e: {  	s28 =	simm.s32 $_size_execute0_lowered;
	s3 =	sadd.s32 s3, s5;
	[dreg:$0x0] =	wrdreg $0x0  }
0x2f: {  	s5 =	sshll.u32 s28, $0x1;
	[dreg:$0x2] =	wrdreg s3  }
0x30: {  	[dreg:$0x3] =	wrdreg s5  }
0x31: {  	[dreg:$0x4] =	wrdreg $0xC0  }
0x32: {  	_ =	task [dreg:s23], $0x5FFFF  }
0x33: {  	[dreg:$0x1] =	wrdreg $0xFFFFFFFF  }
0x34: {  	[dreg:$0x0] =	wrdreg $0x60  }
0x35: {  	[dreg:$0x2] =	wrdreg s25  }
0x36: {  	[dreg:$0x3] =	wrdreg $0xC  }
0x37: {  	_ =	task.clear_ibuf [dreg:s23], $0x4FFFF;
	_ =	strace $0x9000004C  }
0x38: {  	s29 =	simm.s32 $0xC;
	_ =	strace $0x8000004E  }
0x39: {  	_ =	swait.ge [sflag:s29], $0x1  }
0x3a: {  	[sflag:s29] =	ssyncadd.s32 $0xFFFFFFFF  }
0x3b: {  	_ =	strace $0x9000004E  }
0x3c: {  	_ =	sfence  }
0x3d: {  	s30 =	sld [smem:$0x0];
	_ =	sdelay $0x2  }
0x3e: {  	s31 =	sshll.u32 s1, $0xD;
	s1 =	sshrl.u32 s1, $0x2  }
0x3f: {  	s4 =	sand.u32 $0x4000, s31;
	s1 =	sadd.s32 s1, s30  }
0x40: {  	s0 =	sor.u32 s4, s0;
	s1 =	sshll.u32 s1, $0x11  }
0x41: {  	s0 =	sor.u32 s1, s0  }
0x42: {  	s0 =	sadd.s32 $0x8F2B, s0  }
0x43: {  	[sflag:s0] =	ssyncadd.remote.s32 $0x1  }
0x44: {  	_ =	sfence.sel $0xFFFF  }
0x45: {  	[dreg:$0x0] =	wrdreg $0xFFFFFFFF;
	(pc) =	sbr.abs _section_cstart, $3  }
0x46: {  	[dreg:$0x1] =	wrdreg $0xFFFFFFFF  }
0x47: {  	_ =	task.clear_ibuf [dreg:s23], $0x2FFFF;
	_ =	strace $0x9FFFFFFF  }
0x48: {  	(tm) =	ssettm $0x7FFFFFFF  }
0x49: {  	_ =	shalt  }
tec
execute0_lowered:
.L_overlay_start_1:
0x0: {  	(tag) =	ssettag $0x1  }
0x1: {  	s1 =	rddreg [dreg:$0x0]  }
0x2: {  	s0 =	rddreg [dreg:$0x1]  }
0x3: {  	_ =	strace $0x8000004D;
	s4 =	srdreg.scid;
	s6 =	simm.s32 $0x2  }
0x4: {  	s11 =	simm.s32 $0x0;
	p0 =	por $0x0, $0x0;
	s7 =	simm.s32 $0x2000  }
.Ltmp0:
0x5: {  	s12 =	simm.s32 $0x0;
	s9 =	simm.s32 $0x0;
	(pc) =	sbr.rel .LBB1_1-.Ltmp0, $4  }
0x6: {  	s2 =	sadd.s32 $0x80FC00, s1;
	s3 =	sadd.s32 $0xA11C00, s1;
	s5 =	sshll.u32 s4, $0x4  }
0x7: {  	s1 =	stileid.u32;
	s4 =	simm.s32 $0x1;
	s5 =	sand.u32 $0x10, s5  }
0x8: {  	s8 =	simm.s32 $0x0;
	[sflag:s4] =	ssyncpa.u1 $0x0;
	s5 =	sor.u32 s1, s5  }
0x9: {  	[sflag:s6] =	ssyncpa.u1 $0x0;
	s6 =	simm.s32 $0x800;
	s10 =	smov.u32 s5  }
.LBB1_7:
0xa: {  	s13 =	sadd.s32 $0x10, s9  }
0xb: {  	s11 =	sadd.s32 $0x20, s10;
	s15 =	smov.u32 s10;
	p2 =	sgt.s32 s13, $0x3F  }
0xc: {  	p1 =	slt.u32 s8, $0x2;
	s15 =	smov.u32 @p2 s11  }
0xd: {  	s8 =	sadd.s32 $0x1, s8;
	s13 =	simm.s32 @p2 $0x0;
	p2 =	sgt.s32 s15, $0xFF  }
0xe: {  	s15 =	smov.u32 @p2 s5;
	p2 =	sne.s32 s8, $0x22  }
.Ltmp1:
0xf: {  	_ = 	snop;
	(pc) =	sbr.rel @!p2 .LBB1_8-.Ltmp1, $4  }
0x10: {  	s14 =	simm.s32 @!p1 $0x2  }
0x11: {  	s12 =	smov.u32 s10;
	_ =	swait.ge @!p1 [sflag:s14], $0x4000  }
0x12: {  	p0 =	por !p0, !p0;
	s11 =	smov.u32 s9;
	[sflag:s14] =	ssyncset.done @!p1 $0x0  }
0x13: {  	s9 =	smov.u32 s13;
	[sflag:s14] =	ssyncadd.s32 @!p1 $0xFFFFC000;
	s10 =	smov.u32 s15  }
.LBB1_1:
0x14: {  	p1 =	sgt.u32 s8, $0x1F  }
0x15: {  	s13 =	sxor.u32 @!p1 $0xFFFFFFFF, s8;
	s14 =	sshll.u32 @!p1 s10, $0xD  }
0x16: {  	s15 =	sshll.u32 @!p1 s9, $0x7;
	s13 =	sshll.u32 @!p1 s13, $0xE;
	s14 =	sadd.s32 @!p1 s2, s14  }
0x17: {  	s13 =	sand.u32 @!p1 $0x4000, s13;
	s14 =	sadd.s32 @!p1 s15, s14;
	s15 =	simm.s32 @!p1 $0x0  }
0x18: {  	[tilespmem:s13], [sflag:$0x1] =	stream.linear.gather @!p1 [hbm4b:s14+s15], $0x4000, $0x38;
	[tilespmem:$0x10000] =	vst v63  }
0x19: {  	p1 =	seq.s32 s8, $0x0  }
0x1a: {  	p2 =	seq.s32 @!p1 s8, $0x21  }
0x1b: {  	p1 =	por p1, p2  }
.Ltmp2:
0x1c: {  	_ = 	snop;
	(pc) =	sbr.rel @p1 .LBB1_7-.Ltmp2, $1  }
0x1d: {  	_ =	sdelay $0x3  }
0x1e: {  	s13 =	simm.s32 $0x1;
	_ =	swait.ge [sflag:s4], $0x4000;
	s16 =	sshll.u32 s8, $0xE  }
0x1f: {  	s13 =	simm.s32 @!p0 $0x0;
	[sflag:s4] =	ssyncset.done $0x0;
	s31 =	sand.u32 $0x4000, s16  }
0x20: {  	s16 =	simm.s32 $0x0;
	s14 =	sshll.u32 s13, $0xE;
	[sflag:s4] =	ssyncadd.s32 $0xFFFFC000  }
0x21: {  	s13 =	sor.u32 $0x8040, s14;
	s15 =	sor.u32 $0x40, s14;
	s14 =	sor.u32 $0x8000, s31  }
.LBB1_3:
0x22: {  	v0 =	vmov s15;
	_ =	sdelay $0x3  }
0x23: {  	s18 =	simm.s32 $0x0  }
0x24: {  	v6 =	vld.idx.msk [tilespmem:v0+s18+$0x30 ss:$0x1], $0xffff  }
0x25: {  	v7 =	vld.idx.msk [tilespmem:v0+s18+$0xFFFFFFC0 ss:$0x1], $0xffff  }
0x26: {  	v5 =	vld.idx.msk [tilespmem:v0+s18+$0xFFFFFFD0 ss:$0x1], $0xffff  }
0x27: {  	v4 =	vld.idx.msk [tilespmem:v0+s18+$0xFFFFFFE0 ss:$0x1], $0xffff  }
0x28: {  	v3 =	vld.idx.msk [tilespmem:v0+s18+$0xFFFFFFF0 ss:$0x1], $0xffff  }
0x29: {  	v1 =	vld.idx.msk [tilespmem:v0+s18+$0x0 ss:$0x1], $0xffff  }
0x2a: {  	v2 =	vld.idx.msk [tilespmem:v0+s18+$0x10 ss:$0x1], $0xffff;
	[tilespmem:s13+$0x30] =	vst v6  }
0x2b: {  	s17 =	simm.s32 $0x80;
	s19 =	simm.s32 $0x400;
	[tilespmem:s13+$0xFFFFFFC0] =	vst v7;
	v6 =	vld.idx.msk [tilespmem:v0+s18+$0x20 ss:$0x1], $0xffff;
	s18 =	smov.u32 s13  }
.LBB1_4:
0x2c: {  	p1 =	sne.s32 s19, $0xE00;
	v7 =	vld.idx.msk [tilespmem:v0+s17+$0x30 ss:$0x1], $0xffff;
	[tilespmem:s18+$0xFFFFFFD0] =	vst v5  }
0x2d: {  	v8 =	vld.idx.msk [tilespmem:v0+s17+$0xFFFFFFC0 ss:$0x1], $0xffff;
	[tilespmem:s18+$0xFFFFFFE0] =	vst v4  }
0x2e: {  	v5 =	vld.idx.msk [tilespmem:v0+s17+$0xFFFFFFD0 ss:$0x1], $0xffff;
	[tilespmem:s18+$0xFFFFFFF0] =	vst v3  }
.Ltmp3:
0x2f: {  	v4 =	vld.idx.msk [tilespmem:v0+s17+$0xFFFFFFE0 ss:$0x1], $0xffff;
	[tilespmem:s18+$0x0] =	vst v1;
	(pc) =	sbr.rel @p1 .LBB1_4-.Ltmp3, $4  }
0x30: {  	v3 =	vld.idx.msk [tilespmem:v0+s17+$0xFFFFFFF0 ss:$0x1], $0xffff;
	[tilespmem:s18+$0x10] =	vst v2  }
0x31: {  	v1 =	vld.idx.msk [tilespmem:v0+s17+$0x0 ss:$0x1], $0xffff;
	[tilespmem:s18+$0x20] =	vst v6;
	s18 =	sadd.s32 $0x800, s18  }
0x32: {  	v2 =	vld.idx.msk [tilespmem:v0+s17+$0x10 ss:$0x1], $0xffff;
	[tilespmem:s18+$0x30] =	vst v7  }
0x33: {  	[tilespmem:s18+$0xFFFFFFC0] =	vst v8;
	v6 =	vld.idx.msk [tilespmem:v0+s17+$0x20 ss:$0x1], $0xffff;
	s17 =	sshra.s32 s19, $0x2;
	s19 =	sadd.s32 $0x200, s19  }
0x34: {  	_ =	sdelay $0x2  }
0x35: {  	[tilespmem:s18+$0xFFFFFFD0] =	vst v5  }
0x36: {  	v56 =	vld.idx.msk [tilespmem:v0+s17+$0x30 ss:$0x1], $0xffff;
	[tilespmem:s18+$0xFFFFFFE0] =	vst v4  }
0x37: {  	v57 =	vld.idx.msk [tilespmem:v0+s17+$0xFFFFFFC0 ss:$0x1], $0xffff;
	[tilespmem:s18+$0xFFFFFFF0] =	vst v3  }
0x38: {  	v58 =	vld.idx.msk [tilespmem:v0+s17+$0xFFFFFFD0 ss:$0x1], $0xffff;
	[tilespmem:s18+$0x0] =	vst v1  }
0x39: {  	v59 =	vld.idx.msk [tilespmem:v0+s17+$0xFFFFFFE0 ss:$0x1], $0xffff;
	[tilespmem:s18+$0x10] =	vst v2  }
0x3a: {  	v60 =	vld.idx.msk [tilespmem:v0+s17+$0xFFFFFFF0 ss:$0x1], $0xffff;
	s31 =	sadd.s32 $0x800, s18;
	[tilespmem:s18+$0x20] =	vst v6  }
0x3b: {  	v61 =	vld.idx.msk [tilespmem:v0+s17+$0x0 ss:$0x1], $0xffff;
	[tilespmem:s31+$0x30] =	vst v56  }
0x3c: {  	v62 =	vld.idx.msk [tilespmem:v0+s17+$0x10 ss:$0x1], $0xffff;
	s16 =	sadd.s32 $0x1, s16;
	[tilespmem:s31+$0xFFFFFFC0] =	vst v57  }
0x3d: {  	v63 =	vld.idx.msk [tilespmem:v0+s17+$0x20 ss:$0x1], $0xffff;
	p1 =	sne.s32 s16, $0x10;
	[tilespmem:s31+$0xFFFFFFD0] =	vst v58  }
.Ltmp4:
0x3e: {  	[tilespmem:s31+$0xFFFFFFE0] =	vst v59;
	(pc) =	sbr.rel @p1 .LBB1_3-.Ltmp4, $4  }
0x3f: {  	[tilespmem:s31+$0xFFFFFFF0] =	vst v60  }
0x40: {  	[tilespmem:s31+$0x0] =	vst v61  }
0x41: {  	[tilespmem:s31+$0x10] =	vst v62  }
0x42: {  	s13 =	sadd.s32 $0x80, s13;
	s15 =	sadd.s32 $0x400, s15;
	[tilespmem:s31+$0x20] =	vst v63  }
.Ltmp5:
0x43: {  	(pc) =	sbr.rel .LBB1_7-.Ltmp5, $4  }
0x44: {  	s12 =	sshll.u32 s12, $0xD;
	s11 =	sshll.u32 s11, $0x4  }
0x45: {  	s11 =	sand.u32 $0x3F0, s11;
	s12 =	sadd.s32 s3, s12  }
0x46: {  	s11 =	sadd.s32 s11, s12  }
0x47: {  	[hbm4b:s11+s6] =	stream.strided.scatter [tilespmem:s14], [sflag:$0x2], $0x4000, s7, s6, $0x38;
	[tilespmem:$0x10000] =	vst v63  }
.LBB1_8:
0x48: {  	_ =	sfence.sel $0x180000  }
0x49: {  	s2 =	simm.s32 $0x1;
	[bflag:$0x0] =	sbarrier.arrive $0xFFFF  }
0x4a: {  	s31 =	simm.s32 $0x2;
	[sflag:s2] =	ssyncpa.u1 $0x1  }
0x4b: {  	[sflag:s31] =	ssyncpa.u1 $0x1  }
0x4c: {  	p0 =	sne.s32 s1, $0x0;
	_ =	strace $0x9000004D  }
0x4d: {  	s0 =	sadd.s32 @!p0 $0x100000, s0;
	[bflag:$0x2] =	sbarrier.arrive $0xFFFF  }
0x4e: {  	[sflag:s0] =	ssyncadd.tile.s32 @!p0 $0x1;
	_ =	shalt  }
.Lfunc_end1:
_tile_overlayer_lowered:
.L_overlay_start_2:
0x4f: {  	(tag) =	ssettag $0x2  }
0x50: {  	s0 =	rddreg [dreg:$0x0];
	s2 =	stileid.u32  }
0x51: {  	s1 =	rddreg [dreg:$0x1];
	p0 =	sne.s32 s2, $0x0  }
0x52: {  	s3 =	rddreg [dreg:$0x2];
	[bflag:$0x3] =	sbarrier.arrive $0xFFFF;
	s2 =	simm.s32 @!p0 $0x1C01  }
0x53: {  	[timem:s3], [sflag:s2] =	dma.local @!p0 [hbm:s0], s1  }
0x54: {  	s0 =	simm.s32 @!p0 $0x1  }
0x55: {  	_ =	swait.ge @!p0 [sflag:s0], s1  }
0x56: {  	s1 =	ssub.s32 @!p0 $0x0, s1;
	[sflag:s0] =	ssyncset.done @!p0 $0x0  }
0x57: {  	[sflag:s0] =	ssyncadd.s32 @!p0 s1  }
0x58: {  	[bflag:$0x3] =	sbarrier.arrive $0xFFFF  }
0x59: {  	_ =	shalt  }

// kernel: sparse-core-data-format-call.cloned.1.call-start
scs
called_computation_lowered:
.L_overlay_start_0:
0x0: {  	s2 =	sld [smem:$0x3FD9]  }
0x1: {  	s3 =	sld [smem:$0x3FFE];
	_ =	sdelay $0x1  }
0x2: {  	s1 =	srdreg.scid  }
0x3: {  	s0 =	sand.u32 $0x1, s1  }
0x4: {  	s18 =	sshll.u32 s0, $0xA;
	s2 =	sadd.s32 s3, s2  }
0x5: {  	s2 =	sadd.s32 s2, s18  }
0x6: {  	[smem:$0x3FC4] =	sst s2  }
0x7: {  	_ = 	snop  }
0x8: {  	(tm) =	ssettm $0x1  }
0x9: {  	s19 =	sld [smem:$0x3FFB];
	_ =	sdelay $0x3  }
0xa: {  	_ =	strace s19  }
0xb: {  	s2 =	sld [smem:$0x3FFC];
	_ =	sdelay $0x3  }
0xc: {  	_ =	strace s2  }
0xd: {  	s2 =	sld [smem:$0x3FFD];
	_ =	sdelay $0x3  }
0xe: {  	_ =	strace s2  }
0xf: {  	_ =	strace $0x8FFFFFFF  }
0x10: {  	s20 =	sld [smem:$0x3FDB];
	_ =	sdelay $0x1  }
0x11: {  	s21 =	simm.s32 $_scs_section_size  }
0x12: {  	s4 =	simm.s32 $_size__tile_overlayer_lowered;
	s5 =	simm.s32 $_tile_overlayer_lowered  }
0x13: {  	s6 =	simm.s32 $0x1BFF;
	s22 =	sshll.u32 s5, $0x1;
	s3 =	sadd.s32 s21, s20  }
0x14: {  	s23 =	simm.s32 $0x0;
	s4 =	sshll.u32 s4, $0x1;
	s5 =	sadd.s32 s22, s3  }
0x15: {  	[timem:s23], [sflag:s6] =	dma.local [hbm:s5], s4  }
0x16: {  	_ =	swait.ge [sflag:s6], s4  }
0x17: {  	s4 =	ssub.s32 $0x0, s4;
	[sflag:s6] =	ssyncset.done $0x0  }
0x18: {  	[sflag:s6] =	ssyncadd.s32 s4;
	_ =	sdelay $0x1  }
0x19: {  	s24 =	simm.s32 $0x1B8B  }
0x1a: {  	_ =	swait.ge [sflag:s24], $0x1  }
0x1b: {  	[sflag:s24] =	ssyncset.done $0x0  }
0x1c: {  	[sflag:s24] =	ssyncadd.s32 $0xFFFFFFFF  }
0x1d: {  	s4 =	sld [smem:$0x0]  }
0x1e: {  	s5 =	sand.u32 $0xFFFFFFFE, s1  }
0x1f: {  	p0 =	sne.s32 s1, s5  }
0x20: {  	s5 =	sshll.u32 @p0 s5, $0xE  }
0x21: {  	s5 =	sadd.s32 @p0 $0x11B8D, s5;
	s6 =	sshll.u32 @p0 s4, $0x11  }
0x22: {  	s5 =	sor.u32 @p0 s6, s5  }
0x23: {  	[sflag:s5] =	ssyncadd.remote.s32 @p0 $0x1;
	_ =	sdelay $0x1  }
0x24: {  	s5 =	simm.s32 @p0 $0x1B8D  }
0x25: {  	_ =	swait.eq @p0 [sflag:s5], $0x1  }
0x26: {  	[sflag:s5] =	ssyncadd.s32 @p0 $0xFFFFFFFF  }
0x27: {  	s6 =	sshll.u32 @!p0 s1, $0xE  }
0x28: {  	s6 =	sor.u32 @!p0 $0x4000, s6;
	s5 =	simm.s32 @!p0 $0x1B8D  }
0x29: {  	s4 =	sshll.u32 @!p0 s4, $0x11;
	s6 =	sadd.s32 @!p0 $0x11B8D, s6;
	_ =	swait.eq @!p0 [sflag:s5], $0x1  }
0x2a: {  	s4 =	sor.u32 @!p0 s4, s6;
	[sflag:s5] =	ssyncadd.s32 @!p0 $0xFFFFFFFF  }
0x2b: {  	s26 =	simm.s32 $0x1B8E;
	s25 =	sld [smem:$0x3FFE];
	[sflag:s4] =	ssyncadd.remote.s32 @!p0 $0x1  }
0x2c: {  	s27 =	simm.s32 $execute0_lowered;
	[smem:$0x3FD2] =	sst s26  }
0x2d: {  	s5 =	sshll.u32 s27, $0x1;
	_ =	strace $0x80000049;
	[dreg:$0x1] =	wrdreg $0xFFFFFFFF  }
0x2e: {  	s28 =	simm.s32 $_size_execute0_lowered;
	s3 =	sadd.s32 s3, s5;
	[dreg:$0x0] =	wrdreg $0x0  }
0x2f: {  	s5 =	sshll.u32 s28, $0x1;
	[dreg:$0x2] =	wrdreg s3  }
0x30: {  	[dreg:$0x3] =	wrdreg s5  }
0x31: {  	[dreg:$0x4] =	wrdreg $0xC0  }
0x32: {  	_ =	task [dreg:s23], $0x5FFFF  }
0x33: {  	[dreg:$0x1] =	wrdreg $0xFFFFFFFF  }
0x34: {  	[dreg:$0x0] =	wrdreg $0x60  }
0x35: {  	[dreg:$0x2] =	wrdreg s25  }
0x36: {  	[dreg:$0x3] =	wrdreg $0xA  }
0x37: {  	_ =	task.clear_ibuf [dreg:s23], $0x4FFFF;
	_ =	strace $0x90000049  }
0x38: {  	s29 =	simm.s32 $0xA;
	_ =	strace $0x8000004B  }
0x39: {  	_ =	swait.ge [sflag:s29], $0x1  }
0x3a: {  	[sflag:s29] =	ssyncadd.s32 $0xFFFFFFFF  }
0x3b: {  	_ =	strace $0x9000004B  }
0x3c: {  	_ =	sfence  }
0x3d: {  	s30 =	sld [smem:$0x0];
	_ =	sdelay $0x2  }
0x3e: {  	s31 =	sshll.u32 s1, $0xD;
	s1 =	sshrl.u32 s1, $0x2  }
0x3f: {  	s4 =	sand.u32 $0x4000, s31;
	s1 =	sadd.s32 s1, s30  }
0x40: {  	s0 =	sor.u32 s4, s0;
	s1 =	sshll.u32 s1, $0x11  }
0x41: {  	s0 =	sor.u32 s1, s0  }
0x42: {  	s0 =	sadd.s32 $0x8F2B, s0  }
0x43: {  	[sflag:s0] =	ssyncadd.remote.s32 $0x1  }
0x44: {  	_ =	sfence.sel $0xFFFF  }
0x45: {  	[dreg:$0x0] =	wrdreg $0xFFFFFFFF;
	(pc) =	sbr.abs _section_cstart, $3  }
0x46: {  	[dreg:$0x1] =	wrdreg $0xFFFFFFFF  }
0x47: {  	_ =	task.clear_ibuf [dreg:s23], $0x2FFFF;
	_ =	strace $0x9FFFFFFF  }
0x48: {  	(tm) =	ssettm $0x7FFFFFFF  }
0x49: {  	_ =	shalt  }
tec
execute0_lowered:
.L_overlay_start_1:
0x0: {  	(tag) =	ssettag $0x1  }
0x1: {  	s1 =	rddreg [dreg:$0x0]  }
0x2: {  	s0 =	rddreg [dreg:$0x1]  }
0x3: {  	_ =	strace $0x8000004A;
	s4 =	srdreg.scid;
	s6 =	simm.s32 $0x2  }
0x4: {  	s11 =	simm.s32 $0x0;
	p0 =	por $0x0, $0x0;
	s7 =	simm.s32 $0x2000  }
.Ltmp0:
0x5: {  	s12 =	simm.s32 $0x0;
	s9 =	simm.s32 $0x0;
	(pc) =	sbr.rel .LBB1_1-.Ltmp0, $4  }
0x6: {  	s2 =	sadd.s32 $0x40FC00, s1;
	s3 =	sadd.s32 $0x60FC00, s1;
	s5 =	sshll.u32 s4, $0x4  }
0x7: {  	s1 =	stileid.u32;
	s4 =	simm.s32 $0x1;
	s5 =	sand.u32 $0x10, s5  }
0x8: {  	s8 =	simm.s32 $0x0;
	[sflag:s4] =	ssyncpa.u1 $0x0;
	s5 =	sor.u32 s1, s5  }
0x9: {  	[sflag:s6] =	ssyncpa.u1 $0x0;
	s6 =	simm.s32 $0x800;
	s10 =	smov.u32 s5  }
.LBB1_7:
0xa: {  	s13 =	sadd.s32 $0x10, s9  }
0xb: {  	s11 =	sadd.s32 $0x20, s10;
	s15 =	smov.u32 s10;
	p2 =	sgt.s32 s13, $0x3F  }
0xc: {  	p1 =	slt.u32 s8, $0x2;
	s15 =	smov.u32 @p2 s11  }
0xd: {  	s8 =	sadd.s32 $0x1, s8;
	s13 =	simm.s32 @p2 $0x0;
	p2 =	sgt.s32 s15, $0xFF  }
0xe: {  	s15 =	smov.u32 @p2 s5;
	p2 =	sne.s32 s8, $0x22  }
.Ltmp1:
0xf: {  	_ = 	snop;
	(pc) =	sbr.rel @!p2 .LBB1_8-.Ltmp1, $4  }
0x10: {  	s14 =	simm.s32 @!p1 $0x2  }
0x11: {  	s12 =	smov.u32 s10;
	_ =	swait.ge @!p1 [sflag:s14], $0x4000  }
0x12: {  	p0 =	por !p0, !p0;
	s11 =	smov.u32 s9;
	[sflag:s14] =	ssyncset.done @!p1 $0x0  }
0x13: {  	s9 =	smov.u32 s13;
	[sflag:s14] =	ssyncadd.s32 @!p1 $0xFFFFC000;
	s10 =	smov.u32 s15  }
.LBB1_1:
0x14: {  	p1 =	sgt.u32 s8, $0x1F  }
0x15: {  	s13 =	sxor.u32 @!p1 $0xFFFFFFFF, s8;
	s14 =	sshll.u32 @!p1 s10, $0xD  }
0x16: {  	s15 =	sshll.u32 @!p1 s9, $0x7;
	s13 =	sshll.u32 @!p1 s13, $0xE;
	s14 =	sadd.s32 @!p1 s2, s14  }
0x17: {  	s13 =	sand.u32 @!p1 $0x4000, s13;
	s14 =	sadd.s32 @!p1 s15, s14;
	s15 =	simm.s32 @!p1 $0x0  }
0x18: {  	[tilespmem:s13], [sflag:$0x1] =	stream.linear.gather @!p1 [hbm4b:s14+s15], $0x4000, $0x38;
	[tilespmem:$0x10000] =	vst v63  }
0x19: {  	p1 =	seq.s32 s8, $0x0  }
0x1a: {  	p2 =	seq.s32 @!p1 s8, $0x21  }
0x1b: {  	p1 =	por p1, p2  }
.Ltmp2:
0x1c: {  	_ = 	snop;
	(pc) =	sbr.rel @p1 .LBB1_7-.Ltmp2, $1  }
0x1d: {  	_ =	sdelay $0x3  }
0x1e: {  	s13 =	simm.s32 $0x1;
	_ =	swait.ge [sflag:s4], $0x4000;
	s16 =	sshll.u32 s8, $0xE  }
0x1f: {  	s13 =	simm.s32 @!p0 $0x0;
	[sflag:s4] =	ssyncset.done $0x0;
	s31 =	sand.u32 $0x4000, s16  }
0x20: {  	s16 =	simm.s32 $0x0;
	s14 =	sshll.u32 s13, $0xE;
	[sflag:s4] =	ssyncadd.s32 $0xFFFFC000  }
0x21: {  	s13 =	sor.u32 $0x8040, s14;
	s15 =	sor.u32 $0x40, s14;
	s14 =	sor.u32 $0x8000, s31  }
.LBB1_3:
0x22: {  	v0 =	vmov s15;
	_ =	sdelay $0x3  }
0x23: {  	s18 =	simm.s32 $0x0  }
0x24: {  	v6 =	vld.idx.msk [tilespmem:v0+s18+$0x30 ss:$0x1], $0xffff  }
0x25: {  	v7 =	vld.idx.msk [tilespmem:v0+s18+$0xFFFFFFC0 ss:$0x1], $0xffff  }
0x26: {  	v5 =	vld.idx.msk [tilespmem:v0+s18+$0xFFFFFFD0 ss:$0x1], $0xffff  }
0x27: {  	v4 =	vld.idx.msk [tilespmem:v0+s18+$0xFFFFFFE0 ss:$0x1], $0xffff  }
0x28: {  	v3 =	vld.idx.msk [tilespmem:v0+s18+$0xFFFFFFF0 ss:$0x1], $0xffff  }
0x29: {  	v1 =	vld.idx.msk [tilespmem:v0+s18+$0x0 ss:$0x1], $0xffff  }
0x2a: {  	v2 =	vld.idx.msk [tilespmem:v0+s18+$0x10 ss:$0x1], $0xffff;
	[tilespmem:s13+$0x30] =	vst v6  }
0x2b: {  	s17 =	simm.s32 $0x80;
	s19 =	simm.s32 $0x400;
	[tilespmem:s13+$0xFFFFFFC0] =	vst v7;
	v6 =	vld.idx.msk [tilespmem:v0+s18+$0x20 ss:$0x1], $0xffff;
	s18 =	smov.u32 s13  }
.LBB1_4:
0x2c: {  	p1 =	sne.s32 s19, $0xE00;
	v7 =	vld.idx.msk [tilespmem:v0+s17+$0x30 ss:$0x1], $0xffff;
	[tilespmem:s18+$0xFFFFFFD0] =	vst v5  }
0x2d: {  	v8 =	vld.idx.msk [tilespmem:v0+s17+$0xFFFFFFC0 ss:$0x1], $0xffff;
	[tilespmem:s18+$0xFFFFFFE0] =	vst v4  }
0x2e: {  	v5 =	vld.idx.msk [tilespmem:v0+s17+$0xFFFFFFD0 ss:$0x1], $0xffff;
	[tilespmem:s18+$0xFFFFFFF0] =	vst v3  }
.Ltmp3:
0x2f: {  	v4 =	vld.idx.msk [tilespmem:v0+s17+$0xFFFFFFE0 ss:$0x1], $0xffff;
	[tilespmem:s18+$0x0] =	vst v1;
	(pc) =	sbr.rel @p1 .LBB1_4-.Ltmp3, $4  }
0x30: {  	v3 =	vld.idx.msk [tilespmem:v0+s17+$0xFFFFFFF0 ss:$0x1], $0xffff;
	[tilespmem:s18+$0x10] =	vst v2  }
0x31: {  	v1 =	vld.idx.msk [tilespmem:v0+s17+$0x0 ss:$0x1], $0xffff;
	[tilespmem:s18+$0x20] =	vst v6;
	s18 =	sadd.s32 $0x800, s18  }
0x32: {  	v2 =	vld.idx.msk [tilespmem:v0+s17+$0x10 ss:$0x1], $0xffff;
	[tilespmem:s18+$0x30] =	vst v7  }
0x33: {  	[tilespmem:s18+$0xFFFFFFC0] =	vst v8;
	v6 =	vld.idx.msk [tilespmem:v0+s17+$0x20 ss:$0x1], $0xffff;
	s17 =	sshra.s32 s19, $0x2;
	s19 =	sadd.s32 $0x200, s19  }
0x34: {  	_ =	sdelay $0x2  }
0x35: {  	[tilespmem:s18+$0xFFFFFFD0] =	vst v5  }
0x36: {  	v56 =	vld.idx.msk [tilespmem:v0+s17+$0x30 ss:$0x1], $0xffff;
	[tilespmem:s18+$0xFFFFFFE0] =	vst v4  }
0x37: {  	v57 =	vld.idx.msk [tilespmem:v0+s17+$0xFFFFFFC0 ss:$0x1], $0xffff;
	[tilespmem:s18+$0xFFFFFFF0] =	vst v3  }
0x38: {  	v58 =	vld.idx.msk [tilespmem:v0+s17+$0xFFFFFFD0 ss:$0x1], $0xffff;
	[tilespmem:s18+$0x0] =	vst v1  }
0x39: {  	v59 =	vld.idx.msk [tilespmem:v0+s17+$0xFFFFFFE0 ss:$0x1], $0xffff;
	[tilespmem:s18+$0x10] =	vst v2  }
0x3a: {  	v60 =	vld.idx.msk [tilespmem:v0+s17+$0xFFFFFFF0 ss:$0x1], $0xffff;
	s31 =	sadd.s32 $0x800, s18;
	[tilespmem:s18+$0x20] =	vst v6  }
0x3b: {  	v61 =	vld.idx.msk [tilespmem:v0+s17+$0x0 ss:$0x1], $0xffff;
	[tilespmem:s31+$0x30] =	vst v56  }
0x3c: {  	v62 =	vld.idx.msk [tilespmem:v0+s17+$0x10 ss:$0x1], $0xffff;
	s16 =	sadd.s32 $0x1, s16;
	[tilespmem:s31+$0xFFFFFFC0] =	vst v57  }
0x3d: {  	v63 =	vld.idx.msk [tilespmem:v0+s17+$0x20 ss:$0x1], $0xffff;
	p1 =	sne.s32 s16, $0x10;
	[tilespmem:s31+$0xFFFFFFD0] =	vst v58  }
.Ltmp4:
0x3e: {  	[tilespmem:s31+$0xFFFFFFE0] =	vst v59;
	(pc) =	sbr.rel @p1 .LBB1_3-.Ltmp4, $4  }
0x3f: {  	[tilespmem:s31+$0xFFFFFFF0] =	vst v60  }
0x40: {  	[tilespmem:s31+$0x0] =	vst v61  }
0x41: {  	[tilespmem:s31+$0x10] =	vst v62  }
0x42: {  	s13 =	sadd.s32 $0x80, s13;
	s15 =	sadd.s32 $0x400, s15;
	[tilespmem:s31+$0x20] =	vst v63  }
.Ltmp5:
0x43: {  	(pc) =	sbr.rel .LBB1_7-.Ltmp5, $4  }
0x44: {  	s12 =	sshll.u32 s12, $0xD;
	s11 =	sshll.u32 s11, $0x4  }
0x45: {  	s11 =	sand.u32 $0x3F0, s11;
	s12 =	sadd.s32 s3, s12  }
0x46: {  	s11 =	sadd.s32 s11, s12  }
0x47: {  	[hbm4b:s11+s6] =	stream.strided.scatter [tilespmem:s14], [sflag:$0x2], $0x4000, s7, s6, $0x38;
	[tilespmem:$0x10000] =	vst v63  }
.LBB1_8:
0x48: {  	_ =	sfence.sel $0x180000  }
0x49: {  	s2 =	simm.s32 $0x1;
	[bflag:$0x0] =	sbarrier.arrive $0xFFFF  }
0x4a: {  	s31 =	simm.s32 $0x2;
	[sflag:s2] =	ssyncpa.u1 $0x1  }
0x4b: {  	[sflag:s31] =	ssyncpa.u1 $0x1  }
0x4c: {  	p0 =	sne.s32 s1, $0x0;
	_ =	strace $0x9000004A  }
0x4d: {  	s0 =	sadd.s32 @!p0 $0x100000, s0;
	[bflag:$0x2] =	sbarrier.arrive $0xFFFF  }
0x4e: {  	[sflag:s0] =	ssyncadd.tile.s32 @!p0 $0x1;
	_ =	shalt  }
.Lfunc_end1:
_tile_overlayer_lowered:
.L_overlay_start_2:
0x4f: {  	(tag) =	ssettag $0x2  }
0x50: {  	s0 =	rddreg [dreg:$0x0];
	s2 =	stileid.u32  }
0x51: {  	s1 =	rddreg [dreg:$0x1];
	p0 =	sne.s32 s2, $0x0  }
0x52: {  	s3 =	rddreg [dreg:$0x2];
	[bflag:$0x3] =	sbarrier.arrive $0xFFFF;
	s2 =	simm.s32 @!p0 $0x1C01  }
0x53: {  	[timem:s3], [sflag:s2] =	dma.local @!p0 [hbm:s0], s1  }
0x54: {  	s0 =	simm.s32 @!p0 $0x1  }
0x55: {  	_ =	swait.ge @!p0 [sflag:s0], s1  }
0x56: {  	s1 =	ssub.s32 @!p0 $0x0, s1;
	[sflag:s0] =	ssyncset.done @!p0 $0x0  }
0x57: {  	[sflag:s0] =	ssyncadd.s32 @!p0 s1  }
0x58: {  	[bflag:$0x3] =	sbarrier.arrive $0xFFFF  }
0x59: {  	_ =	shalt  }

</sc_bundles>
